<compile_context>
chip_gen: v7x
topology: tpu7x:2x2x1
jax: 0.10.2.dev20260603
libtpu: 0.0.44.dev20260713+nightly
codegen_flags: <defaults>
</compile_context>

<pallas_src>
import functools

import jax
import jax.numpy as jnp
from jax import lax
from jax.experimental import pallas as pl
from jax.experimental.pallas import tpu as pltpu
from jax.experimental.pallas import tpu_sc as plsc

NC = 2
NS = 16
NW = NC * NS
W = 128
NBUF = 4
TUNROLL = 8


@functools.lru_cache(maxsize=None)
def _make_lookup(S0, S1, D):
    B = S0 * S1
    NA = S0 // W
    b_per_w = B // NW
    nblk = b_per_w // W
    ngroup = nblk // NBUF
    assert b_per_w * NW == B and W * nblk == b_per_w and NBUF * ngroup == nblk
    assert D == 64 and S0 % W == 0

    mesh = plsc.VectorSubcoreMesh(core_axis_name="c", subcore_axis_name="s")

    @functools.partial(
        pl.kernel,
        mesh=mesh,
        compiler_params=pltpu.CompilerParams(
            use_tc_tiling_on_sc=False, needs_layout_passes=False),
        out_type=(
            jax.ShapeDtypeStruct((S1, 8, NA, 8, W), jnp.float32),
            jax.ShapeDtypeStruct((S1, 8, NA, 8, W), jnp.float32),
        ),
        scratch_types=(
            [pltpu.VMEM((b_per_w,), jnp.int32)] * 2
            + [pltpu.VMEM((W, D), jnp.float32)] * NBUF
            + [pltpu.VMEM((8, 8, W + 1), jnp.float32)] * NBUF
            + [pltpu.SemaphoreType.DMA] * (2 * NBUF)
        ),
    )
    def lookup(tok_idx_hbm, pos_idx_hbm, tok_tab, pos_tab, tok_out, pos_out,
               tok_idx_v, pos_idx_v, *scratch):
        rows = scratch[:NBUF]
        rowsT = scratch[NBUF:2 * NBUF]
        gsems = scratch[2 * NBUF:3 * NBUF]
        osems = scratch[3 * NBUF:]

        wid = lax.axis_index("s") * NC + lax.axis_index("c")
        ibase = pl.multiple_of(wid * b_per_w, 8)
        gbase = wid * nblk

        pltpu.sync_copy(tok_idx_hbm.at[pl.ds(ibase, b_per_w)], tok_idx_v)
        pltpu.sync_copy(pos_idx_hbm.at[pl.ds(ibase, b_per_w)], pos_idx_v)

        lane = lax.broadcasted_iota(jnp.int32, (16,), 0)
        dt_vecs = [(seg * 16 + lane) // 8 for seg in range(D // 16)]
        dl_vecs = [lane % 8] * (D // 16)

        def run_table(tab, idx_v, out):
            def gdesc(k, b):
                start = pl.multiple_of(k * W, 8)
                return pltpu.make_async_copy(
                    tab.at[idx_v.at[pl.ds(start, W)]], rows[b], gsems[b])

            def odesc(k, b):
                g = gbase + k
                bb = g // NA
                at = g % NA
                return pltpu.make_async_copy(
                    rowsT[b].at[:, :, pl.ds(0, W)], out.at[bb, :, at, :, :],
                    osems[b])

            def transpose(b):
                src = rows[b]
                dst = rowsT[b]

                def tbody(j, carry):
                    al0 = j * TUNROLL
                    for i in range(TUNROLL):
                        al16 = jnp.full((16,), al0 + i, dtype=jnp.int32)
                        vecs = [src[al0 + i, pl.ds(seg * 16, 16)]
                                for seg in range(D // 16)]
                        for seg in range(D // 16):
                            plsc.store_scatter(
                                dst, [dt_vecs[seg], dl_vecs[seg], al16],
                                vecs[seg])
                    return carry

                lax.fori_loop(0, W // TUNROLL, tbody, 0)

            for b in range(NBUF):
                gdesc(b, b).start()

            def body(j, carry):
                for b in range(NBUF):
                    k = j * NBUF + b
                    gdesc(k, b).wait()
                    transpose(b)
                    odesc(k, b).start()
                for b in range(NBUF):
                    k = j * NBUF + b
                    odesc(k, b).wait()

                    @pl.when(j < ngroup - 1)
                    def _():
                        gdesc(k + NBUF, b).start()
                return carry

            lax.fori_loop(0, ngroup, body, 0)

        run_table(tok_tab, tok_idx_v, tok_out)
        run_table(pos_tab, pos_idx_v, pos_out)

    return lookup


def kernel(tokens, pos, token_table, pos_table):
    S0, S1 = tokens.shape
    B = S0 * S1
    D = token_table.shape[1]
    tok_flat = tokens.T.reshape(B).astype(jnp.int32)
    pos_flat = pos.T.reshape(B).astype(jnp.int32)
    tok5, pos5 = _make_lookup(S0, S1, D)(
        tok_flat, pos_flat, token_table, pos_table)

    def to_entry(o5):
        return o5.transpose(2, 4, 0, 1, 3).reshape(S0, S1, D)

    return to_entry(tok5), to_entry(pos5)

# --- scband reference (transcript-rebuilt; emitter-appended) ---
"""Pipeline reference for scband-embedding-layer-51539608284 (READ-ONLY COPY).

The authoritative reference and input builder live on the scoring server;
editing this copy changes nothing except your own understanding.
"""

import jax, jax.numpy as jnp
import numpy as np

TOKEN_VOCAB = 1000000
POS_VOCAB = 2048
TOKEN_EMB = 64
POS_EMB = 64
TOKEN_PAD = 0
POS_PAD = 0
# dropout p = 0.0 -> identity (and torch Dropout is identity in eval mode anyway)

def setup_inputs(seed: int = 0) -> dict:
    key = jax.random.key(seed)
    k1, k2, k3, k4 = jax.random.split(key, 4)
    tokens = jax.random.randint(k1, (4096, 200), 0, TOKEN_VOCAB, dtype=jnp.int64 if jax.config.jax_enable_x64 else jnp.int32)
    pos = jax.random.randint(k2, (4096, 200), 0, POS_VOCAB, dtype=jnp.int64 if jax.config.jax_enable_x64 else jnp.int32)
    token_table = jax.random.normal(k3, (TOKEN_VOCAB, TOKEN_EMB), dtype=jnp.float32)
    pos_table = jax.random.normal(k4, (POS_VOCAB, POS_EMB), dtype=jnp.float32)
    # padding_idx rows are initialized to zero in torch nn.Embedding
    token_table = token_table.at[TOKEN_PAD].set(0.0)
    pos_table = pos_table.at[POS_PAD].set(0.0)
    return {"tokens": tokens, "pos": pos, "token_table": token_table, "pos_table": pos_table}


def reference(tokens, pos, token_table, pos_table):
    # nn.Embedding lookup -> row gather
    tok_emb = jnp.take(token_table, tokens, axis=0)
    pos_emb = jnp.take(pos_table, pos, axis=0)
    # dropout with p=0.0 is the identity
    return (tok_emb, pos_emb)

if __name__ == "__main__":
    import jax
    _d = setup_inputs()
    print(jax.jit(kernel)(*tuple(_d.values())))

</pallas_src>

<mosaic_0001>
#map = affine_map<(d0, d1) -> (0)>
#map1 = affine_map<(d0, d1) -> (0, 0)>
#map2 = affine_map<(d0, d1) -> (0, 0, 0, 0, 0)>
module attributes {stable_mosaic.version = 14 : i64} {
  func.func @lookup(%arg0: i32, %arg1: i32, %arg2: memref<819200xi32, #tpu.memory_space<hbm>>, %arg3: memref<819200xi32, #tpu.memory_space<hbm>>, %arg4: memref<1000000x64xf32, #tpu.memory_space<hbm>>, %arg5: memref<2048x64xf32, #tpu.memory_space<hbm>>, %arg6: memref<200x8x32x8x128xf32, #tpu.memory_space<hbm>>, %arg7: memref<200x8x32x8x128xf32, #tpu.memory_space<hbm>>, %arg8: memref<25600xi32, #tpu.memory_space<vmem>>, %arg9: memref<25600xi32, #tpu.memory_space<vmem>>, %arg10: memref<128x64xf32, #tpu.memory_space<vmem>>, %arg11: memref<128x64xf32, #tpu.memory_space<vmem>>, %arg12: memref<128x64xf32, #tpu.memory_space<vmem>>, %arg13: memref<128x64xf32, #tpu.memory_space<vmem>>, %arg14: memref<8x8x129xf32, #tpu.memory_space<vmem>>, %arg15: memref<8x8x129xf32, #tpu.memory_space<vmem>>, %arg16: memref<8x8x129xf32, #tpu.memory_space<vmem>>, %arg17: memref<8x8x129xf32, #tpu.memory_space<vmem>>, %arg18: memref<!tpu.dma_semaphore, #tpu.memory_space<semaphore_mem>>, %arg19: memref<!tpu.dma_semaphore, #tpu.memory_space<semaphore_mem>>, %arg20: memref<!tpu.dma_semaphore, #tpu.memory_space<semaphore_mem>>, %arg21: memref<!tpu.dma_semaphore, #tpu.memory_space<semaphore_mem>>, %arg22: memref<!tpu.dma_semaphore, #tpu.memory_space<semaphore_mem>>, %arg23: memref<!tpu.dma_semaphore, #tpu.memory_space<semaphore_mem>>, %arg24: memref<!tpu.dma_semaphore, #tpu.memory_space<semaphore_mem>>, %arg25: memref<!tpu.dma_semaphore, #tpu.memory_space<semaphore_mem>>) attributes {dimension_semantics = [#tpu.dimension_semantics<core_parallel>, #tpu.dimension_semantics<subcore_parallel>], iteration_bounds = array<i64: 2, 16>, scalar_prefetch = 0 : i64, scratch_operands = 18 : i64, tpu.core_type = #tpu.core_type<sc_vector_subcore>, window_params = [{transform_indices = #map}, {transform_indices = #map}, {transform_indices = #map1}, {transform_indices = #map1}, {transform_indices = #map2}, {transform_indices = #map2}]} {
    %mul3A = arith.constant 2 : i32
    %mul3A_0 = arith.muli %arg1, %mul3A : i32
    %add3A = arith.addi %mul3A_0, %arg0 : i32
    %mul3A_1 = arith.constant 25600 : i32
    %mul3A_2 = arith.muli %add3A, %mul3A_1 : i32
    %multiple_of3A = tpu.assume_multiple %mul3A_2, 8 : i32
    %mul3A_3 = arith.constant 200 : i32
    %mul3A_4 = arith.muli %add3A, %mul3A_3 : i32
    "tpu.region"() ({
      %run_scoped3A = tpu.sem_alloc : memref<!tpu.dma_semaphore, #tpu.memory_space<semaphore_mem>>
      %dma_start3A_211 = tpu.memref_slice %arg2[%multiple_of3A] : memref<819200xi32, #tpu.memory_space<hbm>> -> memref<25600xi32, #tpu.memory_space<hbm>>
      %dma_start3A_212 = tpu.memref_slice %arg2[%multiple_of3A] : memref<819200xi32, #tpu.memory_space<hbm>> -> memref<25600xi32, #tpu.memory_space<hbm>>
      tpu.enqueue_dma source(%dma_start3A_212 : memref<25600xi32, #tpu.memory_space<hbm>>) target(%arg8 : memref<25600xi32, #tpu.memory_space<vmem>>) target_semaphore(%run_scoped3A : memref<!tpu.dma_semaphore, #tpu.memory_space<semaphore_mem>>)
      %dma_wait3A = tpu.memref_slice %arg2[%multiple_of3A] : memref<819200xi32, #tpu.memory_space<hbm>> -> memref<25600xi32, #tpu.memory_space<hbm>>
      %dma_wait3A_213 = tpu.memref_slice %arg2[%multiple_of3A] : memref<819200xi32, #tpu.memory_space<hbm>> -> memref<25600xi32, #tpu.memory_space<hbm>>
      tpu.wait_dma2 semaphore(%run_scoped3A : memref<!tpu.dma_semaphore, #tpu.memory_space<semaphore_mem>>) src(%dma_wait3A_213 : memref<25600xi32, #tpu.memory_space<hbm>>) dst(%arg8 : memref<25600xi32, #tpu.memory_space<vmem>>)
      tpu.yield
    }) : () -> ()
    "tpu.region"() ({
      %run_scoped3A = tpu.sem_alloc : memref<!tpu.dma_semaphore, #tpu.memory_space<semaphore_mem>>
      %dma_start3A_211 = tpu.memref_slice %arg3[%multiple_of3A] : memref<819200xi32, #tpu.memory_space<hbm>> -> memref<25600xi32, #tpu.memory_space<hbm>>
      %dma_start3A_212 = tpu.memref_slice %arg3[%multiple_of3A] : memref<819200xi32, #tpu.memory_space<hbm>> -> memref<25600xi32, #tpu.memory_space<hbm>>
      tpu.enqueue_dma source(%dma_start3A_212 : memref<25600xi32, #tpu.memory_space<hbm>>) target(%arg9 : memref<25600xi32, #tpu.memory_space<vmem>>) target_semaphore(%run_scoped3A : memref<!tpu.dma_semaphore, #tpu.memory_space<semaphore_mem>>)
      %dma_wait3A = tpu.memref_slice %arg3[%multiple_of3A] : memref<819200xi32, #tpu.memory_space<hbm>> -> memref<25600xi32, #tpu.memory_space<hbm>>
      %dma_wait3A_213 = tpu.memref_slice %arg3[%multiple_of3A] : memref<819200xi32, #tpu.memory_space<hbm>> -> memref<25600xi32, #tpu.memory_space<hbm>>
      tpu.wait_dma2 semaphore(%run_scoped3A : memref<!tpu.dma_semaphore, #tpu.memory_space<semaphore_mem>>) src(%dma_wait3A_213 : memref<25600xi32, #tpu.memory_space<hbm>>) dst(%arg9 : memref<25600xi32, #tpu.memory_space<vmem>>)
      tpu.yield
    }) : () -> ()
    %iota3A = tpu.iota {dimensions = array<i32: 0>} : vector<16xi32>
    %add3A_5 = arith.constant 0 : i32
    %add3A_6 = vector.broadcast %add3A_5 : i32 to vector<16xi32>
    %add3A_7 = arith.addi %add3A_6, %iota3A : vector<16xi32>
    %jit3A = arith.constant 8 : i32
    %div3A = vector.broadcast %jit3A : i32 to vector<16xi32>
    %div3A_8 = arith.divsi %add3A_7, %div3A : vector<16xi32>
    %sign3A = arith.constant 0 : i32
    %sign3A_9 = vector.broadcast %sign3A : i32 to vector<16xi32>
    %sign3A_10 = arith.cmpi sgt, %add3A_7, %sign3A_9 : vector<16xi32>
    %sign3A_11 = arith.extui %sign3A_10 : vector<16xi1> to vector<16xi32>
    %sign3A_12 = arith.constant 0 : i32
    %sign3A_13 = vector.broadcast %sign3A_12 : i32 to vector<16xi32>
    %sign3A_14 = arith.cmpi slt, %add3A_7, %sign3A_13 : vector<16xi32>
    %sign3A_15 = arith.extui %sign3A_14 : vector<16xi1> to vector<16xi32>
    %sign3A_16 = arith.subi %sign3A_11, %sign3A_15 : vector<16xi32>
    %sign3A_17 = arith.constant 0 : i32
    %sign3A_18 = arith.cmpi sgt, %jit3A, %sign3A_17 : i32
    %sign3A_19 = arith.extui %sign3A_18 : i1 to i32
    %sign3A_20 = arith.constant 0 : i32
    %sign3A_21 = arith.cmpi slt, %jit3A, %sign3A_20 : i32
    %sign3A_22 = arith.extui %sign3A_21 : i1 to i32
    %sign3A_23 = arith.subi %sign3A_19, %sign3A_22 : i32
    %ne3A = vector.broadcast %sign3A_23 : i32 to vector<16xi32>
    %ne3A_24 = arith.cmpi ne, %sign3A_16, %ne3A : vector<16xi32>
    %rem3A = vector.broadcast %jit3A : i32 to vector<16xi32>
    %rem3A_25 = arith.remsi %add3A_7, %rem3A : vector<16xi32>
    %ne3A_26 = arith.constant 0 : i32
    %ne3A_27 = vector.broadcast %ne3A_26 : i32 to vector<16xi32>
    %ne3A_28 = arith.cmpi ne, %rem3A_25, %ne3A_27 : vector<16xi32>
    %and3A = arith.andi %ne3A_24, %ne3A_28 : vector<16xi1>
    %sub3A = arith.constant 1 : i32
    %sub3A_29 = vector.broadcast %sub3A : i32 to vector<16xi32>
    %sub3A_30 = arith.subi %div3A_8, %sub3A_29 : vector<16xi32>
    %select_n3A = arith.select %and3A, %sub3A_30, %div3A_8 : vector<16xi1>, vector<16xi32>
    %add3A_31 = arith.constant 16 : i32
    %add3A_32 = vector.broadcast %add3A_31 : i32 to vector<16xi32>
    %add3A_33 = arith.addi %add3A_32, %iota3A : vector<16xi32>
    %jit3A_34 = arith.constant 8 : i32
    %div3A_35 = vector.broadcast %jit3A_34 : i32 to vector<16xi32>
    %div3A_36 = arith.divsi %add3A_33, %div3A_35 : vector<16xi32>
    %sign3A_37 = arith.constant 0 : i32
    %sign3A_38 = vector.broadcast %sign3A_37 : i32 to vector<16xi32>
    %sign3A_39 = arith.cmpi sgt, %add3A_33, %sign3A_38 : vector<16xi32>
    %sign3A_40 = arith.extui %sign3A_39 : vector<16xi1> to vector<16xi32>
    %sign3A_41 = arith.constant 0 : i32
    %sign3A_42 = vector.broadcast %sign3A_41 : i32 to vector<16xi32>
    %sign3A_43 = arith.cmpi slt, %add3A_33, %sign3A_42 : vector<16xi32>
    %sign3A_44 = arith.extui %sign3A_43 : vector<16xi1> to vector<16xi32>
    %sign3A_45 = arith.subi %sign3A_40, %sign3A_44 : vector<16xi32>
    %sign3A_46 = arith.constant 0 : i32
    %sign3A_47 = arith.cmpi sgt, %jit3A_34, %sign3A_46 : i32
    %sign3A_48 = arith.extui %sign3A_47 : i1 to i32
    %sign3A_49 = arith.constant 0 : i32
    %sign3A_50 = arith.cmpi slt, %jit3A_34, %sign3A_49 : i32
    %sign3A_51 = arith.extui %sign3A_50 : i1 to i32
    %sign3A_52 = arith.subi %sign3A_48, %sign3A_51 : i32
    %ne3A_53 = vector.broadcast %sign3A_52 : i32 to vector<16xi32>
    %ne3A_54 = arith.cmpi ne, %sign3A_45, %ne3A_53 : vector<16xi32>
    %rem3A_55 = vector.broadcast %jit3A_34 : i32 to vector<16xi32>
    %rem3A_56 = arith.remsi %add3A_33, %rem3A_55 : vector<16xi32>
    %ne3A_57 = arith.constant 0 : i32
    %ne3A_58 = vector.broadcast %ne3A_57 : i32 to vector<16xi32>
    %ne3A_59 = arith.cmpi ne, %rem3A_56, %ne3A_58 : vector<16xi32>
    %and3A_60 = arith.andi %ne3A_54, %ne3A_59 : vector<16xi1>
    %sub3A_61 = arith.constant 1 : i32
    %sub3A_62 = vector.broadcast %sub3A_61 : i32 to vector<16xi32>
    %sub3A_63 = arith.subi %div3A_36, %sub3A_62 : vector<16xi32>
    %select_n3A_64 = arith.select %and3A_60, %sub3A_63, %div3A_36 : vector<16xi1>, vector<16xi32>
    %add3A_65 = arith.constant 32 : i32
    %add3A_66 = vector.broadcast %add3A_65 : i32 to vector<16xi32>
    %add3A_67 = arith.addi %add3A_66, %iota3A : vector<16xi32>
    %jit3A_68 = arith.constant 8 : i32
    %div3A_69 = vector.broadcast %jit3A_68 : i32 to vector<16xi32>
    %div3A_70 = arith.divsi %add3A_67, %div3A_69 : vector<16xi32>
    %sign3A_71 = arith.constant 0 : i32
    %sign3A_72 = vector.broadcast %sign3A_71 : i32 to vector<16xi32>
    %sign3A_73 = arith.cmpi sgt, %add3A_67, %sign3A_72 : vector<16xi32>
    %sign3A_74 = arith.extui %sign3A_73 : vector<16xi1> to vector<16xi32>
    %sign3A_75 = arith.constant 0 : i32
    %sign3A_76 = vector.broadcast %sign3A_75 : i32 to vector<16xi32>
    %sign3A_77 = arith.cmpi slt, %add3A_67, %sign3A_76 : vector<16xi32>
    %sign3A_78 = arith.extui %sign3A_77 : vector<16xi1> to vector<16xi32>
    %sign3A_79 = arith.subi %sign3A_74, %sign3A_78 : vector<16xi32>
    %sign3A_80 = arith.constant 0 : i32
    %sign3A_81 = arith.cmpi sgt, %jit3A_68, %sign3A_80 : i32
    %sign3A_82 = arith.extui %sign3A_81 : i1 to i32
    %sign3A_83 = arith.constant 0 : i32
    %sign3A_84 = arith.cmpi slt, %jit3A_68, %sign3A_83 : i32
    %sign3A_85 = arith.extui %sign3A_84 : i1 to i32
    %sign3A_86 = arith.subi %sign3A_82, %sign3A_85 : i32
    %ne3A_87 = vector.broadcast %sign3A_86 : i32 to vector<16xi32>
    %ne3A_88 = arith.cmpi ne, %sign3A_79, %ne3A_87 : vector<16xi32>
    %rem3A_89 = vector.broadcast %jit3A_68 : i32 to vector<16xi32>
    %rem3A_90 = arith.remsi %add3A_67, %rem3A_89 : vector<16xi32>
    %ne3A_91 = arith.constant 0 : i32
    %ne3A_92 = vector.broadcast %ne3A_91 : i32 to vector<16xi32>
    %ne3A_93 = arith.cmpi ne, %rem3A_90, %ne3A_92 : vector<16xi32>
    %and3A_94 = arith.andi %ne3A_88, %ne3A_93 : vector<16xi1>
    %sub3A_95 = arith.constant 1 : i32
    %sub3A_96 = vector.broadcast %sub3A_95 : i32 to vector<16xi32>
    %sub3A_97 = arith.subi %div3A_70, %sub3A_96 : vector<16xi32>
    %select_n3A_98 = arith.select %and3A_94, %sub3A_97, %div3A_70 : vector<16xi1>, vector<16xi32>
    %add3A_99 = arith.constant 48 : i32
    %add3A_100 = vector.broadcast %add3A_99 : i32 to vector<16xi32>
    %add3A_101 = arith.addi %add3A_100, %iota3A : vector<16xi32>
    %jit3A_102 = arith.constant 8 : i32
    %div3A_103 = vector.broadcast %jit3A_102 : i32 to vector<16xi32>
    %div3A_104 = arith.divsi %add3A_101, %div3A_103 : vector<16xi32>
    %sign3A_105 = arith.constant 0 : i32
    %sign3A_106 = vector.broadcast %sign3A_105 : i32 to vector<16xi32>
    %sign3A_107 = arith.cmpi sgt, %add3A_101, %sign3A_106 : vector<16xi32>
    %sign3A_108 = arith.extui %sign3A_107 : vector<16xi1> to vector<16xi32>
    %sign3A_109 = arith.constant 0 : i32
    %sign3A_110 = vector.broadcast %sign3A_109 : i32 to vector<16xi32>
    %sign3A_111 = arith.cmpi slt, %add3A_101, %sign3A_110 : vector<16xi32>
    %sign3A_112 = arith.extui %sign3A_111 : vector<16xi1> to vector<16xi32>
    %sign3A_113 = arith.subi %sign3A_108, %sign3A_112 : vector<16xi32>
    %sign3A_114 = arith.constant 0 : i32
    %sign3A_115 = arith.cmpi sgt, %jit3A_102, %sign3A_114 : i32
    %sign3A_116 = arith.extui %sign3A_115 : i1 to i32
    %sign3A_117 = arith.constant 0 : i32
    %sign3A_118 = arith.cmpi slt, %jit3A_102, %sign3A_117 : i32
    %sign3A_119 = arith.extui %sign3A_118 : i1 to i32
    %sign3A_120 = arith.subi %sign3A_116, %sign3A_119 : i32
    %ne3A_121 = vector.broadcast %sign3A_120 : i32 to vector<16xi32>
    %ne3A_122 = arith.cmpi ne, %sign3A_113, %ne3A_121 : vector<16xi32>
    %rem3A_123 = vector.broadcast %jit3A_102 : i32 to vector<16xi32>
    %rem3A_124 = arith.remsi %add3A_101, %rem3A_123 : vector<16xi32>
    %ne3A_125 = arith.constant 0 : i32
    %ne3A_126 = vector.broadcast %ne3A_125 : i32 to vector<16xi32>
    %ne3A_127 = arith.cmpi ne, %rem3A_124, %ne3A_126 : vector<16xi32>
    %and3A_128 = arith.andi %ne3A_122, %ne3A_127 : vector<16xi1>
    %sub3A_129 = arith.constant 1 : i32
    %sub3A_130 = vector.broadcast %sub3A_129 : i32 to vector<16xi32>
    %sub3A_131 = arith.subi %div3A_104, %sub3A_130 : vector<16xi32>
    %select_n3A_132 = arith.select %and3A_128, %sub3A_131, %div3A_104 : vector<16xi1>, vector<16xi32>
    %jit3A_133 = arith.constant 8 : i32
    %eq3A = arith.constant 0 : i32
    %eq3A_134 = arith.cmpi eq, %jit3A_133, %eq3A : i32
    %jit3A_135 = arith.constant 1 : i32
    %select_n3A_136 = arith.select %eq3A_134, %jit3A_135, %jit3A_133 : i32
    %rem3A_137 = vector.broadcast %select_n3A_136 : i32 to vector<16xi32>
    %rem3A_138 = arith.remsi %iota3A, %rem3A_137 : vector<16xi32>
    %ne3A_139 = arith.constant 0 : i32
    %ne3A_140 = vector.broadcast %ne3A_139 : i32 to vector<16xi32>
    %ne3A_141 = arith.cmpi ne, %rem3A_138, %ne3A_140 : vector<16xi32>
    %lt3A = arith.constant 0 : i32
    %lt3A_142 = vector.broadcast %lt3A : i32 to vector<16xi32>
    %lt3A_143 = arith.cmpi slt, %rem3A_138, %lt3A_142 : vector<16xi32>
    %lt3A_144 = arith.constant 0 : i32
    %lt3A_145 = arith.cmpi slt, %select_n3A_136, %lt3A_144 : i32
    %ne3A_146 = vector.broadcast %lt3A_145 : i1 to vector<16xi1>
    %ne3A_147 = vector.broadcast %ne3A_146 : vector<16xi1> to vector<16xi1>
    %ne3A_148 = arith.xori %lt3A_143, %ne3A_147 : vector<16xi1>
    %and3A_149 = arith.andi %ne3A_148, %ne3A_141 : vector<16xi1>
    %add3A_150 = vector.broadcast %select_n3A_136 : i32 to vector<16xi32>
    %add3A_151 = arith.addi %rem3A_138, %add3A_150 : vector<16xi32>
    %select_n3A_152 = arith.select %and3A_149, %add3A_151, %rem3A_138 : vector<16xi1>, vector<16xi32>
    %multiple_of3A_153 = arith.constant 0 : i32
    %multiple_of3A_154 = tpu.assume_multiple %multiple_of3A_153, 8 : i32
    %dma_start3A = tpu.memref_slice %arg8[%multiple_of3A_154] : memref<25600xi32, #tpu.memory_space<vmem>> -> memref<128xi32, #tpu.memory_space<vmem>>
    %dma_start3A_155 = arith.constant 0 : i32
    %dma_start3A_156 = arith.constant 0 : i32
    %dma_start3A_157 = tpu.memref_slice %arg4[%dma_start3A_155, %dma_start3A_156] : memref<1000000x64xf32, #tpu.memory_space<hbm>> -> memref<1000000x64xf32, #tpu.memory_space<hbm>>
    tpu.enqueue_indirect_dma source(%dma_start3A_157 : memref<1000000x64xf32, #tpu.memory_space<hbm>>) target(%arg10 : memref<128x64xf32, #tpu.memory_space<vmem>>) offsets(%dma_start3A : memref<128xi32, #tpu.memory_space<vmem>>) semaphore(%arg18 : memref<!tpu.dma_semaphore, #tpu.memory_space<semaphore_mem>>)
    %multiple_of3A_158 = arith.constant 128 : i32
    %multiple_of3A_159 = tpu.assume_multiple %multiple_of3A_158, 8 : i32
    %dma_start3A_160 = tpu.memref_slice %arg8[%multiple_of3A_159] : memref<25600xi32, #tpu.memory_space<vmem>> -> memref<128xi32, #tpu.memory_space<vmem>>
    %dma_start3A_161 = arith.constant 0 : i32
    %dma_start3A_162 = arith.constant 0 : i32
    %dma_start3A_163 = tpu.memref_slice %arg4[%dma_start3A_161, %dma_start3A_162] : memref<1000000x64xf32, #tpu.memory_space<hbm>> -> memref<1000000x64xf32, #tpu.memory_space<hbm>>
    tpu.enqueue_indirect_dma source(%dma_start3A_163 : memref<1000000x64xf32, #tpu.memory_space<hbm>>) target(%arg11 : memref<128x64xf32, #tpu.memory_space<vmem>>) offsets(%dma_start3A_160 : memref<128xi32, #tpu.memory_space<vmem>>) semaphore(%arg19 : memref<!tpu.dma_semaphore, #tpu.memory_space<semaphore_mem>>)
    %multiple_of3A_164 = arith.constant 256 : i32
    %multiple_of3A_165 = tpu.assume_multiple %multiple_of3A_164, 8 : i32
    %dma_start3A_166 = tpu.memref_slice %arg8[%multiple_of3A_165] : memref<25600xi32, #tpu.memory_space<vmem>> -> memref<128xi32, #tpu.memory_space<vmem>>
    %dma_start3A_167 = arith.constant 0 : i32
    %dma_start3A_168 = arith.constant 0 : i32
    %dma_start3A_169 = tpu.memref_slice %arg4[%dma_start3A_167, %dma_start3A_168] : memref<1000000x64xf32, #tpu.memory_space<hbm>> -> memref<1000000x64xf32, #tpu.memory_space<hbm>>
    tpu.enqueue_indirect_dma source(%dma_start3A_169 : memref<1000000x64xf32, #tpu.memory_space<hbm>>) target(%arg12 : memref<128x64xf32, #tpu.memory_space<vmem>>) offsets(%dma_start3A_166 : memref<128xi32, #tpu.memory_space<vmem>>) semaphore(%arg20 : memref<!tpu.dma_semaphore, #tpu.memory_space<semaphore_mem>>)
    %multiple_of3A_170 = arith.constant 384 : i32
    %multiple_of3A_171 = tpu.assume_multiple %multiple_of3A_170, 8 : i32
    %dma_start3A_172 = tpu.memref_slice %arg8[%multiple_of3A_171] : memref<25600xi32, #tpu.memory_space<vmem>> -> memref<128xi32, #tpu.memory_space<vmem>>
    %dma_start3A_173 = arith.constant 0 : i32
    %dma_start3A_174 = arith.constant 0 : i32
    %dma_start3A_175 = tpu.memref_slice %arg4[%dma_start3A_173, %dma_start3A_174] : memref<1000000x64xf32, #tpu.memory_space<hbm>> -> memref<1000000x64xf32, #tpu.memory_space<hbm>>
    tpu.enqueue_indirect_dma source(%dma_start3A_175 : memref<1000000x64xf32, #tpu.memory_space<hbm>>) target(%arg13 : memref<128x64xf32, #tpu.memory_space<vmem>>) offsets(%dma_start3A_172 : memref<128xi32, #tpu.memory_space<vmem>>) semaphore(%arg21 : memref<!tpu.dma_semaphore, #tpu.memory_space<semaphore_mem>>)
    %scan3A = arith.constant 0 : i32
    %scan3A_176 = arith.constant 0 : i32
    %scan3A_177 = arith.constant 50 : i32
    %scan3A_178 = arith.addi %scan3A_176, %scan3A_177 : i32
    %scan3A_179 = arith.constant 1 : i32
    scf.for %scan3A_211 = %scan3A_176 to %scan3A_178 step %scan3A_179  : i32 {
      %mul3A_212 = arith.constant 4 : i32
      %mul3A_213 = arith.muli %scan3A_211, %mul3A_212 : i32
      %add3A_214 = arith.constant 0 : i32
      %add3A_215 = arith.addi %mul3A_213, %add3A_214 : i32
      %mul3A_216 = arith.constant 128 : i32
      %mul3A_217 = arith.muli %add3A_215, %mul3A_216 : i32
      %multiple_of3A_218 = tpu.assume_multiple %mul3A_217, 8 : i32
      %dma_wait3A = tpu.memref_slice %arg8[%multiple_of3A_218] : memref<25600xi32, #tpu.memory_space<vmem>> -> memref<128xi32, #tpu.memory_space<vmem>>
      %dma_wait3A_219 = arith.constant 0 : i32
      %dma_wait3A_220 = arith.constant 0 : i32
      %dma_wait3A_221 = tpu.memref_slice %arg4[%dma_wait3A_219, %dma_wait3A_220] : memref<1000000x64xf32, #tpu.memory_space<hbm>> -> memref<1000000x64xf32, #tpu.memory_space<hbm>>
      tpu.wait_indirect_dma semaphore(%arg18 : memref<!tpu.dma_semaphore, #tpu.memory_space<semaphore_mem>>) src(%dma_wait3A_221 : memref<1000000x64xf32, #tpu.memory_space<hbm>>) dst(%arg10 : memref<128x64xf32, #tpu.memory_space<vmem>>)
      %scan3A_222 = arith.constant 0 : i32
      %scan3A_223 = arith.constant 0 : i32
      %scan3A_224 = arith.constant 16 : i32
      %scan3A_225 = arith.addi %scan3A_223, %scan3A_224 : i32
      %scan3A_226 = arith.constant 1 : i32
      scf.for %scan3A_785 = %scan3A_223 to %scan3A_225 step %scan3A_226  : i32 {
        %mul3A_786 = arith.constant 8 : i32
        %mul3A_787 = arith.muli %scan3A_785, %mul3A_786 : i32
        %add3A_788 = arith.constant 0 : i32
        %add3A_789 = arith.addi %mul3A_787, %add3A_788 : i32
        %broadcast_in_dim3A = vector.broadcast %add3A_789 : i32 to vector<16xi32>
        %add3A_790 = arith.constant 0 : i32
        %add3A_791 = arith.addi %mul3A_787, %add3A_790 : i32
        %get3A = arith.index_cast %add3A_791 : i32 to index
        %get3A_792 = arith.constant 0 : index
        %get3A_793 = tpu.vector_load %arg10[%get3A, %get3A_792] {strides = array<i32>} : memref<128x64xf32, #tpu.memory_space<vmem>>, vector<16xf32>,
        %add3A_794 = arith.constant 0 : i32
        %add3A_795 = arith.addi %mul3A_787, %add3A_794 : i32
        %get3A_796 = arith.index_cast %add3A_795 : i32 to index
        %get3A_797 = arith.constant 16 : index
        %get3A_798 = tpu.vector_load %arg10[%get3A_796, %get3A_797] {strides = array<i32>} : memref<128x64xf32, #tpu.memory_space<vmem>>, vector<16xf32>,
        %add3A_799 = arith.constant 0 : i32
        %add3A_800 = arith.addi %mul3A_787, %add3A_799 : i32
        %get3A_801 = arith.index_cast %add3A_800 : i32 to index
        %get3A_802 = arith.constant 32 : index
        %get3A_803 = tpu.vector_load %arg10[%get3A_801, %get3A_802] {strides = array<i32>} : memref<128x64xf32, #tpu.memory_space<vmem>>, vector<16xf32>,
        %add3A_804 = arith.constant 0 : i32
        %add3A_805 = arith.addi %mul3A_787, %add3A_804 : i32
        %get3A_806 = arith.index_cast %add3A_805 : i32 to index
        %get3A_807 = arith.constant 48 : index
        %get3A_808 = tpu.vector_load %arg10[%get3A_806, %get3A_807] {strides = array<i32>} : memref<128x64xf32, #tpu.memory_space<vmem>>, vector<16xf32>,
        tpu.vector_store_idx %arg14[%select_n3A, %select_n3A_152, %broadcast_in_dim3A], %get3A_793 : memref<8x8x129xf32, #tpu.memory_space<vmem>>[vector<16xi32>, vector<16xi32>, vector<16xi32>], vector<16xf32>,
        tpu.vector_store_idx %arg14[%select_n3A_64, %select_n3A_152, %broadcast_in_dim3A], %get3A_798 : memref<8x8x129xf32, #tpu.memory_space<vmem>>[vector<16xi32>, vector<16xi32>, vector<16xi32>], vector<16xf32>,
        tpu.vector_store_idx %arg14[%select_n3A_98, %select_n3A_152, %broadcast_in_dim3A], %get3A_803 : memref<8x8x129xf32, #tpu.memory_space<vmem>>[vector<16xi32>, vector<16xi32>, vector<16xi32>], vector<16xf32>,
        tpu.vector_store_idx %arg14[%select_n3A_132, %select_n3A_152, %broadcast_in_dim3A], %get3A_808 : memref<8x8x129xf32, #tpu.memory_space<vmem>>[vector<16xi32>, vector<16xi32>, vector<16xi32>], vector<16xf32>,
        %add3A_809 = arith.constant 1 : i32
        %add3A_810 = arith.addi %mul3A_787, %add3A_809 : i32
        %broadcast_in_dim3A_811 = vector.broadcast %add3A_810 : i32 to vector<16xi32>
        %add3A_812 = arith.constant 1 : i32
        %add3A_813 = arith.addi %mul3A_787, %add3A_812 : i32
        %get3A_814 = arith.index_cast %add3A_813 : i32 to index
        %get3A_815 = arith.constant 0 : index
        %get3A_816 = tpu.vector_load %arg10[%get3A_814, %get3A_815] {strides = array<i32>} : memref<128x64xf32, #tpu.memory_space<vmem>>, vector<16xf32>,
        %add3A_817 = arith.constant 1 : i32
        %add3A_818 = arith.addi %mul3A_787, %add3A_817 : i32
        %get3A_819 = arith.index_cast %add3A_818 : i32 to index
        %get3A_820 = arith.constant 16 : index
        %get3A_821 = tpu.vector_load %arg10[%get3A_819, %get3A_820] {strides = array<i32>} : memref<128x64xf32, #tpu.memory_space<vmem>>, vector<16xf32>,
        %add3A_822 = arith.constant 1 : i32
        %add3A_823 = arith.addi %mul3A_787, %add3A_822 : i32
        %get3A_824 = arith.index_cast %add3A_823 : i32 to index
        %get3A_825 = arith.constant 32 : index
        %get3A_826 = tpu.vector_load %arg10[%get3A_824, %get3A_825] {strides = array<i32>} : memref<128x64xf32, #tpu.memory_space<vmem>>, vector<16xf32>,
        %add3A_827 = arith.constant 1 : i32
        %add3A_828 = arith.addi %mul3A_787, %add3A_827 : i32
        %get3A_829 = arith.index_cast %add3A_828 : i32 to index
        %get3A_830 = arith.constant 48 : index
        %get3A_831 = tpu.vector_load %arg10[%get3A_829, %get3A_830] {strides = array<i32>} : memref<128x64xf32, #tpu.memory_space<vmem>>, vector<16xf32>,
        tpu.vector_store_idx %arg14[%select_n3A, %select_n3A_152, %broadcast_in_dim3A_811], %get3A_816 : memref<8x8x129xf32, #tpu.memory_space<vmem>>[vector<16xi32>, vector<16xi32>, vector<16xi32>], vector<16xf32>,
        tpu.vector_store_idx %arg14[%select_n3A_64, %select_n3A_152, %broadcast_in_dim3A_811], %get3A_821 : memref<8x8x129xf32, #tpu.memory_space<vmem>>[vector<16xi32>, vector<16xi32>, vector<16xi32>], vector<16xf32>,
        tpu.vector_store_idx %arg14[%select_n3A_98, %select_n3A_152, %broadcast_in_dim3A_811], %get3A_826 : memref<8x8x129xf32, #tpu.memory_space<vmem>>[vector<16xi32>, vector<16xi32>, vector<16xi32>], vector<16xf32>,
        tpu.vector_store_idx %arg14[%select_n3A_132, %select_n3A_152, %broadcast_in_dim3A_811], %get3A_831 : memref<8x8x129xf32, #tpu.memory_space<vmem>>[vector<16xi32>, vector<16xi32>, vector<16xi32>], vector<16xf32>,
        %add3A_832 = arith.constant 2 : i32
        %add3A_833 = arith.addi %mul3A_787, %add3A_832 : i32
        %broadcast_in_dim3A_834 = vector.broadcast %add3A_833 : i32 to vector<16xi32>
        %add3A_835 = arith.constant 2 : i32
        %add3A_836 = arith.addi %mul3A_787, %add3A_835 : i32
        %get3A_837 = arith.index_cast %add3A_836 : i32 to index
        %get3A_838 = arith.constant 0 : index
        %get3A_839 = tpu.vector_load %arg10[%get3A_837, %get3A_838] {strides = array<i32>} : memref<128x64xf32, #tpu.memory_space<vmem>>, vector<16xf32>,
        %add3A_840 = arith.constant 2 : i32
        %add3A_841 = arith.addi %mul3A_787, %add3A_840 : i32
        %get3A_842 = arith.index_cast %add3A_841 : i32 to index
        %get3A_843 = arith.constant 16 : index
        %get3A_844 = tpu.vector_load %arg10[%get3A_842, %get3A_843] {strides = array<i32>} : memref<128x64xf32, #tpu.memory_space<vmem>>, vector<16xf32>,
        %add3A_845 = arith.constant 2 : i32
        %add3A_846 = arith.addi %mul3A_787, %add3A_845 : i32
        %get3A_847 = arith.index_cast %add3A_846 : i32 to index
        %get3A_848 = arith.constant 32 : index
        %get3A_849 = tpu.vector_load %arg10[%get3A_847, %get3A_848] {strides = array<i32>} : memref<128x64xf32, #tpu.memory_space<vmem>>, vector<16xf32>,
        %add3A_850 = arith.constant 2 : i32
        %add3A_851 = arith.addi %mul3A_787, %add3A_850 : i32
        %get3A_852 = arith.index_cast %add3A_851 : i32 to index
        %get3A_853 = arith.constant 48 : index
        %get3A_854 = tpu.vector_load %arg10[%get3A_852, %get3A_853] {strides = array<i32>} : memref<128x64xf32, #tpu.memory_space<vmem>>, vector<16xf32>,
        tpu.vector_store_idx %arg14[%select_n3A, %select_n3A_152, %broadcast_in_dim3A_834], %get3A_839 : memref<8x8x129xf32, #tpu.memory_space<vmem>>[vector<16xi32>, vector<16xi32>, vector<16xi32>], vector<16xf32>,
        tpu.vector_store_idx %arg14[%select_n3A_64, %select_n3A_152, %broadcast_in_dim3A_834], %get3A_844 : memref<8x8x129xf32, #tpu.memory_space<vmem>>[vector<16xi32>, vector<16xi32>, vector<16xi32>], vector<16xf32>,
        tpu.vector_store_idx %arg14[%select_n3A_98, %select_n3A_152, %broadcast_in_dim3A_834], %get3A_849 : memref<8x8x129xf32, #tpu.memory_space<vmem>>[vector<16xi32>, vector<16xi32>, vector<16xi32>], vector<16xf32>,
        tpu.vector_store_idx %arg14[%select_n3A_132, %select_n3A_152, %broadcast_in_dim3A_834], %get3A_854 : memref<8x8x129xf32, #tpu.memory_space<vmem>>[vector<16xi32>, vector<16xi32>, vector<16xi32>], vector<16xf32>,
        %add3A_855 = arith.constant 3 : i32
        %add3A_856 = arith.addi %mul3A_787, %add3A_855 : i32
        %broadcast_in_dim3A_857 = vector.broadcast %add3A_856 : i32 to vector<16xi32>
        %add3A_858 = arith.constant 3 : i32
        %add3A_859 = arith.addi %mul3A_787, %add3A_858 : i32
        %get3A_860 = arith.index_cast %add3A_859 : i32 to index
        %get3A_861 = arith.constant 0 : index
        %get3A_862 = tpu.vector_load %arg10[%get3A_860, %get3A_861] {strides = array<i32>} : memref<128x64xf32, #tpu.memory_space<vmem>>, vector<16xf32>,
        %add3A_863 = arith.constant 3 : i32
        %add3A_864 = arith.addi %mul3A_787, %add3A_863 : i32
        %get3A_865 = arith.index_cast %add3A_864 : i32 to index
        %get3A_866 = arith.constant 16 : index
        %get3A_867 = tpu.vector_load %arg10[%get3A_865, %get3A_866] {strides = array<i32>} : memref<128x64xf32, #tpu.memory_space<vmem>>, vector<16xf32>,
        %add3A_868 = arith.constant 3 : i32
        %add3A_869 = arith.addi %mul3A_787, %add3A_868 : i32
        %get3A_870 = arith.index_cast %add3A_869 : i32 to index
        %get3A_871 = arith.constant 32 : index
        %get3A_872 = tpu.vector_load %arg10[%get3A_870, %get3A_871] {strides = array<i32>} : memref<128x64xf32, #tpu.memory_space<vmem>>, vector<16xf32>,
        %add3A_873 = arith.constant 3 : i32
        %add3A_874 = arith.addi %mul3A_787, %add3A_873 : i32
        %get3A_875 = arith.index_cast %add3A_874 : i32 to index
        %get3A_876 = arith.constant 48 : index
        %get3A_877 = tpu.vector_load %arg10[%get3A_875, %get3A_876] {strides = array<i32>} : memref<128x64xf32, #tpu.memory_space<vmem>>, vector<16xf32>,
        tpu.vector_store_idx %arg14[%select_n3A, %select_n3A_152, %broadcast_in_dim3A_857], %get3A_862 : memref<8x8x129xf32, #tpu.memory_space<vmem>>[vector<16xi32>, vector<16xi32>, vector<16xi32>], vector<16xf32>,
        tpu.vector_store_idx %arg14[%select_n3A_64, %select_n3A_152, %broadcast_in_dim3A_857], %get3A_867 : memref<8x8x129xf32, #tpu.memory_space<vmem>>[vector<16xi32>, vector<16xi32>, vector<16xi32>], vector<16xf32>,
        tpu.vector_store_idx %arg14[%select_n3A_98, %select_n3A_152, %broadcast_in_dim3A_857], %get3A_872 : memref<8x8x129xf32, #tpu.memory_space<vmem>>[vector<16xi32>, vector<16xi32>, vector<16xi32>], vector<16xf32>,
        tpu.vector_store_idx %arg14[%select_n3A_132, %select_n3A_152, %broadcast_in_dim3A_857], %get3A_877 : memref<8x8x129xf32, #tpu.memory_space<vmem>>[vector<16xi32>, vector<16xi32>, vector<16xi32>], vector<16xf32>,
        %add3A_878 = arith.constant 4 : i32
        %add3A_879 = arith.addi %mul3A_787, %add3A_878 : i32
        %broadcast_in_dim3A_880 = vector.broadcast %add3A_879 : i32 to vector<16xi32>
        %add3A_881 = arith.constant 4 : i32
        %add3A_882 = arith.addi %mul3A_787, %add3A_881 : i32
        %get3A_883 = arith.index_cast %add3A_882 : i32 to index
        %get3A_884 = arith.constant 0 : index
        %get3A_885 = tpu.vector_load %arg10[%get3A_883, %get3A_884] {strides = array<i32>} : memref<128x64xf32, #tpu.memory_space<vmem>>, vector<16xf32>,
        %add3A_886 = arith.constant 4 : i32
        %add3A_887 = arith.addi %mul3A_787, %add3A_886 : i32
        %get3A_888 = arith.index_cast %add3A_887 : i32 to index
        %get3A_889 = arith.constant 16 : index
        %get3A_890 = tpu.vector_load %arg10[%get3A_888, %get3A_889] {strides = array<i32>} : memref<128x64xf32, #tpu.memory_space<vmem>>, vector<16xf32>,
        %add3A_891 = arith.constant 4 : i32
        %add3A_892 = arith.addi %mul3A_787, %add3A_891 : i32
        %get3A_893 = arith.index_cast %add3A_892 : i32 to index
        %get3A_894 = arith.constant 32 : index
        %get3A_895 = tpu.vector_load %arg10[%get3A_893, %get3A_894] {strides = array<i32>} : memref<128x64xf32, #tpu.memory_space<vmem>>, vector<16xf32>,
        %add3A_896 = arith.constant 4 : i32
        %add3A_897 = arith.addi %mul3A_787, %add3A_896 : i32
        %get3A_898 = arith.index_cast %add3A_897 : i32 to index
        %get3A_899 = arith.constant 48 : index
        %get3A_900 = tpu.vector_load %arg10[%get3A_898, %get3A_899] {strides = array<i32>} : memref<128x64xf32, #tpu.memory_space<vmem>>, vector<16xf32>,
        tpu.vector_store_idx %arg14[%select_n3A, %select_n3A_152, %broadcast_in_dim3A_880], %get3A_885 : memref<8x8x129xf32, #tpu.memory_space<vmem>>[vector<16xi32>, vector<16xi32>, vector<16xi32>], vector<16xf32>,
        tpu.vector_store_idx %arg14[%select_n3A_64, %select_n3A_152, %broadcast_in_dim3A_880], %get3A_890 : memref<8x8x129xf32, #tpu.memory_space<vmem>>[vector<16xi32>, vector<16xi32>, vector<16xi32>], vector<16xf32>,
        tpu.vector_store_idx %arg14[%select_n3A_98, %select_n3A_152, %broadcast_in_dim3A_880], %get3A_895 : memref<8x8x129xf32, #tpu.memory_space<vmem>>[vector<16xi32>, vector<16xi32>, vector<16xi32>], vector<16xf32>,
        tpu.vector_store_idx %arg14[%select_n3A_132, %select_n3A_152, %broadcast_in_dim3A_880], %get3A_900 : memref<8x8x129xf32, #tpu.memory_space<vmem>>[vector<16xi32>, vector<16xi32>, vector<16xi32>], vector<16xf32>,
        %add3A_901 = arith.constant 5 : i32
        %add3A_902 = arith.addi %mul3A_787, %add3A_901 : i32
        %broadcast_in_dim3A_903 = vector.broadcast %add3A_902 : i32 to vector<16xi32>
        %add3A_904 = arith.constant 5 : i32
        %add3A_905 = arith.addi %mul3A_787, %add3A_904 : i32
        %get3A_906 = arith.index_cast %add3A_905 : i32 to index
        %get3A_907 = arith.constant 0 : index
        %get3A_908 = tpu.vector_load %arg10[%get3A_906, %get3A_907] {strides = array<i32>} : memref<128x64xf32, #tpu.memory_space<vmem>>, vector<16xf32>,
        %add3A_909 = arith.constant 5 : i32
        %add3A_910 = arith.addi %mul3A_787, %add3A_909 : i32
        %get3A_911 = arith.index_cast %add3A_910 : i32 to index
        %get3A_912 = arith.constant 16 : index
        %get3A_913 = tpu.vector_load %arg10[%get3A_911, %get3A_912] {strides = array<i32>} : memref<128x64xf32, #tpu.memory_space<vmem>>, vector<16xf32>,
        %add3A_914 = arith.constant 5 : i32
        %add3A_915 = arith.addi %mul3A_787, %add3A_914 : i32
        %get3A_916 = arith.index_cast %add3A_915 : i32 to index
        %get3A_917 = arith.constant 32 : index
        %get3A_918 = tpu.vector_load %arg10[%get3A_916, %get3A_917] {strides = array<i32>} : memref<128x64xf32, #tpu.memory_space<vmem>>, vector<16xf32>,
        %add3A_919 = arith.constant 5 : i32
        %add3A_920 = arith.addi %mul3A_787, %add3A_919 : i32
        %get3A_921 = arith.index_cast %add3A_920 : i32 to index
        %get3A_922 = arith.constant 48 : index
        %get3A_923 = tpu.vector_load %arg10[%get3A_921, %get3A_922] {strides = array<i32>} : memref<128x64xf32, #tpu.memory_space<vmem>>, vector<16xf32>,
        tpu.vector_store_idx %arg14[%select_n3A, %select_n3A_152, %broadcast_in_dim3A_903], %get3A_908 : memref<8x8x129xf32, #tpu.memory_space<vmem>>[vector<16xi32>, vector<16xi32>, vector<16xi32>], vector<16xf32>,
        tpu.vector_store_idx %arg14[%select_n3A_64, %select_n3A_152, %broadcast_in_dim3A_903], %get3A_913 : memref<8x8x129xf32, #tpu.memory_space<vmem>>[vector<16xi32>, vector<16xi32>, vector<16xi32>], vector<16xf32>,
        tpu.vector_store_idx %arg14[%select_n3A_98, %select_n3A_152, %broadcast_in_dim3A_903], %get3A_918 : memref<8x8x129xf32, #tpu.memory_space<vmem>>[vector<16xi32>, vector<16xi32>, vector<16xi32>], vector<16xf32>,
        tpu.vector_store_idx %arg14[%select_n3A_132, %select_n3A_152, %broadcast_in_dim3A_903], %get3A_923 : memref<8x8x129xf32, #tpu.memory_space<vmem>>[vector<16xi32>, vector<16xi32>, vector<16xi32>], vector<16xf32>,
        %add3A_924 = arith.constant 6 : i32
        %add3A_925 = arith.addi %mul3A_787, %add3A_924 : i32
        %broadcast_in_dim3A_926 = vector.broadcast %add3A_925 : i32 to vector<16xi32>
        %add3A_927 = arith.constant 6 : i32
        %add3A_928 = arith.addi %mul3A_787, %add3A_927 : i32
        %get3A_929 = arith.index_cast %add3A_928 : i32 to index
        %get3A_930 = arith.constant 0 : index
        %get3A_931 = tpu.vector_load %arg10[%get3A_929, %get3A_930] {strides = array<i32>} : memref<128x64xf32, #tpu.memory_space<vmem>>, vector<16xf32>,
        %add3A_932 = arith.constant 6 : i32
        %add3A_933 = arith.addi %mul3A_787, %add3A_932 : i32
        %get3A_934 = arith.index_cast %add3A_933 : i32 to index
        %get3A_935 = arith.constant 16 : index
        %get3A_936 = tpu.vector_load %arg10[%get3A_934, %get3A_935] {strides = array<i32>} : memref<128x64xf32, #tpu.memory_space<vmem>>, vector<16xf32>,
        %add3A_937 = arith.constant 6 : i32
        %add3A_938 = arith.addi %mul3A_787, %add3A_937 : i32
        %get3A_939 = arith.index_cast %add3A_938 : i32 to index
        %get3A_940 = arith.constant 32 : index
        %get3A_941 = tpu.vector_load %arg10[%get3A_939, %get3A_940] {strides = array<i32>} : memref<128x64xf32, #tpu.memory_space<vmem>>, vector<16xf32>,
        %add3A_942 = arith.constant 6 : i32
        %add3A_943 = arith.addi %mul3A_787, %add3A_942 : i32
        %get3A_944 = arith.index_cast %add3A_943 : i32 to index
        %get3A_945 = arith.constant 48 : index
        %get3A_946 = tpu.vector_load %arg10[%get3A_944, %get3A_945] {strides = array<i32>} : memref<128x64xf32, #tpu.memory_space<vmem>>, vector<16xf32>,
        tpu.vector_store_idx %arg14[%select_n3A, %select_n3A_152, %broadcast_in_dim3A_926], %get3A_931 : memref<8x8x129xf32, #tpu.memory_space<vmem>>[vector<16xi32>, vector<16xi32>, vector<16xi32>], vector<16xf32>,
        tpu.vector_store_idx %arg14[%select_n3A_64, %select_n3A_152, %broadcast_in_dim3A_926], %get3A_936 : memref<8x8x129xf32, #tpu.memory_space<vmem>>[vector<16xi32>, vector<16xi32>, vector<16xi32>], vector<16xf32>,
        tpu.vector_store_idx %arg14[%select_n3A_98, %select_n3A_152, %broadcast_in_dim3A_926], %get3A_941 : memref<8x8x129xf32, #tpu.memory_space<vmem>>[vector<16xi32>, vector<16xi32>, vector<16xi32>], vector<16xf32>,
        tpu.vector_store_idx %arg14[%select_n3A_132, %select_n3A_152, %broadcast_in_dim3A_926], %get3A_946 : memref<8x8x129xf32, #tpu.memory_space<vmem>>[vector<16xi32>, vector<16xi32>, vector<16xi32>], vector<16xf32>,
        %add3A_947 = arith.constant 7 : i32
        %add3A_948 = arith.addi %mul3A_787, %add3A_947 : i32
        %broadcast_in_dim3A_949 = vector.broadcast %add3A_948 : i32 to vector<16xi32>
        %add3A_950 = arith.constant 7 : i32
        %add3A_951 = arith.addi %mul3A_787, %add3A_950 : i32
        %get3A_952 = arith.index_cast %add3A_951 : i32 to index
        %get3A_953 = arith.constant 0 : index
        %get3A_954 = tpu.vector_load %arg10[%get3A_952, %get3A_953] {strides = array<i32>} : memref<128x64xf32, #tpu.memory_space<vmem>>, vector<16xf32>,
        %add3A_955 = arith.constant 7 : i32
        %add3A_956 = arith.addi %mul3A_787, %add3A_955 : i32
        %get3A_957 = arith.index_cast %add3A_956 : i32 to index
        %get3A_958 = arith.constant 16 : index
        %get3A_959 = tpu.vector_load %arg10[%get3A_957, %get3A_958] {strides = array<i32>} : memref<128x64xf32, #tpu.memory_space<vmem>>, vector<16xf32>,
        %add3A_960 = arith.constant 7 : i32
        %add3A_961 = arith.addi %mul3A_787, %add3A_960 : i32
        %get3A_962 = arith.index_cast %add3A_961 : i32 to index
        %get3A_963 = arith.constant 32 : index
        %get3A_964 = tpu.vector_load %arg10[%get3A_962, %get3A_963] {strides = array<i32>} : memref<128x64xf32, #tpu.memory_space<vmem>>, vector<16xf32>,
        %add3A_965 = arith.constant 7 : i32
        %add3A_966 = arith.addi %mul3A_787, %add3A_965 : i32
        %get3A_967 = arith.index_cast %add3A_966 : i32 to index
        %get3A_968 = arith.constant 48 : index
        %get3A_969 = tpu.vector_load %arg10[%get3A_967, %get3A_968] {strides = array<i32>} : memref<128x64xf32, #tpu.memory_space<vmem>>, vector<16xf32>,
        tpu.vector_store_idx %arg14[%select_n3A, %select_n3A_152, %broadcast_in_dim3A_949], %get3A_954 : memref<8x8x129xf32, #tpu.memory_space<vmem>>[vector<16xi32>, vector<16xi32>, vector<16xi32>], vector<16xf32>,
        tpu.vector_store_idx %arg14[%select_n3A_64, %select_n3A_152, %broadcast_in_dim3A_949], %get3A_959 : memref<8x8x129xf32, #tpu.memory_space<vmem>>[vector<16xi32>, vector<16xi32>, vector<16xi32>], vector<16xf32>,
        tpu.vector_store_idx %arg14[%select_n3A_98, %select_n3A_152, %broadcast_in_dim3A_949], %get3A_964 : memref<8x8x129xf32, #tpu.memory_space<vmem>>[vector<16xi32>, vector<16xi32>, vector<16xi32>], vector<16xf32>,
        tpu.vector_store_idx %arg14[%select_n3A_132, %select_n3A_152, %broadcast_in_dim3A_949], %get3A_969 : memref<8x8x129xf32, #tpu.memory_space<vmem>>[vector<16xi32>, vector<16xi32>, vector<16xi32>], vector<16xf32>,
      }
      %scan3A_227 = arith.constant 16 : i32
      %add3A_228 = arith.addi %mul3A_4, %add3A_215 : i32
      %jit3A_229 = arith.constant 32 : i32
      %div3A_230 = arith.divsi %add3A_228, %jit3A_229 : i32
      %sign3A_231 = arith.constant 0 : i32
      %sign3A_232 = arith.cmpi sgt, %add3A_228, %sign3A_231 : i32
      %sign3A_233 = arith.extui %sign3A_232 : i1 to i32
      %sign3A_234 = arith.constant 0 : i32
      %sign3A_235 = arith.cmpi slt, %add3A_228, %sign3A_234 : i32
      %sign3A_236 = arith.extui %sign3A_235 : i1 to i32
      %sign3A_237 = arith.subi %sign3A_233, %sign3A_236 : i32
      %sign3A_238 = arith.constant 0 : i32
      %sign3A_239 = arith.cmpi sgt, %jit3A_229, %sign3A_238 : i32
      %sign3A_240 = arith.extui %sign3A_239 : i1 to i32
      %sign3A_241 = arith.constant 0 : i32
      %sign3A_242 = arith.cmpi slt, %jit3A_229, %sign3A_241 : i32
      %sign3A_243 = arith.extui %sign3A_242 : i1 to i32
      %sign3A_244 = arith.subi %sign3A_240, %sign3A_243 : i32
      %ne3A_245 = arith.cmpi ne, %sign3A_237, %sign3A_244 : i32
      %rem3A_246 = arith.remsi %add3A_228, %jit3A_229 : i32
      %ne3A_247 = arith.constant 0 : i32
      %ne3A_248 = arith.cmpi ne, %rem3A_246, %ne3A_247 : i32
      %and3A_249 = arith.andi %ne3A_245, %ne3A_248 : i1
      %sub3A_250 = arith.constant 1 : i32
      %sub3A_251 = arith.subi %div3A_230, %sub3A_250 : i32
      %select_n3A_252 = arith.select %and3A_249, %sub3A_251, %div3A_230 : i32
      %jit3A_253 = arith.constant 32 : i32
      %eq3A_254 = arith.constant 0 : i32
      %eq3A_255 = arith.cmpi eq, %jit3A_253, %eq3A_254 : i32
      %jit3A_256 = arith.constant 1 : i32
      %select_n3A_257 = arith.select %eq3A_255, %jit3A_256, %jit3A_253 : i32
      %rem3A_258 = arith.remsi %add3A_228, %select_n3A_257 : i32
      %ne3A_259 = arith.constant 0 : i32
      %ne3A_260 = arith.cmpi ne, %rem3A_258, %ne3A_259 : i32
      %lt3A_261 = arith.constant 0 : i32
      %lt3A_262 = arith.cmpi slt, %rem3A_258, %lt3A_261 : i32
      %lt3A_263 = arith.constant 0 : i32
      %lt3A_264 = arith.cmpi slt, %select_n3A_257, %lt3A_263 : i32
      %ne3A_265 = arith.xori %lt3A_262, %lt3A_264 : i1
      %and3A_266 = arith.andi %ne3A_265, %ne3A_260 : i1
      %add3A_267 = arith.addi %rem3A_258, %select_n3A_257 : i32
      %select_n3A_268 = arith.select %and3A_266, %add3A_267, %rem3A_258 : i32
      %dma_start3A_269 = arith.constant 0 : i32
      %dma_start3A_270 = arith.constant 0 : i32
      %dma_start3A_271 = arith.constant 0 : i32
      %dma_start3A_272 = tpu.memref_slice %arg14[%dma_start3A_269, %dma_start3A_270, %dma_start3A_271] : memref<8x8x129xf32, #tpu.memory_space<vmem>> -> memref<8x8x128xf32, #tpu.memory_space<vmem>>
      %dma_start3A_273 = arith.constant 0 : i32
      %dma_start3A_274 = arith.constant 0 : i32
      %dma_start3A_275 = arith.constant 0 : i32
      %dma_start3A_276 = tpu.memref_slice %arg6[%select_n3A_252, %dma_start3A_273, %select_n3A_268, %dma_start3A_274, %dma_start3A_275] : memref<200x8x32x8x128xf32, #tpu.memory_space<hbm>> -> memref<1x8x1x8x128xf32, #tpu.memory_space<hbm>>
      %dma_start3A_277 = tpu.memref_squeeze %dma_start3A_276 : memref<1x8x1x8x128xf32, #tpu.memory_space<hbm>> -> memref<8x8x128xf32, #tpu.memory_space<hbm>>
      %dma_start3A_278 = arith.constant 0 : i32
      %dma_start3A_279 = arith.constant 0 : i32
      %dma_start3A_280 = arith.constant 0 : i32
      %dma_start3A_281 = tpu.memref_slice %arg6[%select_n3A_252, %dma_start3A_278, %select_n3A_268, %dma_start3A_279, %dma_start3A_280] : memref<200x8x32x8x128xf32, #tpu.memory_space<hbm>> -> memref<1x8x1x8x128xf32, #tpu.memory_space<hbm>>
      %dma_start3A_282 = tpu.memref_squeeze %dma_start3A_281 : memref<1x8x1x8x128xf32, #tpu.memory_space<hbm>> -> memref<8x8x128xf32, #tpu.memory_space<hbm>>
      %dma_start3A_283 = arith.constant 0 : i32
      %dma_start3A_284 = arith.constant 0 : i32
      %dma_start3A_285 = arith.constant 0 : i32
      %dma_start3A_286 = tpu.memref_slice %arg14[%dma_start3A_283, %dma_start3A_284, %dma_start3A_285] : memref<8x8x129xf32, #tpu.memory_space<vmem>> -> memref<8x8x128xf32, #tpu.memory_space<vmem>>
      tpu.enqueue_dma source(%dma_start3A_286 : memref<8x8x128xf32, #tpu.memory_space<vmem>>) target(%dma_start3A_282 : memref<8x8x128xf32, #tpu.memory_space<hbm>>) target_semaphore(%arg22 : memref<!tpu.dma_semaphore, #tpu.memory_space<semaphore_mem>>)
      %mul3A_287 = arith.constant 4 : i32
      %mul3A_288 = arith.muli %scan3A_211, %mul3A_287 : i32
      %add3A_289 = arith.constant 1 : i32
      %add3A_290 = arith.addi %mul3A_288, %add3A_289 : i32
      %mul3A_291 = arith.constant 128 : i32
      %mul3A_292 = arith.muli %add3A_290, %mul3A_291 : i32
      %multiple_of3A_293 = tpu.assume_multiple %mul3A_292, 8 : i32
      %dma_wait3A_294 = tpu.memref_slice %arg8[%multiple_of3A_293] : memref<25600xi32, #tpu.memory_space<vmem>> -> memref<128xi32, #tpu.memory_space<vmem>>
      %dma_wait3A_295 = arith.constant 0 : i32
      %dma_wait3A_296 = arith.constant 0 : i32
      %dma_wait3A_297 = tpu.memref_slice %arg4[%dma_wait3A_295, %dma_wait3A_296] : memref<1000000x64xf32, #tpu.memory_space<hbm>> -> memref<1000000x64xf32, #tpu.memory_space<hbm>>
      tpu.wait_indirect_dma semaphore(%arg19 : memref<!tpu.dma_semaphore, #tpu.memory_space<semaphore_mem>>) src(%dma_wait3A_297 : memref<1000000x64xf32, #tpu.memory_space<hbm>>) dst(%arg11 : memref<128x64xf32, #tpu.memory_space<vmem>>)
      %scan3A_298 = arith.constant 0 : i32
      %scan3A_299 = arith.constant 0 : i32
      %scan3A_300 = arith.constant 16 : i32
      %scan3A_301 = arith.addi %scan3A_299, %scan3A_300 : i32
      %scan3A_302 = arith.constant 1 : i32
      scf.for %scan3A_785 = %scan3A_299 to %scan3A_301 step %scan3A_302  : i32 {
        %mul3A_786 = arith.constant 8 : i32
        %mul3A_787 = arith.muli %scan3A_785, %mul3A_786 : i32
        %add3A_788 = arith.constant 0 : i32
        %add3A_789 = arith.addi %mul3A_787, %add3A_788 : i32
        %broadcast_in_dim3A = vector.broadcast %add3A_789 : i32 to vector<16xi32>
        %add3A_790 = arith.constant 0 : i32
        %add3A_791 = arith.addi %mul3A_787, %add3A_790 : i32
        %get3A = arith.index_cast %add3A_791 : i32 to index
        %get3A_792 = arith.constant 0 : index
        %get3A_793 = tpu.vector_load %arg11[%get3A, %get3A_792] {strides = array<i32>} : memref<128x64xf32, #tpu.memory_space<vmem>>, vector<16xf32>,
        %add3A_794 = arith.constant 0 : i32
        %add3A_795 = arith.addi %mul3A_787, %add3A_794 : i32
        %get3A_796 = arith.index_cast %add3A_795 : i32 to index
        %get3A_797 = arith.constant 16 : index
        %get3A_798 = tpu.vector_load %arg11[%get3A_796, %get3A_797] {strides = array<i32>} : memref<128x64xf32, #tpu.memory_space<vmem>>, vector<16xf32>,
        %add3A_799 = arith.constant 0 : i32
        %add3A_800 = arith.addi %mul3A_787, %add3A_799 : i32
        %get3A_801 = arith.index_cast %add3A_800 : i32 to index
        %get3A_802 = arith.constant 32 : index
        %get3A_803 = tpu.vector_load %arg11[%get3A_801, %get3A_802] {strides = array<i32>} : memref<128x64xf32, #tpu.memory_space<vmem>>, vector<16xf32>,
        %add3A_804 = arith.constant 0 : i32
        %add3A_805 = arith.addi %mul3A_787, %add3A_804 : i32
        %get3A_806 = arith.index_cast %add3A_805 : i32 to index
        %get3A_807 = arith.constant 48 : index
        %get3A_808 = tpu.vector_load %arg11[%get3A_806, %get3A_807] {strides = array<i32>} : memref<128x64xf32, #tpu.memory_space<vmem>>, vector<16xf32>,
        tpu.vector_store_idx %arg15[%select_n3A, %select_n3A_152, %broadcast_in_dim3A], %get3A_793 : memref<8x8x129xf32, #tpu.memory_space<vmem>>[vector<16xi32>, vector<16xi32>, vector<16xi32>], vector<16xf32>,
        tpu.vector_store_idx %arg15[%select_n3A_64, %select_n3A_152, %broadcast_in_dim3A], %get3A_798 : memref<8x8x129xf32, #tpu.memory_space<vmem>>[vector<16xi32>, vector<16xi32>, vector<16xi32>], vector<16xf32>,
        tpu.vector_store_idx %arg15[%select_n3A_98, %select_n3A_152, %broadcast_in_dim3A], %get3A_803 : memref<8x8x129xf32, #tpu.memory_space<vmem>>[vector<16xi32>, vector<16xi32>, vector<16xi32>], vector<16xf32>,
        tpu.vector_store_idx %arg15[%select_n3A_132, %select_n3A_152, %broadcast_in_dim3A], %get3A_808 : memref<8x8x129xf32, #tpu.memory_space<vmem>>[vector<16xi32>, vector<16xi32>, vector<16xi32>], vector<16xf32>,
        %add3A_809 = arith.constant 1 : i32
        %add3A_810 = arith.addi %mul3A_787, %add3A_809 : i32
        %broadcast_in_dim3A_811 = vector.broadcast %add3A_810 : i32 to vector<16xi32>
        %add3A_812 = arith.constant 1 : i32
        %add3A_813 = arith.addi %mul3A_787, %add3A_812 : i32
        %get3A_814 = arith.index_cast %add3A_813 : i32 to index
        %get3A_815 = arith.constant 0 : index
        %get3A_816 = tpu.vector_load %arg11[%get3A_814, %get3A_815] {strides = array<i32>} : memref<128x64xf32, #tpu.memory_space<vmem>>, vector<16xf32>,
        %add3A_817 = arith.constant 1 : i32
        %add3A_818 = arith.addi %mul3A_787, %add3A_817 : i32
        %get3A_819 = arith.index_cast %add3A_818 : i32 to index
        %get3A_820 = arith.constant 16 : index
        %get3A_821 = tpu.vector_load %arg11[%get3A_819, %get3A_820] {strides = array<i32>} : memref<128x64xf32, #tpu.memory_space<vmem>>, vector<16xf32>,
        %add3A_822 = arith.constant 1 : i32
        %add3A_823 = arith.addi %mul3A_787, %add3A_822 : i32
        %get3A_824 = arith.index_cast %add3A_823 : i32 to index
        %get3A_825 = arith.constant 32 : index
        %get3A_826 = tpu.vector_load %arg11[%get3A_824, %get3A_825] {strides = array<i32>} : memref<128x64xf32, #tpu.memory_space<vmem>>, vector<16xf32>,
        %add3A_827 = arith.constant 1 : i32
        %add3A_828 = arith.addi %mul3A_787, %add3A_827 : i32
        %get3A_829 = arith.index_cast %add3A_828 : i32 to index
        %get3A_830 = arith.constant 48 : index
        %get3A_831 = tpu.vector_load %arg11[%get3A_829, %get3A_830] {strides = array<i32>} : memref<128x64xf32, #tpu.memory_space<vmem>>, vector<16xf32>,
        tpu.vector_store_idx %arg15[%select_n3A, %select_n3A_152, %broadcast_in_dim3A_811], %get3A_816 : memref<8x8x129xf32, #tpu.memory_space<vmem>>[vector<16xi32>, vector<16xi32>, vector<16xi32>], vector<16xf32>,
        tpu.vector_store_idx %arg15[%select_n3A_64, %select_n3A_152, %broadcast_in_dim3A_811], %get3A_821 : memref<8x8x129xf32, #tpu.memory_space<vmem>>[vector<16xi32>, vector<16xi32>, vector<16xi32>], vector<16xf32>,
        tpu.vector_store_idx %arg15[%select_n3A_98, %select_n3A_152, %broadcast_in_dim3A_811], %get3A_826 : memref<8x8x129xf32, #tpu.memory_space<vmem>>[vector<16xi32>, vector<16xi32>, vector<16xi32>], vector<16xf32>,
        tpu.vector_store_idx %arg15[%select_n3A_132, %select_n3A_152, %broadcast_in_dim3A_811], %get3A_831 : memref<8x8x129xf32, #tpu.memory_space<vmem>>[vector<16xi32>, vector<16xi32>, vector<16xi32>], vector<16xf32>,
        %add3A_832 = arith.constant 2 : i32
        %add3A_833 = arith.addi %mul3A_787, %add3A_832 : i32
        %broadcast_in_dim3A_834 = vector.broadcast %add3A_833 : i32 to vector<16xi32>
        %add3A_835 = arith.constant 2 : i32
        %add3A_836 = arith.addi %mul3A_787, %add3A_835 : i32
        %get3A_837 = arith.index_cast %add3A_836 : i32 to index
        %get3A_838 = arith.constant 0 : index
        %get3A_839 = tpu.vector_load %arg11[%get3A_837, %get3A_838] {strides = array<i32>} : memref<128x64xf32, #tpu.memory_space<vmem>>, vector<16xf32>,
        %add3A_840 = arith.constant 2 : i32
        %add3A_841 = arith.addi %mul3A_787, %add3A_840 : i32
        %get3A_842 = arith.index_cast %add3A_841 : i32 to index
        %get3A_843 = arith.constant 16 : index
        %get3A_844 = tpu.vector_load %arg11[%get3A_842, %get3A_843] {strides = array<i32>} : memref<128x64xf32, #tpu.memory_space<vmem>>, vector<16xf32>,
        %add3A_845 = arith.constant 2 : i32
        %add3A_846 = arith.addi %mul3A_787, %add3A_845 : i32
        %get3A_847 = arith.index_cast %add3A_846 : i32 to index
        %get3A_848 = arith.constant 32 : index
        %get3A_849 = tpu.vector_load %arg11[%get3A_847, %get3A_848] {strides = array<i32>} : memref<128x64xf32, #tpu.memory_space<vmem>>, vector<16xf32>,
        %add3A_850 = arith.constant 2 : i32
        %add3A_851 = arith.addi %mul3A_787, %add3A_850 : i32
        %get3A_852 = arith.index_cast %add3A_851 : i32 to index
        %get3A_853 = arith.constant 48 : index
        %get3A_854 = tpu.vector_load %arg11[%get3A_852, %get3A_853] {strides = array<i32>} : memref<128x64xf32, #tpu.memory_space<vmem>>, vector<16xf32>,
        tpu.vector_store_idx %arg15[%select_n3A, %select_n3A_152, %broadcast_in_dim3A_834], %get3A_839 : memref<8x8x129xf32, #tpu.memory_space<vmem>>[vector<16xi32>, vector<16xi32>, vector<16xi32>], vector<16xf32>,
        tpu.vector_store_idx %arg15[%select_n3A_64, %select_n3A_152, %broadcast_in_dim3A_834], %get3A_844 : memref<8x8x129xf32, #tpu.memory_space<vmem>>[vector<16xi32>, vector<16xi32>, vector<16xi32>], vector<16xf32>,
        tpu.vector_store_idx %arg15[%select_n3A_98, %select_n3A_152, %broadcast_in_dim3A_834], %get3A_849 : memref<8x8x129xf32, #tpu.memory_space<vmem>>[vector<16xi32>, vector<16xi32>, vector<16xi32>], vector<16xf32>,
        tpu.vector_store_idx %arg15[%select_n3A_132, %select_n3A_152, %broadcast_in_dim3A_834], %get3A_854 : memref<8x8x129xf32, #tpu.memory_space<vmem>>[vector<16xi32>, vector<16xi32>, vector<16xi32>], vector<16xf32>,
        %add3A_855 = arith.constant 3 : i32
        %add3A_856 = arith.addi %mul3A_787, %add3A_855 : i32
        %broadcast_in_dim3A_857 = vector.broadcast %add3A_856 : i32 to vector<16xi32>
        %add3A_858 = arith.constant 3 : i32
        %add3A_859 = arith.addi %mul3A_787, %add3A_858 : i32
        %get3A_860 = arith.index_cast %add3A_859 : i32 to index
        %get3A_861 = arith.constant 0 : index
        %get3A_862 = tpu.vector_load %arg11[%get3A_860, %get3A_861] {strides = array<i32>} : memref<128x64xf32, #tpu.memory_space<vmem>>, vector<16xf32>,
        %add3A_863 = arith.constant 3 : i32
        %add3A_864 = arith.addi %mul3A_787, %add3A_863 : i32
        %get3A_865 = arith.index_cast %add3A_864 : i32 to index
        %get3A_866 = arith.constant 16 : index
        %get3A_867 = tpu.vector_load %arg11[%get3A_865, %get3A_866] {strides = array<i32>} : memref<128x64xf32, #tpu.memory_space<vmem>>, vector<16xf32>,
        %add3A_868 = arith.constant 3 : i32
        %add3A_869 = arith.addi %mul3A_787, %add3A_868 : i32
        %get3A_870 = arith.index_cast %add3A_869 : i32 to index
        %get3A_871 = arith.constant 32 : index
        %get3A_872 = tpu.vector_load %arg11[%get3A_870, %get3A_871] {strides = array<i32>} : memref<128x64xf32, #tpu.memory_space<vmem>>, vector<16xf32>,
        %add3A_873 = arith.constant 3 : i32
        %add3A_874 = arith.addi %mul3A_787, %add3A_873 : i32
        %get3A_875 = arith.index_cast %add3A_874 : i32 to index
        %get3A_876 = arith.constant 48 : index
        %get3A_877 = tpu.vector_load %arg11[%get3A_875, %get3A_876] {strides = array<i32>} : memref<128x64xf32, #tpu.memory_space<vmem>>, vector<16xf32>,
        tpu.vector_store_idx %arg15[%select_n3A, %select_n3A_152, %broadcast_in_dim3A_857], %get3A_862 : memref<8x8x129xf32, #tpu.memory_space<vmem>>[vector<16xi32>, vector<16xi32>, vector<16xi32>], vector<16xf32>,
        tpu.vector_store_idx %arg15[%select_n3A_64, %select_n3A_152, %broadcast_in_dim3A_857], %get3A_867 : memref<8x8x129xf32, #tpu.memory_space<vmem>>[vector<16xi32>, vector<16xi32>, vector<16xi32>], vector<16xf32>,
        tpu.vector_store_idx %arg15[%select_n3A_98, %select_n3A_152, %broadcast_in_dim3A_857], %get3A_872 : memref<8x8x129xf32, #tpu.memory_space<vmem>>[vector<16xi32>, vector<16xi32>, vector<16xi32>], vector<16xf32>,
        tpu.vector_store_idx %arg15[%select_n3A_132, %select_n3A_152, %broadcast_in_dim3A_857], %get3A_877 : memref<8x8x129xf32, #tpu.memory_space<vmem>>[vector<16xi32>, vector<16xi32>, vector<16xi32>], vector<16xf32>,
        %add3A_878 = arith.constant 4 : i32
        %add3A_879 = arith.addi %mul3A_787, %add3A_878 : i32
        %broadcast_in_dim3A_880 = vector.broadcast %add3A_879 : i32 to vector<16xi32>
        %add3A_881 = arith.constant 4 : i32
        %add3A_882 = arith.addi %mul3A_787, %add3A_881 : i32
        %get3A_883 = arith.index_cast %add3A_882 : i32 to index
        %get3A_884 = arith.constant 0 : index
        %get3A_885 = tpu.vector_load %arg11[%get3A_883, %get3A_884] {strides = array<i32>} : memref<128x64xf32, #tpu.memory_space<vmem>>, vector<16xf32>,
        %add3A_886 = arith.constant 4 : i32
        %add3A_887 = arith.addi %mul3A_787, %add3A_886 : i32
        %get3A_888 = arith.index_cast %add3A_887 : i32 to index
        %get3A_889 = arith.constant 16 : index
        %get3A_890 = tpu.vector_load %arg11[%get3A_888, %get3A_889] {strides = array<i32>} : memref<128x64xf32, #tpu.memory_space<vmem>>, vector<16xf32>,
        %add3A_891 = arith.constant 4 : i32
        %add3A_892 = arith.addi %mul3A_787, %add3A_891 : i32
        %get3A_893 = arith.index_cast %add3A_892 : i32 to index
        %get3A_894 = arith.constant 32 : index
        %get3A_895 = tpu.vector_load %arg11[%get3A_893, %get3A_894] {strides = array<i32>} : memref<128x64xf32, #tpu.memory_space<vmem>>, vector<16xf32>,
        %add3A_896 = arith.constant 4 : i32
        %add3A_897 = arith.addi %mul3A_787, %add3A_896 : i32
        %get3A_898 = arith.index_cast %add3A_897 : i32 to index
        %get3A_899 = arith.constant 48 : index
        %get3A_900 = tpu.vector_load %arg11[%get3A_898, %get3A_899] {strides = array<i32>} : memref<128x64xf32, #tpu.memory_space<vmem>>, vector<16xf32>,
        tpu.vector_store_idx %arg15[%select_n3A, %select_n3A_152, %broadcast_in_dim3A_880], %get3A_885 : memref<8x8x129xf32, #tpu.memory_space<vmem>>[vector<16xi32>, vector<16xi32>, vector<16xi32>], vector<16xf32>,
        tpu.vector_store_idx %arg15[%select_n3A_64, %select_n3A_152, %broadcast_in_dim3A_880], %get3A_890 : memref<8x8x129xf32, #tpu.memory_space<vmem>>[vector<16xi32>, vector<16xi32>, vector<16xi32>], vector<16xf32>,
        tpu.vector_store_idx %arg15[%select_n3A_98, %select_n3A_152, %broadcast_in_dim3A_880], %get3A_895 : memref<8x8x129xf32, #tpu.memory_space<vmem>>[vector<16xi32>, vector<16xi32>, vector<16xi32>], vector<16xf32>,
        tpu.vector_store_idx %arg15[%select_n3A_132, %select_n3A_152, %broadcast_in_dim3A_880], %get3A_900 : memref<8x8x129xf32, #tpu.memory_space<vmem>>[vector<16xi32>, vector<16xi32>, vector<16xi32>], vector<16xf32>,
        %add3A_901 = arith.constant 5 : i32
        %add3A_902 = arith.addi %mul3A_787, %add3A_901 : i32
        %broadcast_in_dim3A_903 = vector.broadcast %add3A_902 : i32 to vector<16xi32>
        %add3A_904 = arith.constant 5 : i32
        %add3A_905 = arith.addi %mul3A_787, %add3A_904 : i32
        %get3A_906 = arith.index_cast %add3A_905 : i32 to index
        %get3A_907 = arith.constant 0 : index
        %get3A_908 = tpu.vector_load %arg11[%get3A_906, %get3A_907] {strides = array<i32>} : memref<128x64xf32, #tpu.memory_space<vmem>>, vector<16xf32>,
        %add3A_909 = arith.constant 5 : i32
        %add3A_910 = arith.addi %mul3A_787, %add3A_909 : i32
        %get3A_911 = arith.index_cast %add3A_910 : i32 to index
        %get3A_912 = arith.constant 16 : index
        %get3A_913 = tpu.vector_load %arg11[%get3A_911, %get3A_912] {strides = array<i32>} : memref<128x64xf32, #tpu.memory_space<vmem>>, vector<16xf32>,
        %add3A_914 = arith.constant 5 : i32
        %add3A_915 = arith.addi %mul3A_787, %add3A_914 : i32
        %get3A_916 = arith.index_cast %add3A_915 : i32 to index
        %get3A_917 = arith.constant 32 : index
        %get3A_918 = tpu.vector_load %arg11[%get3A_916, %get3A_917] {strides = array<i32>} : memref<128x64xf32, #tpu.memory_space<vmem>>, vector<16xf32>,
        %add3A_919 = arith.constant 5 : i32
        %add3A_920 = arith.addi %mul3A_787, %add3A_919 : i32
        %get3A_921 = arith.index_cast %add3A_920 : i32 to index
        %get3A_922 = arith.constant 48 : index
        %get3A_923 = tpu.vector_load %arg11[%get3A_921, %get3A_922] {strides = array<i32>} : memref<128x64xf32, #tpu.memory_space<vmem>>, vector<16xf32>,
        tpu.vector_store_idx %arg15[%select_n3A, %select_n3A_152, %broadcast_in_dim3A_903], %get3A_908 : memref<8x8x129xf32, #tpu.memory_space<vmem>>[vector<16xi32>, vector<16xi32>, vector<16xi32>], vector<16xf32>,
        tpu.vector_store_idx %arg15[%select_n3A_64, %select_n3A_152, %broadcast_in_dim3A_903], %get3A_913 : memref<8x8x129xf32, #tpu.memory_space<vmem>>[vector<16xi32>, vector<16xi32>, vector<16xi32>], vector<16xf32>,
        tpu.vector_store_idx %arg15[%select_n3A_98, %select_n3A_152, %broadcast_in_dim3A_903], %get3A_918 : memref<8x8x129xf32, #tpu.memory_space<vmem>>[vector<16xi32>, vector<16xi32>, vector<16xi32>], vector<16xf32>,
        tpu.vector_store_idx %arg15[%select_n3A_132, %select_n3A_152, %broadcast_in_dim3A_903], %get3A_923 : memref<8x8x129xf32, #tpu.memory_space<vmem>>[vector<16xi32>, vector<16xi32>, vector<16xi32>], vector<16xf32>,
        %add3A_924 = arith.constant 6 : i32
        %add3A_925 = arith.addi %mul3A_787, %add3A_924 : i32
        %broadcast_in_dim3A_926 = vector.broadcast %add3A_925 : i32 to vector<16xi32>
        %add3A_927 = arith.constant 6 : i32
        %add3A_928 = arith.addi %mul3A_787, %add3A_927 : i32
        %get3A_929 = arith.index_cast %add3A_928 : i32 to index
        %get3A_930 = arith.constant 0 : index
        %get3A_931 = tpu.vector_load %arg11[%get3A_929, %get3A_930] {strides = array<i32>} : memref<128x64xf32, #tpu.memory_space<vmem>>, vector<16xf32>,
        %add3A_932 = arith.constant 6 : i32
        %add3A_933 = arith.addi %mul3A_787, %add3A_932 : i32
        %get3A_934 = arith.index_cast %add3A_933 : i32 to index
        %get3A_935 = arith.constant 16 : index
        %get3A_936 = tpu.vector_load %arg11[%get3A_934, %get3A_935] {strides = array<i32>} : memref<128x64xf32, #tpu.memory_space<vmem>>, vector<16xf32>,
        %add3A_937 = arith.constant 6 : i32
        %add3A_938 = arith.addi %mul3A_787, %add3A_937 : i32
        %get3A_939 = arith.index_cast %add3A_938 : i32 to index
        %get3A_940 = arith.constant 32 : index
        %get3A_941 = tpu.vector_load %arg11[%get3A_939, %get3A_940] {strides = array<i32>} : memref<128x64xf32, #tpu.memory_space<vmem>>, vector<16xf32>,
        %add3A_942 = arith.constant 6 : i32
        %add3A_943 = arith.addi %mul3A_787, %add3A_942 : i32
        %get3A_944 = arith.index_cast %add3A_943 : i32 to index
        %get3A_945 = arith.constant 48 : index
        %get3A_946 = tpu.vector_load %arg11[%get3A_944, %get3A_945] {strides = array<i32>} : memref<128x64xf32, #tpu.memory_space<vmem>>, vector<16xf32>,
        tpu.vector_store_idx %arg15[%select_n3A, %select_n3A_152, %broadcast_in_dim3A_926], %get3A_931 : memref<8x8x129xf32, #tpu.memory_space<vmem>>[vector<16xi32>, vector<16xi32>, vector<16xi32>], vector<16xf32>,
        tpu.vector_store_idx %arg15[%select_n3A_64, %select_n3A_152, %broadcast_in_dim3A_926], %get3A_936 : memref<8x8x129xf32, #tpu.memory_space<vmem>>[vector<16xi32>, vector<16xi32>, vector<16xi32>], vector<16xf32>,
        tpu.vector_store_idx %arg15[%select_n3A_98, %select_n3A_152, %broadcast_in_dim3A_926], %get3A_941 : memref<8x8x129xf32, #tpu.memory_space<vmem>>[vector<16xi32>, vector<16xi32>, vector<16xi32>], vector<16xf32>,
        tpu.vector_store_idx %arg15[%select_n3A_132, %select_n3A_152, %broadcast_in_dim3A_926], %get3A_946 : memref<8x8x129xf32, #tpu.memory_space<vmem>>[vector<16xi32>, vector<16xi32>, vector<16xi32>], vector<16xf32>,
        %add3A_947 = arith.constant 7 : i32
        %add3A_948 = arith.addi %mul3A_787, %add3A_947 : i32
        %broadcast_in_dim3A_949 = vector.broadcast %add3A_948 : i32 to vector<16xi32>
        %add3A_950 = arith.constant 7 : i32
        %add3A_951 = arith.addi %mul3A_787, %add3A_950 : i32
        %get3A_952 = arith.index_cast %add3A_951 : i32 to index
        %get3A_953 = arith.constant 0 : index
        %get3A_954 = tpu.vector_load %arg11[%get3A_952, %get3A_953] {strides = array<i32>} : memref<128x64xf32, #tpu.memory_space<vmem>>, vector<16xf32>,
        %add3A_955 = arith.constant 7 : i32
        %add3A_956 = arith.addi %mul3A_787, %add3A_955 : i32
        %get3A_957 = arith.index_cast %add3A_956 : i32 to index
        %get3A_958 = arith.constant 16 : index
        %get3A_959 = tpu.vector_load %arg11[%get3A_957, %get3A_958] {strides = array<i32>} : memref<128x64xf32, #tpu.memory_space<vmem>>, vector<16xf32>,
        %add3A_960 = arith.constant 7 : i32
        %add3A_961 = arith.addi %mul3A_787, %add3A_960 : i32
        %get3A_962 = arith.index_cast %add3A_961 : i32 to index
        %get3A_963 = arith.constant 32 : index
        %get3A_964 = tpu.vector_load %arg11[%get3A_962, %get3A_963] {strides = array<i32>} : memref<128x64xf32, #tpu.memory_space<vmem>>, vector<16xf32>,
        %add3A_965 = arith.constant 7 : i32
        %add3A_966 = arith.addi %mul3A_787, %add3A_965 : i32
        %get3A_967 = arith.index_cast %add3A_966 : i32 to index
        %get3A_968 = arith.constant 48 : index
        %get3A_969 = tpu.vector_load %arg11[%get3A_967, %get3A_968] {strides = array<i32>} : memref<128x64xf32, #tpu.memory_space<vmem>>, vector<16xf32>,
        tpu.vector_store_idx %arg15[%select_n3A, %select_n3A_152, %broadcast_in_dim3A_949], %get3A_954 : memref<8x8x129xf32, #tpu.memory_space<vmem>>[vector<16xi32>, vector<16xi32>, vector<16xi32>], vector<16xf32>,
        tpu.vector_store_idx %arg15[%select_n3A_64, %select_n3A_152, %broadcast_in_dim3A_949], %get3A_959 : memref<8x8x129xf32, #tpu.memory_space<vmem>>[vector<16xi32>, vector<16xi32>, vector<16xi32>], vector<16xf32>,
        tpu.vector_store_idx %arg15[%select_n3A_98, %select_n3A_152, %broadcast_in_dim3A_949], %get3A_964 : memref<8x8x129xf32, #tpu.memory_space<vmem>>[vector<16xi32>, vector<16xi32>, vector<16xi32>], vector<16xf32>,
        tpu.vector_store_idx %arg15[%select_n3A_132, %select_n3A_152, %broadcast_in_dim3A_949], %get3A_969 : memref<8x8x129xf32, #tpu.memory_space<vmem>>[vector<16xi32>, vector<16xi32>, vector<16xi32>], vector<16xf32>,
      }
      %scan3A_303 = arith.constant 16 : i32
      %add3A_304 = arith.addi %mul3A_4, %add3A_290 : i32
      %jit3A_305 = arith.constant 32 : i32
      %div3A_306 = arith.divsi %add3A_304, %jit3A_305 : i32
      %sign3A_307 = arith.constant 0 : i32
      %sign3A_308 = arith.cmpi sgt, %add3A_304, %sign3A_307 : i32
      %sign3A_309 = arith.extui %sign3A_308 : i1 to i32
      %sign3A_310 = arith.constant 0 : i32
      %sign3A_311 = arith.cmpi slt, %add3A_304, %sign3A_310 : i32
      %sign3A_312 = arith.extui %sign3A_311 : i1 to i32
      %sign3A_313 = arith.subi %sign3A_309, %sign3A_312 : i32
      %sign3A_314 = arith.constant 0 : i32
      %sign3A_315 = arith.cmpi sgt, %jit3A_305, %sign3A_314 : i32
      %sign3A_316 = arith.extui %sign3A_315 : i1 to i32
      %sign3A_317 = arith.constant 0 : i32
      %sign3A_318 = arith.cmpi slt, %jit3A_305, %sign3A_317 : i32
      %sign3A_319 = arith.extui %sign3A_318 : i1 to i32
      %sign3A_320 = arith.subi %sign3A_316, %sign3A_319 : i32
      %ne3A_321 = arith.cmpi ne, %sign3A_313, %sign3A_320 : i32
      %rem3A_322 = arith.remsi %add3A_304, %jit3A_305 : i32
      %ne3A_323 = arith.constant 0 : i32
      %ne3A_324 = arith.cmpi ne, %rem3A_322, %ne3A_323 : i32
      %and3A_325 = arith.andi %ne3A_321, %ne3A_324 : i1
      %sub3A_326 = arith.constant 1 : i32
      %sub3A_327 = arith.subi %div3A_306, %sub3A_326 : i32
      %select_n3A_328 = arith.select %and3A_325, %sub3A_327, %div3A_306 : i32
      %jit3A_329 = arith.constant 32 : i32
      %eq3A_330 = arith.constant 0 : i32
      %eq3A_331 = arith.cmpi eq, %jit3A_329, %eq3A_330 : i32
      %jit3A_332 = arith.constant 1 : i32
      %select_n3A_333 = arith.select %eq3A_331, %jit3A_332, %jit3A_329 : i32
      %rem3A_334 = arith.remsi %add3A_304, %select_n3A_333 : i32
      %ne3A_335 = arith.constant 0 : i32
      %ne3A_336 = arith.cmpi ne, %rem3A_334, %ne3A_335 : i32
      %lt3A_337 = arith.constant 0 : i32
      %lt3A_338 = arith.cmpi slt, %rem3A_334, %lt3A_337 : i32
      %lt3A_339 = arith.constant 0 : i32
      %lt3A_340 = arith.cmpi slt, %select_n3A_333, %lt3A_339 : i32
      %ne3A_341 = arith.xori %lt3A_338, %lt3A_340 : i1
      %and3A_342 = arith.andi %ne3A_341, %ne3A_336 : i1
      %add3A_343 = arith.addi %rem3A_334, %select_n3A_333 : i32
      %select_n3A_344 = arith.select %and3A_342, %add3A_343, %rem3A_334 : i32
      %dma_start3A_345 = arith.constant 0 : i32
      %dma_start3A_346 = arith.constant 0 : i32
      %dma_start3A_347 = arith.constant 0 : i32
      %dma_start3A_348 = tpu.memref_slice %arg15[%dma_start3A_345, %dma_start3A_346, %dma_start3A_347] : memref<8x8x129xf32, #tpu.memory_space<vmem>> -> memref<8x8x128xf32, #tpu.memory_space<vmem>>
      %dma_start3A_349 = arith.constant 0 : i32
      %dma_start3A_350 = arith.constant 0 : i32
      %dma_start3A_351 = arith.constant 0 : i32
      %dma_start3A_352 = tpu.memref_slice %arg6[%select_n3A_328, %dma_start3A_349, %select_n3A_344, %dma_start3A_350, %dma_start3A_351] : memref<200x8x32x8x128xf32, #tpu.memory_space<hbm>> -> memref<1x8x1x8x128xf32, #tpu.memory_space<hbm>>
      %dma_start3A_353 = tpu.memref_squeeze %dma_start3A_352 : memref<1x8x1x8x128xf32, #tpu.memory_space<hbm>> -> memref<8x8x128xf32, #tpu.memory_space<hbm>>
      %dma_start3A_354 = arith.constant 0 : i32
      %dma_start3A_355 = arith.constant 0 : i32
      %dma_start3A_356 = arith.constant 0 : i32
      %dma_start3A_357 = tpu.memref_slice %arg6[%select_n3A_328, %dma_start3A_354, %select_n3A_344, %dma_start3A_355, %dma_start3A_356] : memref<200x8x32x8x128xf32, #tpu.memory_space<hbm>> -> memref<1x8x1x8x128xf32, #tpu.memory_space<hbm>>
      %dma_start3A_358 = tpu.memref_squeeze %dma_start3A_357 : memref<1x8x1x8x128xf32, #tpu.memory_space<hbm>> -> memref<8x8x128xf32, #tpu.memory_space<hbm>>
      %dma_start3A_359 = arith.constant 0 : i32
      %dma_start3A_360 = arith.constant 0 : i32
      %dma_start3A_361 = arith.constant 0 : i32
      %dma_start3A_362 = tpu.memref_slice %arg15[%dma_start3A_359, %dma_start3A_360, %dma_start3A_361] : memref<8x8x129xf32, #tpu.memory_space<vmem>> -> memref<8x8x128xf32, #tpu.memory_space<vmem>>
      tpu.enqueue_dma source(%dma_start3A_362 : memref<8x8x128xf32, #tpu.memory_space<vmem>>) target(%dma_start3A_358 : memref<8x8x128xf32, #tpu.memory_space<hbm>>) target_semaphore(%arg23 : memref<!tpu.dma_semaphore, #tpu.memory_space<semaphore_mem>>)
      %mul3A_363 = arith.constant 4 : i32
      %mul3A_364 = arith.muli %scan3A_211, %mul3A_363 : i32
      %add3A_365 = arith.constant 2 : i32
      %add3A_366 = arith.addi %mul3A_364, %add3A_365 : i32
      %mul3A_367 = arith.constant 128 : i32
      %mul3A_368 = arith.muli %add3A_366, %mul3A_367 : i32
      %multiple_of3A_369 = tpu.assume_multiple %mul3A_368, 8 : i32
      %dma_wait3A_370 = tpu.memref_slice %arg8[%multiple_of3A_369] : memref<25600xi32, #tpu.memory_space<vmem>> -> memref<128xi32, #tpu.memory_space<vmem>>
      %dma_wait3A_371 = arith.constant 0 : i32
      %dma_wait3A_372 = arith.constant 0 : i32
      %dma_wait3A_373 = tpu.memref_slice %arg4[%dma_wait3A_371, %dma_wait3A_372] : memref<1000000x64xf32, #tpu.memory_space<hbm>> -> memref<1000000x64xf32, #tpu.memory_space<hbm>>
      tpu.wait_indirect_dma semaphore(%arg20 : memref<!tpu.dma_semaphore, #tpu.memory_space<semaphore_mem>>) src(%dma_wait3A_373 : memref<1000000x64xf32, #tpu.memory_space<hbm>>) dst(%arg12 : memref<128x64xf32, #tpu.memory_space<vmem>>)
      %scan3A_374 = arith.constant 0 : i32
      %scan3A_375 = arith.constant 0 : i32
      %scan3A_376 = arith.constant 16 : i32
      %scan3A_377 = arith.addi %scan3A_375, %scan3A_376 : i32
      %scan3A_378 = arith.constant 1 : i32
      scf.for %scan3A_785 = %scan3A_375 to %scan3A_377 step %scan3A_378  : i32 {
        %mul3A_786 = arith.constant 8 : i32
        %mul3A_787 = arith.muli %scan3A_785, %mul3A_786 : i32
        %add3A_788 = arith.constant 0 : i32
        %add3A_789 = arith.addi %mul3A_787, %add3A_788 : i32
        %broadcast_in_dim3A = vector.broadcast %add3A_789 : i32 to vector<16xi32>
        %add3A_790 = arith.constant 0 : i32
        %add3A_791 = arith.addi %mul3A_787, %add3A_790 : i32
        %get3A = arith.index_cast %add3A_791 : i32 to index
        %get3A_792 = arith.constant 0 : index
        %get3A_793 = tpu.vector_load %arg12[%get3A, %get3A_792] {strides = array<i32>} : memref<128x64xf32, #tpu.memory_space<vmem>>, vector<16xf32>,
        %add3A_794 = arith.constant 0 : i32
        %add3A_795 = arith.addi %mul3A_787, %add3A_794 : i32
        %get3A_796 = arith.index_cast %add3A_795 : i32 to index
        %get3A_797 = arith.constant 16 : index
        %get3A_798 = tpu.vector_load %arg12[%get3A_796, %get3A_797] {strides = array<i32>} : memref<128x64xf32, #tpu.memory_space<vmem>>, vector<16xf32>,
        %add3A_799 = arith.constant 0 : i32
        %add3A_800 = arith.addi %mul3A_787, %add3A_799 : i32
        %get3A_801 = arith.index_cast %add3A_800 : i32 to index
        %get3A_802 = arith.constant 32 : index
        %get3A_803 = tpu.vector_load %arg12[%get3A_801, %get3A_802] {strides = array<i32>} : memref<128x64xf32, #tpu.memory_space<vmem>>, vector<16xf32>,
        %add3A_804 = arith.constant 0 : i32
        %add3A_805 = arith.addi %mul3A_787, %add3A_804 : i32
        %get3A_806 = arith.index_cast %add3A_805 : i32 to index
        %get3A_807 = arith.constant 48 : index
        %get3A_808 = tpu.vector_load %arg12[%get3A_806, %get3A_807] {strides = array<i32>} : memref<128x64xf32, #tpu.memory_space<vmem>>, vector<16xf32>,
        tpu.vector_store_idx %arg16[%select_n3A, %select_n3A_152, %broadcast_in_dim3A], %get3A_793 : memref<8x8x129xf32, #tpu.memory_space<vmem>>[vector<16xi32>, vector<16xi32>, vector<16xi32>], vector<16xf32>,
        tpu.vector_store_idx %arg16[%select_n3A_64, %select_n3A_152, %broadcast_in_dim3A], %get3A_798 : memref<8x8x129xf32, #tpu.memory_space<vmem>>[vector<16xi32>, vector<16xi32>, vector<16xi32>], vector<16xf32>,
        tpu.vector_store_idx %arg16[%select_n3A_98, %select_n3A_152, %broadcast_in_dim3A], %get3A_803 : memref<8x8x129xf32, #tpu.memory_space<vmem>>[vector<16xi32>, vector<16xi32>, vector<16xi32>], vector<16xf32>,
        tpu.vector_store_idx %arg16[%select_n3A_132, %select_n3A_152, %broadcast_in_dim3A], %get3A_808 : memref<8x8x129xf32, #tpu.memory_space<vmem>>[vector<16xi32>, vector<16xi32>, vector<16xi32>], vector<16xf32>,
        %add3A_809 = arith.constant 1 : i32
        %add3A_810 = arith.addi %mul3A_787, %add3A_809 : i32
        %broadcast_in_dim3A_811 = vector.broadcast %add3A_810 : i32 to vector<16xi32>
        %add3A_812 = arith.constant 1 : i32
        %add3A_813 = arith.addi %mul3A_787, %add3A_812 : i32
        %get3A_814 = arith.index_cast %add3A_813 : i32 to index
        %get3A_815 = arith.constant 0 : index
        %get3A_816 = tpu.vector_load %arg12[%get3A_814, %get3A_815] {strides = array<i32>} : memref<128x64xf32, #tpu.memory_space<vmem>>, vector<16xf32>,
        %add3A_817 = arith.constant 1 : i32
        %add3A_818 = arith.addi %mul3A_787, %add3A_817 : i32
        %get3A_819 = arith.index_cast %add3A_818 : i32 to index
        %get3A_820 = arith.constant 16 : index
        %get3A_821 = tpu.vector_load %arg12[%get3A_819, %get3A_820] {strides = array<i32>} : memref<128x64xf32, #tpu.memory_space<vmem>>, vector<16xf32>,
        %add3A_822 = arith.constant 1 : i32
        %add3A_823 = arith.addi %mul3A_787, %add3A_822 : i32
        %get3A_824 = arith.index_cast %add3A_823 : i32 to index
        %get3A_825 = arith.constant 32 : index
        %get3A_826 = tpu.vector_load %arg12[%get3A_824, %get3A_825] {strides = array<i32>} : memref<128x64xf32, #tpu.memory_space<vmem>>, vector<16xf32>,
        %add3A_827 = arith.constant 1 : i32
        %add3A_828 = arith.addi %mul3A_787, %add3A_827 : i32
        %get3A_829 = arith.index_cast %add3A_828 : i32 to index
        %get3A_830 = arith.constant 48 : index
        %get3A_831 = tpu.vector_load %arg12[%get3A_829, %get3A_830] {strides = array<i32>} : memref<128x64xf32, #tpu.memory_space<vmem>>, vector<16xf32>,
        tpu.vector_store_idx %arg16[%select_n3A, %select_n3A_152, %broadcast_in_dim3A_811], %get3A_816 : memref<8x8x129xf32, #tpu.memory_space<vmem>>[vector<16xi32>, vector<16xi32>, vector<16xi32>], vector<16xf32>,
        tpu.vector_store_idx %arg16[%select_n3A_64, %select_n3A_152, %broadcast_in_dim3A_811], %get3A_821 : memref<8x8x129xf32, #tpu.memory_space<vmem>>[vector<16xi32>, vector<16xi32>, vector<16xi32>], vector<16xf32>,
        tpu.vector_store_idx %arg16[%select_n3A_98, %select_n3A_152, %broadcast_in_dim3A_811], %get3A_826 : memref<8x8x129xf32, #tpu.memory_space<vmem>>[vector<16xi32>, vector<16xi32>, vector<16xi32>], vector<16xf32>,
        tpu.vector_store_idx %arg16[%select_n3A_132, %select_n3A_152, %broadcast_in_dim3A_811], %get3A_831 : memref<8x8x129xf32, #tpu.memory_space<vmem>>[vector<16xi32>, vector<16xi32>, vector<16xi32>], vector<16xf32>,
        %add3A_832 = arith.constant 2 : i32
        %add3A_833 = arith.addi %mul3A_787, %add3A_832 : i32
        %broadcast_in_dim3A_834 = vector.broadcast %add3A_833 : i32 to vector<16xi32>
        %add3A_835 = arith.constant 2 : i32
        %add3A_836 = arith.addi %mul3A_787, %add3A_835 : i32
        %get3A_837 = arith.index_cast %add3A_836 : i32 to index
        %get3A_838 = arith.constant 0 : index
        %get3A_839 = tpu.vector_load %arg12[%get3A_837, %get3A_838] {strides = array<i32>} : memref<128x64xf32, #tpu.memory_space<vmem>>, vector<16xf32>,
        %add3A_840 = arith.constant 2 : i32
        %add3A_841 = arith.addi %mul3A_787, %add3A_840 : i32
        %get3A_842 = arith.index_cast %add3A_841 : i32 to index
        %get3A_843 = arith.constant 16 : index
        %get3A_844 = tpu.vector_load %arg12[%get3A_842, %get3A_843] {strides = array<i32>} : memref<128x64xf32, #tpu.memory_space<vmem>>, vector<16xf32>,
        %add3A_845 = arith.constant 2 : i32
        %add3A_846 = arith.addi %mul3A_787, %add3A_845 : i32
        %get3A_847 = arith.index_cast %add3A_846 : i32 to index
        %get3A_848 = arith.constant 32 : index
        %get3A_849 = tpu.vector_load %arg12[%get3A_847, %get3A_848] {strides = array<i32>} : memref<128x64xf32, #tpu.memory_space<vmem>>, vector<16xf32>,
        %add3A_850 = arith.constant 2 : i32
        %add3A_851 = arith.addi %mul3A_787, %add3A_850 : i32
        %get3A_852 = arith.index_cast %add3A_851 : i32 to index
        %get3A_853 = arith.constant 48 : index
        %get3A_854 = tpu.vector_load %arg12[%get3A_852, %get3A_853] {strides = array<i32>} : memref<128x64xf32, #tpu.memory_space<vmem>>, vector<16xf32>,
        tpu.vector_store_idx %arg16[%select_n3A, %select_n3A_152, %broadcast_in_dim3A_834], %get3A_839 : memref<8x8x129xf32, #tpu.memory_space<vmem>>[vector<16xi32>, vector<16xi32>, vector<16xi32>], vector<16xf32>,
        tpu.vector_store_idx %arg16[%select_n3A_64, %select_n3A_152, %broadcast_in_dim3A_834], %get3A_844 : memref<8x8x129xf32, #tpu.memory_space<vmem>>[vector<16xi32>, vector<16xi32>, vector<16xi32>], vector<16xf32>,
        tpu.vector_store_idx %arg16[%select_n3A_98, %select_n3A_152, %broadcast_in_dim3A_834], %get3A_849 : memref<8x8x129xf32, #tpu.memory_space<vmem>>[vector<16xi32>, vector<16xi32>, vector<16xi32>], vector<16xf32>,
        tpu.vector_store_idx %arg16[%select_n3A_132, %select_n3A_152, %broadcast_in_dim3A_834], %get3A_854 : memref<8x8x129xf32, #tpu.memory_space<vmem>>[vector<16xi32>, vector<16xi32>, vector<16xi32>], vector<16xf32>,
        %add3A_855 = arith.constant 3 : i32
        %add3A_856 = arith.addi %mul3A_787, %add3A_855 : i32
        %broadcast_in_dim3A_857 = vector.broadcast %add3A_856 : i32 to vector<16xi32>
        %add3A_858 = arith.constant 3 : i32
        %add3A_859 = arith.addi %mul3A_787, %add3A_858 : i32
        %get3A_860 = arith.index_cast %add3A_859 : i32 to index
        %get3A_861 = arith.constant 0 : index
        %get3A_862 = tpu.vector_load %arg12[%get3A_860, %get3A_861] {strides = array<i32>} : memref<128x64xf32, #tpu.memory_space<vmem>>, vector<16xf32>,
        %add3A_863 = arith.constant 3 : i32
        %add3A_864 = arith.addi %mul3A_787, %add3A_863 : i32
        %get3A_865 = arith.index_cast %add3A_864 : i32 to index
        %get3A_866 = arith.constant 16 : index
        %get3A_867 = tpu.vector_load %arg12[%get3A_865, %get3A_866] {strides = array<i32>} : memref<128x64xf32, #tpu.memory_space<vmem>>, vector<16xf32>,
        %add3A_868 = arith.constant 3 : i32
        %add3A_869 = arith.addi %mul3A_787, %add3A_868 : i32
        %get3A_870 = arith.index_cast %add3A_869 : i32 to index
        %get3A_871 = arith.constant 32 : index
        %get3A_872 = tpu.vector_load %arg12[%get3A_870, %get3A_871] {strides = array<i32>} : memref<128x64xf32, #tpu.memory_space<vmem>>, vector<16xf32>,
        %add3A_873 = arith.constant 3 : i32
        %add3A_874 = arith.addi %mul3A_787, %add3A_873 : i32
        %get3A_875 = arith.index_cast %add3A_874 : i32 to index
        %get3A_876 = arith.constant 48 : index
        %get3A_877 = tpu.vector_load %arg12[%get3A_875, %get3A_876] {strides = array<i32>} : memref<128x64xf32, #tpu.memory_space<vmem>>, vector<16xf32>,
        tpu.vector_store_idx %arg16[%select_n3A, %select_n3A_152, %broadcast_in_dim3A_857], %get3A_862 : memref<8x8x129xf32, #tpu.memory_space<vmem>>[vector<16xi32>, vector<16xi32>, vector<16xi32>], vector<16xf32>,
        tpu.vector_store_idx %arg16[%select_n3A_64, %select_n3A_152, %broadcast_in_dim3A_857], %get3A_867 : memref<8x8x129xf32, #tpu.memory_space<vmem>>[vector<16xi32>, vector<16xi32>, vector<16xi32>], vector<16xf32>,
        tpu.vector_store_idx %arg16[%select_n3A_98, %select_n3A_152, %broadcast_in_dim3A_857], %get3A_872 : memref<8x8x129xf32, #tpu.memory_space<vmem>>[vector<16xi32>, vector<16xi32>, vector<16xi32>], vector<16xf32>,
        tpu.vector_store_idx %arg16[%select_n3A_132, %select_n3A_152, %broadcast_in_dim3A_857], %get3A_877 : memref<8x8x129xf32, #tpu.memory_space<vmem>>[vector<16xi32>, vector<16xi32>, vector<16xi32>], vector<16xf32>,
        %add3A_878 = arith.constant 4 : i32
        %add3A_879 = arith.addi %mul3A_787, %add3A_878 : i32
        %broadcast_in_dim3A_880 = vector.broadcast %add3A_879 : i32 to vector<16xi32>
        %add3A_881 = arith.constant 4 : i32
        %add3A_882 = arith.addi %mul3A_787, %add3A_881 : i32
        %get3A_883 = arith.index_cast %add3A_882 : i32 to index
        %get3A_884 = arith.constant 0 : index
        %get3A_885 = tpu.vector_load %arg12[%get3A_883, %get3A_884] {strides = array<i32>} : memref<128x64xf32, #tpu.memory_space<vmem>>, vector<16xf32>,
        %add3A_886 = arith.constant 4 : i32
        %add3A_887 = arith.addi %mul3A_787, %add3A_886 : i32
        %get3A_888 = arith.index_cast %add3A_887 : i32 to index
        %get3A_889 = arith.constant 16 : index
        %get3A_890 = tpu.vector_load %arg12[%get3A_888, %get3A_889] {strides = array<i32>} : memref<128x64xf32, #tpu.memory_space<vmem>>, vector<16xf32>,
        %add3A_891 = arith.constant 4 : i32
        %add3A_892 = arith.addi %mul3A_787, %add3A_891 : i32
        %get3A_893 = arith.index_cast %add3A_892 : i32 to index
        %get3A_894 = arith.constant 32 : index
        %get3A_895 = tpu.vector_load %arg12[%get3A_893, %get3A_894] {strides = array<i32>} : memref<128x64xf32, #tpu.memory_space<vmem>>, vector<16xf32>,
        %add3A_896 = arith.constant 4 : i32
        %add3A_897 = arith.addi %mul3A_787, %add3A_896 : i32
        %get3A_898 = arith.index_cast %add3A_897 : i32 to index
        %get3A_899 = arith.constant 48 : index
        %get3A_900 = tpu.vector_load %arg12[%get3A_898, %get3A_899] {strides = array<i32>} : memref<128x64xf32, #tpu.memory_space<vmem>>, vector<16xf32>,
        tpu.vector_store_idx %arg16[%select_n3A, %select_n3A_152, %broadcast_in_dim3A_880], %get3A_885 : memref<8x8x129xf32, #tpu.memory_space<vmem>>[vector<16xi32>, vector<16xi32>, vector<16xi32>], vector<16xf32>,
        tpu.vector_store_idx %arg16[%select_n3A_64, %select_n3A_152, %broadcast_in_dim3A_880], %get3A_890 : memref<8x8x129xf32, #tpu.memory_space<vmem>>[vector<16xi32>, vector<16xi32>, vector<16xi32>], vector<16xf32>,
        tpu.vector_store_idx %arg16[%select_n3A_98, %select_n3A_152, %broadcast_in_dim3A_880], %get3A_895 : memref<8x8x129xf32, #tpu.memory_space<vmem>>[vector<16xi32>, vector<16xi32>, vector<16xi32>], vector<16xf32>,
        tpu.vector_store_idx %arg16[%select_n3A_132, %select_n3A_152, %broadcast_in_dim3A_880], %get3A_900 : memref<8x8x129xf32, #tpu.memory_space<vmem>>[vector<16xi32>, vector<16xi32>, vector<16xi32>], vector<16xf32>,
        %add3A_901 = arith.constant 5 : i32
        %add3A_902 = arith.addi %mul3A_787, %add3A_901 : i32
        %broadcast_in_dim3A_903 = vector.broadcast %add3A_902 : i32 to vector<16xi32>
        %add3A_904 = arith.constant 5 : i32
        %add3A_905 = arith.addi %mul3A_787, %add3A_904 : i32
        %get3A_906 = arith.index_cast %add3A_905 : i32 to index
        %get3A_907 = arith.constant 0 : index
        %get3A_908 = tpu.vector_load %arg12[%get3A_906, %get3A_907] {strides = array<i32>} : memref<128x64xf32, #tpu.memory_space<vmem>>, vector<16xf32>,
        %add3A_909 = arith.constant 5 : i32
        %add3A_910 = arith.addi %mul3A_787, %add3A_909 : i32
        %get3A_911 = arith.index_cast %add3A_910 : i32 to index
        %get3A_912 = arith.constant 16 : index
        %get3A_913 = tpu.vector_load %arg12[%get3A_911, %get3A_912] {strides = array<i32>} : memref<128x64xf32, #tpu.memory_space<vmem>>, vector<16xf32>,
        %add3A_914 = arith.constant 5 : i32
        %add3A_915 = arith.addi %mul3A_787, %add3A_914 : i32
        %get3A_916 = arith.index_cast %add3A_915 : i32 to index
        %get3A_917 = arith.constant 32 : index
        %get3A_918 = tpu.vector_load %arg12[%get3A_916, %get3A_917] {strides = array<i32>} : memref<128x64xf32, #tpu.memory_space<vmem>>, vector<16xf32>,
        %add3A_919 = arith.constant 5 : i32
        %add3A_920 = arith.addi %mul3A_787, %add3A_919 : i32
        %get3A_921 = arith.index_cast %add3A_920 : i32 to index
        %get3A_922 = arith.constant 48 : index
        %get3A_923 = tpu.vector_load %arg12[%get3A_921, %get3A_922] {strides = array<i32>} : memref<128x64xf32, #tpu.memory_space<vmem>>, vector<16xf32>,
        tpu.vector_store_idx %arg16[%select_n3A, %select_n3A_152, %broadcast_in_dim3A_903], %get3A_908 : memref<8x8x129xf32, #tpu.memory_space<vmem>>[vector<16xi32>, vector<16xi32>, vector<16xi32>], vector<16xf32>,
        tpu.vector_store_idx %arg16[%select_n3A_64, %select_n3A_152, %broadcast_in_dim3A_903], %get3A_913 : memref<8x8x129xf32, #tpu.memory_space<vmem>>[vector<16xi32>, vector<16xi32>, vector<16xi32>], vector<16xf32>,
        tpu.vector_store_idx %arg16[%select_n3A_98, %select_n3A_152, %broadcast_in_dim3A_903], %get3A_918 : memref<8x8x129xf32, #tpu.memory_space<vmem>>[vector<16xi32>, vector<16xi32>, vector<16xi32>], vector<16xf32>,
        tpu.vector_store_idx %arg16[%select_n3A_132, %select_n3A_152, %broadcast_in_dim3A_903], %get3A_923 : memref<8x8x129xf32, #tpu.memory_space<vmem>>[vector<16xi32>, vector<16xi32>, vector<16xi32>], vector<16xf32>,
        %add3A_924 = arith.constant 6 : i32
        %add3A_925 = arith.addi %mul3A_787, %add3A_924 : i32
        %broadcast_in_dim3A_926 = vector.broadcast %add3A_925 : i32 to vector<16xi32>
        %add3A_927 = arith.constant 6 : i32
        %add3A_928 = arith.addi %mul3A_787, %add3A_927 : i32
        %get3A_929 = arith.index_cast %add3A_928 : i32 to index
        %get3A_930 = arith.constant 0 : index
        %get3A_931 = tpu.vector_load %arg12[%get3A_929, %get3A_930] {strides = array<i32>} : memref<128x64xf32, #tpu.memory_space<vmem>>, vector<16xf32>,
        %add3A_932 = arith.constant 6 : i32
        %add3A_933 = arith.addi %mul3A_787, %add3A_932 : i32
        %get3A_934 = arith.index_cast %add3A_933 : i32 to index
        %get3A_935 = arith.constant 16 : index
        %get3A_936 = tpu.vector_load %arg12[%get3A_934, %get3A_935] {strides = array<i32>} : memref<128x64xf32, #tpu.memory_space<vmem>>, vector<16xf32>,
        %add3A_937 = arith.constant 6 : i32
        %add3A_938 = arith.addi %mul3A_787, %add3A_937 : i32
        %get3A_939 = arith.index_cast %add3A_938 : i32 to index
        %get3A_940 = arith.constant 32 : index
        %get3A_941 = tpu.vector_load %arg12[%get3A_939, %get3A_940] {strides = array<i32>} : memref<128x64xf32, #tpu.memory_space<vmem>>, vector<16xf32>,
        %add3A_942 = arith.constant 6 : i32
        %add3A_943 = arith.addi %mul3A_787, %add3A_942 : i32
        %get3A_944 = arith.index_cast %add3A_943 : i32 to index
        %get3A_945 = arith.constant 48 : index
        %get3A_946 = tpu.vector_load %arg12[%get3A_944, %get3A_945] {strides = array<i32>} : memref<128x64xf32, #tpu.memory_space<vmem>>, vector<16xf32>,
        tpu.vector_store_idx %arg16[%select_n3A, %select_n3A_152, %broadcast_in_dim3A_926], %get3A_931 : memref<8x8x129xf32, #tpu.memory_space<vmem>>[vector<16xi32>, vector<16xi32>, vector<16xi32>], vector<16xf32>,
        tpu.vector_store_idx %arg16[%select_n3A_64, %select_n3A_152, %broadcast_in_dim3A_926], %get3A_936 : memref<8x8x129xf32, #tpu.memory_space<vmem>>[vector<16xi32>, vector<16xi32>, vector<16xi32>], vector<16xf32>,
        tpu.vector_store_idx %arg16[%select_n3A_98, %select_n3A_152, %broadcast_in_dim3A_926], %get3A_941 : memref<8x8x129xf32, #tpu.memory_space<vmem>>[vector<16xi32>, vector<16xi32>, vector<16xi32>], vector<16xf32>,
        tpu.vector_store_idx %arg16[%select_n3A_132, %select_n3A_152, %broadcast_in_dim3A_926], %get3A_946 : memref<8x8x129xf32, #tpu.memory_space<vmem>>[vector<16xi32>, vector<16xi32>, vector<16xi32>], vector<16xf32>,
        %add3A_947 = arith.constant 7 : i32
        %add3A_948 = arith.addi %mul3A_787, %add3A_947 : i32
        %broadcast_in_dim3A_949 = vector.broadcast %add3A_948 : i32 to vector<16xi32>
        %add3A_950 = arith.constant 7 : i32
        %add3A_951 = arith.addi %mul3A_787, %add3A_950 : i32
        %get3A_952 = arith.index_cast %add3A_951 : i32 to index
        %get3A_953 = arith.constant 0 : index
        %get3A_954 = tpu.vector_load %arg12[%get3A_952, %get3A_953] {strides = array<i32>} : memref<128x64xf32, #tpu.memory_space<vmem>>, vector<16xf32>,
        %add3A_955 = arith.constant 7 : i32
        %add3A_956 = arith.addi %mul3A_787, %add3A_955 : i32
        %get3A_957 = arith.index_cast %add3A_956 : i32 to index
        %get3A_958 = arith.constant 16 : index
        %get3A_959 = tpu.vector_load %arg12[%get3A_957, %get3A_958] {strides = array<i32>} : memref<128x64xf32, #tpu.memory_space<vmem>>, vector<16xf32>,
        %add3A_960 = arith.constant 7 : i32
        %add3A_961 = arith.addi %mul3A_787, %add3A_960 : i32
        %get3A_962 = arith.index_cast %add3A_961 : i32 to index
        %get3A_963 = arith.constant 32 : index
        %get3A_964 = tpu.vector_load %arg12[%get3A_962, %get3A_963] {strides = array<i32>} : memref<128x64xf32, #tpu.memory_space<vmem>>, vector<16xf32>,
        %add3A_965 = arith.constant 7 : i32
        %add3A_966 = arith.addi %mul3A_787, %add3A_965 : i32
        %get3A_967 = arith.index_cast %add3A_966 : i32 to index
        %get3A_968 = arith.constant 48 : index
        %get3A_969 = tpu.vector_load %arg12[%get3A_967, %get3A_968] {strides = array<i32>} : memref<128x64xf32, #tpu.memory_space<vmem>>, vector<16xf32>,
        tpu.vector_store_idx %arg16[%select_n3A, %select_n3A_152, %broadcast_in_dim3A_949], %get3A_954 : memref<8x8x129xf32, #tpu.memory_space<vmem>>[vector<16xi32>, vector<16xi32>, vector<16xi32>], vector<16xf32>,
        tpu.vector_store_idx %arg16[%select_n3A_64, %select_n3A_152, %broadcast_in_dim3A_949], %get3A_959 : memref<8x8x129xf32, #tpu.memory_space<vmem>>[vector<16xi32>, vector<16xi32>, vector<16xi32>], vector<16xf32>,
        tpu.vector_store_idx %arg16[%select_n3A_98, %select_n3A_152, %broadcast_in_dim3A_949], %get3A_964 : memref<8x8x129xf32, #tpu.memory_space<vmem>>[vector<16xi32>, vector<16xi32>, vector<16xi32>], vector<16xf32>,
        tpu.vector_store_idx %arg16[%select_n3A_132, %select_n3A_152, %broadcast_in_dim3A_949], %get3A_969 : memref<8x8x129xf32, #tpu.memory_space<vmem>>[vector<16xi32>, vector<16xi32>, vector<16xi32>], vector<16xf32>,
      }
      %scan3A_379 = arith.constant 16 : i32
      %add3A_380 = arith.addi %mul3A_4, %add3A_366 : i32
      %jit3A_381 = arith.constant 32 : i32
      %div3A_382 = arith.divsi %add3A_380, %jit3A_381 : i32
      %sign3A_383 = arith.constant 0 : i32
      %sign3A_384 = arith.cmpi sgt, %add3A_380, %sign3A_383 : i32
      %sign3A_385 = arith.extui %sign3A_384 : i1 to i32
      %sign3A_386 = arith.constant 0 : i32
      %sign3A_387 = arith.cmpi slt, %add3A_380, %sign3A_386 : i32
      %sign3A_388 = arith.extui %sign3A_387 : i1 to i32
      %sign3A_389 = arith.subi %sign3A_385, %sign3A_388 : i32
      %sign3A_390 = arith.constant 0 : i32
      %sign3A_391 = arith.cmpi sgt, %jit3A_381, %sign3A_390 : i32
      %sign3A_392 = arith.extui %sign3A_391 : i1 to i32
      %sign3A_393 = arith.constant 0 : i32
      %sign3A_394 = arith.cmpi slt, %jit3A_381, %sign3A_393 : i32
      %sign3A_395 = arith.extui %sign3A_394 : i1 to i32
      %sign3A_396 = arith.subi %sign3A_392, %sign3A_395 : i32
      %ne3A_397 = arith.cmpi ne, %sign3A_389, %sign3A_396 : i32
      %rem3A_398 = arith.remsi %add3A_380, %jit3A_381 : i32
      %ne3A_399 = arith.constant 0 : i32
      %ne3A_400 = arith.cmpi ne, %rem3A_398, %ne3A_399 : i32
      %and3A_401 = arith.andi %ne3A_397, %ne3A_400 : i1
      %sub3A_402 = arith.constant 1 : i32
      %sub3A_403 = arith.subi %div3A_382, %sub3A_402 : i32
      %select_n3A_404 = arith.select %and3A_401, %sub3A_403, %div3A_382 : i32
      %jit3A_405 = arith.constant 32 : i32
      %eq3A_406 = arith.constant 0 : i32
      %eq3A_407 = arith.cmpi eq, %jit3A_405, %eq3A_406 : i32
      %jit3A_408 = arith.constant 1 : i32
      %select_n3A_409 = arith.select %eq3A_407, %jit3A_408, %jit3A_405 : i32
      %rem3A_410 = arith.remsi %add3A_380, %select_n3A_409 : i32
      %ne3A_411 = arith.constant 0 : i32
      %ne3A_412 = arith.cmpi ne, %rem3A_410, %ne3A_411 : i32
      %lt3A_413 = arith.constant 0 : i32
      %lt3A_414 = arith.cmpi slt, %rem3A_410, %lt3A_413 : i32
      %lt3A_415 = arith.constant 0 : i32
      %lt3A_416 = arith.cmpi slt, %select_n3A_409, %lt3A_415 : i32
      %ne3A_417 = arith.xori %lt3A_414, %lt3A_416 : i1
      %and3A_418 = arith.andi %ne3A_417, %ne3A_412 : i1
      %add3A_419 = arith.addi %rem3A_410, %select_n3A_409 : i32
      %select_n3A_420 = arith.select %and3A_418, %add3A_419, %rem3A_410 : i32
      %dma_start3A_421 = arith.constant 0 : i32
      %dma_start3A_422 = arith.constant 0 : i32
      %dma_start3A_423 = arith.constant 0 : i32
      %dma_start3A_424 = tpu.memref_slice %arg16[%dma_start3A_421, %dma_start3A_422, %dma_start3A_423] : memref<8x8x129xf32, #tpu.memory_space<vmem>> -> memref<8x8x128xf32, #tpu.memory_space<vmem>>
      %dma_start3A_425 = arith.constant 0 : i32
      %dma_start3A_426 = arith.constant 0 : i32
      %dma_start3A_427 = arith.constant 0 : i32
      %dma_start3A_428 = tpu.memref_slice %arg6[%select_n3A_404, %dma_start3A_425, %select_n3A_420, %dma_start3A_426, %dma_start3A_427] : memref<200x8x32x8x128xf32, #tpu.memory_space<hbm>> -> memref<1x8x1x8x128xf32, #tpu.memory_space<hbm>>
      %dma_start3A_429 = tpu.memref_squeeze %dma_start3A_428 : memref<1x8x1x8x128xf32, #tpu.memory_space<hbm>> -> memref<8x8x128xf32, #tpu.memory_space<hbm>>
      %dma_start3A_430 = arith.constant 0 : i32
      %dma_start3A_431 = arith.constant 0 : i32
      %dma_start3A_432 = arith.constant 0 : i32
      %dma_start3A_433 = tpu.memref_slice %arg6[%select_n3A_404, %dma_start3A_430, %select_n3A_420, %dma_start3A_431, %dma_start3A_432] : memref<200x8x32x8x128xf32, #tpu.memory_space<hbm>> -> memref<1x8x1x8x128xf32, #tpu.memory_space<hbm>>
      %dma_start3A_434 = tpu.memref_squeeze %dma_start3A_433 : memref<1x8x1x8x128xf32, #tpu.memory_space<hbm>> -> memref<8x8x128xf32, #tpu.memory_space<hbm>>
      %dma_start3A_435 = arith.constant 0 : i32
      %dma_start3A_436 = arith.constant 0 : i32
      %dma_start3A_437 = arith.constant 0 : i32
      %dma_start3A_438 = tpu.memref_slice %arg16[%dma_start3A_435, %dma_start3A_436, %dma_start3A_437] : memref<8x8x129xf32, #tpu.memory_space<vmem>> -> memref<8x8x128xf32, #tpu.memory_space<vmem>>
      tpu.enqueue_dma source(%dma_start3A_438 : memref<8x8x128xf32, #tpu.memory_space<vmem>>) target(%dma_start3A_434 : memref<8x8x128xf32, #tpu.memory_space<hbm>>) target_semaphore(%arg24 : memref<!tpu.dma_semaphore, #tpu.memory_space<semaphore_mem>>)
      %mul3A_439 = arith.constant 4 : i32
      %mul3A_440 = arith.muli %scan3A_211, %mul3A_439 : i32
      %add3A_441 = arith.constant 3 : i32
      %add3A_442 = arith.addi %mul3A_440, %add3A_441 : i32
      %mul3A_443 = arith.constant 128 : i32
      %mul3A_444 = arith.muli %add3A_442, %mul3A_443 : i32
      %multiple_of3A_445 = tpu.assume_multiple %mul3A_444, 8 : i32
      %dma_wait3A_446 = tpu.memref_slice %arg8[%multiple_of3A_445] : memref<25600xi32, #tpu.memory_space<vmem>> -> memref<128xi32, #tpu.memory_space<vmem>>
      %dma_wait3A_447 = arith.constant 0 : i32
      %dma_wait3A_448 = arith.constant 0 : i32
      %dma_wait3A_449 = tpu.memref_slice %arg4[%dma_wait3A_447, %dma_wait3A_448] : memref<1000000x64xf32, #tpu.memory_space<hbm>> -> memref<1000000x64xf32, #tpu.memory_space<hbm>>
      tpu.wait_indirect_dma semaphore(%arg21 : memref<!tpu.dma_semaphore, #tpu.memory_space<semaphore_mem>>) src(%dma_wait3A_449 : memref<1000000x64xf32, #tpu.memory_space<hbm>>) dst(%arg13 : memref<128x64xf32, #tpu.memory_space<vmem>>)
      %scan3A_450 = arith.constant 0 : i32
      %scan3A_451 = arith.constant 0 : i32
      %scan3A_452 = arith.constant 16 : i32
      %scan3A_453 = arith.addi %scan3A_451, %scan3A_452 : i32
      %scan3A_454 = arith.constant 1 : i32
      scf.for %scan3A_785 = %scan3A_451 to %scan3A_453 step %scan3A_454  : i32 {
        %mul3A_786 = arith.constant 8 : i32
        %mul3A_787 = arith.muli %scan3A_785, %mul3A_786 : i32
        %add3A_788 = arith.constant 0 : i32
        %add3A_789 = arith.addi %mul3A_787, %add3A_788 : i32
        %broadcast_in_dim3A = vector.broadcast %add3A_789 : i32 to vector<16xi32>
        %add3A_790 = arith.constant 0 : i32
        %add3A_791 = arith.addi %mul3A_787, %add3A_790 : i32
        %get3A = arith.index_cast %add3A_791 : i32 to index
        %get3A_792 = arith.constant 0 : index
        %get3A_793 = tpu.vector_load %arg13[%get3A, %get3A_792] {strides = array<i32>} : memref<128x64xf32, #tpu.memory_space<vmem>>, vector<16xf32>,
        %add3A_794 = arith.constant 0 : i32
        %add3A_795 = arith.addi %mul3A_787, %add3A_794 : i32
        %get3A_796 = arith.index_cast %add3A_795 : i32 to index
        %get3A_797 = arith.constant 16 : index
        %get3A_798 = tpu.vector_load %arg13[%get3A_796, %get3A_797] {strides = array<i32>} : memref<128x64xf32, #tpu.memory_space<vmem>>, vector<16xf32>,
        %add3A_799 = arith.constant 0 : i32
        %add3A_800 = arith.addi %mul3A_787, %add3A_799 : i32
        %get3A_801 = arith.index_cast %add3A_800 : i32 to index
        %get3A_802 = arith.constant 32 : index
        %get3A_803 = tpu.vector_load %arg13[%get3A_801, %get3A_802] {strides = array<i32>} : memref<128x64xf32, #tpu.memory_space<vmem>>, vector<16xf32>,
        %add3A_804 = arith.constant 0 : i32
        %add3A_805 = arith.addi %mul3A_787, %add3A_804 : i32
        %get3A_806 = arith.index_cast %add3A_805 : i32 to index
        %get3A_807 = arith.constant 48 : index
        %get3A_808 = tpu.vector_load %arg13[%get3A_806, %get3A_807] {strides = array<i32>} : memref<128x64xf32, #tpu.memory_space<vmem>>, vector<16xf32>,
        tpu.vector_store_idx %arg17[%select_n3A, %select_n3A_152, %broadcast_in_dim3A], %get3A_793 : memref<8x8x129xf32, #tpu.memory_space<vmem>>[vector<16xi32>, vector<16xi32>, vector<16xi32>], vector<16xf32>,
        tpu.vector_store_idx %arg17[%select_n3A_64, %select_n3A_152, %broadcast_in_dim3A], %get3A_798 : memref<8x8x129xf32, #tpu.memory_space<vmem>>[vector<16xi32>, vector<16xi32>, vector<16xi32>], vector<16xf32>,
        tpu.vector_store_idx %arg17[%select_n3A_98, %select_n3A_152, %broadcast_in_dim3A], %get3A_803 : memref<8x8x129xf32, #tpu.memory_space<vmem>>[vector<16xi32>, vector<16xi32>, vector<16xi32>], vector<16xf32>,
        tpu.vector_store_idx %arg17[%select_n3A_132, %select_n3A_152, %broadcast_in_dim3A], %get3A_808 : memref<8x8x129xf32, #tpu.memory_space<vmem>>[vector<16xi32>, vector<16xi32>, vector<16xi32>], vector<16xf32>,
        %add3A_809 = arith.constant 1 : i32
        %add3A_810 = arith.addi %mul3A_787, %add3A_809 : i32
        %broadcast_in_dim3A_811 = vector.broadcast %add3A_810 : i32 to vector<16xi32>
        %add3A_812 = arith.constant 1 : i32
        %add3A_813 = arith.addi %mul3A_787, %add3A_812 : i32
        %get3A_814 = arith.index_cast %add3A_813 : i32 to index
        %get3A_815 = arith.constant 0 : index
        %get3A_816 = tpu.vector_load %arg13[%get3A_814, %get3A_815] {strides = array<i32>} : memref<128x64xf32, #tpu.memory_space<vmem>>, vector<16xf32>,
        %add3A_817 = arith.constant 1 : i32
        %add3A_818 = arith.addi %mul3A_787, %add3A_817 : i32
        %get3A_819 = arith.index_cast %add3A_818 : i32 to index
        %get3A_820 = arith.constant 16 : index
        %get3A_821 = tpu.vector_load %arg13[%get3A_819, %get3A_820] {strides = array<i32>} : memref<128x64xf32, #tpu.memory_space<vmem>>, vector<16xf32>,
        %add3A_822 = arith.constant 1 : i32
        %add3A_823 = arith.addi %mul3A_787, %add3A_822 : i32
        %get3A_824 = arith.index_cast %add3A_823 : i32 to index
        %get3A_825 = arith.constant 32 : index
        %get3A_826 = tpu.vector_load %arg13[%get3A_824, %get3A_825] {strides = array<i32>} : memref<128x64xf32, #tpu.memory_space<vmem>>, vector<16xf32>,
        %add3A_827 = arith.constant 1 : i32
        %add3A_828 = arith.addi %mul3A_787, %add3A_827 : i32
        %get3A_829 = arith.index_cast %add3A_828 : i32 to index
        %get3A_830 = arith.constant 48 : index
        %get3A_831 = tpu.vector_load %arg13[%get3A_829, %get3A_830] {strides = array<i32>} : memref<128x64xf32, #tpu.memory_space<vmem>>, vector<16xf32>,
        tpu.vector_store_idx %arg17[%select_n3A, %select_n3A_152, %broadcast_in_dim3A_811], %get3A_816 : memref<8x8x129xf32, #tpu.memory_space<vmem>>[vector<16xi32>, vector<16xi32>, vector<16xi32>], vector<16xf32>,
        tpu.vector_store_idx %arg17[%select_n3A_64, %select_n3A_152, %broadcast_in_dim3A_811], %get3A_821 : memref<8x8x129xf32, #tpu.memory_space<vmem>>[vector<16xi32>, vector<16xi32>, vector<16xi32>], vector<16xf32>,
        tpu.vector_store_idx %arg17[%select_n3A_98, %select_n3A_152, %broadcast_in_dim3A_811], %get3A_826 : memref<8x8x129xf32, #tpu.memory_space<vmem>>[vector<16xi32>, vector<16xi32>, vector<16xi32>], vector<16xf32>,
        tpu.vector_store_idx %arg17[%select_n3A_132, %select_n3A_152, %broadcast_in_dim3A_811], %get3A_831 : memref<8x8x129xf32, #tpu.memory_space<vmem>>[vector<16xi32>, vector<16xi32>, vector<16xi32>], vector<16xf32>,
        %add3A_832 = arith.constant 2 : i32
        %add3A_833 = arith.addi %mul3A_787, %add3A_832 : i32
        %broadcast_in_dim3A_834 = vector.broadcast %add3A_833 : i32 to vector<16xi32>
        %add3A_835 = arith.constant 2 : i32
        %add3A_836 = arith.addi %mul3A_787, %add3A_835 : i32
        %get3A_837 = arith.index_cast %add3A_836 : i32 to index
        %get3A_838 = arith.constant 0 : index
        %get3A_839 = tpu.vector_load %arg13[%get3A_837, %get3A_838] {strides = array<i32>} : memref<128x64xf32, #tpu.memory_space<vmem>>, vector<16xf32>,
        %add3A_840 = arith.constant 2 : i32
        %add3A_841 = arith.addi %mul3A_787, %add3A_840 : i32
        %get3A_842 = arith.index_cast %add3A_841 : i32 to index
        %get3A_843 = arith.constant 16 : index
        %get3A_844 = tpu.vector_load %arg13[%get3A_842, %get3A_843] {strides = array<i32>} : memref<128x64xf32, #tpu.memory_space<vmem>>, vector<16xf32>,
        %add3A_845 = arith.constant 2 : i32
        %add3A_846 = arith.addi %mul3A_787, %add3A_845 : i32
        %get3A_847 = arith.index_cast %add3A_846 : i32 to index
        %get3A_848 = arith.constant 32 : index
        %get3A_849 = tpu.vector_load %arg13[%get3A_847, %get3A_848] {strides = array<i32>} : memref<128x64xf32, #tpu.memory_space<vmem>>, vector<16xf32>,
        %add3A_850 = arith.constant 2 : i32
        %add3A_851 = arith.addi %mul3A_787, %add3A_850 : i32
        %get3A_852 = arith.index_cast %add3A_851 : i32 to index
        %get3A_853 = arith.constant 48 : index
        %get3A_854 = tpu.vector_load %arg13[%get3A_852, %get3A_853] {strides = array<i32>} : memref<128x64xf32, #tpu.memory_space<vmem>>, vector<16xf32>,
        tpu.vector_store_idx %arg17[%select_n3A, %select_n3A_152, %broadcast_in_dim3A_834], %get3A_839 : memref<8x8x129xf32, #tpu.memory_space<vmem>>[vector<16xi32>, vector<16xi32>, vector<16xi32>], vector<16xf32>,
        tpu.vector_store_idx %arg17[%select_n3A_64, %select_n3A_152, %broadcast_in_dim3A_834], %get3A_844 : memref<8x8x129xf32, #tpu.memory_space<vmem>>[vector<16xi32>, vector<16xi32>, vector<16xi32>], vector<16xf32>,
        tpu.vector_store_idx %arg17[%select_n3A_98, %select_n3A_152, %broadcast_in_dim3A_834], %get3A_849 : memref<8x8x129xf32, #tpu.memory_space<vmem>>[vector<16xi32>, vector<16xi32>, vector<16xi32>], vector<16xf32>,
        tpu.vector_store_idx %arg17[%select_n3A_132, %select_n3A_152, %broadcast_in_dim3A_834], %get3A_854 : memref<8x8x129xf32, #tpu.memory_space<vmem>>[vector<16xi32>, vector<16xi32>, vector<16xi32>], vector<16xf32>,
        %add3A_855 = arith.constant 3 : i32
        %add3A_856 = arith.addi %mul3A_787, %add3A_855 : i32
        %broadcast_in_dim3A_857 = vector.broadcast %add3A_856 : i32 to vector<16xi32>
        %add3A_858 = arith.constant 3 : i32
        %add3A_859 = arith.addi %mul3A_787, %add3A_858 : i32
        %get3A_860 = arith.index_cast %add3A_859 : i32 to index
        %get3A_861 = arith.constant 0 : index
        %get3A_862 = tpu.vector_load %arg13[%get3A_860, %get3A_861] {strides = array<i32>} : memref<128x64xf32, #tpu.memory_space<vmem>>, vector<16xf32>,
        %add3A_863 = arith.constant 3 : i32
        %add3A_864 = arith.addi %mul3A_787, %add3A_863 : i32
        %get3A_865 = arith.index_cast %add3A_864 : i32 to index
        %get3A_866 = arith.constant 16 : index
        %get3A_867 = tpu.vector_load %arg13[%get3A_865, %get3A_866] {strides = array<i32>} : memref<128x64xf32, #tpu.memory_space<vmem>>, vector<16xf32>,
        %add3A_868 = arith.constant 3 : i32
        %add3A_869 = arith.addi %mul3A_787, %add3A_868 : i32
        %get3A_870 = arith.index_cast %add3A_869 : i32 to index
        %get3A_871 = arith.constant 32 : index
        %get3A_872 = tpu.vector_load %arg13[%get3A_870, %get3A_871] {strides = array<i32>} : memref<128x64xf32, #tpu.memory_space<vmem>>, vector<16xf32>,
        %add3A_873 = arith.constant 3 : i32
        %add3A_874 = arith.addi %mul3A_787, %add3A_873 : i32
        %get3A_875 = arith.index_cast %add3A_874 : i32 to index
        %get3A_876 = arith.constant 48 : index
        %get3A_877 = tpu.vector_load %arg13[%get3A_875, %get3A_876] {strides = array<i32>} : memref<128x64xf32, #tpu.memory_space<vmem>>, vector<16xf32>,
        tpu.vector_store_idx %arg17[%select_n3A, %select_n3A_152, %broadcast_in_dim3A_857], %get3A_862 : memref<8x8x129xf32, #tpu.memory_space<vmem>>[vector<16xi32>, vector<16xi32>, vector<16xi32>], vector<16xf32>,
        tpu.vector_store_idx %arg17[%select_n3A_64, %select_n3A_152, %broadcast_in_dim3A_857], %get3A_867 : memref<8x8x129xf32, #tpu.memory_space<vmem>>[vector<16xi32>, vector<16xi32>, vector<16xi32>], vector<16xf32>,
        tpu.vector_store_idx %arg17[%select_n3A_98, %select_n3A_152, %broadcast_in_dim3A_857], %get3A_872 : memref<8x8x129xf32, #tpu.memory_space<vmem>>[vector<16xi32>, vector<16xi32>, vector<16xi32>], vector<16xf32>,
        tpu.vector_store_idx %arg17[%select_n3A_132, %select_n3A_152, %broadcast_in_dim3A_857], %get3A_877 : memref<8x8x129xf32, #tpu.memory_space<vmem>>[vector<16xi32>, vector<16xi32>, vector<16xi32>], vector<16xf32>,
        %add3A_878 = arith.constant 4 : i32
        %add3A_879 = arith.addi %mul3A_787, %add3A_878 : i32
        %broadcast_in_dim3A_880 = vector.broadcast %add3A_879 : i32 to vector<16xi32>
        %add3A_881 = arith.constant 4 : i32
        %add3A_882 = arith.addi %mul3A_787, %add3A_881 : i32
        %get3A_883 = arith.index_cast %add3A_882 : i32 to index
        %get3A_884 = arith.constant 0 : index
        %get3A_885 = tpu.vector_load %arg13[%get3A_883, %get3A_884] {strides = array<i32>} : memref<128x64xf32, #tpu.memory_space<vmem>>, vector<16xf32>,
        %add3A_886 = arith.constant 4 : i32
        %add3A_887 = arith.addi %mul3A_787, %add3A_886 : i32
        %get3A_888 = arith.index_cast %add3A_887 : i32 to index
        %get3A_889 = arith.constant 16 : index
        %get3A_890 = tpu.vector_load %arg13[%get3A_888, %get3A_889] {strides = array<i32>} : memref<128x64xf32, #tpu.memory_space<vmem>>, vector<16xf32>,
        %add3A_891 = arith.constant 4 : i32
        %add3A_892 = arith.addi %mul3A_787, %add3A_891 : i32
        %get3A_893 = arith.index_cast %add3A_892 : i32 to index
        %get3A_894 = arith.constant 32 : index
        %get3A_895 = tpu.vector_load %arg13[%get3A_893, %get3A_894] {strides = array<i32>} : memref<128x64xf32, #tpu.memory_space<vmem>>, vector<16xf32>,
        %add3A_896 = arith.constant 4 : i32
        %add3A_897 = arith.addi %mul3A_787, %add3A_896 : i32
        %get3A_898 = arith.index_cast %add3A_897 : i32 to index
        %get3A_899 = arith.constant 48 : index
        %get3A_900 = tpu.vector_load %arg13[%get3A_898, %get3A_899] {strides = array<i32>} : memref<128x64xf32, #tpu.memory_space<vmem>>, vector<16xf32>,
        tpu.vector_store_idx %arg17[%select_n3A, %select_n3A_152, %broadcast_in_dim3A_880], %get3A_885 : memref<8x8x129xf32, #tpu.memory_space<vmem>>[vector<16xi32>, vector<16xi32>, vector<16xi32>], vector<16xf32>,
        tpu.vector_store_idx %arg17[%select_n3A_64, %select_n3A_152, %broadcast_in_dim3A_880], %get3A_890 : memref<8x8x129xf32, #tpu.memory_space<vmem>>[vector<16xi32>, vector<16xi32>, vector<16xi32>], vector<16xf32>,
        tpu.vector_store_idx %arg17[%select_n3A_98, %select_n3A_152, %broadcast_in_dim3A_880], %get3A_895 : memref<8x8x129xf32, #tpu.memory_space<vmem>>[vector<16xi32>, vector<16xi32>, vector<16xi32>], vector<16xf32>,
        tpu.vector_store_idx %arg17[%select_n3A_132, %select_n3A_152, %broadcast_in_dim3A_880], %get3A_900 : memref<8x8x129xf32, #tpu.memory_space<vmem>>[vector<16xi32>, vector<16xi32>, vector<16xi32>], vector<16xf32>,
        %add3A_901 = arith.constant 5 : i32
        %add3A_902 = arith.addi %mul3A_787, %add3A_901 : i32
        %broadcast_in_dim3A_903 = vector.broadcast %add3A_902 : i32 to vector<16xi32>
        %add3A_904 = arith.constant 5 : i32
        %add3A_905 = arith.addi %mul3A_787, %add3A_904 : i32
        %get3A_906 = arith.index_cast %add3A_905 : i32 to index
        %get3A_907 = arith.constant 0 : index
        %get3A_908 = tpu.vector_load %arg13[%get3A_906, %get3A_907] {strides = array<i32>} : memref<128x64xf32, #tpu.memory_space<vmem>>, vector<16xf32>,
        %add3A_909 = arith.constant 5 : i32
        %add3A_910 = arith.addi %mul3A_787, %add3A_909 : i32
        %get3A_911 = arith.index_cast %add3A_910 : i32 to index
        %get3A_912 = arith.constant 16 : index
        %get3A_913 = tpu.vector_load %arg13[%get3A_911, %get3A_912] {strides = array<i32>} : memref<128x64xf32, #tpu.memory_space<vmem>>, vector<16xf32>,
        %add3A_914 = arith.constant 5 : i32
        %add3A_915 = arith.addi %mul3A_787, %add3A_914 : i32
        %get3A_916 = arith.index_cast %add3A_915 : i32 to index
        %get3A_917 = arith.constant 32 : index
        %get3A_918 = tpu.vector_load %arg13[%get3A_916, %get3A_917] {strides = array<i32>} : memref<128x64xf32, #tpu.memory_space<vmem>>, vector<16xf32>,
        %add3A_919 = arith.constant 5 : i32
        %add3A_920 = arith.addi %mul3A_787, %add3A_919 : i32
        %get3A_921 = arith.index_cast %add3A_920 : i32 to index
        %get3A_922 = arith.constant 48 : index
        %get3A_923 = tpu.vector_load %arg13[%get3A_921, %get3A_922] {strides = array<i32>} : memref<128x64xf32, #tpu.memory_space<vmem>>, vector<16xf32>,
        tpu.vector_store_idx %arg17[%select_n3A, %select_n3A_152, %broadcast_in_dim3A_903], %get3A_908 : memref<8x8x129xf32, #tpu.memory_space<vmem>>[vector<16xi32>, vector<16xi32>, vector<16xi32>], vector<16xf32>,
        tpu.vector_store_idx %arg17[%select_n3A_64, %select_n3A_152, %broadcast_in_dim3A_903], %get3A_913 : memref<8x8x129xf32, #tpu.memory_space<vmem>>[vector<16xi32>, vector<16xi32>, vector<16xi32>], vector<16xf32>,
        tpu.vector_store_idx %arg17[%select_n3A_98, %select_n3A_152, %broadcast_in_dim3A_903], %get3A_918 : memref<8x8x129xf32, #tpu.memory_space<vmem>>[vector<16xi32>, vector<16xi32>, vector<16xi32>], vector<16xf32>,
        tpu.vector_store_idx %arg17[%select_n3A_132, %select_n3A_152, %broadcast_in_dim3A_903], %get3A_923 : memref<8x8x129xf32, #tpu.memory_space<vmem>>[vector<16xi32>, vector<16xi32>, vector<16xi32>], vector<16xf32>,
        %add3A_924 = arith.constant 6 : i32
        %add3A_925 = arith.addi %mul3A_787, %add3A_924 : i32
        %broadcast_in_dim3A_926 = vector.broadcast %add3A_925 : i32 to vector<16xi32>
        %add3A_927 = arith.constant 6 : i32
        %add3A_928 = arith.addi %mul3A_787, %add3A_927 : i32
        %get3A_929 = arith.index_cast %add3A_928 : i32 to index
        %get3A_930 = arith.constant 0 : index
        %get3A_931 = tpu.vector_load %arg13[%get3A_929, %get3A_930] {strides = array<i32>} : memref<128x64xf32, #tpu.memory_space<vmem>>, vector<16xf32>,
        %add3A_932 = arith.constant 6 : i32
        %add3A_933 = arith.addi %mul3A_787, %add3A_932 : i32
        %get3A_934 = arith.index_cast %add3A_933 : i32 to index
        %get3A_935 = arith.constant 16 : index
        %get3A_936 = tpu.vector_load %arg13[%get3A_934, %get3A_935] {strides = array<i32>} : memref<128x64xf32, #tpu.memory_space<vmem>>, vector<16xf32>,
        %add3A_937 = arith.constant 6 : i32
        %add3A_938 = arith.addi %mul3A_787, %add3A_937 : i32
        %get3A_939 = arith.index_cast %add3A_938 : i32 to index
        %get3A_940 = arith.constant 32 : index
        %get3A_941 = tpu.vector_load %arg13[%get3A_939, %get3A_940] {strides = array<i32>} : memref<128x64xf32, #tpu.memory_space<vmem>>, vector<16xf32>,
        %add3A_942 = arith.constant 6 : i32
        %add3A_943 = arith.addi %mul3A_787, %add3A_942 : i32
        %get3A_944 = arith.index_cast %add3A_943 : i32 to index
        %get3A_945 = arith.constant 48 : index
        %get3A_946 = tpu.vector_load %arg13[%get3A_944, %get3A_945] {strides = array<i32>} : memref<128x64xf32, #tpu.memory_space<vmem>>, vector<16xf32>,
        tpu.vector_store_idx %arg17[%select_n3A, %select_n3A_152, %broadcast_in_dim3A_926], %get3A_931 : memref<8x8x129xf32, #tpu.memory_space<vmem>>[vector<16xi32>, vector<16xi32>, vector<16xi32>], vector<16xf32>,
        tpu.vector_store_idx %arg17[%select_n3A_64, %select_n3A_152, %broadcast_in_dim3A_926], %get3A_936 : memref<8x8x129xf32, #tpu.memory_space<vmem>>[vector<16xi32>, vector<16xi32>, vector<16xi32>], vector<16xf32>,
        tpu.vector_store_idx %arg17[%select_n3A_98, %select_n3A_152, %broadcast_in_dim3A_926], %get3A_941 : memref<8x8x129xf32, #tpu.memory_space<vmem>>[vector<16xi32>, vector<16xi32>, vector<16xi32>], vector<16xf32>,
        tpu.vector_store_idx %arg17[%select_n3A_132, %select_n3A_152, %broadcast_in_dim3A_926], %get3A_946 : memref<8x8x129xf32, #tpu.memory_space<vmem>>[vector<16xi32>, vector<16xi32>, vector<16xi32>], vector<16xf32>,
        %add3A_947 = arith.constant 7 : i32
        %add3A_948 = arith.addi %mul3A_787, %add3A_947 : i32
        %broadcast_in_dim3A_949 = vector.broadcast %add3A_948 : i32 to vector<16xi32>
        %add3A_950 = arith.constant 7 : i32
        %add3A_951 = arith.addi %mul3A_787, %add3A_950 : i32
        %get3A_952 = arith.index_cast %add3A_951 : i32 to index
        %get3A_953 = arith.constant 0 : index
        %get3A_954 = tpu.vector_load %arg13[%get3A_952, %get3A_953] {strides = array<i32>} : memref<128x64xf32, #tpu.memory_space<vmem>>, vector<16xf32>,
        %add3A_955 = arith.constant 7 : i32
        %add3A_956 = arith.addi %mul3A_787, %add3A_955 : i32
        %get3A_957 = arith.index_cast %add3A_956 : i32 to index
        %get3A_958 = arith.constant 16 : index
        %get3A_959 = tpu.vector_load %arg13[%get3A_957, %get3A_958] {strides = array<i32>} : memref<128x64xf32, #tpu.memory_space<vmem>>, vector<16xf32>,
        %add3A_960 = arith.constant 7 : i32
        %add3A_961 = arith.addi %mul3A_787, %add3A_960 : i32
        %get3A_962 = arith.index_cast %add3A_961 : i32 to index
        %get3A_963 = arith.constant 32 : index
        %get3A_964 = tpu.vector_load %arg13[%get3A_962, %get3A_963] {strides = array<i32>} : memref<128x64xf32, #tpu.memory_space<vmem>>, vector<16xf32>,
        %add3A_965 = arith.constant 7 : i32
        %add3A_966 = arith.addi %mul3A_787, %add3A_965 : i32
        %get3A_967 = arith.index_cast %add3A_966 : i32 to index
        %get3A_968 = arith.constant 48 : index
        %get3A_969 = tpu.vector_load %arg13[%get3A_967, %get3A_968] {strides = array<i32>} : memref<128x64xf32, #tpu.memory_space<vmem>>, vector<16xf32>,
        tpu.vector_store_idx %arg17[%select_n3A, %select_n3A_152, %broadcast_in_dim3A_949], %get3A_954 : memref<8x8x129xf32, #tpu.memory_space<vmem>>[vector<16xi32>, vector<16xi32>, vector<16xi32>], vector<16xf32>,
        tpu.vector_store_idx %arg17[%select_n3A_64, %select_n3A_152, %broadcast_in_dim3A_949], %get3A_959 : memref<8x8x129xf32, #tpu.memory_space<vmem>>[vector<16xi32>, vector<16xi32>, vector<16xi32>], vector<16xf32>,
        tpu.vector_store_idx %arg17[%select_n3A_98, %select_n3A_152, %broadcast_in_dim3A_949], %get3A_964 : memref<8x8x129xf32, #tpu.memory_space<vmem>>[vector<16xi32>, vector<16xi32>, vector<16xi32>], vector<16xf32>,
        tpu.vector_store_idx %arg17[%select_n3A_132, %select_n3A_152, %broadcast_in_dim3A_949], %get3A_969 : memref<8x8x129xf32, #tpu.memory_space<vmem>>[vector<16xi32>, vector<16xi32>, vector<16xi32>], vector<16xf32>,
      }
      %scan3A_455 = arith.constant 16 : i32
      %add3A_456 = arith.addi %mul3A_4, %add3A_442 : i32
      %jit3A_457 = arith.constant 32 : i32
      %div3A_458 = arith.divsi %add3A_456, %jit3A_457 : i32
      %sign3A_459 = arith.constant 0 : i32
      %sign3A_460 = arith.cmpi sgt, %add3A_456, %sign3A_459 : i32
      %sign3A_461 = arith.extui %sign3A_460 : i1 to i32
      %sign3A_462 = arith.constant 0 : i32
      %sign3A_463 = arith.cmpi slt, %add3A_456, %sign3A_462 : i32
      %sign3A_464 = arith.extui %sign3A_463 : i1 to i32
      %sign3A_465 = arith.subi %sign3A_461, %sign3A_464 : i32
      %sign3A_466 = arith.constant 0 : i32
      %sign3A_467 = arith.cmpi sgt, %jit3A_457, %sign3A_466 : i32
      %sign3A_468 = arith.extui %sign3A_467 : i1 to i32
      %sign3A_469 = arith.constant 0 : i32
      %sign3A_470 = arith.cmpi slt, %jit3A_457, %sign3A_469 : i32
      %sign3A_471 = arith.extui %sign3A_470 : i1 to i32
      %sign3A_472 = arith.subi %sign3A_468, %sign3A_471 : i32
      %ne3A_473 = arith.cmpi ne, %sign3A_465, %sign3A_472 : i32
      %rem3A_474 = arith.remsi %add3A_456, %jit3A_457 : i32
      %ne3A_475 = arith.constant 0 : i32
      %ne3A_476 = arith.cmpi ne, %rem3A_474, %ne3A_475 : i32
      %and3A_477 = arith.andi %ne3A_473, %ne3A_476 : i1
      %sub3A_478 = arith.constant 1 : i32
      %sub3A_479 = arith.subi %div3A_458, %sub3A_478 : i32
      %select_n3A_480 = arith.select %and3A_477, %sub3A_479, %div3A_458 : i32
      %jit3A_481 = arith.constant 32 : i32
      %eq3A_482 = arith.constant 0 : i32
      %eq3A_483 = arith.cmpi eq, %jit3A_481, %eq3A_482 : i32
      %jit3A_484 = arith.constant 1 : i32
      %select_n3A_485 = arith.select %eq3A_483, %jit3A_484, %jit3A_481 : i32
      %rem3A_486 = arith.remsi %add3A_456, %select_n3A_485 : i32
      %ne3A_487 = arith.constant 0 : i32
      %ne3A_488 = arith.cmpi ne, %rem3A_486, %ne3A_487 : i32
      %lt3A_489 = arith.constant 0 : i32
      %lt3A_490 = arith.cmpi slt, %rem3A_486, %lt3A_489 : i32
      %lt3A_491 = arith.constant 0 : i32
      %lt3A_492 = arith.cmpi slt, %select_n3A_485, %lt3A_491 : i32
      %ne3A_493 = arith.xori %lt3A_490, %lt3A_492 : i1
      %and3A_494 = arith.andi %ne3A_493, %ne3A_488 : i1
      %add3A_495 = arith.addi %rem3A_486, %select_n3A_485 : i32
      %select_n3A_496 = arith.select %and3A_494, %add3A_495, %rem3A_486 : i32
      %dma_start3A_497 = arith.constant 0 : i32
      %dma_start3A_498 = arith.constant 0 : i32
      %dma_start3A_499 = arith.constant 0 : i32
      %dma_start3A_500 = tpu.memref_slice %arg17[%dma_start3A_497, %dma_start3A_498, %dma_start3A_499] : memref<8x8x129xf32, #tpu.memory_space<vmem>> -> memref<8x8x128xf32, #tpu.memory_space<vmem>>
      %dma_start3A_501 = arith.constant 0 : i32
      %dma_start3A_502 = arith.constant 0 : i32
      %dma_start3A_503 = arith.constant 0 : i32
      %dma_start3A_504 = tpu.memref_slice %arg6[%select_n3A_480, %dma_start3A_501, %select_n3A_496, %dma_start3A_502, %dma_start3A_503] : memref<200x8x32x8x128xf32, #tpu.memory_space<hbm>> -> memref<1x8x1x8x128xf32, #tpu.memory_space<hbm>>
      %dma_start3A_505 = tpu.memref_squeeze %dma_start3A_504 : memref<1x8x1x8x128xf32, #tpu.memory_space<hbm>> -> memref<8x8x128xf32, #tpu.memory_space<hbm>>
      %dma_start3A_506 = arith.constant 0 : i32
      %dma_start3A_507 = arith.constant 0 : i32
      %dma_start3A_508 = arith.constant 0 : i32
      %dma_start3A_509 = tpu.memref_slice %arg6[%select_n3A_480, %dma_start3A_506, %select_n3A_496, %dma_start3A_507, %dma_start3A_508] : memref<200x8x32x8x128xf32, #tpu.memory_space<hbm>> -> memref<1x8x1x8x128xf32, #tpu.memory_space<hbm>>
      %dma_start3A_510 = tpu.memref_squeeze %dma_start3A_509 : memref<1x8x1x8x128xf32, #tpu.memory_space<hbm>> -> memref<8x8x128xf32, #tpu.memory_space<hbm>>
      %dma_start3A_511 = arith.constant 0 : i32
      %dma_start3A_512 = arith.constant 0 : i32
      %dma_start3A_513 = arith.constant 0 : i32
      %dma_start3A_514 = tpu.memref_slice %arg17[%dma_start3A_511, %dma_start3A_512, %dma_start3A_513] : memref<8x8x129xf32, #tpu.memory_space<vmem>> -> memref<8x8x128xf32, #tpu.memory_space<vmem>>
      tpu.enqueue_dma source(%dma_start3A_514 : memref<8x8x128xf32, #tpu.memory_space<vmem>>) target(%dma_start3A_510 : memref<8x8x128xf32, #tpu.memory_space<hbm>>) target_semaphore(%arg25 : memref<!tpu.dma_semaphore, #tpu.memory_space<semaphore_mem>>)
      %mul3A_515 = arith.constant 4 : i32
      %mul3A_516 = arith.muli %scan3A_211, %mul3A_515 : i32
      %add3A_517 = arith.constant 0 : i32
      %add3A_518 = arith.addi %mul3A_516, %add3A_517 : i32
      %add3A_519 = arith.addi %mul3A_4, %add3A_518 : i32
      %jit3A_520 = arith.constant 32 : i32
      %div3A_521 = arith.divsi %add3A_519, %jit3A_520 : i32
      %sign3A_522 = arith.constant 0 : i32
      %sign3A_523 = arith.cmpi sgt, %add3A_519, %sign3A_522 : i32
      %sign3A_524 = arith.extui %sign3A_523 : i1 to i32
      %sign3A_525 = arith.constant 0 : i32
      %sign3A_526 = arith.cmpi slt, %add3A_519, %sign3A_525 : i32
      %sign3A_527 = arith.extui %sign3A_526 : i1 to i32
      %sign3A_528 = arith.subi %sign3A_524, %sign3A_527 : i32
      %sign3A_529 = arith.constant 0 : i32
      %sign3A_530 = arith.cmpi sgt, %jit3A_520, %sign3A_529 : i32
      %sign3A_531 = arith.extui %sign3A_530 : i1 to i32
      %sign3A_532 = arith.constant 0 : i32
      %sign3A_533 = arith.cmpi slt, %jit3A_520, %sign3A_532 : i32
      %sign3A_534 = arith.extui %sign3A_533 : i1 to i32
      %sign3A_535 = arith.subi %sign3A_531, %sign3A_534 : i32
      %ne3A_536 = arith.cmpi ne, %sign3A_528, %sign3A_535 : i32
      %rem3A_537 = arith.remsi %add3A_519, %jit3A_520 : i32
      %ne3A_538 = arith.constant 0 : i32
      %ne3A_539 = arith.cmpi ne, %rem3A_537, %ne3A_538 : i32
      %and3A_540 = arith.andi %ne3A_536, %ne3A_539 : i1
      %sub3A_541 = arith.constant 1 : i32
      %sub3A_542 = arith.subi %div3A_521, %sub3A_541 : i32
      %select_n3A_543 = arith.select %and3A_540, %sub3A_542, %div3A_521 : i32
      %jit3A_544 = arith.constant 32 : i32
      %eq3A_545 = arith.constant 0 : i32
      %eq3A_546 = arith.cmpi eq, %jit3A_544, %eq3A_545 : i32
      %jit3A_547 = arith.constant 1 : i32
      %select_n3A_548 = arith.select %eq3A_546, %jit3A_547, %jit3A_544 : i32
      %rem3A_549 = arith.remsi %add3A_519, %select_n3A_548 : i32
      %ne3A_550 = arith.constant 0 : i32
      %ne3A_551 = arith.cmpi ne, %rem3A_549, %ne3A_550 : i32
      %lt3A_552 = arith.constant 0 : i32
      %lt3A_553 = arith.cmpi slt, %rem3A_549, %lt3A_552 : i32
      %lt3A_554 = arith.constant 0 : i32
      %lt3A_555 = arith.cmpi slt, %select_n3A_548, %lt3A_554 : i32
      %ne3A_556 = arith.xori %lt3A_553, %lt3A_555 : i1
      %and3A_557 = arith.andi %ne3A_556, %ne3A_551 : i1
      %add3A_558 = arith.addi %rem3A_549, %select_n3A_548 : i32
      %select_n3A_559 = arith.select %and3A_557, %add3A_558, %rem3A_549 : i32
      %dma_wait3A_560 = arith.constant 0 : i32
      %dma_wait3A_561 = arith.constant 0 : i32
      %dma_wait3A_562 = arith.constant 0 : i32
      %dma_wait3A_563 = tpu.memref_slice %arg14[%dma_wait3A_560, %dma_wait3A_561, %dma_wait3A_562] : memref<8x8x129xf32, #tpu.memory_space<vmem>> -> memref<8x8x128xf32, #tpu.memory_space<vmem>>
      %dma_wait3A_564 = arith.constant 0 : i32
      %dma_wait3A_565 = arith.constant 0 : i32
      %dma_wait3A_566 = arith.constant 0 : i32
      %dma_wait3A_567 = tpu.memref_slice %arg6[%select_n3A_543, %dma_wait3A_564, %select_n3A_559, %dma_wait3A_565, %dma_wait3A_566] : memref<200x8x32x8x128xf32, #tpu.memory_space<hbm>> -> memref<1x8x1x8x128xf32, #tpu.memory_space<hbm>>
      %dma_wait3A_568 = tpu.memref_squeeze %dma_wait3A_567 : memref<1x8x1x8x128xf32, #tpu.memory_space<hbm>> -> memref<8x8x128xf32, #tpu.memory_space<hbm>>
      %dma_wait3A_569 = arith.constant 0 : i32
      %dma_wait3A_570 = arith.constant 0 : i32
      %dma_wait3A_571 = arith.constant 0 : i32
      %dma_wait3A_572 = tpu.memref_slice %arg6[%select_n3A_543, %dma_wait3A_569, %select_n3A_559, %dma_wait3A_570, %dma_wait3A_571] : memref<200x8x32x8x128xf32, #tpu.memory_space<hbm>> -> memref<1x8x1x8x128xf32, #tpu.memory_space<hbm>>
      %dma_wait3A_573 = tpu.memref_squeeze %dma_wait3A_572 : memref<1x8x1x8x128xf32, #tpu.memory_space<hbm>> -> memref<8x8x128xf32, #tpu.memory_space<hbm>>
      %dma_wait3A_574 = arith.constant 0 : i32
      %dma_wait3A_575 = arith.constant 0 : i32
      %dma_wait3A_576 = arith.constant 0 : i32
      %dma_wait3A_577 = tpu.memref_slice %arg14[%dma_wait3A_574, %dma_wait3A_575, %dma_wait3A_576] : memref<8x8x129xf32, #tpu.memory_space<vmem>> -> memref<8x8x128xf32, #tpu.memory_space<vmem>>
      tpu.wait_dma2 semaphore(%arg22 : memref<!tpu.dma_semaphore, #tpu.memory_space<semaphore_mem>>) src(%dma_wait3A_577 : memref<8x8x128xf32, #tpu.memory_space<vmem>>) dst(%dma_wait3A_573 : memref<8x8x128xf32, #tpu.memory_space<hbm>>)
      %lt3A_578 = arith.constant 49 : i32
      %lt3A_579 = arith.cmpi slt, %scan3A_211, %lt3A_578 : i32
      %convert_element_type3A = arith.extui %lt3A_579 : i1 to i32
      %cond3A = arith.constant 0 : i32
      %cond3A_580 = arith.cmpi ne, %convert_element_type3A, %cond3A : i32
      scf.if %cond3A_580 {
        %add3A_785 = arith.constant 4 : i32
        %add3A_786 = arith.addi %add3A_518, %add3A_785 : i32
        %mul3A_787 = arith.constant 128 : i32
        %mul3A_788 = arith.muli %add3A_786, %mul3A_787 : i32
        %multiple_of3A_789 = tpu.assume_multiple %mul3A_788, 8 : i32
        %dma_start3A_790 = tpu.memref_slice %arg8[%multiple_of3A_789] : memref<25600xi32, #tpu.memory_space<vmem>> -> memref<128xi32, #tpu.memory_space<vmem>>
        %dma_start3A_791 = arith.constant 0 : i32
        %dma_start3A_792 = arith.constant 0 : i32
        %dma_start3A_793 = tpu.memref_slice %arg4[%dma_start3A_791, %dma_start3A_792] : memref<1000000x64xf32, #tpu.memory_space<hbm>> -> memref<1000000x64xf32, #tpu.memory_space<hbm>>
        tpu.enqueue_indirect_dma source(%dma_start3A_793 : memref<1000000x64xf32, #tpu.memory_space<hbm>>) target(%arg10 : memref<128x64xf32, #tpu.memory_space<vmem>>) offsets(%dma_start3A_790 : memref<128xi32, #tpu.memory_space<vmem>>) semaphore(%arg18 : memref<!tpu.dma_semaphore, #tpu.memory_space<semaphore_mem>>)
      } else {
      }
      %mul3A_581 = arith.constant 4 : i32
      %mul3A_582 = arith.muli %scan3A_211, %mul3A_581 : i32
      %add3A_583 = arith.constant 1 : i32
      %add3A_584 = arith.addi %mul3A_582, %add3A_583 : i32
      %add3A_585 = arith.addi %mul3A_4, %add3A_584 : i32
      %jit3A_586 = arith.constant 32 : i32
      %div3A_587 = arith.divsi %add3A_585, %jit3A_586 : i32
      %sign3A_588 = arith.constant 0 : i32
      %sign3A_589 = arith.cmpi sgt, %add3A_585, %sign3A_588 : i32
      %sign3A_590 = arith.extui %sign3A_589 : i1 to i32
      %sign3A_591 = arith.constant 0 : i32
      %sign3A_592 = arith.cmpi slt, %add3A_585, %sign3A_591 : i32
      %sign3A_593 = arith.extui %sign3A_592 : i1 to i32
      %sign3A_594 = arith.subi %sign3A_590, %sign3A_593 : i32
      %sign3A_595 = arith.constant 0 : i32
      %sign3A_596 = arith.cmpi sgt, %jit3A_586, %sign3A_595 : i32
      %sign3A_597 = arith.extui %sign3A_596 : i1 to i32
      %sign3A_598 = arith.constant 0 : i32
      %sign3A_599 = arith.cmpi slt, %jit3A_586, %sign3A_598 : i32
      %sign3A_600 = arith.extui %sign3A_599 : i1 to i32
      %sign3A_601 = arith.subi %sign3A_597, %sign3A_600 : i32
      %ne3A_602 = arith.cmpi ne, %sign3A_594, %sign3A_601 : i32
      %rem3A_603 = arith.remsi %add3A_585, %jit3A_586 : i32
      %ne3A_604 = arith.constant 0 : i32
      %ne3A_605 = arith.cmpi ne, %rem3A_603, %ne3A_604 : i32
      %and3A_606 = arith.andi %ne3A_602, %ne3A_605 : i1
      %sub3A_607 = arith.constant 1 : i32
      %sub3A_608 = arith.subi %div3A_587, %sub3A_607 : i32
      %select_n3A_609 = arith.select %and3A_606, %sub3A_608, %div3A_587 : i32
      %jit3A_610 = arith.constant 32 : i32
      %eq3A_611 = arith.constant 0 : i32
      %eq3A_612 = arith.cmpi eq, %jit3A_610, %eq3A_611 : i32
      %jit3A_613 = arith.constant 1 : i32
      %select_n3A_614 = arith.select %eq3A_612, %jit3A_613, %jit3A_610 : i32
      %rem3A_615 = arith.remsi %add3A_585, %select_n3A_614 : i32
      %ne3A_616 = arith.constant 0 : i32
      %ne3A_617 = arith.cmpi ne, %rem3A_615, %ne3A_616 : i32
      %lt3A_618 = arith.constant 0 : i32
      %lt3A_619 = arith.cmpi slt, %rem3A_615, %lt3A_618 : i32
      %lt3A_620 = arith.constant 0 : i32
      %lt3A_621 = arith.cmpi slt, %select_n3A_614, %lt3A_620 : i32
      %ne3A_622 = arith.xori %lt3A_619, %lt3A_621 : i1
      %and3A_623 = arith.andi %ne3A_622, %ne3A_617 : i1
      %add3A_624 = arith.addi %rem3A_615, %select_n3A_614 : i32
      %select_n3A_625 = arith.select %and3A_623, %add3A_624, %rem3A_615 : i32
      %dma_wait3A_626 = arith.constant 0 : i32
      %dma_wait3A_627 = arith.constant 0 : i32
      %dma_wait3A_628 = arith.constant 0 : i32
      %dma_wait3A_629 = tpu.memref_slice %arg15[%dma_wait3A_626, %dma_wait3A_627, %dma_wait3A_628] : memref<8x8x129xf32, #tpu.memory_space<vmem>> -> memref<8x8x128xf32, #tpu.memory_space<vmem>>
      %dma_wait3A_630 = arith.constant 0 : i32
      %dma_wait3A_631 = arith.constant 0 : i32
      %dma_wait3A_632 = arith.constant 0 : i32
      %dma_wait3A_633 = tpu.memref_slice %arg6[%select_n3A_609, %dma_wait3A_630, %select_n3A_625, %dma_wait3A_631, %dma_wait3A_632] : memref<200x8x32x8x128xf32, #tpu.memory_space<hbm>> -> memref<1x8x1x8x128xf32, #tpu.memory_space<hbm>>
      %dma_wait3A_634 = tpu.memref_squeeze %dma_wait3A_633 : memref<1x8x1x8x128xf32, #tpu.memory_space<hbm>> -> memref<8x8x128xf32, #tpu.memory_space<hbm>>
      %dma_wait3A_635 = arith.constant 0 : i32
      %dma_wait3A_636 = arith.constant 0 : i32
      %dma_wait3A_637 = arith.constant 0 : i32
      %dma_wait3A_638 = tpu.memref_slice %arg6[%select_n3A_609, %dma_wait3A_635, %select_n3A_625, %dma_wait3A_636, %dma_wait3A_637] : memref<200x8x32x8x128xf32, #tpu.memory_space<hbm>> -> memref<1x8x1x8x128xf32, #tpu.memory_space<hbm>>
      %dma_wait3A_639 = tpu.memref_squeeze %dma_wait3A_638 : memref<1x8x1x8x128xf32, #tpu.memory_space<hbm>> -> memref<8x8x128xf32, #tpu.memory_space<hbm>>
      %dma_wait3A_640 = arith.constant 0 : i32
      %dma_wait3A_641 = arith.constant 0 : i32
      %dma_wait3A_642 = arith.constant 0 : i32
      %dma_wait3A_643 = tpu.memref_slice %arg15[%dma_wait3A_640, %dma_wait3A_641, %dma_wait3A_642] : memref<8x8x129xf32, #tpu.memory_space<vmem>> -> memref<8x8x128xf32, #tpu.memory_space<vmem>>
      tpu.wait_dma2 semaphore(%arg23 : memref<!tpu.dma_semaphore, #tpu.memory_space<semaphore_mem>>) src(%dma_wait3A_643 : memref<8x8x128xf32, #tpu.memory_space<vmem>>) dst(%dma_wait3A_639 : memref<8x8x128xf32, #tpu.memory_space<hbm>>)
      %lt3A_644 = arith.constant 49 : i32
      %lt3A_645 = arith.cmpi slt, %scan3A_211, %lt3A_644 : i32
      %convert_element_type3A_646 = arith.extui %lt3A_645 : i1 to i32
      %cond3A_647 = arith.constant 0 : i32
      %cond3A_648 = arith.cmpi ne, %convert_element_type3A_646, %cond3A_647 : i32
      scf.if %cond3A_648 {
        %add3A_785 = arith.constant 4 : i32
        %add3A_786 = arith.addi %add3A_584, %add3A_785 : i32
        %mul3A_787 = arith.constant 128 : i32
        %mul3A_788 = arith.muli %add3A_786, %mul3A_787 : i32
        %multiple_of3A_789 = tpu.assume_multiple %mul3A_788, 8 : i32
        %dma_start3A_790 = tpu.memref_slice %arg8[%multiple_of3A_789] : memref<25600xi32, #tpu.memory_space<vmem>> -> memref<128xi32, #tpu.memory_space<vmem>>
        %dma_start3A_791 = arith.constant 0 : i32
        %dma_start3A_792 = arith.constant 0 : i32
        %dma_start3A_793 = tpu.memref_slice %arg4[%dma_start3A_791, %dma_start3A_792] : memref<1000000x64xf32, #tpu.memory_space<hbm>> -> memref<1000000x64xf32, #tpu.memory_space<hbm>>
        tpu.enqueue_indirect_dma source(%dma_start3A_793 : memref<1000000x64xf32, #tpu.memory_space<hbm>>) target(%arg11 : memref<128x64xf32, #tpu.memory_space<vmem>>) offsets(%dma_start3A_790 : memref<128xi32, #tpu.memory_space<vmem>>) semaphore(%arg19 : memref<!tpu.dma_semaphore, #tpu.memory_space<semaphore_mem>>)
      } else {
      }
      %mul3A_649 = arith.constant 4 : i32
      %mul3A_650 = arith.muli %scan3A_211, %mul3A_649 : i32
      %add3A_651 = arith.constant 2 : i32
      %add3A_652 = arith.addi %mul3A_650, %add3A_651 : i32
      %add3A_653 = arith.addi %mul3A_4, %add3A_652 : i32
      %jit3A_654 = arith.constant 32 : i32
      %div3A_655 = arith.divsi %add3A_653, %jit3A_654 : i32
      %sign3A_656 = arith.constant 0 : i32
      %sign3A_657 = arith.cmpi sgt, %add3A_653, %sign3A_656 : i32
      %sign3A_658 = arith.extui %sign3A_657 : i1 to i32
      %sign3A_659 = arith.constant 0 : i32
      %sign3A_660 = arith.cmpi slt, %add3A_653, %sign3A_659 : i32
      %sign3A_661 = arith.extui %sign3A_660 : i1 to i32
      %sign3A_662 = arith.subi %sign3A_658, %sign3A_661 : i32
      %sign3A_663 = arith.constant 0 : i32
      %sign3A_664 = arith.cmpi sgt, %jit3A_654, %sign3A_663 : i32
      %sign3A_665 = arith.extui %sign3A_664 : i1 to i32
      %sign3A_666 = arith.constant 0 : i32
      %sign3A_667 = arith.cmpi slt, %jit3A_654, %sign3A_666 : i32
      %sign3A_668 = arith.extui %sign3A_667 : i1 to i32
      %sign3A_669 = arith.subi %sign3A_665, %sign3A_668 : i32
      %ne3A_670 = arith.cmpi ne, %sign3A_662, %sign3A_669 : i32
      %rem3A_671 = arith.remsi %add3A_653, %jit3A_654 : i32
      %ne3A_672 = arith.constant 0 : i32
      %ne3A_673 = arith.cmpi ne, %rem3A_671, %ne3A_672 : i32
      %and3A_674 = arith.andi %ne3A_670, %ne3A_673 : i1
      %sub3A_675 = arith.constant 1 : i32
      %sub3A_676 = arith.subi %div3A_655, %sub3A_675 : i32
      %select_n3A_677 = arith.select %and3A_674, %sub3A_676, %div3A_655 : i32
      %jit3A_678 = arith.constant 32 : i32
      %eq3A_679 = arith.constant 0 : i32
      %eq3A_680 = arith.cmpi eq, %jit3A_678, %eq3A_679 : i32
      %jit3A_681 = arith.constant 1 : i32
      %select_n3A_682 = arith.select %eq3A_680, %jit3A_681, %jit3A_678 : i32
      %rem3A_683 = arith.remsi %add3A_653, %select_n3A_682 : i32
      %ne3A_684 = arith.constant 0 : i32
      %ne3A_685 = arith.cmpi ne, %rem3A_683, %ne3A_684 : i32
      %lt3A_686 = arith.constant 0 : i32
      %lt3A_687 = arith.cmpi slt, %rem3A_683, %lt3A_686 : i32
      %lt3A_688 = arith.constant 0 : i32
      %lt3A_689 = arith.cmpi slt, %select_n3A_682, %lt3A_688 : i32
      %ne3A_690 = arith.xori %lt3A_687, %lt3A_689 : i1
      %and3A_691 = arith.andi %ne3A_690, %ne3A_685 : i1
      %add3A_692 = arith.addi %rem3A_683, %select_n3A_682 : i32
      %select_n3A_693 = arith.select %and3A_691, %add3A_692, %rem3A_683 : i32
      %dma_wait3A_694 = arith.constant 0 : i32
      %dma_wait3A_695 = arith.constant 0 : i32
      %dma_wait3A_696 = arith.constant 0 : i32
      %dma_wait3A_697 = tpu.memref_slice %arg16[%dma_wait3A_694, %dma_wait3A_695, %dma_wait3A_696] : memref<8x8x129xf32, #tpu.memory_space<vmem>> -> memref<8x8x128xf32, #tpu.memory_space<vmem>>
      %dma_wait3A_698 = arith.constant 0 : i32
      %dma_wait3A_699 = arith.constant 0 : i32
      %dma_wait3A_700 = arith.constant 0 : i32
      %dma_wait3A_701 = tpu.memref_slice %arg6[%select_n3A_677, %dma_wait3A_698, %select_n3A_693, %dma_wait3A_699, %dma_wait3A_700] : memref<200x8x32x8x128xf32, #tpu.memory_space<hbm>> -> memref<1x8x1x8x128xf32, #tpu.memory_space<hbm>>
      %dma_wait3A_702 = tpu.memref_squeeze %dma_wait3A_701 : memref<1x8x1x8x128xf32, #tpu.memory_space<hbm>> -> memref<8x8x128xf32, #tpu.memory_space<hbm>>
      %dma_wait3A_703 = arith.constant 0 : i32
      %dma_wait3A_704 = arith.constant 0 : i32
      %dma_wait3A_705 = arith.constant 0 : i32
      %dma_wait3A_706 = tpu.memref_slice %arg6[%select_n3A_677, %dma_wait3A_703, %select_n3A_693, %dma_wait3A_704, %dma_wait3A_705] : memref<200x8x32x8x128xf32, #tpu.memory_space<hbm>> -> memref<1x8x1x8x128xf32, #tpu.memory_space<hbm>>
      %dma_wait3A_707 = tpu.memref_squeeze %dma_wait3A_706 : memref<1x8x1x8x128xf32, #tpu.memory_space<hbm>> -> memref<8x8x128xf32, #tpu.memory_space<hbm>>
      %dma_wait3A_708 = arith.constant 0 : i32
      %dma_wait3A_709 = arith.constant 0 : i32
      %dma_wait3A_710 = arith.constant 0 : i32
      %dma_wait3A_711 = tpu.memref_slice %arg16[%dma_wait3A_708, %dma_wait3A_709, %dma_wait3A_710] : memref<8x8x129xf32, #tpu.memory_space<vmem>> -> memref<8x8x128xf32, #tpu.memory_space<vmem>>
      tpu.wait_dma2 semaphore(%arg24 : memref<!tpu.dma_semaphore, #tpu.memory_space<semaphore_mem>>) src(%dma_wait3A_711 : memref<8x8x128xf32, #tpu.memory_space<vmem>>) dst(%dma_wait3A_707 : memref<8x8x128xf32, #tpu.memory_space<hbm>>)
      %lt3A_712 = arith.constant 49 : i32
      %lt3A_713 = arith.cmpi slt, %scan3A_211, %lt3A_712 : i32
      %convert_element_type3A_714 = arith.extui %lt3A_713 : i1 to i32
      %cond3A_715 = arith.constant 0 : i32
      %cond3A_716 = arith.cmpi ne, %convert_element_type3A_714, %cond3A_715 : i32
      scf.if %cond3A_716 {
        %add3A_785 = arith.constant 4 : i32
        %add3A_786 = arith.addi %add3A_652, %add3A_785 : i32
        %mul3A_787 = arith.constant 128 : i32
        %mul3A_788 = arith.muli %add3A_786, %mul3A_787 : i32
        %multiple_of3A_789 = tpu.assume_multiple %mul3A_788, 8 : i32
        %dma_start3A_790 = tpu.memref_slice %arg8[%multiple_of3A_789] : memref<25600xi32, #tpu.memory_space<vmem>> -> memref<128xi32, #tpu.memory_space<vmem>>
        %dma_start3A_791 = arith.constant 0 : i32
        %dma_start3A_792 = arith.constant 0 : i32
        %dma_start3A_793 = tpu.memref_slice %arg4[%dma_start3A_791, %dma_start3A_792] : memref<1000000x64xf32, #tpu.memory_space<hbm>> -> memref<1000000x64xf32, #tpu.memory_space<hbm>>
        tpu.enqueue_indirect_dma source(%dma_start3A_793 : memref<1000000x64xf32, #tpu.memory_space<hbm>>) target(%arg12 : memref<128x64xf32, #tpu.memory_space<vmem>>) offsets(%dma_start3A_790 : memref<128xi32, #tpu.memory_space<vmem>>) semaphore(%arg20 : memref<!tpu.dma_semaphore, #tpu.memory_space<semaphore_mem>>)
      } else {
      }
      %mul3A_717 = arith.constant 4 : i32
      %mul3A_718 = arith.muli %scan3A_211, %mul3A_717 : i32
      %add3A_719 = arith.constant 3 : i32
      %add3A_720 = arith.addi %mul3A_718, %add3A_719 : i32
      %add3A_721 = arith.addi %mul3A_4, %add3A_720 : i32
      %jit3A_722 = arith.constant 32 : i32
      %div3A_723 = arith.divsi %add3A_721, %jit3A_722 : i32
      %sign3A_724 = arith.constant 0 : i32
      %sign3A_725 = arith.cmpi sgt, %add3A_721, %sign3A_724 : i32
      %sign3A_726 = arith.extui %sign3A_725 : i1 to i32
      %sign3A_727 = arith.constant 0 : i32
      %sign3A_728 = arith.cmpi slt, %add3A_721, %sign3A_727 : i32
      %sign3A_729 = arith.extui %sign3A_728 : i1 to i32
      %sign3A_730 = arith.subi %sign3A_726, %sign3A_729 : i32
      %sign3A_731 = arith.constant 0 : i32
      %sign3A_732 = arith.cmpi sgt, %jit3A_722, %sign3A_731 : i32
      %sign3A_733 = arith.extui %sign3A_732 : i1 to i32
      %sign3A_734 = arith.constant 0 : i32
      %sign3A_735 = arith.cmpi slt, %jit3A_722, %sign3A_734 : i32
      %sign3A_736 = arith.extui %sign3A_735 : i1 to i32
      %sign3A_737 = arith.subi %sign3A_733, %sign3A_736 : i32
      %ne3A_738 = arith.cmpi ne, %sign3A_730, %sign3A_737 : i32
      %rem3A_739 = arith.remsi %add3A_721, %jit3A_722 : i32
      %ne3A_740 = arith.constant 0 : i32
      %ne3A_741 = arith.cmpi ne, %rem3A_739, %ne3A_740 : i32
      %and3A_742 = arith.andi %ne3A_738, %ne3A_741 : i1
      %sub3A_743 = arith.constant 1 : i32
      %sub3A_744 = arith.subi %div3A_723, %sub3A_743 : i32
      %select_n3A_745 = arith.select %and3A_742, %sub3A_744, %div3A_723 : i32
      %jit3A_746 = arith.constant 32 : i32
      %eq3A_747 = arith.constant 0 : i32
      %eq3A_748 = arith.cmpi eq, %jit3A_746, %eq3A_747 : i32
      %jit3A_749 = arith.constant 1 : i32
      %select_n3A_750 = arith.select %eq3A_748, %jit3A_749, %jit3A_746 : i32
      %rem3A_751 = arith.remsi %add3A_721, %select_n3A_750 : i32
      %ne3A_752 = arith.constant 0 : i32
      %ne3A_753 = arith.cmpi ne, %rem3A_751, %ne3A_752 : i32
      %lt3A_754 = arith.constant 0 : i32
      %lt3A_755 = arith.cmpi slt, %rem3A_751, %lt3A_754 : i32
      %lt3A_756 = arith.constant 0 : i32
      %lt3A_757 = arith.cmpi slt, %select_n3A_750, %lt3A_756 : i32
      %ne3A_758 = arith.xori %lt3A_755, %lt3A_757 : i1
      %and3A_759 = arith.andi %ne3A_758, %ne3A_753 : i1
      %add3A_760 = arith.addi %rem3A_751, %select_n3A_750 : i32
      %select_n3A_761 = arith.select %and3A_759, %add3A_760, %rem3A_751 : i32
      %dma_wait3A_762 = arith.constant 0 : i32
      %dma_wait3A_763 = arith.constant 0 : i32
      %dma_wait3A_764 = arith.constant 0 : i32
      %dma_wait3A_765 = tpu.memref_slice %arg17[%dma_wait3A_762, %dma_wait3A_763, %dma_wait3A_764] : memref<8x8x129xf32, #tpu.memory_space<vmem>> -> memref<8x8x128xf32, #tpu.memory_space<vmem>>
      %dma_wait3A_766 = arith.constant 0 : i32
      %dma_wait3A_767 = arith.constant 0 : i32
      %dma_wait3A_768 = arith.constant 0 : i32
      %dma_wait3A_769 = tpu.memref_slice %arg6[%select_n3A_745, %dma_wait3A_766, %select_n3A_761, %dma_wait3A_767, %dma_wait3A_768] : memref<200x8x32x8x128xf32, #tpu.memory_space<hbm>> -> memref<1x8x1x8x128xf32, #tpu.memory_space<hbm>>
      %dma_wait3A_770 = tpu.memref_squeeze %dma_wait3A_769 : memref<1x8x1x8x128xf32, #tpu.memory_space<hbm>> -> memref<8x8x128xf32, #tpu.memory_space<hbm>>
      %dma_wait3A_771 = arith.constant 0 : i32
      %dma_wait3A_772 = arith.constant 0 : i32
      %dma_wait3A_773 = arith.constant 0 : i32
      %dma_wait3A_774 = tpu.memref_slice %arg6[%select_n3A_745, %dma_wait3A_771, %select_n3A_761, %dma_wait3A_772, %dma_wait3A_773] : memref<200x8x32x8x128xf32, #tpu.memory_space<hbm>> -> memref<1x8x1x8x128xf32, #tpu.memory_space<hbm>>
      %dma_wait3A_775 = tpu.memref_squeeze %dma_wait3A_774 : memref<1x8x1x8x128xf32, #tpu.memory_space<hbm>> -> memref<8x8x128xf32, #tpu.memory_space<hbm>>
      %dma_wait3A_776 = arith.constant 0 : i32
      %dma_wait3A_777 = arith.constant 0 : i32
      %dma_wait3A_778 = arith.constant 0 : i32
      %dma_wait3A_779 = tpu.memref_slice %arg17[%dma_wait3A_776, %dma_wait3A_777, %dma_wait3A_778] : memref<8x8x129xf32, #tpu.memory_space<vmem>> -> memref<8x8x128xf32, #tpu.memory_space<vmem>>
      tpu.wait_dma2 semaphore(%arg25 : memref<!tpu.dma_semaphore, #tpu.memory_space<semaphore_mem>>) src(%dma_wait3A_779 : memref<8x8x128xf32, #tpu.memory_space<vmem>>) dst(%dma_wait3A_775 : memref<8x8x128xf32, #tpu.memory_space<hbm>>)
      %lt3A_780 = arith.constant 49 : i32
      %lt3A_781 = arith.cmpi slt, %scan3A_211, %lt3A_780 : i32
      %convert_element_type3A_782 = arith.extui %lt3A_781 : i1 to i32
      %cond3A_783 = arith.constant 0 : i32
      %cond3A_784 = arith.cmpi ne, %convert_element_type3A_782, %cond3A_783 : i32
      scf.if %cond3A_784 {
        %add3A_785 = arith.constant 4 : i32
        %add3A_786 = arith.addi %add3A_720, %add3A_785 : i32
        %mul3A_787 = arith.constant 128 : i32
        %mul3A_788 = arith.muli %add3A_786, %mul3A_787 : i32
        %multiple_of3A_789 = tpu.assume_multiple %mul3A_788, 8 : i32
        %dma_start3A_790 = tpu.memref_slice %arg8[%multiple_of3A_789] : memref<25600xi32, #tpu.memory_space<vmem>> -> memref<128xi32, #tpu.memory_space<vmem>>
        %dma_start3A_791 = arith.constant 0 : i32
        %dma_start3A_792 = arith.constant 0 : i32
        %dma_start3A_793 = tpu.memref_slice %arg4[%dma_start3A_791, %dma_start3A_792] : memref<1000000x64xf32, #tpu.memory_space<hbm>> -> memref<1000000x64xf32, #tpu.memory_space<hbm>>
        tpu.enqueue_indirect_dma source(%dma_start3A_793 : memref<1000000x64xf32, #tpu.memory_space<hbm>>) target(%arg13 : memref<128x64xf32, #tpu.memory_space<vmem>>) offsets(%dma_start3A_790 : memref<128xi32, #tpu.memory_space<vmem>>) semaphore(%arg21 : memref<!tpu.dma_semaphore, #tpu.memory_space<semaphore_mem>>)
      } else {
      }
    }
    %scan3A_180 = arith.constant 50 : i32
    %multiple_of3A_181 = arith.constant 0 : i32
    %multiple_of3A_182 = tpu.assume_multiple %multiple_of3A_181, 8 : i32
    %dma_start3A_183 = tpu.memref_slice %arg9[%multiple_of3A_182] : memref<25600xi32, #tpu.memory_space<vmem>> -> memref<128xi32, #tpu.memory_space<vmem>>
    %dma_start3A_184 = arith.constant 0 : i32
    %dma_start3A_185 = arith.constant 0 : i32
    %dma_start3A_186 = tpu.memref_slice %arg5[%dma_start3A_184, %dma_start3A_185] : memref<2048x64xf32, #tpu.memory_space<hbm>> -> memref<2048x64xf32, #tpu.memory_space<hbm>>
    tpu.enqueue_indirect_dma source(%dma_start3A_186 : memref<2048x64xf32, #tpu.memory_space<hbm>>) target(%arg10 : memref<128x64xf32, #tpu.memory_space<vmem>>) offsets(%dma_start3A_183 : memref<128xi32, #tpu.memory_space<vmem>>) semaphore(%arg18 : memref<!tpu.dma_semaphore, #tpu.memory_space<semaphore_mem>>)
    %multiple_of3A_187 = arith.constant 128 : i32
    %multiple_of3A_188 = tpu.assume_multiple %multiple_of3A_187, 8 : i32
    %dma_start3A_189 = tpu.memref_slice %arg9[%multiple_of3A_188] : memref<25600xi32, #tpu.memory_space<vmem>> -> memref<128xi32, #tpu.memory_space<vmem>>
    %dma_start3A_190 = arith.constant 0 : i32
    %dma_start3A_191 = arith.constant 0 : i32
    %dma_start3A_192 = tpu.memref_slice %arg5[%dma_start3A_190, %dma_start3A_191] : memref<2048x64xf32, #tpu.memory_space<hbm>> -> memref<2048x64xf32, #tpu.memory_space<hbm>>
    tpu.enqueue_indirect_dma source(%dma_start3A_192 : memref<2048x64xf32, #tpu.memory_space<hbm>>) target(%arg11 : memref<128x64xf32, #tpu.memory_space<vmem>>) offsets(%dma_start3A_189 : memref<128xi32, #tpu.memory_space<vmem>>) semaphore(%arg19 : memref<!tpu.dma_semaphore, #tpu.memory_space<semaphore_mem>>)
    %multiple_of3A_193 = arith.constant 256 : i32
    %multiple_of3A_194 = tpu.assume_multiple %multiple_of3A_193, 8 : i32
    %dma_start3A_195 = tpu.memref_slice %arg9[%multiple_of3A_194] : memref<25600xi32, #tpu.memory_space<vmem>> -> memref<128xi32, #tpu.memory_space<vmem>>
    %dma_start3A_196 = arith.constant 0 : i32
    %dma_start3A_197 = arith.constant 0 : i32
    %dma_start3A_198 = tpu.memref_slice %arg5[%dma_start3A_196, %dma_start3A_197] : memref<2048x64xf32, #tpu.memory_space<hbm>> -> memref<2048x64xf32, #tpu.memory_space<hbm>>
    tpu.enqueue_indirect_dma source(%dma_start3A_198 : memref<2048x64xf32, #tpu.memory_space<hbm>>) target(%arg12 : memref<128x64xf32, #tpu.memory_space<vmem>>) offsets(%dma_start3A_195 : memref<128xi32, #tpu.memory_space<vmem>>) semaphore(%arg20 : memref<!tpu.dma_semaphore, #tpu.memory_space<semaphore_mem>>)
    %multiple_of3A_199 = arith.constant 384 : i32
    %multiple_of3A_200 = tpu.assume_multiple %multiple_of3A_199, 8 : i32
    %dma_start3A_201 = tpu.memref_slice %arg9[%multiple_of3A_200] : memref<25600xi32, #tpu.memory_space<vmem>> -> memref<128xi32, #tpu.memory_space<vmem>>
    %dma_start3A_202 = arith.constant 0 : i32
    %dma_start3A_203 = arith.constant 0 : i32
    %dma_start3A_204 = tpu.memref_slice %arg5[%dma_start3A_202, %dma_start3A_203] : memref<2048x64xf32, #tpu.memory_space<hbm>> -> memref<2048x64xf32, #tpu.memory_space<hbm>>
    tpu.enqueue_indirect_dma source(%dma_start3A_204 : memref<2048x64xf32, #tpu.memory_space<hbm>>) target(%arg13 : memref<128x64xf32, #tpu.memory_space<vmem>>) offsets(%dma_start3A_201 : memref<128xi32, #tpu.memory_space<vmem>>) semaphore(%arg21 : memref<!tpu.dma_semaphore, #tpu.memory_space<semaphore_mem>>)
    %scan3A_205 = arith.constant 0 : i32
    %scan3A_206 = arith.constant 0 : i32
    %scan3A_207 = arith.constant 50 : i32
    %scan3A_208 = arith.addi %scan3A_206, %scan3A_207 : i32
    %scan3A_209 = arith.constant 1 : i32
    scf.for %scan3A_211 = %scan3A_206 to %scan3A_208 step %scan3A_209  : i32 {
      %mul3A_212 = arith.constant 4 : i32
      %mul3A_213 = arith.muli %scan3A_211, %mul3A_212 : i32
      %add3A_214 = arith.constant 0 : i32
      %add3A_215 = arith.addi %mul3A_213, %add3A_214 : i32
      %mul3A_216 = arith.constant 128 : i32
      %mul3A_217 = arith.muli %add3A_215, %mul3A_216 : i32
      %multiple_of3A_218 = tpu.assume_multiple %mul3A_217, 8 : i32
      %dma_wait3A = tpu.memref_slice %arg9[%multiple_of3A_218] : memref<25600xi32, #tpu.memory_space<vmem>> -> memref<128xi32, #tpu.memory_space<vmem>>
      %dma_wait3A_219 = arith.constant 0 : i32
      %dma_wait3A_220 = arith.constant 0 : i32
      %dma_wait3A_221 = tpu.memref_slice %arg5[%dma_wait3A_219, %dma_wait3A_220] : memref<2048x64xf32, #tpu.memory_space<hbm>> -> memref<2048x64xf32, #tpu.memory_space<hbm>>
      tpu.wait_indirect_dma semaphore(%arg18 : memref<!tpu.dma_semaphore, #tpu.memory_space<semaphore_mem>>) src(%dma_wait3A_221 : memref<2048x64xf32, #tpu.memory_space<hbm>>) dst(%arg10 : memref<128x64xf32, #tpu.memory_space<vmem>>)
      %scan3A_222 = arith.constant 0 : i32
      %scan3A_223 = arith.constant 0 : i32
      %scan3A_224 = arith.constant 16 : i32
      %scan3A_225 = arith.addi %scan3A_223, %scan3A_224 : i32
      %scan3A_226 = arith.constant 1 : i32
      scf.for %scan3A_785 = %scan3A_223 to %scan3A_225 step %scan3A_226  : i32 {
        %mul3A_786 = arith.constant 8 : i32
        %mul3A_787 = arith.muli %scan3A_785, %mul3A_786 : i32
        %add3A_788 = arith.constant 0 : i32
        %add3A_789 = arith.addi %mul3A_787, %add3A_788 : i32
        %broadcast_in_dim3A = vector.broadcast %add3A_789 : i32 to vector<16xi32>
        %add3A_790 = arith.constant 0 : i32
        %add3A_791 = arith.addi %mul3A_787, %add3A_790 : i32
        %get3A = arith.index_cast %add3A_791 : i32 to index
        %get3A_792 = arith.constant 0 : index
        %get3A_793 = tpu.vector_load %arg10[%get3A, %get3A_792] {strides = array<i32>} : memref<128x64xf32, #tpu.memory_space<vmem>>, vector<16xf32>,
        %add3A_794 = arith.constant 0 : i32
        %add3A_795 = arith.addi %mul3A_787, %add3A_794 : i32
        %get3A_796 = arith.index_cast %add3A_795 : i32 to index
        %get3A_797 = arith.constant 16 : index
        %get3A_798 = tpu.vector_load %arg10[%get3A_796, %get3A_797] {strides = array<i32>} : memref<128x64xf32, #tpu.memory_space<vmem>>, vector<16xf32>,
        %add3A_799 = arith.constant 0 : i32
        %add3A_800 = arith.addi %mul3A_787, %add3A_799 : i32
        %get3A_801 = arith.index_cast %add3A_800 : i32 to index
        %get3A_802 = arith.constant 32 : index
        %get3A_803 = tpu.vector_load %arg10[%get3A_801, %get3A_802] {strides = array<i32>} : memref<128x64xf32, #tpu.memory_space<vmem>>, vector<16xf32>,
        %add3A_804 = arith.constant 0 : i32
        %add3A_805 = arith.addi %mul3A_787, %add3A_804 : i32
        %get3A_806 = arith.index_cast %add3A_805 : i32 to index
        %get3A_807 = arith.constant 48 : index
        %get3A_808 = tpu.vector_load %arg10[%get3A_806, %get3A_807] {strides = array<i32>} : memref<128x64xf32, #tpu.memory_space<vmem>>, vector<16xf32>,
        tpu.vector_store_idx %arg14[%select_n3A, %select_n3A_152, %broadcast_in_dim3A], %get3A_793 : memref<8x8x129xf32, #tpu.memory_space<vmem>>[vector<16xi32>, vector<16xi32>, vector<16xi32>], vector<16xf32>,
        tpu.vector_store_idx %arg14[%select_n3A_64, %select_n3A_152, %broadcast_in_dim3A], %get3A_798 : memref<8x8x129xf32, #tpu.memory_space<vmem>>[vector<16xi32>, vector<16xi32>, vector<16xi32>], vector<16xf32>,
        tpu.vector_store_idx %arg14[%select_n3A_98, %select_n3A_152, %broadcast_in_dim3A], %get3A_803 : memref<8x8x129xf32, #tpu.memory_space<vmem>>[vector<16xi32>, vector<16xi32>, vector<16xi32>], vector<16xf32>,
        tpu.vector_store_idx %arg14[%select_n3A_132, %select_n3A_152, %broadcast_in_dim3A], %get3A_808 : memref<8x8x129xf32, #tpu.memory_space<vmem>>[vector<16xi32>, vector<16xi32>, vector<16xi32>], vector<16xf32>,
        %add3A_809 = arith.constant 1 : i32
        %add3A_810 = arith.addi %mul3A_787, %add3A_809 : i32
        %broadcast_in_dim3A_811 = vector.broadcast %add3A_810 : i32 to vector<16xi32>
        %add3A_812 = arith.constant 1 : i32
        %add3A_813 = arith.addi %mul3A_787, %add3A_812 : i32
        %get3A_814 = arith.index_cast %add3A_813 : i32 to index
        %get3A_815 = arith.constant 0 : index
        %get3A_816 = tpu.vector_load %arg10[%get3A_814, %get3A_815] {strides = array<i32>} : memref<128x64xf32, #tpu.memory_space<vmem>>, vector<16xf32>,
        %add3A_817 = arith.constant 1 : i32
        %add3A_818 = arith.addi %mul3A_787, %add3A_817 : i32
        %get3A_819 = arith.index_cast %add3A_818 : i32 to index
        %get3A_820 = arith.constant 16 : index
        %get3A_821 = tpu.vector_load %arg10[%get3A_819, %get3A_820] {strides = array<i32>} : memref<128x64xf32, #tpu.memory_space<vmem>>, vector<16xf32>,
        %add3A_822 = arith.constant 1 : i32
        %add3A_823 = arith.addi %mul3A_787, %add3A_822 : i32
        %get3A_824 = arith.index_cast %add3A_823 : i32 to index
        %get3A_825 = arith.constant 32 : index
        %get3A_826 = tpu.vector_load %arg10[%get3A_824, %get3A_825] {strides = array<i32>} : memref<128x64xf32, #tpu.memory_space<vmem>>, vector<16xf32>,
        %add3A_827 = arith.constant 1 : i32
        %add3A_828 = arith.addi %mul3A_787, %add3A_827 : i32
        %get3A_829 = arith.index_cast %add3A_828 : i32 to index
        %get3A_830 = arith.constant 48 : index
        %get3A_831 = tpu.vector_load %arg10[%get3A_829, %get3A_830] {strides = array<i32>} : memref<128x64xf32, #tpu.memory_space<vmem>>, vector<16xf32>,
        tpu.vector_store_idx %arg14[%select_n3A, %select_n3A_152, %broadcast_in_dim3A_811], %get3A_816 : memref<8x8x129xf32, #tpu.memory_space<vmem>>[vector<16xi32>, vector<16xi32>, vector<16xi32>], vector<16xf32>,
        tpu.vector_store_idx %arg14[%select_n3A_64, %select_n3A_152, %broadcast_in_dim3A_811], %get3A_821 : memref<8x8x129xf32, #tpu.memory_space<vmem>>[vector<16xi32>, vector<16xi32>, vector<16xi32>], vector<16xf32>,
        tpu.vector_store_idx %arg14[%select_n3A_98, %select_n3A_152, %broadcast_in_dim3A_811], %get3A_826 : memref<8x8x129xf32, #tpu.memory_space<vmem>>[vector<16xi32>, vector<16xi32>, vector<16xi32>], vector<16xf32>,
        tpu.vector_store_idx %arg14[%select_n3A_132, %select_n3A_152, %broadcast_in_dim3A_811], %get3A_831 : memref<8x8x129xf32, #tpu.memory_space<vmem>>[vector<16xi32>, vector<16xi32>, vector<16xi32>], vector<16xf32>,
        %add3A_832 = arith.constant 2 : i32
        %add3A_833 = arith.addi %mul3A_787, %add3A_832 : i32
        %broadcast_in_dim3A_834 = vector.broadcast %add3A_833 : i32 to vector<16xi32>
        %add3A_835 = arith.constant 2 : i32
        %add3A_836 = arith.addi %mul3A_787, %add3A_835 : i32
        %get3A_837 = arith.index_cast %add3A_836 : i32 to index
        %get3A_838 = arith.constant 0 : index
        %get3A_839 = tpu.vector_load %arg10[%get3A_837, %get3A_838] {strides = array<i32>} : memref<128x64xf32, #tpu.memory_space<vmem>>, vector<16xf32>,
        %add3A_840 = arith.constant 2 : i32
        %add3A_841 = arith.addi %mul3A_787, %add3A_840 : i32
        %get3A_842 = arith.index_cast %add3A_841 : i32 to index
        %get3A_843 = arith.constant 16 : index
        %get3A_844 = tpu.vector_load %arg10[%get3A_842, %get3A_843] {strides = array<i32>} : memref<128x64xf32, #tpu.memory_space<vmem>>, vector<16xf32>,
        %add3A_845 = arith.constant 2 : i32
        %add3A_846 = arith.addi %mul3A_787, %add3A_845 : i32
        %get3A_847 = arith.index_cast %add3A_846 : i32 to index
        %get3A_848 = arith.constant 32 : index
        %get3A_849 = tpu.vector_load %arg10[%get3A_847, %get3A_848] {strides = array<i32>} : memref<128x64xf32, #tpu.memory_space<vmem>>, vector<16xf32>,
        %add3A_850 = arith.constant 2 : i32
        %add3A_851 = arith.addi %mul3A_787, %add3A_850 : i32
        %get3A_852 = arith.index_cast %add3A_851 : i32 to index
        %get3A_853 = arith.constant 48 : index
        %get3A_854 = tpu.vector_load %arg10[%get3A_852, %get3A_853] {strides = array<i32>} : memref<128x64xf32, #tpu.memory_space<vmem>>, vector<16xf32>,
        tpu.vector_store_idx %arg14[%select_n3A, %select_n3A_152, %broadcast_in_dim3A_834], %get3A_839 : memref<8x8x129xf32, #tpu.memory_space<vmem>>[vector<16xi32>, vector<16xi32>, vector<16xi32>], vector<16xf32>,
        tpu.vector_store_idx %arg14[%select_n3A_64, %select_n3A_152, %broadcast_in_dim3A_834], %get3A_844 : memref<8x8x129xf32, #tpu.memory_space<vmem>>[vector<16xi32>, vector<16xi32>, vector<16xi32>], vector<16xf32>,
        tpu.vector_store_idx %arg14[%select_n3A_98, %select_n3A_152, %broadcast_in_dim3A_834], %get3A_849 : memref<8x8x129xf32, #tpu.memory_space<vmem>>[vector<16xi32>, vector<16xi32>, vector<16xi32>], vector<16xf32>,
        tpu.vector_store_idx %arg14[%select_n3A_132, %select_n3A_152, %broadcast_in_dim3A_834], %get3A_854 : memref<8x8x129xf32, #tpu.memory_space<vmem>>[vector<16xi32>, vector<16xi32>, vector<16xi32>], vector<16xf32>,
        %add3A_855 = arith.constant 3 : i32
        %add3A_856 = arith.addi %mul3A_787, %add3A_855 : i32
        %broadcast_in_dim3A_857 = vector.broadcast %add3A_856 : i32 to vector<16xi32>
        %add3A_858 = arith.constant 3 : i32
        %add3A_859 = arith.addi %mul3A_787, %add3A_858 : i32
        %get3A_860 = arith.index_cast %add3A_859 : i32 to index
        %get3A_861 = arith.constant 0 : index
        %get3A_862 = tpu.vector_load %arg10[%get3A_860, %get3A_861] {strides = array<i32>} : memref<128x64xf32, #tpu.memory_space<vmem>>, vector<16xf32>,
        %add3A_863 = arith.constant 3 : i32
        %add3A_864 = arith.addi %mul3A_787, %add3A_863 : i32
        %get3A_865 = arith.index_cast %add3A_864 : i32 to index
        %get3A_866 = arith.constant 16 : index
        %get3A_867 = tpu.vector_load %arg10[%get3A_865, %get3A_866] {strides = array<i32>} : memref<128x64xf32, #tpu.memory_space<vmem>>, vector<16xf32>,
        %add3A_868 = arith.constant 3 : i32
        %add3A_869 = arith.addi %mul3A_787, %add3A_868 : i32
        %get3A_870 = arith.index_cast %add3A_869 : i32 to index
        %get3A_871 = arith.constant 32 : index
        %get3A_872 = tpu.vector_load %arg10[%get3A_870, %get3A_871] {strides = array<i32>} : memref<128x64xf32, #tpu.memory_space<vmem>>, vector<16xf32>,
        %add3A_873 = arith.constant 3 : i32
        %add3A_874 = arith.addi %mul3A_787, %add3A_873 : i32
        %get3A_875 = arith.index_cast %add3A_874 : i32 to index
        %get3A_876 = arith.constant 48 : index
        %get3A_877 = tpu.vector_load %arg10[%get3A_875, %get3A_876] {strides = array<i32>} : memref<128x64xf32, #tpu.memory_space<vmem>>, vector<16xf32>,
        tpu.vector_store_idx %arg14[%select_n3A, %select_n3A_152, %broadcast_in_dim3A_857], %get3A_862 : memref<8x8x129xf32, #tpu.memory_space<vmem>>[vector<16xi32>, vector<16xi32>, vector<16xi32>], vector<16xf32>,
        tpu.vector_store_idx %arg14[%select_n3A_64, %select_n3A_152, %broadcast_in_dim3A_857], %get3A_867 : memref<8x8x129xf32, #tpu.memory_space<vmem>>[vector<16xi32>, vector<16xi32>, vector<16xi32>], vector<16xf32>,
        tpu.vector_store_idx %arg14[%select_n3A_98, %select_n3A_152, %broadcast_in_dim3A_857], %get3A_872 : memref<8x8x129xf32, #tpu.memory_space<vmem>>[vector<16xi32>, vector<16xi32>, vector<16xi32>], vector<16xf32>,
        tpu.vector_store_idx %arg14[%select_n3A_132, %select_n3A_152, %broadcast_in_dim3A_857], %get3A_877 : memref<8x8x129xf32, #tpu.memory_space<vmem>>[vector<16xi32>, vector<16xi32>, vector<16xi32>], vector<16xf32>,
        %add3A_878 = arith.constant 4 : i32
        %add3A_879 = arith.addi %mul3A_787, %add3A_878 : i32
        %broadcast_in_dim3A_880 = vector.broadcast %add3A_879 : i32 to vector<16xi32>
        %add3A_881 = arith.constant 4 : i32
        %add3A_882 = arith.addi %mul3A_787, %add3A_881 : i32
        %get3A_883 = arith.index_cast %add3A_882 : i32 to index
        %get3A_884 = arith.constant 0 : index
        %get3A_885 = tpu.vector_load %arg10[%get3A_883, %get3A_884] {strides = array<i32>} : memref<128x64xf32, #tpu.memory_space<vmem>>, vector<16xf32>,
        %add3A_886 = arith.constant 4 : i32
        %add3A_887 = arith.addi %mul3A_787, %add3A_886 : i32
        %get3A_888 = arith.index_cast %add3A_887 : i32 to index
        %get3A_889 = arith.constant 16 : index
        %get3A_890 = tpu.vector_load %arg10[%get3A_888, %get3A_889] {strides = array<i32>} : memref<128x64xf32, #tpu.memory_space<vmem>>, vector<16xf32>,
        %add3A_891 = arith.constant 4 : i32
        %add3A_892 = arith.addi %mul3A_787, %add3A_891 : i32
        %get3A_893 = arith.index_cast %add3A_892 : i32 to index
        %get3A_894 = arith.constant 32 : index
        %get3A_895 = tpu.vector_load %arg10[%get3A_893, %get3A_894] {strides = array<i32>} : memref<128x64xf32, #tpu.memory_space<vmem>>, vector<16xf32>,
        %add3A_896 = arith.constant 4 : i32
        %add3A_897 = arith.addi %mul3A_787, %add3A_896 : i32
        %get3A_898 = arith.index_cast %add3A_897 : i32 to index
        %get3A_899 = arith.constant 48 : index
        %get3A_900 = tpu.vector_load %arg10[%get3A_898, %get3A_899] {strides = array<i32>} : memref<128x64xf32, #tpu.memory_space<vmem>>, vector<16xf32>,
        tpu.vector_store_idx %arg14[%select_n3A, %select_n3A_152, %broadcast_in_dim3A_880], %get3A_885 : memref<8x8x129xf32, #tpu.memory_space<vmem>>[vector<16xi32>, vector<16xi32>, vector<16xi32>], vector<16xf32>,
        tpu.vector_store_idx %arg14[%select_n3A_64, %select_n3A_152, %broadcast_in_dim3A_880], %get3A_890 : memref<8x8x129xf32, #tpu.memory_space<vmem>>[vector<16xi32>, vector<16xi32>, vector<16xi32>], vector<16xf32>,
        tpu.vector_store_idx %arg14[%select_n3A_98, %select_n3A_152, %broadcast_in_dim3A_880], %get3A_895 : memref<8x8x129xf32, #tpu.memory_space<vmem>>[vector<16xi32>, vector<16xi32>, vector<16xi32>], vector<16xf32>,
        tpu.vector_store_idx %arg14[%select_n3A_132, %select_n3A_152, %broadcast_in_dim3A_880], %get3A_900 : memref<8x8x129xf32, #tpu.memory_space<vmem>>[vector<16xi32>, vector<16xi32>, vector<16xi32>], vector<16xf32>,
        %add3A_901 = arith.constant 5 : i32
        %add3A_902 = arith.addi %mul3A_787, %add3A_901 : i32
        %broadcast_in_dim3A_903 = vector.broadcast %add3A_902 : i32 to vector<16xi32>
        %add3A_904 = arith.constant 5 : i32
        %add3A_905 = arith.addi %mul3A_787, %add3A_904 : i32
        %get3A_906 = arith.index_cast %add3A_905 : i32 to index
        %get3A_907 = arith.constant 0 : index
        %get3A_908 = tpu.vector_load %arg10[%get3A_906, %get3A_907] {strides = array<i32>} : memref<128x64xf32, #tpu.memory_space<vmem>>, vector<16xf32>,
        %add3A_909 = arith.constant 5 : i32
        %add3A_910 = arith.addi %mul3A_787, %add3A_909 : i32
        %get3A_911 = arith.index_cast %add3A_910 : i32 to index
        %get3A_912 = arith.constant 16 : index
        %get3A_913 = tpu.vector_load %arg10[%get3A_911, %get3A_912] {strides = array<i32>} : memref<128x64xf32, #tpu.memory_space<vmem>>, vector<16xf32>,
        %add3A_914 = arith.constant 5 : i32
        %add3A_915 = arith.addi %mul3A_787, %add3A_914 : i32
        %get3A_916 = arith.index_cast %add3A_915 : i32 to index
        %get3A_917 = arith.constant 32 : index
        %get3A_918 = tpu.vector_load %arg10[%get3A_916, %get3A_917] {strides = array<i32>} : memref<128x64xf32, #tpu.memory_space<vmem>>, vector<16xf32>,
        %add3A_919 = arith.constant 5 : i32
        %add3A_920 = arith.addi %mul3A_787, %add3A_919 : i32
        %get3A_921 = arith.index_cast %add3A_920 : i32 to index
        %get3A_922 = arith.constant 48 : index
        %get3A_923 = tpu.vector_load %arg10[%get3A_921, %get3A_922] {strides = array<i32>} : memref<128x64xf32, #tpu.memory_space<vmem>>, vector<16xf32>,
        tpu.vector_store_idx %arg14[%select_n3A, %select_n3A_152, %broadcast_in_dim3A_903], %get3A_908 : memref<8x8x129xf32, #tpu.memory_space<vmem>>[vector<16xi32>, vector<16xi32>, vector<16xi32>], vector<16xf32>,
        tpu.vector_store_idx %arg14[%select_n3A_64, %select_n3A_152, %broadcast_in_dim3A_903], %get3A_913 : memref<8x8x129xf32, #tpu.memory_space<vmem>>[vector<16xi32>, vector<16xi32>, vector<16xi32>], vector<16xf32>,
        tpu.vector_store_idx %arg14[%select_n3A_98, %select_n3A_152, %broadcast_in_dim3A_903], %get3A_918 : memref<8x8x129xf32, #tpu.memory_space<vmem>>[vector<16xi32>, vector<16xi32>, vector<16xi32>], vector<16xf32>,
        tpu.vector_store_idx %arg14[%select_n3A_132, %select_n3A_152, %broadcast_in_dim3A_903], %get3A_923 : memref<8x8x129xf32, #tpu.memory_space<vmem>>[vector<16xi32>, vector<16xi32>, vector<16xi32>], vector<16xf32>,
        %add3A_924 = arith.constant 6 : i32
        %add3A_925 = arith.addi %mul3A_787, %add3A_924 : i32
        %broadcast_in_dim3A_926 = vector.broadcast %add3A_925 : i32 to vector<16xi32>
        %add3A_927 = arith.constant 6 : i32
        %add3A_928 = arith.addi %mul3A_787, %add3A_927 : i32
        %get3A_929 = arith.index_cast %add3A_928 : i32 to index
        %get3A_930 = arith.constant 0 : index
        %get3A_931 = tpu.vector_load %arg10[%get3A_929, %get3A_930] {strides = array<i32>} : memref<128x64xf32, #tpu.memory_space<vmem>>, vector<16xf32>,
        %add3A_932 = arith.constant 6 : i32
        %add3A_933 = arith.addi %mul3A_787, %add3A_932 : i32
        %get3A_934 = arith.index_cast %add3A_933 : i32 to index
        %get3A_935 = arith.constant 16 : index
        %get3A_936 = tpu.vector_load %arg10[%get3A_934, %get3A_935] {strides = array<i32>} : memref<128x64xf32, #tpu.memory_space<vmem>>, vector<16xf32>,
        %add3A_937 = arith.constant 6 : i32
        %add3A_938 = arith.addi %mul3A_787, %add3A_937 : i32
        %get3A_939 = arith.index_cast %add3A_938 : i32 to index
        %get3A_940 = arith.constant 32 : index
        %get3A_941 = tpu.vector_load %arg10[%get3A_939, %get3A_940] {strides = array<i32>} : memref<128x64xf32, #tpu.memory_space<vmem>>, vector<16xf32>,
        %add3A_942 = arith.constant 6 : i32
        %add3A_943 = arith.addi %mul3A_787, %add3A_942 : i32
        %get3A_944 = arith.index_cast %add3A_943 : i32 to index
        %get3A_945 = arith.constant 48 : index
        %get3A_946 = tpu.vector_load %arg10[%get3A_944, %get3A_945] {strides = array<i32>} : memref<128x64xf32, #tpu.memory_space<vmem>>, vector<16xf32>,
        tpu.vector_store_idx %arg14[%select_n3A, %select_n3A_152, %broadcast_in_dim3A_926], %get3A_931 : memref<8x8x129xf32, #tpu.memory_space<vmem>>[vector<16xi32>, vector<16xi32>, vector<16xi32>], vector<16xf32>,
        tpu.vector_store_idx %arg14[%select_n3A_64, %select_n3A_152, %broadcast_in_dim3A_926], %get3A_936 : memref<8x8x129xf32, #tpu.memory_space<vmem>>[vector<16xi32>, vector<16xi32>, vector<16xi32>], vector<16xf32>,
        tpu.vector_store_idx %arg14[%select_n3A_98, %select_n3A_152, %broadcast_in_dim3A_926], %get3A_941 : memref<8x8x129xf32, #tpu.memory_space<vmem>>[vector<16xi32>, vector<16xi32>, vector<16xi32>], vector<16xf32>,
        tpu.vector_store_idx %arg14[%select_n3A_132, %select_n3A_152, %broadcast_in_dim3A_926], %get3A_946 : memref<8x8x129xf32, #tpu.memory_space<vmem>>[vector<16xi32>, vector<16xi32>, vector<16xi32>], vector<16xf32>,
        %add3A_947 = arith.constant 7 : i32
        %add3A_948 = arith.addi %mul3A_787, %add3A_947 : i32
        %broadcast_in_dim3A_949 = vector.broadcast %add3A_948 : i32 to vector<16xi32>
        %add3A_950 = arith.constant 7 : i32
        %add3A_951 = arith.addi %mul3A_787, %add3A_950 : i32
        %get3A_952 = arith.index_cast %add3A_951 : i32 to index
        %get3A_953 = arith.constant 0 : index
        %get3A_954 = tpu.vector_load %arg10[%get3A_952, %get3A_953] {strides = array<i32>} : memref<128x64xf32, #tpu.memory_space<vmem>>, vector<16xf32>,
        %add3A_955 = arith.constant 7 : i32
        %add3A_956 = arith.addi %mul3A_787, %add3A_955 : i32
        %get3A_957 = arith.index_cast %add3A_956 : i32 to index
        %get3A_958 = arith.constant 16 : index
        %get3A_959 = tpu.vector_load %arg10[%get3A_957, %get3A_958] {strides = array<i32>} : memref<128x64xf32, #tpu.memory_space<vmem>>, vector<16xf32>,
        %add3A_960 = arith.constant 7 : i32
        %add3A_961 = arith.addi %mul3A_787, %add3A_960 : i32
        %get3A_962 = arith.index_cast %add3A_961 : i32 to index
        %get3A_963 = arith.constant 32 : index
        %get3A_964 = tpu.vector_load %arg10[%get3A_962, %get3A_963] {strides = array<i32>} : memref<128x64xf32, #tpu.memory_space<vmem>>, vector<16xf32>,
        %add3A_965 = arith.constant 7 : i32
        %add3A_966 = arith.addi %mul3A_787, %add3A_965 : i32
        %get3A_967 = arith.index_cast %add3A_966 : i32 to index
        %get3A_968 = arith.constant 48 : index
        %get3A_969 = tpu.vector_load %arg10[%get3A_967, %get3A_968] {strides = array<i32>} : memref<128x64xf32, #tpu.memory_space<vmem>>, vector<16xf32>,
        tpu.vector_store_idx %arg14[%select_n3A, %select_n3A_152, %broadcast_in_dim3A_949], %get3A_954 : memref<8x8x129xf32, #tpu.memory_space<vmem>>[vector<16xi32>, vector<16xi32>, vector<16xi32>], vector<16xf32>,
        tpu.vector_store_idx %arg14[%select_n3A_64, %select_n3A_152, %broadcast_in_dim3A_949], %get3A_959 : memref<8x8x129xf32, #tpu.memory_space<vmem>>[vector<16xi32>, vector<16xi32>, vector<16xi32>], vector<16xf32>,
        tpu.vector_store_idx %arg14[%select_n3A_98, %select_n3A_152, %broadcast_in_dim3A_949], %get3A_964 : memref<8x8x129xf32, #tpu.memory_space<vmem>>[vector<16xi32>, vector<16xi32>, vector<16xi32>], vector<16xf32>,
        tpu.vector_store_idx %arg14[%select_n3A_132, %select_n3A_152, %broadcast_in_dim3A_949], %get3A_969 : memref<8x8x129xf32, #tpu.memory_space<vmem>>[vector<16xi32>, vector<16xi32>, vector<16xi32>], vector<16xf32>,
      }
      %scan3A_227 = arith.constant 16 : i32
      %add3A_228 = arith.addi %mul3A_4, %add3A_215 : i32
      %jit3A_229 = arith.constant 32 : i32
      %div3A_230 = arith.divsi %add3A_228, %jit3A_229 : i32
      %sign3A_231 = arith.constant 0 : i32
      %sign3A_232 = arith.cmpi sgt, %add3A_228, %sign3A_231 : i32
      %sign3A_233 = arith.extui %sign3A_232 : i1 to i32
      %sign3A_234 = arith.constant 0 : i32
      %sign3A_235 = arith.cmpi slt, %add3A_228, %sign3A_234 : i32
      %sign3A_236 = arith.extui %sign3A_235 : i1 to i32
      %sign3A_237 = arith.subi %sign3A_233, %sign3A_236 : i32
      %sign3A_238 = arith.constant 0 : i32
      %sign3A_239 = arith.cmpi sgt, %jit3A_229, %sign3A_238 : i32
      %sign3A_240 = arith.extui %sign3A_239 : i1 to i32
      %sign3A_241 = arith.constant 0 : i32
      %sign3A_242 = arith.cmpi slt, %jit3A_229, %sign3A_241 : i32
      %sign3A_243 = arith.extui %sign3A_242 : i1 to i32
      %sign3A_244 = arith.subi %sign3A_240, %sign3A_243 : i32
      %ne3A_245 = arith.cmpi ne, %sign3A_237, %sign3A_244 : i32
      %rem3A_246 = arith.remsi %add3A_228, %jit3A_229 : i32
      %ne3A_247 = arith.constant 0 : i32
      %ne3A_248 = arith.cmpi ne, %rem3A_246, %ne3A_247 : i32
      %and3A_249 = arith.andi %ne3A_245, %ne3A_248 : i1
      %sub3A_250 = arith.constant 1 : i32
      %sub3A_251 = arith.subi %div3A_230, %sub3A_250 : i32
      %select_n3A_252 = arith.select %and3A_249, %sub3A_251, %div3A_230 : i32
      %jit3A_253 = arith.constant 32 : i32
      %eq3A_254 = arith.constant 0 : i32
      %eq3A_255 = arith.cmpi eq, %jit3A_253, %eq3A_254 : i32
      %jit3A_256 = arith.constant 1 : i32
      %select_n3A_257 = arith.select %eq3A_255, %jit3A_256, %jit3A_253 : i32
      %rem3A_258 = arith.remsi %add3A_228, %select_n3A_257 : i32
      %ne3A_259 = arith.constant 0 : i32
      %ne3A_260 = arith.cmpi ne, %rem3A_258, %ne3A_259 : i32
      %lt3A_261 = arith.constant 0 : i32
      %lt3A_262 = arith.cmpi slt, %rem3A_258, %lt3A_261 : i32
      %lt3A_263 = arith.constant 0 : i32
      %lt3A_264 = arith.cmpi slt, %select_n3A_257, %lt3A_263 : i32
      %ne3A_265 = arith.xori %lt3A_262, %lt3A_264 : i1
      %and3A_266 = arith.andi %ne3A_265, %ne3A_260 : i1
      %add3A_267 = arith.addi %rem3A_258, %select_n3A_257 : i32
      %select_n3A_268 = arith.select %and3A_266, %add3A_267, %rem3A_258 : i32
      %dma_start3A_269 = arith.constant 0 : i32
      %dma_start3A_270 = arith.constant 0 : i32
      %dma_start3A_271 = arith.constant 0 : i32
      %dma_start3A_272 = tpu.memref_slice %arg14[%dma_start3A_269, %dma_start3A_270, %dma_start3A_271] : memref<8x8x129xf32, #tpu.memory_space<vmem>> -> memref<8x8x128xf32, #tpu.memory_space<vmem>>
      %dma_start3A_273 = arith.constant 0 : i32
      %dma_start3A_274 = arith.constant 0 : i32
      %dma_start3A_275 = arith.constant 0 : i32
      %dma_start3A_276 = tpu.memref_slice %arg7[%select_n3A_252, %dma_start3A_273, %select_n3A_268, %dma_start3A_274, %dma_start3A_275] : memref<200x8x32x8x128xf32, #tpu.memory_space<hbm>> -> memref<1x8x1x8x128xf32, #tpu.memory_space<hbm>>
      %dma_start3A_277 = tpu.memref_squeeze %dma_start3A_276 : memref<1x8x1x8x128xf32, #tpu.memory_space<hbm>> -> memref<8x8x128xf32, #tpu.memory_space<hbm>>
      %dma_start3A_278 = arith.constant 0 : i32
      %dma_start3A_279 = arith.constant 0 : i32
      %dma_start3A_280 = arith.constant 0 : i32
      %dma_start3A_281 = tpu.memref_slice %arg7[%select_n3A_252, %dma_start3A_278, %select_n3A_268, %dma_start3A_279, %dma_start3A_280] : memref<200x8x32x8x128xf32, #tpu.memory_space<hbm>> -> memref<1x8x1x8x128xf32, #tpu.memory_space<hbm>>
      %dma_start3A_282 = tpu.memref_squeeze %dma_start3A_281 : memref<1x8x1x8x128xf32, #tpu.memory_space<hbm>> -> memref<8x8x128xf32, #tpu.memory_space<hbm>>
      %dma_start3A_283 = arith.constant 0 : i32
      %dma_start3A_284 = arith.constant 0 : i32
      %dma_start3A_285 = arith.constant 0 : i32
      %dma_start3A_286 = tpu.memref_slice %arg14[%dma_start3A_283, %dma_start3A_284, %dma_start3A_285] : memref<8x8x129xf32, #tpu.memory_space<vmem>> -> memref<8x8x128xf32, #tpu.memory_space<vmem>>
      tpu.enqueue_dma source(%dma_start3A_286 : memref<8x8x128xf32, #tpu.memory_space<vmem>>) target(%dma_start3A_282 : memref<8x8x128xf32, #tpu.memory_space<hbm>>) target_semaphore(%arg22 : memref<!tpu.dma_semaphore, #tpu.memory_space<semaphore_mem>>)
      %mul3A_287 = arith.constant 4 : i32
      %mul3A_288 = arith.muli %scan3A_211, %mul3A_287 : i32
      %add3A_289 = arith.constant 1 : i32
      %add3A_290 = arith.addi %mul3A_288, %add3A_289 : i32
      %mul3A_291 = arith.constant 128 : i32
      %mul3A_292 = arith.muli %add3A_290, %mul3A_291 : i32
      %multiple_of3A_293 = tpu.assume_multiple %mul3A_292, 8 : i32
      %dma_wait3A_294 = tpu.memref_slice %arg9[%multiple_of3A_293] : memref<25600xi32, #tpu.memory_space<vmem>> -> memref<128xi32, #tpu.memory_space<vmem>>
      %dma_wait3A_295 = arith.constant 0 : i32
      %dma_wait3A_296 = arith.constant 0 : i32
      %dma_wait3A_297 = tpu.memref_slice %arg5[%dma_wait3A_295, %dma_wait3A_296] : memref<2048x64xf32, #tpu.memory_space<hbm>> -> memref<2048x64xf32, #tpu.memory_space<hbm>>
      tpu.wait_indirect_dma semaphore(%arg19 : memref<!tpu.dma_semaphore, #tpu.memory_space<semaphore_mem>>) src(%dma_wait3A_297 : memref<2048x64xf32, #tpu.memory_space<hbm>>) dst(%arg11 : memref<128x64xf32, #tpu.memory_space<vmem>>)
      %scan3A_298 = arith.constant 0 : i32
      %scan3A_299 = arith.constant 0 : i32
      %scan3A_300 = arith.constant 16 : i32
      %scan3A_301 = arith.addi %scan3A_299, %scan3A_300 : i32
      %scan3A_302 = arith.constant 1 : i32
      scf.for %scan3A_785 = %scan3A_299 to %scan3A_301 step %scan3A_302  : i32 {
        %mul3A_786 = arith.constant 8 : i32
        %mul3A_787 = arith.muli %scan3A_785, %mul3A_786 : i32
        %add3A_788 = arith.constant 0 : i32
        %add3A_789 = arith.addi %mul3A_787, %add3A_788 : i32
        %broadcast_in_dim3A = vector.broadcast %add3A_789 : i32 to vector<16xi32>
        %add3A_790 = arith.constant 0 : i32
        %add3A_791 = arith.addi %mul3A_787, %add3A_790 : i32
        %get3A = arith.index_cast %add3A_791 : i32 to index
        %get3A_792 = arith.constant 0 : index
        %get3A_793 = tpu.vector_load %arg11[%get3A, %get3A_792] {strides = array<i32>} : memref<128x64xf32, #tpu.memory_space<vmem>>, vector<16xf32>,
        %add3A_794 = arith.constant 0 : i32
        %add3A_795 = arith.addi %mul3A_787, %add3A_794 : i32
        %get3A_796 = arith.index_cast %add3A_795 : i32 to index
        %get3A_797 = arith.constant 16 : index
        %get3A_798 = tpu.vector_load %arg11[%get3A_796, %get3A_797] {strides = array<i32>} : memref<128x64xf32, #tpu.memory_space<vmem>>, vector<16xf32>,
        %add3A_799 = arith.constant 0 : i32
        %add3A_800 = arith.addi %mul3A_787, %add3A_799 : i32
        %get3A_801 = arith.index_cast %add3A_800 : i32 to index
        %get3A_802 = arith.constant 32 : index
        %get3A_803 = tpu.vector_load %arg11[%get3A_801, %get3A_802] {strides = array<i32>} : memref<128x64xf32, #tpu.memory_space<vmem>>, vector<16xf32>,
        %add3A_804 = arith.constant 0 : i32
        %add3A_805 = arith.addi %mul3A_787, %add3A_804 : i32
        %get3A_806 = arith.index_cast %add3A_805 : i32 to index
        %get3A_807 = arith.constant 48 : index
        %get3A_808 = tpu.vector_load %arg11[%get3A_806, %get3A_807] {strides = array<i32>} : memref<128x64xf32, #tpu.memory_space<vmem>>, vector<16xf32>,
        tpu.vector_store_idx %arg15[%select_n3A, %select_n3A_152, %broadcast_in_dim3A], %get3A_793 : memref<8x8x129xf32, #tpu.memory_space<vmem>>[vector<16xi32>, vector<16xi32>, vector<16xi32>], vector<16xf32>,
        tpu.vector_store_idx %arg15[%select_n3A_64, %select_n3A_152, %broadcast_in_dim3A], %get3A_798 : memref<8x8x129xf32, #tpu.memory_space<vmem>>[vector<16xi32>, vector<16xi32>, vector<16xi32>], vector<16xf32>,
        tpu.vector_store_idx %arg15[%select_n3A_98, %select_n3A_152, %broadcast_in_dim3A], %get3A_803 : memref<8x8x129xf32, #tpu.memory_space<vmem>>[vector<16xi32>, vector<16xi32>, vector<16xi32>], vector<16xf32>,
        tpu.vector_store_idx %arg15[%select_n3A_132, %select_n3A_152, %broadcast_in_dim3A], %get3A_808 : memref<8x8x129xf32, #tpu.memory_space<vmem>>[vector<16xi32>, vector<16xi32>, vector<16xi32>], vector<16xf32>,
        %add3A_809 = arith.constant 1 : i32
        %add3A_810 = arith.addi %mul3A_787, %add3A_809 : i32
        %broadcast_in_dim3A_811 = vector.broadcast %add3A_810 : i32 to vector<16xi32>
        %add3A_812 = arith.constant 1 : i32
        %add3A_813 = arith.addi %mul3A_787, %add3A_812 : i32
        %get3A_814 = arith.index_cast %add3A_813 : i32 to index
        %get3A_815 = arith.constant 0 : index
        %get3A_816 = tpu.vector_load %arg11[%get3A_814, %get3A_815] {strides = array<i32>} : memref<128x64xf32, #tpu.memory_space<vmem>>, vector<16xf32>,
        %add3A_817 = arith.constant 1 : i32
        %add3A_818 = arith.addi %mul3A_787, %add3A_817 : i32
        %get3A_819 = arith.index_cast %add3A_818 : i32 to index
        %get3A_820 = arith.constant 16 : index
        %get3A_821 = tpu.vector_load %arg11[%get3A_819, %get3A_820] {strides = array<i32>} : memref<128x64xf32, #tpu.memory_space<vmem>>, vector<16xf32>,
        %add3A_822 = arith.constant 1 : i32
        %add3A_823 = arith.addi %mul3A_787, %add3A_822 : i32
        %get3A_824 = arith.index_cast %add3A_823 : i32 to index
        %get3A_825 = arith.constant 32 : index
        %get3A_826 = tpu.vector_load %arg11[%get3A_824, %get3A_825] {strides = array<i32>} : memref<128x64xf32, #tpu.memory_space<vmem>>, vector<16xf32>,
        %add3A_827 = arith.constant 1 : i32
        %add3A_828 = arith.addi %mul3A_787, %add3A_827 : i32
        %get3A_829 = arith.index_cast %add3A_828 : i32 to index
        %get3A_830 = arith.constant 48 : index
        %get3A_831 = tpu.vector_load %arg11[%get3A_829, %get3A_830] {strides = array<i32>} : memref<128x64xf32, #tpu.memory_space<vmem>>, vector<16xf32>,
        tpu.vector_store_idx %arg15[%select_n3A, %select_n3A_152, %broadcast_in_dim3A_811], %get3A_816 : memref<8x8x129xf32, #tpu.memory_space<vmem>>[vector<16xi32>, vector<16xi32>, vector<16xi32>], vector<16xf32>,
        tpu.vector_store_idx %arg15[%select_n3A_64, %select_n3A_152, %broadcast_in_dim3A_811], %get3A_821 : memref<8x8x129xf32, #tpu.memory_space<vmem>>[vector<16xi32>, vector<16xi32>, vector<16xi32>], vector<16xf32>,
        tpu.vector_store_idx %arg15[%select_n3A_98, %select_n3A_152, %broadcast_in_dim3A_811], %get3A_826 : memref<8x8x129xf32, #tpu.memory_space<vmem>>[vector<16xi32>, vector<16xi32>, vector<16xi32>], vector<16xf32>,
        tpu.vector_store_idx %arg15[%select_n3A_132, %select_n3A_152, %broadcast_in_dim3A_811], %get3A_831 : memref<8x8x129xf32, #tpu.memory_space<vmem>>[vector<16xi32>, vector<16xi32>, vector<16xi32>], vector<16xf32>,
        %add3A_832 = arith.constant 2 : i32
        %add3A_833 = arith.addi %mul3A_787, %add3A_832 : i32
        %broadcast_in_dim3A_834 = vector.broadcast %add3A_833 : i32 to vector<16xi32>
        %add3A_835 = arith.constant 2 : i32
        %add3A_836 = arith.addi %mul3A_787, %add3A_835 : i32
        %get3A_837 = arith.index_cast %add3A_836 : i32 to index
        %get3A_838 = arith.constant 0 : index
        %get3A_839 = tpu.vector_load %arg11[%get3A_837, %get3A_838] {strides = array<i32>} : memref<128x64xf32, #tpu.memory_space<vmem>>, vector<16xf32>,
        %add3A_840 = arith.constant 2 : i32
        %add3A_841 = arith.addi %mul3A_787, %add3A_840 : i32
        %get3A_842 = arith.index_cast %add3A_841 : i32 to index
        %get3A_843 = arith.constant 16 : index
        %get3A_844 = tpu.vector_load %arg11[%get3A_842, %get3A_843] {strides = array<i32>} : memref<128x64xf32, #tpu.memory_space<vmem>>, vector<16xf32>,
        %add3A_845 = arith.constant 2 : i32
        %add3A_846 = arith.addi %mul3A_787, %add3A_845 : i32
        %get3A_847 = arith.index_cast %add3A_846 : i32 to index
        %get3A_848 = arith.constant 32 : index
        %get3A_849 = tpu.vector_load %arg11[%get3A_847, %get3A_848] {strides = array<i32>} : memref<128x64xf32, #tpu.memory_space<vmem>>, vector<16xf32>,
        %add3A_850 = arith.constant 2 : i32
        %add3A_851 = arith.addi %mul3A_787, %add3A_850 : i32
        %get3A_852 = arith.index_cast %add3A_851 : i32 to index
        %get3A_853 = arith.constant 48 : index
        %get3A_854 = tpu.vector_load %arg11[%get3A_852, %get3A_853] {strides = array<i32>} : memref<128x64xf32, #tpu.memory_space<vmem>>, vector<16xf32>,
        tpu.vector_store_idx %arg15[%select_n3A, %select_n3A_152, %broadcast_in_dim3A_834], %get3A_839 : memref<8x8x129xf32, #tpu.memory_space<vmem>>[vector<16xi32>, vector<16xi32>, vector<16xi32>], vector<16xf32>,
        tpu.vector_store_idx %arg15[%select_n3A_64, %select_n3A_152, %broadcast_in_dim3A_834], %get3A_844 : memref<8x8x129xf32, #tpu.memory_space<vmem>>[vector<16xi32>, vector<16xi32>, vector<16xi32>], vector<16xf32>,
        tpu.vector_store_idx %arg15[%select_n3A_98, %select_n3A_152, %broadcast_in_dim3A_834], %get3A_849 : memref<8x8x129xf32, #tpu.memory_space<vmem>>[vector<16xi32>, vector<16xi32>, vector<16xi32>], vector<16xf32>,
        tpu.vector_store_idx %arg15[%select_n3A_132, %select_n3A_152, %broadcast_in_dim3A_834], %get3A_854 : memref<8x8x129xf32, #tpu.memory_space<vmem>>[vector<16xi32>, vector<16xi32>, vector<16xi32>], vector<16xf32>,
        %add3A_855 = arith.constant 3 : i32
        %add3A_856 = arith.addi %mul3A_787, %add3A_855 : i32
        %broadcast_in_dim3A_857 = vector.broadcast %add3A_856 : i32 to vector<16xi32>
        %add3A_858 = arith.constant 3 : i32
        %add3A_859 = arith.addi %mul3A_787, %add3A_858 : i32
        %get3A_860 = arith.index_cast %add3A_859 : i32 to index
        %get3A_861 = arith.constant 0 : index
        %get3A_862 = tpu.vector_load %arg11[%get3A_860, %get3A_861] {strides = array<i32>} : memref<128x64xf32, #tpu.memory_space<vmem>>, vector<16xf32>,
        %add3A_863 = arith.constant 3 : i32
        %add3A_864 = arith.addi %mul3A_787, %add3A_863 : i32
        %get3A_865 = arith.index_cast %add3A_864 : i32 to index
        %get3A_866 = arith.constant 16 : index
        %get3A_867 = tpu.vector_load %arg11[%get3A_865, %get3A_866] {strides = array<i32>} : memref<128x64xf32, #tpu.memory_space<vmem>>, vector<16xf32>,
        %add3A_868 = arith.constant 3 : i32
        %add3A_869 = arith.addi %mul3A_787, %add3A_868 : i32
        %get3A_870 = arith.index_cast %add3A_869 : i32 to index
        %get3A_871 = arith.constant 32 : index
        %get3A_872 = tpu.vector_load %arg11[%get3A_870, %get3A_871] {strides = array<i32>} : memref<128x64xf32, #tpu.memory_space<vmem>>, vector<16xf32>,
        %add3A_873 = arith.constant 3 : i32
        %add3A_874 = arith.addi %mul3A_787, %add3A_873 : i32
        %get3A_875 = arith.index_cast %add3A_874 : i32 to index
        %get3A_876 = arith.constant 48 : index
        %get3A_877 = tpu.vector_load %arg11[%get3A_875, %get3A_876] {strides = array<i32>} : memref<128x64xf32, #tpu.memory_space<vmem>>, vector<16xf32>,
        tpu.vector_store_idx %arg15[%select_n3A, %select_n3A_152, %broadcast_in_dim3A_857], %get3A_862 : memref<8x8x129xf32, #tpu.memory_space<vmem>>[vector<16xi32>, vector<16xi32>, vector<16xi32>], vector<16xf32>,
        tpu.vector_store_idx %arg15[%select_n3A_64, %select_n3A_152, %broadcast_in_dim3A_857], %get3A_867 : memref<8x8x129xf32, #tpu.memory_space<vmem>>[vector<16xi32>, vector<16xi32>, vector<16xi32>], vector<16xf32>,
        tpu.vector_store_idx %arg15[%select_n3A_98, %select_n3A_152, %broadcast_in_dim3A_857], %get3A_872 : memref<8x8x129xf32, #tpu.memory_space<vmem>>[vector<16xi32>, vector<16xi32>, vector<16xi32>], vector<16xf32>,
        tpu.vector_store_idx %arg15[%select_n3A_132, %select_n3A_152, %broadcast_in_dim3A_857], %get3A_877 : memref<8x8x129xf32, #tpu.memory_space<vmem>>[vector<16xi32>, vector<16xi32>, vector<16xi32>], vector<16xf32>,
        %add3A_878 = arith.constant 4 : i32
        %add3A_879 = arith.addi %mul3A_787, %add3A_878 : i32
        %broadcast_in_dim3A_880 = vector.broadcast %add3A_879 : i32 to vector<16xi32>
        %add3A_881 = arith.constant 4 : i32
        %add3A_882 = arith.addi %mul3A_787, %add3A_881 : i32
        %get3A_883 = arith.index_cast %add3A_882 : i32 to index
        %get3A_884 = arith.constant 0 : index
        %get3A_885 = tpu.vector_load %arg11[%get3A_883, %get3A_884] {strides = array<i32>} : memref<128x64xf32, #tpu.memory_space<vmem>>, vector<16xf32>,
        %add3A_886 = arith.constant 4 : i32
        %add3A_887 = arith.addi %mul3A_787, %add3A_886 : i32
        %get3A_888 = arith.index_cast %add3A_887 : i32 to index
        %get3A_889 = arith.constant 16 : index
        %get3A_890 = tpu.vector_load %arg11[%get3A_888, %get3A_889] {strides = array<i32>} : memref<128x64xf32, #tpu.memory_space<vmem>>, vector<16xf32>,
        %add3A_891 = arith.constant 4 : i32
        %add3A_892 = arith.addi %mul3A_787, %add3A_891 : i32
        %get3A_893 = arith.index_cast %add3A_892 : i32 to index
        %get3A_894 = arith.constant 32 : index
        %get3A_895 = tpu.vector_load %arg11[%get3A_893, %get3A_894] {strides = array<i32>} : memref<128x64xf32, #tpu.memory_space<vmem>>, vector<16xf32>,
        %add3A_896 = arith.constant 4 : i32
        %add3A_897 = arith.addi %mul3A_787, %add3A_896 : i32
        %get3A_898 = arith.index_cast %add3A_897 : i32 to index
        %get3A_899 = arith.constant 48 : index
        %get3A_900 = tpu.vector_load %arg11[%get3A_898, %get3A_899] {strides = array<i32>} : memref<128x64xf32, #tpu.memory_space<vmem>>, vector<16xf32>,
        tpu.vector_store_idx %arg15[%select_n3A, %select_n3A_152, %broadcast_in_dim3A_880], %get3A_885 : memref<8x8x129xf32, #tpu.memory_space<vmem>>[vector<16xi32>, vector<16xi32>, vector<16xi32>], vector<16xf32>,
        tpu.vector_store_idx %arg15[%select_n3A_64, %select_n3A_152, %broadcast_in_dim3A_880], %get3A_890 : memref<8x8x129xf32, #tpu.memory_space<vmem>>[vector<16xi32>, vector<16xi32>, vector<16xi32>], vector<16xf32>,
        tpu.vector_store_idx %arg15[%select_n3A_98, %select_n3A_152, %broadcast_in_dim3A_880], %get3A_895 : memref<8x8x129xf32, #tpu.memory_space<vmem>>[vector<16xi32>, vector<16xi32>, vector<16xi32>], vector<16xf32>,
        tpu.vector_store_idx %arg15[%select_n3A_132, %select_n3A_152, %broadcast_in_dim3A_880], %get3A_900 : memref<8x8x129xf32, #tpu.memory_space<vmem>>[vector<16xi32>, vector<16xi32>, vector<16xi32>], vector<16xf32>,
        %add3A_901 = arith.constant 5 : i32
        %add3A_902 = arith.addi %mul3A_787, %add3A_901 : i32
        %broadcast_in_dim3A_903 = vector.broadcast %add3A_902 : i32 to vector<16xi32>
        %add3A_904 = arith.constant 5 : i32
        %add3A_905 = arith.addi %mul3A_787, %add3A_904 : i32
        %get3A_906 = arith.index_cast %add3A_905 : i32 to index
        %get3A_907 = arith.constant 0 : index
        %get3A_908 = tpu.vector_load %arg11[%get3A_906, %get3A_907] {strides = array<i32>} : memref<128x64xf32, #tpu.memory_space<vmem>>, vector<16xf32>,
        %add3A_909 = arith.constant 5 : i32
        %add3A_910 = arith.addi %mul3A_787, %add3A_909 : i32
        %get3A_911 = arith.index_cast %add3A_910 : i32 to index
        %get3A_912 = arith.constant 16 : index
        %get3A_913 = tpu.vector_load %arg11[%get3A_911, %get3A_912] {strides = array<i32>} : memref<128x64xf32, #tpu.memory_space<vmem>>, vector<16xf32>,
        %add3A_914 = arith.constant 5 : i32
        %add3A_915 = arith.addi %mul3A_787, %add3A_914 : i32
        %get3A_916 = arith.index_cast %add3A_915 : i32 to index
        %get3A_917 = arith.constant 32 : index
        %get3A_918 = tpu.vector_load %arg11[%get3A_916, %get3A_917] {strides = array<i32>} : memref<128x64xf32, #tpu.memory_space<vmem>>, vector<16xf32>,
        %add3A_919 = arith.constant 5 : i32
        %add3A_920 = arith.addi %mul3A_787, %add3A_919 : i32
        %get3A_921 = arith.index_cast %add3A_920 : i32 to index
        %get3A_922 = arith.constant 48 : index
        %get3A_923 = tpu.vector_load %arg11[%get3A_921, %get3A_922] {strides = array<i32>} : memref<128x64xf32, #tpu.memory_space<vmem>>, vector<16xf32>,
        tpu.vector_store_idx %arg15[%select_n3A, %select_n3A_152, %broadcast_in_dim3A_903], %get3A_908 : memref<8x8x129xf32, #tpu.memory_space<vmem>>[vector<16xi32>, vector<16xi32>, vector<16xi32>], vector<16xf32>,
        tpu.vector_store_idx %arg15[%select_n3A_64, %select_n3A_152, %broadcast_in_dim3A_903], %get3A_913 : memref<8x8x129xf32, #tpu.memory_space<vmem>>[vector<16xi32>, vector<16xi32>, vector<16xi32>], vector<16xf32>,
        tpu.vector_store_idx %arg15[%select_n3A_98, %select_n3A_152, %broadcast_in_dim3A_903], %get3A_918 : memref<8x8x129xf32, #tpu.memory_space<vmem>>[vector<16xi32>, vector<16xi32>, vector<16xi32>], vector<16xf32>,
        tpu.vector_store_idx %arg15[%select_n3A_132, %select_n3A_152, %broadcast_in_dim3A_903], %get3A_923 : memref<8x8x129xf32, #tpu.memory_space<vmem>>[vector<16xi32>, vector<16xi32>, vector<16xi32>], vector<16xf32>,
        %add3A_924 = arith.constant 6 : i32
        %add3A_925 = arith.addi %mul3A_787, %add3A_924 : i32
        %broadcast_in_dim3A_926 = vector.broadcast %add3A_925 : i32 to vector<16xi32>
        %add3A_927 = arith.constant 6 : i32
        %add3A_928 = arith.addi %mul3A_787, %add3A_927 : i32
        %get3A_929 = arith.index_cast %add3A_928 : i32 to index
        %get3A_930 = arith.constant 0 : index
        %get3A_931 = tpu.vector_load %arg11[%get3A_929, %get3A_930] {strides = array<i32>} : memref<128x64xf32, #tpu.memory_space<vmem>>, vector<16xf32>,
        %add3A_932 = arith.constant 6 : i32
        %add3A_933 = arith.addi %mul3A_787, %add3A_932 : i32
        %get3A_934 = arith.index_cast %add3A_933 : i32 to index
        %get3A_935 = arith.constant 16 : index
        %get3A_936 = tpu.vector_load %arg11[%get3A_934, %get3A_935] {strides = array<i32>} : memref<128x64xf32, #tpu.memory_space<vmem>>, vector<16xf32>,
        %add3A_937 = arith.constant 6 : i32
        %add3A_938 = arith.addi %mul3A_787, %add3A_937 : i32
        %get3A_939 = arith.index_cast %add3A_938 : i32 to index
        %get3A_940 = arith.constant 32 : index
        %get3A_941 = tpu.vector_load %arg11[%get3A_939, %get3A_940] {strides = array<i32>} : memref<128x64xf32, #tpu.memory_space<vmem>>, vector<16xf32>,
        %add3A_942 = arith.constant 6 : i32
        %add3A_943 = arith.addi %mul3A_787, %add3A_942 : i32
        %get3A_944 = arith.index_cast %add3A_943 : i32 to index
        %get3A_945 = arith.constant 48 : index
        %get3A_946 = tpu.vector_load %arg11[%get3A_944, %get3A_945] {strides = array<i32>} : memref<128x64xf32, #tpu.memory_space<vmem>>, vector<16xf32>,
        tpu.vector_store_idx %arg15[%select_n3A, %select_n3A_152, %broadcast_in_dim3A_926], %get3A_931 : memref<8x8x129xf32, #tpu.memory_space<vmem>>[vector<16xi32>, vector<16xi32>, vector<16xi32>], vector<16xf32>,
        tpu.vector_store_idx %arg15[%select_n3A_64, %select_n3A_152, %broadcast_in_dim3A_926], %get3A_936 : memref<8x8x129xf32, #tpu.memory_space<vmem>>[vector<16xi32>, vector<16xi32>, vector<16xi32>], vector<16xf32>,
        tpu.vector_store_idx %arg15[%select_n3A_98, %select_n3A_152, %broadcast_in_dim3A_926], %get3A_941 : memref<8x8x129xf32, #tpu.memory_space<vmem>>[vector<16xi32>, vector<16xi32>, vector<16xi32>], vector<16xf32>,
        tpu.vector_store_idx %arg15[%select_n3A_132, %select_n3A_152, %broadcast_in_dim3A_926], %get3A_946 : memref<8x8x129xf32, #tpu.memory_space<vmem>>[vector<16xi32>, vector<16xi32>, vector<16xi32>], vector<16xf32>,
        %add3A_947 = arith.constant 7 : i32
        %add3A_948 = arith.addi %mul3A_787, %add3A_947 : i32
        %broadcast_in_dim3A_949 = vector.broadcast %add3A_948 : i32 to vector<16xi32>
        %add3A_950 = arith.constant 7 : i32
        %add3A_951 = arith.addi %mul3A_787, %add3A_950 : i32
        %get3A_952 = arith.index_cast %add3A_951 : i32 to index
        %get3A_953 = arith.constant 0 : index
        %get3A_954 = tpu.vector_load %arg11[%get3A_952, %get3A_953] {strides = array<i32>} : memref<128x64xf32, #tpu.memory_space<vmem>>, vector<16xf32>,
        %add3A_955 = arith.constant 7 : i32
        %add3A_956 = arith.addi %mul3A_787, %add3A_955 : i32
        %get3A_957 = arith.index_cast %add3A_956 : i32 to index
        %get3A_958 = arith.constant 16 : index
        %get3A_959 = tpu.vector_load %arg11[%get3A_957, %get3A_958] {strides = array<i32>} : memref<128x64xf32, #tpu.memory_space<vmem>>, vector<16xf32>,
        %add3A_960 = arith.constant 7 : i32
        %add3A_961 = arith.addi %mul3A_787, %add3A_960 : i32
        %get3A_962 = arith.index_cast %add3A_961 : i32 to index
        %get3A_963 = arith.constant 32 : index
        %get3A_964 = tpu.vector_load %arg11[%get3A_962, %get3A_963] {strides = array<i32>} : memref<128x64xf32, #tpu.memory_space<vmem>>, vector<16xf32>,
        %add3A_965 = arith.constant 7 : i32
        %add3A_966 = arith.addi %mul3A_787, %add3A_965 : i32
        %get3A_967 = arith.index_cast %add3A_966 : i32 to index
        %get3A_968 = arith.constant 48 : index
        %get3A_969 = tpu.vector_load %arg11[%get3A_967, %get3A_968] {strides = array<i32>} : memref<128x64xf32, #tpu.memory_space<vmem>>, vector<16xf32>,
        tpu.vector_store_idx %arg15[%select_n3A, %select_n3A_152, %broadcast_in_dim3A_949], %get3A_954 : memref<8x8x129xf32, #tpu.memory_space<vmem>>[vector<16xi32>, vector<16xi32>, vector<16xi32>], vector<16xf32>,
        tpu.vector_store_idx %arg15[%select_n3A_64, %select_n3A_152, %broadcast_in_dim3A_949], %get3A_959 : memref<8x8x129xf32, #tpu.memory_space<vmem>>[vector<16xi32>, vector<16xi32>, vector<16xi32>], vector<16xf32>,
        tpu.vector_store_idx %arg15[%select_n3A_98, %select_n3A_152, %broadcast_in_dim3A_949], %get3A_964 : memref<8x8x129xf32, #tpu.memory_space<vmem>>[vector<16xi32>, vector<16xi32>, vector<16xi32>], vector<16xf32>,
        tpu.vector_store_idx %arg15[%select_n3A_132, %select_n3A_152, %broadcast_in_dim3A_949], %get3A_969 : memref<8x8x129xf32, #tpu.memory_space<vmem>>[vector<16xi32>, vector<16xi32>, vector<16xi32>], vector<16xf32>,
      }
      %scan3A_303 = arith.constant 16 : i32
      %add3A_304 = arith.addi %mul3A_4, %add3A_290 : i32
      %jit3A_305 = arith.constant 32 : i32
      %div3A_306 = arith.divsi %add3A_304, %jit3A_305 : i32
      %sign3A_307 = arith.constant 0 : i32
      %sign3A_308 = arith.cmpi sgt, %add3A_304, %sign3A_307 : i32
      %sign3A_309 = arith.extui %sign3A_308 : i1 to i32
      %sign3A_310 = arith.constant 0 : i32
      %sign3A_311 = arith.cmpi slt, %add3A_304, %sign3A_310 : i32
      %sign3A_312 = arith.extui %sign3A_311 : i1 to i32
      %sign3A_313 = arith.subi %sign3A_309, %sign3A_312 : i32
      %sign3A_314 = arith.constant 0 : i32
      %sign3A_315 = arith.cmpi sgt, %jit3A_305, %sign3A_314 : i32
      %sign3A_316 = arith.extui %sign3A_315 : i1 to i32
      %sign3A_317 = arith.constant 0 : i32
      %sign3A_318 = arith.cmpi slt, %jit3A_305, %sign3A_317 : i32
      %sign3A_319 = arith.extui %sign3A_318 : i1 to i32
      %sign3A_320 = arith.subi %sign3A_316, %sign3A_319 : i32
      %ne3A_321 = arith.cmpi ne, %sign3A_313, %sign3A_320 : i32
      %rem3A_322 = arith.remsi %add3A_304, %jit3A_305 : i32
      %ne3A_323 = arith.constant 0 : i32
      %ne3A_324 = arith.cmpi ne, %rem3A_322, %ne3A_323 : i32
      %and3A_325 = arith.andi %ne3A_321, %ne3A_324 : i1
      %sub3A_326 = arith.constant 1 : i32
      %sub3A_327 = arith.subi %div3A_306, %sub3A_326 : i32
      %select_n3A_328 = arith.select %and3A_325, %sub3A_327, %div3A_306 : i32
      %jit3A_329 = arith.constant 32 : i32
      %eq3A_330 = arith.constant 0 : i32
      %eq3A_331 = arith.cmpi eq, %jit3A_329, %eq3A_330 : i32
      %jit3A_332 = arith.constant 1 : i32
      %select_n3A_333 = arith.select %eq3A_331, %jit3A_332, %jit3A_329 : i32
      %rem3A_334 = arith.remsi %add3A_304, %select_n3A_333 : i32
      %ne3A_335 = arith.constant 0 : i32
      %ne3A_336 = arith.cmpi ne, %rem3A_334, %ne3A_335 : i32
      %lt3A_337 = arith.constant 0 : i32
      %lt3A_338 = arith.cmpi slt, %rem3A_334, %lt3A_337 : i32
      %lt3A_339 = arith.constant 0 : i32
      %lt3A_340 = arith.cmpi slt, %select_n3A_333, %lt3A_339 : i32
      %ne3A_341 = arith.xori %lt3A_338, %lt3A_340 : i1
      %and3A_342 = arith.andi %ne3A_341, %ne3A_336 : i1
      %add3A_343 = arith.addi %rem3A_334, %select_n3A_333 : i32
      %select_n3A_344 = arith.select %and3A_342, %add3A_343, %rem3A_334 : i32
      %dma_start3A_345 = arith.constant 0 : i32
      %dma_start3A_346 = arith.constant 0 : i32
      %dma_start3A_347 = arith.constant 0 : i32
      %dma_start3A_348 = tpu.memref_slice %arg15[%dma_start3A_345, %dma_start3A_346, %dma_start3A_347] : memref<8x8x129xf32, #tpu.memory_space<vmem>> -> memref<8x8x128xf32, #tpu.memory_space<vmem>>
      %dma_start3A_349 = arith.constant 0 : i32
      %dma_start3A_350 = arith.constant 0 : i32
      %dma_start3A_351 = arith.constant 0 : i32
      %dma_start3A_352 = tpu.memref_slice %arg7[%select_n3A_328, %dma_start3A_349, %select_n3A_344, %dma_start3A_350, %dma_start3A_351] : memref<200x8x32x8x128xf32, #tpu.memory_space<hbm>> -> memref<1x8x1x8x128xf32, #tpu.memory_space<hbm>>
      %dma_start3A_353 = tpu.memref_squeeze %dma_start3A_352 : memref<1x8x1x8x128xf32, #tpu.memory_space<hbm>> -> memref<8x8x128xf32, #tpu.memory_space<hbm>>
      %dma_start3A_354 = arith.constant 0 : i32
      %dma_start3A_355 = arith.constant 0 : i32
      %dma_start3A_356 = arith.constant 0 : i32
      %dma_start3A_357 = tpu.memref_slice %arg7[%select_n3A_328, %dma_start3A_354, %select_n3A_344, %dma_start3A_355, %dma_start3A_356] : memref<200x8x32x8x128xf32, #tpu.memory_space<hbm>> -> memref<1x8x1x8x128xf32, #tpu.memory_space<hbm>>
      %dma_start3A_358 = tpu.memref_squeeze %dma_start3A_357 : memref<1x8x1x8x128xf32, #tpu.memory_space<hbm>> -> memref<8x8x128xf32, #tpu.memory_space<hbm>>
      %dma_start3A_359 = arith.constant 0 : i32
      %dma_start3A_360 = arith.constant 0 : i32
      %dma_start3A_361 = arith.constant 0 : i32
      %dma_start3A_362 = tpu.memref_slice %arg15[%dma_start3A_359, %dma_start3A_360, %dma_start3A_361] : memref<8x8x129xf32, #tpu.memory_space<vmem>> -> memref<8x8x128xf32, #tpu.memory_space<vmem>>
      tpu.enqueue_dma source(%dma_start3A_362 : memref<8x8x128xf32, #tpu.memory_space<vmem>>) target(%dma_start3A_358 : memref<8x8x128xf32, #tpu.memory_space<hbm>>) target_semaphore(%arg23 : memref<!tpu.dma_semaphore, #tpu.memory_space<semaphore_mem>>)
      %mul3A_363 = arith.constant 4 : i32
      %mul3A_364 = arith.muli %scan3A_211, %mul3A_363 : i32
      %add3A_365 = arith.constant 2 : i32
      %add3A_366 = arith.addi %mul3A_364, %add3A_365 : i32
      %mul3A_367 = arith.constant 128 : i32
      %mul3A_368 = arith.muli %add3A_366, %mul3A_367 : i32
      %multiple_of3A_369 = tpu.assume_multiple %mul3A_368, 8 : i32
      %dma_wait3A_370 = tpu.memref_slice %arg9[%multiple_of3A_369] : memref<25600xi32, #tpu.memory_space<vmem>> -> memref<128xi32, #tpu.memory_space<vmem>>
      %dma_wait3A_371 = arith.constant 0 : i32
      %dma_wait3A_372 = arith.constant 0 : i32
      %dma_wait3A_373 = tpu.memref_slice %arg5[%dma_wait3A_371, %dma_wait3A_372] : memref<2048x64xf32, #tpu.memory_space<hbm>> -> memref<2048x64xf32, #tpu.memory_space<hbm>>
      tpu.wait_indirect_dma semaphore(%arg20 : memref<!tpu.dma_semaphore, #tpu.memory_space<semaphore_mem>>) src(%dma_wait3A_373 : memref<2048x64xf32, #tpu.memory_space<hbm>>) dst(%arg12 : memref<128x64xf32, #tpu.memory_space<vmem>>)
      %scan3A_374 = arith.constant 0 : i32
      %scan3A_375 = arith.constant 0 : i32
      %scan3A_376 = arith.constant 16 : i32
      %scan3A_377 = arith.addi %scan3A_375, %scan3A_376 : i32
      %scan3A_378 = arith.constant 1 : i32
      scf.for %scan3A_785 = %scan3A_375 to %scan3A_377 step %scan3A_378  : i32 {
        %mul3A_786 = arith.constant 8 : i32
        %mul3A_787 = arith.muli %scan3A_785, %mul3A_786 : i32
        %add3A_788 = arith.constant 0 : i32
        %add3A_789 = arith.addi %mul3A_787, %add3A_788 : i32
        %broadcast_in_dim3A = vector.broadcast %add3A_789 : i32 to vector<16xi32>
        %add3A_790 = arith.constant 0 : i32
        %add3A_791 = arith.addi %mul3A_787, %add3A_790 : i32
        %get3A = arith.index_cast %add3A_791 : i32 to index
        %get3A_792 = arith.constant 0 : index
        %get3A_793 = tpu.vector_load %arg12[%get3A, %get3A_792] {strides = array<i32>} : memref<128x64xf32, #tpu.memory_space<vmem>>, vector<16xf32>,
        %add3A_794 = arith.constant 0 : i32
        %add3A_795 = arith.addi %mul3A_787, %add3A_794 : i32
        %get3A_796 = arith.index_cast %add3A_795 : i32 to index
        %get3A_797 = arith.constant 16 : index
        %get3A_798 = tpu.vector_load %arg12[%get3A_796, %get3A_797] {strides = array<i32>} : memref<128x64xf32, #tpu.memory_space<vmem>>, vector<16xf32>,
        %add3A_799 = arith.constant 0 : i32
        %add3A_800 = arith.addi %mul3A_787, %add3A_799 : i32
        %get3A_801 = arith.index_cast %add3A_800 : i32 to index
        %get3A_802 = arith.constant 32 : index
        %get3A_803 = tpu.vector_load %arg12[%get3A_801, %get3A_802] {strides = array<i32>} : memref<128x64xf32, #tpu.memory_space<vmem>>, vector<16xf32>,
        %add3A_804 = arith.constant 0 : i32
        %add3A_805 = arith.addi %mul3A_787, %add3A_804 : i32
        %get3A_806 = arith.index_cast %add3A_805 : i32 to index
        %get3A_807 = arith.constant 48 : index
        %get3A_808 = tpu.vector_load %arg12[%get3A_806, %get3A_807] {strides = array<i32>} : memref<128x64xf32, #tpu.memory_space<vmem>>, vector<16xf32>,
        tpu.vector_store_idx %arg16[%select_n3A, %select_n3A_152, %broadcast_in_dim3A], %get3A_793 : memref<8x8x129xf32, #tpu.memory_space<vmem>>[vector<16xi32>, vector<16xi32>, vector<16xi32>], vector<16xf32>,
        tpu.vector_store_idx %arg16[%select_n3A_64, %select_n3A_152, %broadcast_in_dim3A], %get3A_798 : memref<8x8x129xf32, #tpu.memory_space<vmem>>[vector<16xi32>, vector<16xi32>, vector<16xi32>], vector<16xf32>,
        tpu.vector_store_idx %arg16[%select_n3A_98, %select_n3A_152, %broadcast_in_dim3A], %get3A_803 : memref<8x8x129xf32, #tpu.memory_space<vmem>>[vector<16xi32>, vector<16xi32>, vector<16xi32>], vector<16xf32>,
        tpu.vector_store_idx %arg16[%select_n3A_132, %select_n3A_152, %broadcast_in_dim3A], %get3A_808 : memref<8x8x129xf32, #tpu.memory_space<vmem>>[vector<16xi32>, vector<16xi32>, vector<16xi32>], vector<16xf32>,
        %add3A_809 = arith.constant 1 : i32
        %add3A_810 = arith.addi %mul3A_787, %add3A_809 : i32
        %broadcast_in_dim3A_811 = vector.broadcast %add3A_810 : i32 to vector<16xi32>
        %add3A_812 = arith.constant 1 : i32
        %add3A_813 = arith.addi %mul3A_787, %add3A_812 : i32
        %get3A_814 = arith.index_cast %add3A_813 : i32 to index
        %get3A_815 = arith.constant 0 : index
        %get3A_816 = tpu.vector_load %arg12[%get3A_814, %get3A_815] {strides = array<i32>} : memref<128x64xf32, #tpu.memory_space<vmem>>, vector<16xf32>,
        %add3A_817 = arith.constant 1 : i32
        %add3A_818 = arith.addi %mul3A_787, %add3A_817 : i32
        %get3A_819 = arith.index_cast %add3A_818 : i32 to index
        %get3A_820 = arith.constant 16 : index
        %get3A_821 = tpu.vector_load %arg12[%get3A_819, %get3A_820] {strides = array<i32>} : memref<128x64xf32, #tpu.memory_space<vmem>>, vector<16xf32>,
        %add3A_822 = arith.constant 1 : i32
        %add3A_823 = arith.addi %mul3A_787, %add3A_822 : i32
        %get3A_824 = arith.index_cast %add3A_823 : i32 to index
        %get3A_825 = arith.constant 32 : index
        %get3A_826 = tpu.vector_load %arg12[%get3A_824, %get3A_825] {strides = array<i32>} : memref<128x64xf32, #tpu.memory_space<vmem>>, vector<16xf32>,
        %add3A_827 = arith.constant 1 : i32
        %add3A_828 = arith.addi %mul3A_787, %add3A_827 : i32
        %get3A_829 = arith.index_cast %add3A_828 : i32 to index
        %get3A_830 = arith.constant 48 : index
        %get3A_831 = tpu.vector_load %arg12[%get3A_829, %get3A_830] {strides = array<i32>} : memref<128x64xf32, #tpu.memory_space<vmem>>, vector<16xf32>,
        tpu.vector_store_idx %arg16[%select_n3A, %select_n3A_152, %broadcast_in_dim3A_811], %get3A_816 : memref<8x8x129xf32, #tpu.memory_space<vmem>>[vector<16xi32>, vector<16xi32>, vector<16xi32>], vector<16xf32>,
        tpu.vector_store_idx %arg16[%select_n3A_64, %select_n3A_152, %broadcast_in_dim3A_811], %get3A_821 : memref<8x8x129xf32, #tpu.memory_space<vmem>>[vector<16xi32>, vector<16xi32>, vector<16xi32>], vector<16xf32>,
        tpu.vector_store_idx %arg16[%select_n3A_98, %select_n3A_152, %broadcast_in_dim3A_811], %get3A_826 : memref<8x8x129xf32, #tpu.memory_space<vmem>>[vector<16xi32>, vector<16xi32>, vector<16xi32>], vector<16xf32>,
        tpu.vector_store_idx %arg16[%select_n3A_132, %select_n3A_152, %broadcast_in_dim3A_811], %get3A_831 : memref<8x8x129xf32, #tpu.memory_space<vmem>>[vector<16xi32>, vector<16xi32>, vector<16xi32>], vector<16xf32>,
        %add3A_832 = arith.constant 2 : i32
        %add3A_833 = arith.addi %mul3A_787, %add3A_832 : i32
        %broadcast_in_dim3A_834 = vector.broadcast %add3A_833 : i32 to vector<16xi32>
        %add3A_835 = arith.constant 2 : i32
        %add3A_836 = arith.addi %mul3A_787, %add3A_835 : i32
        %get3A_837 = arith.index_cast %add3A_836 : i32 to index
        %get3A_838 = arith.constant 0 : index
        %get3A_839 = tpu.vector_load %arg12[%get3A_837, %get3A_838] {strides = array<i32>} : memref<128x64xf32, #tpu.memory_space<vmem>>, vector<16xf32>,
        %add3A_840 = arith.constant 2 : i32
        %add3A_841 = arith.addi %mul3A_787, %add3A_840 : i32
        %get3A_842 = arith.index_cast %add3A_841 : i32 to index
        %get3A_843 = arith.constant 16 : index
        %get3A_844 = tpu.vector_load %arg12[%get3A_842, %get3A_843] {strides = array<i32>} : memref<128x64xf32, #tpu.memory_space<vmem>>, vector<16xf32>,
        %add3A_845 = arith.constant 2 : i32
        %add3A_846 = arith.addi %mul3A_787, %add3A_845 : i32
        %get3A_847 = arith.index_cast %add3A_846 : i32 to index
        %get3A_848 = arith.constant 32 : index
        %get3A_849 = tpu.vector_load %arg12[%get3A_847, %get3A_848] {strides = array<i32>} : memref<128x64xf32, #tpu.memory_space<vmem>>, vector<16xf32>,
        %add3A_850 = arith.constant 2 : i32
        %add3A_851 = arith.addi %mul3A_787, %add3A_850 : i32
        %get3A_852 = arith.index_cast %add3A_851 : i32 to index
        %get3A_853 = arith.constant 48 : index
        %get3A_854 = tpu.vector_load %arg12[%get3A_852, %get3A_853] {strides = array<i32>} : memref<128x64xf32, #tpu.memory_space<vmem>>, vector<16xf32>,
        tpu.vector_store_idx %arg16[%select_n3A, %select_n3A_152, %broadcast_in_dim3A_834], %get3A_839 : memref<8x8x129xf32, #tpu.memory_space<vmem>>[vector<16xi32>, vector<16xi32>, vector<16xi32>], vector<16xf32>,
        tpu.vector_store_idx %arg16[%select_n3A_64, %select_n3A_152, %broadcast_in_dim3A_834], %get3A_844 : memref<8x8x129xf32, #tpu.memory_space<vmem>>[vector<16xi32>, vector<16xi32>, vector<16xi32>], vector<16xf32>,
        tpu.vector_store_idx %arg16[%select_n3A_98, %select_n3A_152, %broadcast_in_dim3A_834], %get3A_849 : memref<8x8x129xf32, #tpu.memory_space<vmem>>[vector<16xi32>, vector<16xi32>, vector<16xi32>], vector<16xf32>,
        tpu.vector_store_idx %arg16[%select_n3A_132, %select_n3A_152, %broadcast_in_dim3A_834], %get3A_854 : memref<8x8x129xf32, #tpu.memory_space<vmem>>[vector<16xi32>, vector<16xi32>, vector<16xi32>], vector<16xf32>,
        %add3A_855 = arith.constant 3 : i32
        %add3A_856 = arith.addi %mul3A_787, %add3A_855 : i32
        %broadcast_in_dim3A_857 = vector.broadcast %add3A_856 : i32 to vector<16xi32>
        %add3A_858 = arith.constant 3 : i32
        %add3A_859 = arith.addi %mul3A_787, %add3A_858 : i32
        %get3A_860 = arith.index_cast %add3A_859 : i32 to index
        %get3A_861 = arith.constant 0 : index
        %get3A_862 = tpu.vector_load %arg12[%get3A_860, %get3A_861] {strides = array<i32>} : memref<128x64xf32, #tpu.memory_space<vmem>>, vector<16xf32>,
        %add3A_863 = arith.constant 3 : i32
        %add3A_864 = arith.addi %mul3A_787, %add3A_863 : i32
        %get3A_865 = arith.index_cast %add3A_864 : i32 to index
        %get3A_866 = arith.constant 16 : index
        %get3A_867 = tpu.vector_load %arg12[%get3A_865, %get3A_866] {strides = array<i32>} : memref<128x64xf32, #tpu.memory_space<vmem>>, vector<16xf32>,
        %add3A_868 = arith.constant 3 : i32
        %add3A_869 = arith.addi %mul3A_787, %add3A_868 : i32
        %get3A_870 = arith.index_cast %add3A_869 : i32 to index
        %get3A_871 = arith.constant 32 : index
        %get3A_872 = tpu.vector_load %arg12[%get3A_870, %get3A_871] {strides = array<i32>} : memref<128x64xf32, #tpu.memory_space<vmem>>, vector<16xf32>,
        %add3A_873 = arith.constant 3 : i32
        %add3A_874 = arith.addi %mul3A_787, %add3A_873 : i32
        %get3A_875 = arith.index_cast %add3A_874 : i32 to index
        %get3A_876 = arith.constant 48 : index
        %get3A_877 = tpu.vector_load %arg12[%get3A_875, %get3A_876] {strides = array<i32>} : memref<128x64xf32, #tpu.memory_space<vmem>>, vector<16xf32>,
        tpu.vector_store_idx %arg16[%select_n3A, %select_n3A_152, %broadcast_in_dim3A_857], %get3A_862 : memref<8x8x129xf32, #tpu.memory_space<vmem>>[vector<16xi32>, vector<16xi32>, vector<16xi32>], vector<16xf32>,
        tpu.vector_store_idx %arg16[%select_n3A_64, %select_n3A_152, %broadcast_in_dim3A_857], %get3A_867 : memref<8x8x129xf32, #tpu.memory_space<vmem>>[vector<16xi32>, vector<16xi32>, vector<16xi32>], vector<16xf32>,
        tpu.vector_store_idx %arg16[%select_n3A_98, %select_n3A_152, %broadcast_in_dim3A_857], %get3A_872 : memref<8x8x129xf32, #tpu.memory_space<vmem>>[vector<16xi32>, vector<16xi32>, vector<16xi32>], vector<16xf32>,
        tpu.vector_store_idx %arg16[%select_n3A_132, %select_n3A_152, %broadcast_in_dim3A_857], %get3A_877 : memref<8x8x129xf32, #tpu.memory_space<vmem>>[vector<16xi32>, vector<16xi32>, vector<16xi32>], vector<16xf32>,
        %add3A_878 = arith.constant 4 : i32
        %add3A_879 = arith.addi %mul3A_787, %add3A_878 : i32
        %broadcast_in_dim3A_880 = vector.broadcast %add3A_879 : i32 to vector<16xi32>
        %add3A_881 = arith.constant 4 : i32
        %add3A_882 = arith.addi %mul3A_787, %add3A_881 : i32
        %get3A_883 = arith.index_cast %add3A_882 : i32 to index
        %get3A_884 = arith.constant 0 : index
        %get3A_885 = tpu.vector_load %arg12[%get3A_883, %get3A_884] {strides = array<i32>} : memref<128x64xf32, #tpu.memory_space<vmem>>, vector<16xf32>,
        %add3A_886 = arith.constant 4 : i32
        %add3A_887 = arith.addi %mul3A_787, %add3A_886 : i32
        %get3A_888 = arith.index_cast %add3A_887 : i32 to index
        %get3A_889 = arith.constant 16 : index
        %get3A_890 = tpu.vector_load %arg12[%get3A_888, %get3A_889] {strides = array<i32>} : memref<128x64xf32, #tpu.memory_space<vmem>>, vector<16xf32>,
        %add3A_891 = arith.constant 4 : i32
        %add3A_892 = arith.addi %mul3A_787, %add3A_891 : i32
        %get3A_893 = arith.index_cast %add3A_892 : i32 to index
        %get3A_894 = arith.constant 32 : index
        %get3A_895 = tpu.vector_load %arg12[%get3A_893, %get3A_894] {strides = array<i32>} : memref<128x64xf32, #tpu.memory_space<vmem>>, vector<16xf32>,
        %add3A_896 = arith.constant 4 : i32
        %add3A_897 = arith.addi %mul3A_787, %add3A_896 : i32
        %get3A_898 = arith.index_cast %add3A_897 : i32 to index
        %get3A_899 = arith.constant 48 : index
        %get3A_900 = tpu.vector_load %arg12[%get3A_898, %get3A_899] {strides = array<i32>} : memref<128x64xf32, #tpu.memory_space<vmem>>, vector<16xf32>,
        tpu.vector_store_idx %arg16[%select_n3A, %select_n3A_152, %broadcast_in_dim3A_880], %get3A_885 : memref<8x8x129xf32, #tpu.memory_space<vmem>>[vector<16xi32>, vector<16xi32>, vector<16xi32>], vector<16xf32>,
        tpu.vector_store_idx %arg16[%select_n3A_64, %select_n3A_152, %broadcast_in_dim3A_880], %get3A_890 : memref<8x8x129xf32, #tpu.memory_space<vmem>>[vector<16xi32>, vector<16xi32>, vector<16xi32>], vector<16xf32>,
        tpu.vector_store_idx %arg16[%select_n3A_98, %select_n3A_152, %broadcast_in_dim3A_880], %get3A_895 : memref<8x8x129xf32, #tpu.memory_space<vmem>>[vector<16xi32>, vector<16xi32>, vector<16xi32>], vector<16xf32>,
        tpu.vector_store_idx %arg16[%select_n3A_132, %select_n3A_152, %broadcast_in_dim3A_880], %get3A_900 : memref<8x8x129xf32, #tpu.memory_space<vmem>>[vector<16xi32>, vector<16xi32>, vector<16xi32>], vector<16xf32>,
        %add3A_901 = arith.constant 5 : i32
        %add3A_902 = arith.addi %mul3A_787, %add3A_901 : i32
        %broadcast_in_dim3A_903 = vector.broadcast %add3A_902 : i32 to vector<16xi32>
        %add3A_904 = arith.constant 5 : i32
        %add3A_905 = arith.addi %mul3A_787, %add3A_904 : i32
        %get3A_906 = arith.index_cast %add3A_905 : i32 to index
        %get3A_907 = arith.constant 0 : index
        %get3A_908 = tpu.vector_load %arg12[%get3A_906, %get3A_907] {strides = array<i32>} : memref<128x64xf32, #tpu.memory_space<vmem>>, vector<16xf32>,
        %add3A_909 = arith.constant 5 : i32
        %add3A_910 = arith.addi %mul3A_787, %add3A_909 : i32
        %get3A_911 = arith.index_cast %add3A_910 : i32 to index
        %get3A_912 = arith.constant 16 : index
        %get3A_913 = tpu.vector_load %arg12[%get3A_911, %get3A_912] {strides = array<i32>} : memref<128x64xf32, #tpu.memory_space<vmem>>, vector<16xf32>,
        %add3A_914 = arith.constant 5 : i32
        %add3A_915 = arith.addi %mul3A_787, %add3A_914 : i32
        %get3A_916 = arith.index_cast %add3A_915 : i32 to index
        %get3A_917 = arith.constant 32 : index
        %get3A_918 = tpu.vector_load %arg12[%get3A_916, %get3A_917] {strides = array<i32>} : memref<128x64xf32, #tpu.memory_space<vmem>>, vector<16xf32>,
        %add3A_919 = arith.constant 5 : i32
        %add3A_920 = arith.addi %mul3A_787, %add3A_919 : i32
        %get3A_921 = arith.index_cast %add3A_920 : i32 to index
        %get3A_922 = arith.constant 48 : index
        %get3A_923 = tpu.vector_load %arg12[%get3A_921, %get3A_922] {strides = array<i32>} : memref<128x64xf32, #tpu.memory_space<vmem>>, vector<16xf32>,
        tpu.vector_store_idx %arg16[%select_n3A, %select_n3A_152, %broadcast_in_dim3A_903], %get3A_908 : memref<8x8x129xf32, #tpu.memory_space<vmem>>[vector<16xi32>, vector<16xi32>, vector<16xi32>], vector<16xf32>,
        tpu.vector_store_idx %arg16[%select_n3A_64, %select_n3A_152, %broadcast_in_dim3A_903], %get3A_913 : memref<8x8x129xf32, #tpu.memory_space<vmem>>[vector<16xi32>, vector<16xi32>, vector<16xi32>], vector<16xf32>,
        tpu.vector_store_idx %arg16[%select_n3A_98, %select_n3A_152, %broadcast_in_dim3A_903], %get3A_918 : memref<8x8x129xf32, #tpu.memory_space<vmem>>[vector<16xi32>, vector<16xi32>, vector<16xi32>], vector<16xf32>,
        tpu.vector_store_idx %arg16[%select_n3A_132, %select_n3A_152, %broadcast_in_dim3A_903], %get3A_923 : memref<8x8x129xf32, #tpu.memory_space<vmem>>[vector<16xi32>, vector<16xi32>, vector<16xi32>], vector<16xf32>,
        %add3A_924 = arith.constant 6 : i32
        %add3A_925 = arith.addi %mul3A_787, %add3A_924 : i32
        %broadcast_in_dim3A_926 = vector.broadcast %add3A_925 : i32 to vector<16xi32>
        %add3A_927 = arith.constant 6 : i32
        %add3A_928 = arith.addi %mul3A_787, %add3A_927 : i32
        %get3A_929 = arith.index_cast %add3A_928 : i32 to index
        %get3A_930 = arith.constant 0 : index
        %get3A_931 = tpu.vector_load %arg12[%get3A_929, %get3A_930] {strides = array<i32>} : memref<128x64xf32, #tpu.memory_space<vmem>>, vector<16xf32>,
        %add3A_932 = arith.constant 6 : i32
        %add3A_933 = arith.addi %mul3A_787, %add3A_932 : i32
        %get3A_934 = arith.index_cast %add3A_933 : i32 to index
        %get3A_935 = arith.constant 16 : index
        %get3A_936 = tpu.vector_load %arg12[%get3A_934, %get3A_935] {strides = array<i32>} : memref<128x64xf32, #tpu.memory_space<vmem>>, vector<16xf32>,
        %add3A_937 = arith.constant 6 : i32
        %add3A_938 = arith.addi %mul3A_787, %add3A_937 : i32
        %get3A_939 = arith.index_cast %add3A_938 : i32 to index
        %get3A_940 = arith.constant 32 : index
        %get3A_941 = tpu.vector_load %arg12[%get3A_939, %get3A_940] {strides = array<i32>} : memref<128x64xf32, #tpu.memory_space<vmem>>, vector<16xf32>,
        %add3A_942 = arith.constant 6 : i32
        %add3A_943 = arith.addi %mul3A_787, %add3A_942 : i32
        %get3A_944 = arith.index_cast %add3A_943 : i32 to index
        %get3A_945 = arith.constant 48 : index
        %get3A_946 = tpu.vector_load %arg12[%get3A_944, %get3A_945] {strides = array<i32>} : memref<128x64xf32, #tpu.memory_space<vmem>>, vector<16xf32>,
        tpu.vector_store_idx %arg16[%select_n3A, %select_n3A_152, %broadcast_in_dim3A_926], %get3A_931 : memref<8x8x129xf32, #tpu.memory_space<vmem>>[vector<16xi32>, vector<16xi32>, vector<16xi32>], vector<16xf32>,
        tpu.vector_store_idx %arg16[%select_n3A_64, %select_n3A_152, %broadcast_in_dim3A_926], %get3A_936 : memref<8x8x129xf32, #tpu.memory_space<vmem>>[vector<16xi32>, vector<16xi32>, vector<16xi32>], vector<16xf32>,
        tpu.vector_store_idx %arg16[%select_n3A_98, %select_n3A_152, %broadcast_in_dim3A_926], %get3A_941 : memref<8x8x129xf32, #tpu.memory_space<vmem>>[vector<16xi32>, vector<16xi32>, vector<16xi32>], vector<16xf32>,
        tpu.vector_store_idx %arg16[%select_n3A_132, %select_n3A_152, %broadcast_in_dim3A_926], %get3A_946 : memref<8x8x129xf32, #tpu.memory_space<vmem>>[vector<16xi32>, vector<16xi32>, vector<16xi32>], vector<16xf32>,
        %add3A_947 = arith.constant 7 : i32
        %add3A_948 = arith.addi %mul3A_787, %add3A_947 : i32
        %broadcast_in_dim3A_949 = vector.broadcast %add3A_948 : i32 to vector<16xi32>
        %add3A_950 = arith.constant 7 : i32
        %add3A_951 = arith.addi %mul3A_787, %add3A_950 : i32
        %get3A_952 = arith.index_cast %add3A_951 : i32 to index
        %get3A_953 = arith.constant 0 : index
        %get3A_954 = tpu.vector_load %arg12[%get3A_952, %get3A_953] {strides = array<i32>} : memref<128x64xf32, #tpu.memory_space<vmem>>, vector<16xf32>,
        %add3A_955 = arith.constant 7 : i32
        %add3A_956 = arith.addi %mul3A_787, %add3A_955 : i32
        %get3A_957 = arith.index_cast %add3A_956 : i32 to index
        %get3A_958 = arith.constant 16 : index
        %get3A_959 = tpu.vector_load %arg12[%get3A_957, %get3A_958] {strides = array<i32>} : memref<128x64xf32, #tpu.memory_space<vmem>>, vector<16xf32>,
        %add3A_960 = arith.constant 7 : i32
        %add3A_961 = arith.addi %mul3A_787, %add3A_960 : i32
        %get3A_962 = arith.index_cast %add3A_961 : i32 to index
        %get3A_963 = arith.constant 32 : index
        %get3A_964 = tpu.vector_load %arg12[%get3A_962, %get3A_963] {strides = array<i32>} : memref<128x64xf32, #tpu.memory_space<vmem>>, vector<16xf32>,
        %add3A_965 = arith.constant 7 : i32
        %add3A_966 = arith.addi %mul3A_787, %add3A_965 : i32
        %get3A_967 = arith.index_cast %add3A_966 : i32 to index
        %get3A_968 = arith.constant 48 : index
        %get3A_969 = tpu.vector_load %arg12[%get3A_967, %get3A_968] {strides = array<i32>} : memref<128x64xf32, #tpu.memory_space<vmem>>, vector<16xf32>,
        tpu.vector_store_idx %arg16[%select_n3A, %select_n3A_152, %broadcast_in_dim3A_949], %get3A_954 : memref<8x8x129xf32, #tpu.memory_space<vmem>>[vector<16xi32>, vector<16xi32>, vector<16xi32>], vector<16xf32>,
        tpu.vector_store_idx %arg16[%select_n3A_64, %select_n3A_152, %broadcast_in_dim3A_949], %get3A_959 : memref<8x8x129xf32, #tpu.memory_space<vmem>>[vector<16xi32>, vector<16xi32>, vector<16xi32>], vector<16xf32>,
        tpu.vector_store_idx %arg16[%select_n3A_98, %select_n3A_152, %broadcast_in_dim3A_949], %get3A_964 : memref<8x8x129xf32, #tpu.memory_space<vmem>>[vector<16xi32>, vector<16xi32>, vector<16xi32>], vector<16xf32>,
        tpu.vector_store_idx %arg16[%select_n3A_132, %select_n3A_152, %broadcast_in_dim3A_949], %get3A_969 : memref<8x8x129xf32, #tpu.memory_space<vmem>>[vector<16xi32>, vector<16xi32>, vector<16xi32>], vector<16xf32>,
      }
      %scan3A_379 = arith.constant 16 : i32
      %add3A_380 = arith.addi %mul3A_4, %add3A_366 : i32
      %jit3A_381 = arith.constant 32 : i32
      %div3A_382 = arith.divsi %add3A_380, %jit3A_381 : i32
      %sign3A_383 = arith.constant 0 : i32
      %sign3A_384 = arith.cmpi sgt, %add3A_380, %sign3A_383 : i32
      %sign3A_385 = arith.extui %sign3A_384 : i1 to i32
      %sign3A_386 = arith.constant 0 : i32
      %sign3A_387 = arith.cmpi slt, %add3A_380, %sign3A_386 : i32
      %sign3A_388 = arith.extui %sign3A_387 : i1 to i32
      %sign3A_389 = arith.subi %sign3A_385, %sign3A_388 : i32
      %sign3A_390 = arith.constant 0 : i32
      %sign3A_391 = arith.cmpi sgt, %jit3A_381, %sign3A_390 : i32
      %sign3A_392 = arith.extui %sign3A_391 : i1 to i32
      %sign3A_393 = arith.constant 0 : i32
      %sign3A_394 = arith.cmpi slt, %jit3A_381, %sign3A_393 : i32
      %sign3A_395 = arith.extui %sign3A_394 : i1 to i32
      %sign3A_396 = arith.subi %sign3A_392, %sign3A_395 : i32
      %ne3A_397 = arith.cmpi ne, %sign3A_389, %sign3A_396 : i32
      %rem3A_398 = arith.remsi %add3A_380, %jit3A_381 : i32
      %ne3A_399 = arith.constant 0 : i32
      %ne3A_400 = arith.cmpi ne, %rem3A_398, %ne3A_399 : i32
      %and3A_401 = arith.andi %ne3A_397, %ne3A_400 : i1
      %sub3A_402 = arith.constant 1 : i32
      %sub3A_403 = arith.subi %div3A_382, %sub3A_402 : i32
      %select_n3A_404 = arith.select %and3A_401, %sub3A_403, %div3A_382 : i32
      %jit3A_405 = arith.constant 32 : i32
      %eq3A_406 = arith.constant 0 : i32
      %eq3A_407 = arith.cmpi eq, %jit3A_405, %eq3A_406 : i32
      %jit3A_408 = arith.constant 1 : i32
      %select_n3A_409 = arith.select %eq3A_407, %jit3A_408, %jit3A_405 : i32
      %rem3A_410 = arith.remsi %add3A_380, %select_n3A_409 : i32
      %ne3A_411 = arith.constant 0 : i32
      %ne3A_412 = arith.cmpi ne, %rem3A_410, %ne3A_411 : i32
      %lt3A_413 = arith.constant 0 : i32
      %lt3A_414 = arith.cmpi slt, %rem3A_410, %lt3A_413 : i32
      %lt3A_415 = arith.constant 0 : i32
      %lt3A_416 = arith.cmpi slt, %select_n3A_409, %lt3A_415 : i32
      %ne3A_417 = arith.xori %lt3A_414, %lt3A_416 : i1
      %and3A_418 = arith.andi %ne3A_417, %ne3A_412 : i1
      %add3A_419 = arith.addi %rem3A_410, %select_n3A_409 : i32
      %select_n3A_420 = arith.select %and3A_418, %add3A_419, %rem3A_410 : i32
      %dma_start3A_421 = arith.constant 0 : i32
      %dma_start3A_422 = arith.constant 0 : i32
      %dma_start3A_423 = arith.constant 0 : i32
      %dma_start3A_424 = tpu.memref_slice %arg16[%dma_start3A_421, %dma_start3A_422, %dma_start3A_423] : memref<8x8x129xf32, #tpu.memory_space<vmem>> -> memref<8x8x128xf32, #tpu.memory_space<vmem>>
      %dma_start3A_425 = arith.constant 0 : i32
      %dma_start3A_426 = arith.constant 0 : i32
      %dma_start3A_427 = arith.constant 0 : i32
      %dma_start3A_428 = tpu.memref_slice %arg7[%select_n3A_404, %dma_start3A_425, %select_n3A_420, %dma_start3A_426, %dma_start3A_427] : memref<200x8x32x8x128xf32, #tpu.memory_space<hbm>> -> memref<1x8x1x8x128xf32, #tpu.memory_space<hbm>>
      %dma_start3A_429 = tpu.memref_squeeze %dma_start3A_428 : memref<1x8x1x8x128xf32, #tpu.memory_space<hbm>> -> memref<8x8x128xf32, #tpu.memory_space<hbm>>
      %dma_start3A_430 = arith.constant 0 : i32
      %dma_start3A_431 = arith.constant 0 : i32
      %dma_start3A_432 = arith.constant 0 : i32
      %dma_start3A_433 = tpu.memref_slice %arg7[%select_n3A_404, %dma_start3A_430, %select_n3A_420, %dma_start3A_431, %dma_start3A_432] : memref<200x8x32x8x128xf32, #tpu.memory_space<hbm>> -> memref<1x8x1x8x128xf32, #tpu.memory_space<hbm>>
      %dma_start3A_434 = tpu.memref_squeeze %dma_start3A_433 : memref<1x8x1x8x128xf32, #tpu.memory_space<hbm>> -> memref<8x8x128xf32, #tpu.memory_space<hbm>>
      %dma_start3A_435 = arith.constant 0 : i32
      %dma_start3A_436 = arith.constant 0 : i32
      %dma_start3A_437 = arith.constant 0 : i32
      %dma_start3A_438 = tpu.memref_slice %arg16[%dma_start3A_435, %dma_start3A_436, %dma_start3A_437] : memref<8x8x129xf32, #tpu.memory_space<vmem>> -> memref<8x8x128xf32, #tpu.memory_space<vmem>>
      tpu.enqueue_dma source(%dma_start3A_438 : memref<8x8x128xf32, #tpu.memory_space<vmem>>) target(%dma_start3A_434 : memref<8x8x128xf32, #tpu.memory_space<hbm>>) target_semaphore(%arg24 : memref<!tpu.dma_semaphore, #tpu.memory_space<semaphore_mem>>)
      %mul3A_439 = arith.constant 4 : i32
      %mul3A_440 = arith.muli %scan3A_211, %mul3A_439 : i32
      %add3A_441 = arith.constant 3 : i32
      %add3A_442 = arith.addi %mul3A_440, %add3A_441 : i32
      %mul3A_443 = arith.constant 128 : i32
      %mul3A_444 = arith.muli %add3A_442, %mul3A_443 : i32
      %multiple_of3A_445 = tpu.assume_multiple %mul3A_444, 8 : i32
      %dma_wait3A_446 = tpu.memref_slice %arg9[%multiple_of3A_445] : memref<25600xi32, #tpu.memory_space<vmem>> -> memref<128xi32, #tpu.memory_space<vmem>>
      %dma_wait3A_447 = arith.constant 0 : i32
      %dma_wait3A_448 = arith.constant 0 : i32
      %dma_wait3A_449 = tpu.memref_slice %arg5[%dma_wait3A_447, %dma_wait3A_448] : memref<2048x64xf32, #tpu.memory_space<hbm>> -> memref<2048x64xf32, #tpu.memory_space<hbm>>
      tpu.wait_indirect_dma semaphore(%arg21 : memref<!tpu.dma_semaphore, #tpu.memory_space<semaphore_mem>>) src(%dma_wait3A_449 : memref<2048x64xf32, #tpu.memory_space<hbm>>) dst(%arg13 : memref<128x64xf32, #tpu.memory_space<vmem>>)
      %scan3A_450 = arith.constant 0 : i32
      %scan3A_451 = arith.constant 0 : i32
      %scan3A_452 = arith.constant 16 : i32
      %scan3A_453 = arith.addi %scan3A_451, %scan3A_452 : i32
      %scan3A_454 = arith.constant 1 : i32
      scf.for %scan3A_785 = %scan3A_451 to %scan3A_453 step %scan3A_454  : i32 {
        %mul3A_786 = arith.constant 8 : i32
        %mul3A_787 = arith.muli %scan3A_785, %mul3A_786 : i32
        %add3A_788 = arith.constant 0 : i32
        %add3A_789 = arith.addi %mul3A_787, %add3A_788 : i32
        %broadcast_in_dim3A = vector.broadcast %add3A_789 : i32 to vector<16xi32>
        %add3A_790 = arith.constant 0 : i32
        %add3A_791 = arith.addi %mul3A_787, %add3A_790 : i32
        %get3A = arith.index_cast %add3A_791 : i32 to index
        %get3A_792 = arith.constant 0 : index
        %get3A_793 = tpu.vector_load %arg13[%get3A, %get3A_792] {strides = array<i32>} : memref<128x64xf32, #tpu.memory_space<vmem>>, vector<16xf32>,
        %add3A_794 = arith.constant 0 : i32
        %add3A_795 = arith.addi %mul3A_787, %add3A_794 : i32
        %get3A_796 = arith.index_cast %add3A_795 : i32 to index
        %get3A_797 = arith.constant 16 : index
        %get3A_798 = tpu.vector_load %arg13[%get3A_796, %get3A_797] {strides = array<i32>} : memref<128x64xf32, #tpu.memory_space<vmem>>, vector<16xf32>,
        %add3A_799 = arith.constant 0 : i32
        %add3A_800 = arith.addi %mul3A_787, %add3A_799 : i32
        %get3A_801 = arith.index_cast %add3A_800 : i32 to index
        %get3A_802 = arith.constant 32 : index
        %get3A_803 = tpu.vector_load %arg13[%get3A_801, %get3A_802] {strides = array<i32>} : memref<128x64xf32, #tpu.memory_space<vmem>>, vector<16xf32>,
        %add3A_804 = arith.constant 0 : i32
        %add3A_805 = arith.addi %mul3A_787, %add3A_804 : i32
        %get3A_806 = arith.index_cast %add3A_805 : i32 to index
        %get3A_807 = arith.constant 48 : index
        %get3A_808 = tpu.vector_load %arg13[%get3A_806, %get3A_807] {strides = array<i32>} : memref<128x64xf32, #tpu.memory_space<vmem>>, vector<16xf32>,
        tpu.vector_store_idx %arg17[%select_n3A, %select_n3A_152, %broadcast_in_dim3A], %get3A_793 : memref<8x8x129xf32, #tpu.memory_space<vmem>>[vector<16xi32>, vector<16xi32>, vector<16xi32>], vector<16xf32>,
        tpu.vector_store_idx %arg17[%select_n3A_64, %select_n3A_152, %broadcast_in_dim3A], %get3A_798 : memref<8x8x129xf32, #tpu.memory_space<vmem>>[vector<16xi32>, vector<16xi32>, vector<16xi32>], vector<16xf32>,
        tpu.vector_store_idx %arg17[%select_n3A_98, %select_n3A_152, %broadcast_in_dim3A], %get3A_803 : memref<8x8x129xf32, #tpu.memory_space<vmem>>[vector<16xi32>, vector<16xi32>, vector<16xi32>], vector<16xf32>,
        tpu.vector_store_idx %arg17[%select_n3A_132, %select_n3A_152, %broadcast_in_dim3A], %get3A_808 : memref<8x8x129xf32, #tpu.memory_space<vmem>>[vector<16xi32>, vector<16xi32>, vector<16xi32>], vector<16xf32>,
        %add3A_809 = arith.constant 1 : i32
        %add3A_810 = arith.addi %mul3A_787, %add3A_809 : i32
        %broadcast_in_dim3A_811 = vector.broadcast %add3A_810 : i32 to vector<16xi32>
        %add3A_812 = arith.constant 1 : i32
        %add3A_813 = arith.addi %mul3A_787, %add3A_812 : i32
        %get3A_814 = arith.index_cast %add3A_813 : i32 to index
        %get3A_815 = arith.constant 0 : index
        %get3A_816 = tpu.vector_load %arg13[%get3A_814, %get3A_815] {strides = array<i32>} : memref<128x64xf32, #tpu.memory_space<vmem>>, vector<16xf32>,
        %add3A_817 = arith.constant 1 : i32
        %add3A_818 = arith.addi %mul3A_787, %add3A_817 : i32
        %get3A_819 = arith.index_cast %add3A_818 : i32 to index
        %get3A_820 = arith.constant 16 : index
        %get3A_821 = tpu.vector_load %arg13[%get3A_819, %get3A_820] {strides = array<i32>} : memref<128x64xf32, #tpu.memory_space<vmem>>, vector<16xf32>,
        %add3A_822 = arith.constant 1 : i32
        %add3A_823 = arith.addi %mul3A_787, %add3A_822 : i32
        %get3A_824 = arith.index_cast %add3A_823 : i32 to index
        %get3A_825 = arith.constant 32 : index
        %get3A_826 = tpu.vector_load %arg13[%get3A_824, %get3A_825] {strides = array<i32>} : memref<128x64xf32, #tpu.memory_space<vmem>>, vector<16xf32>,
        %add3A_827 = arith.constant 1 : i32
        %add3A_828 = arith.addi %mul3A_787, %add3A_827 : i32
        %get3A_829 = arith.index_cast %add3A_828 : i32 to index
        %get3A_830 = arith.constant 48 : index
        %get3A_831 = tpu.vector_load %arg13[%get3A_829, %get3A_830] {strides = array<i32>} : memref<128x64xf32, #tpu.memory_space<vmem>>, vector<16xf32>,
        tpu.vector_store_idx %arg17[%select_n3A, %select_n3A_152, %broadcast_in_dim3A_811], %get3A_816 : memref<8x8x129xf32, #tpu.memory_space<vmem>>[vector<16xi32>, vector<16xi32>, vector<16xi32>], vector<16xf32>,
        tpu.vector_store_idx %arg17[%select_n3A_64, %select_n3A_152, %broadcast_in_dim3A_811], %get3A_821 : memref<8x8x129xf32, #tpu.memory_space<vmem>>[vector<16xi32>, vector<16xi32>, vector<16xi32>], vector<16xf32>,
        tpu.vector_store_idx %arg17[%select_n3A_98, %select_n3A_152, %broadcast_in_dim3A_811], %get3A_826 : memref<8x8x129xf32, #tpu.memory_space<vmem>>[vector<16xi32>, vector<16xi32>, vector<16xi32>], vector<16xf32>,
        tpu.vector_store_idx %arg17[%select_n3A_132, %select_n3A_152, %broadcast_in_dim3A_811], %get3A_831 : memref<8x8x129xf32, #tpu.memory_space<vmem>>[vector<16xi32>, vector<16xi32>, vector<16xi32>], vector<16xf32>,
        %add3A_832 = arith.constant 2 : i32
        %add3A_833 = arith.addi %mul3A_787, %add3A_832 : i32
        %broadcast_in_dim3A_834 = vector.broadcast %add3A_833 : i32 to vector<16xi32>
        %add3A_835 = arith.constant 2 : i32
        %add3A_836 = arith.addi %mul3A_787, %add3A_835 : i32
        %get3A_837 = arith.index_cast %add3A_836 : i32 to index
        %get3A_838 = arith.constant 0 : index
        %get3A_839 = tpu.vector_load %arg13[%get3A_837, %get3A_838] {strides = array<i32>} : memref<128x64xf32, #tpu.memory_space<vmem>>, vector<16xf32>,
        %add3A_840 = arith.constant 2 : i32
        %add3A_841 = arith.addi %mul3A_787, %add3A_840 : i32
        %get3A_842 = arith.index_cast %add3A_841 : i32 to index
        %get3A_843 = arith.constant 16 : index
        %get3A_844 = tpu.vector_load %arg13[%get3A_842, %get3A_843] {strides = array<i32>} : memref<128x64xf32, #tpu.memory_space<vmem>>, vector<16xf32>,
        %add3A_845 = arith.constant 2 : i32
        %add3A_846 = arith.addi %mul3A_787, %add3A_845 : i32
        %get3A_847 = arith.index_cast %add3A_846 : i32 to index
        %get3A_848 = arith.constant 32 : index
        %get3A_849 = tpu.vector_load %arg13[%get3A_847, %get3A_848] {strides = array<i32>} : memref<128x64xf32, #tpu.memory_space<vmem>>, vector<16xf32>,
        %add3A_850 = arith.constant 2 : i32
        %add3A_851 = arith.addi %mul3A_787, %add3A_850 : i32
        %get3A_852 = arith.index_cast %add3A_851 : i32 to index
        %get3A_853 = arith.constant 48 : index
        %get3A_854 = tpu.vector_load %arg13[%get3A_852, %get3A_853] {strides = array<i32>} : memref<128x64xf32, #tpu.memory_space<vmem>>, vector<16xf32>,
        tpu.vector_store_idx %arg17[%select_n3A, %select_n3A_152, %broadcast_in_dim3A_834], %get3A_839 : memref<8x8x129xf32, #tpu.memory_space<vmem>>[vector<16xi32>, vector<16xi32>, vector<16xi32>], vector<16xf32>,
        tpu.vector_store_idx %arg17[%select_n3A_64, %select_n3A_152, %broadcast_in_dim3A_834], %get3A_844 : memref<8x8x129xf32, #tpu.memory_space<vmem>>[vector<16xi32>, vector<16xi32>, vector<16xi32>], vector<16xf32>,
        tpu.vector_store_idx %arg17[%select_n3A_98, %select_n3A_152, %broadcast_in_dim3A_834], %get3A_849 : memref<8x8x129xf32, #tpu.memory_space<vmem>>[vector<16xi32>, vector<16xi32>, vector<16xi32>], vector<16xf32>,
        tpu.vector_store_idx %arg17[%select_n3A_132, %select_n3A_152, %broadcast_in_dim3A_834], %get3A_854 : memref<8x8x129xf32, #tpu.memory_space<vmem>>[vector<16xi32>, vector<16xi32>, vector<16xi32>], vector<16xf32>,
        %add3A_855 = arith.constant 3 : i32
        %add3A_856 = arith.addi %mul3A_787, %add3A_855 : i32
        %broadcast_in_dim3A_857 = vector.broadcast %add3A_856 : i32 to vector<16xi32>
        %add3A_858 = arith.constant 3 : i32
        %add3A_859 = arith.addi %mul3A_787, %add3A_858 : i32
        %get3A_860 = arith.index_cast %add3A_859 : i32 to index
        %get3A_861 = arith.constant 0 : index
        %get3A_862 = tpu.vector_load %arg13[%get3A_860, %get3A_861] {strides = array<i32>} : memref<128x64xf32, #tpu.memory_space<vmem>>, vector<16xf32>,
        %add3A_863 = arith.constant 3 : i32
        %add3A_864 = arith.addi %mul3A_787, %add3A_863 : i32
        %get3A_865 = arith.index_cast %add3A_864 : i32 to index
        %get3A_866 = arith.constant 16 : index
        %get3A_867 = tpu.vector_load %arg13[%get3A_865, %get3A_866] {strides = array<i32>} : memref<128x64xf32, #tpu.memory_space<vmem>>, vector<16xf32>,
        %add3A_868 = arith.constant 3 : i32
        %add3A_869 = arith.addi %mul3A_787, %add3A_868 : i32
        %get3A_870 = arith.index_cast %add3A_869 : i32 to index
        %get3A_871 = arith.constant 32 : index
        %get3A_872 = tpu.vector_load %arg13[%get3A_870, %get3A_871] {strides = array<i32>} : memref<128x64xf32, #tpu.memory_space<vmem>>, vector<16xf32>,
        %add3A_873 = arith.constant 3 : i32
        %add3A_874 = arith.addi %mul3A_787, %add3A_873 : i32
        %get3A_875 = arith.index_cast %add3A_874 : i32 to index
        %get3A_876 = arith.constant 48 : index
        %get3A_877 = tpu.vector_load %arg13[%get3A_875, %get3A_876] {strides = array<i32>} : memref<128x64xf32, #tpu.memory_space<vmem>>, vector<16xf32>,
        tpu.vector_store_idx %arg17[%select_n3A, %select_n3A_152, %broadcast_in_dim3A_857], %get3A_862 : memref<8x8x129xf32, #tpu.memory_space<vmem>>[vector<16xi32>, vector<16xi32>, vector<16xi32>], vector<16xf32>,
        tpu.vector_store_idx %arg17[%select_n3A_64, %select_n3A_152, %broadcast_in_dim3A_857], %get3A_867 : memref<8x8x129xf32, #tpu.memory_space<vmem>>[vector<16xi32>, vector<16xi32>, vector<16xi32>], vector<16xf32>,
        tpu.vector_store_idx %arg17[%select_n3A_98, %select_n3A_152, %broadcast_in_dim3A_857], %get3A_872 : memref<8x8x129xf32, #tpu.memory_space<vmem>>[vector<16xi32>, vector<16xi32>, vector<16xi32>], vector<16xf32>,
        tpu.vector_store_idx %arg17[%select_n3A_132, %select_n3A_152, %broadcast_in_dim3A_857], %get3A_877 : memref<8x8x129xf32, #tpu.memory_space<vmem>>[vector<16xi32>, vector<16xi32>, vector<16xi32>], vector<16xf32>,
        %add3A_878 = arith.constant 4 : i32
        %add3A_879 = arith.addi %mul3A_787, %add3A_878 : i32
        %broadcast_in_dim3A_880 = vector.broadcast %add3A_879 : i32 to vector<16xi32>
        %add3A_881 = arith.constant 4 : i32
        %add3A_882 = arith.addi %mul3A_787, %add3A_881 : i32
        %get3A_883 = arith.index_cast %add3A_882 : i32 to index
        %get3A_884 = arith.constant 0 : index
        %get3A_885 = tpu.vector_load %arg13[%get3A_883, %get3A_884] {strides = array<i32>} : memref<128x64xf32, #tpu.memory_space<vmem>>, vector<16xf32>,
        %add3A_886 = arith.constant 4 : i32
        %add3A_887 = arith.addi %mul3A_787, %add3A_886 : i32
        %get3A_888 = arith.index_cast %add3A_887 : i32 to index
        %get3A_889 = arith.constant 16 : index
        %get3A_890 = tpu.vector_load %arg13[%get3A_888, %get3A_889] {strides = array<i32>} : memref<128x64xf32, #tpu.memory_space<vmem>>, vector<16xf32>,
        %add3A_891 = arith.constant 4 : i32
        %add3A_892 = arith.addi %mul3A_787, %add3A_891 : i32
        %get3A_893 = arith.index_cast %add3A_892 : i32 to index
        %get3A_894 = arith.constant 32 : index
        %get3A_895 = tpu.vector_load %arg13[%get3A_893, %get3A_894] {strides = array<i32>} : memref<128x64xf32, #tpu.memory_space<vmem>>, vector<16xf32>,
        %add3A_896 = arith.constant 4 : i32
        %add3A_897 = arith.addi %mul3A_787, %add3A_896 : i32
        %get3A_898 = arith.index_cast %add3A_897 : i32 to index
        %get3A_899 = arith.constant 48 : index
        %get3A_900 = tpu.vector_load %arg13[%get3A_898, %get3A_899] {strides = array<i32>} : memref<128x64xf32, #tpu.memory_space<vmem>>, vector<16xf32>,
        tpu.vector_store_idx %arg17[%select_n3A, %select_n3A_152, %broadcast_in_dim3A_880], %get3A_885 : memref<8x8x129xf32, #tpu.memory_space<vmem>>[vector<16xi32>, vector<16xi32>, vector<16xi32>], vector<16xf32>,
        tpu.vector_store_idx %arg17[%select_n3A_64, %select_n3A_152, %broadcast_in_dim3A_880], %get3A_890 : memref<8x8x129xf32, #tpu.memory_space<vmem>>[vector<16xi32>, vector<16xi32>, vector<16xi32>], vector<16xf32>,
        tpu.vector_store_idx %arg17[%select_n3A_98, %select_n3A_152, %broadcast_in_dim3A_880], %get3A_895 : memref<8x8x129xf32, #tpu.memory_space<vmem>>[vector<16xi32>, vector<16xi32>, vector<16xi32>], vector<16xf32>,
        tpu.vector_store_idx %arg17[%select_n3A_132, %select_n3A_152, %broadcast_in_dim3A_880], %get3A_900 : memref<8x8x129xf32, #tpu.memory_space<vmem>>[vector<16xi32>, vector<16xi32>, vector<16xi32>], vector<16xf32>,
        %add3A_901 = arith.constant 5 : i32
        %add3A_902 = arith.addi %mul3A_787, %add3A_901 : i32
        %broadcast_in_dim3A_903 = vector.broadcast %add3A_902 : i32 to vector<16xi32>
        %add3A_904 = arith.constant 5 : i32
        %add3A_905 = arith.addi %mul3A_787, %add3A_904 : i32
        %get3A_906 = arith.index_cast %add3A_905 : i32 to index
        %get3A_907 = arith.constant 0 : index
        %get3A_908 = tpu.vector_load %arg13[%get3A_906, %get3A_907] {strides = array<i32>} : memref<128x64xf32, #tpu.memory_space<vmem>>, vector<16xf32>,
        %add3A_909 = arith.constant 5 : i32
        %add3A_910 = arith.addi %mul3A_787, %add3A_909 : i32
        %get3A_911 = arith.index_cast %add3A_910 : i32 to index
        %get3A_912 = arith.constant 16 : index
        %get3A_913 = tpu.vector_load %arg13[%get3A_911, %get3A_912] {strides = array<i32>} : memref<128x64xf32, #tpu.memory_space<vmem>>, vector<16xf32>,
        %add3A_914 = arith.constant 5 : i32
        %add3A_915 = arith.addi %mul3A_787, %add3A_914 : i32
        %get3A_916 = arith.index_cast %add3A_915 : i32 to index
        %get3A_917 = arith.constant 32 : index
        %get3A_918 = tpu.vector_load %arg13[%get3A_916, %get3A_917] {strides = array<i32>} : memref<128x64xf32, #tpu.memory_space<vmem>>, vector<16xf32>,
        %add3A_919 = arith.constant 5 : i32
        %add3A_920 = arith.addi %mul3A_787, %add3A_919 : i32
        %get3A_921 = arith.index_cast %add3A_920 : i32 to index
        %get3A_922 = arith.constant 48 : index
        %get3A_923 = tpu.vector_load %arg13[%get3A_921, %get3A_922] {strides = array<i32>} : memref<128x64xf32, #tpu.memory_space<vmem>>, vector<16xf32>,
        tpu.vector_store_idx %arg17[%select_n3A, %select_n3A_152, %broadcast_in_dim3A_903], %get3A_908 : memref<8x8x129xf32, #tpu.memory_space<vmem>>[vector<16xi32>, vector<16xi32>, vector<16xi32>], vector<16xf32>,
        tpu.vector_store_idx %arg17[%select_n3A_64, %select_n3A_152, %broadcast_in_dim3A_903], %get3A_913 : memref<8x8x129xf32, #tpu.memory_space<vmem>>[vector<16xi32>, vector<16xi32>, vector<16xi32>], vector<16xf32>,
        tpu.vector_store_idx %arg17[%select_n3A_98, %select_n3A_152, %broadcast_in_dim3A_903], %get3A_918 : memref<8x8x129xf32, #tpu.memory_space<vmem>>[vector<16xi32>, vector<16xi32>, vector<16xi32>], vector<16xf32>,
        tpu.vector_store_idx %arg17[%select_n3A_132, %select_n3A_152, %broadcast_in_dim3A_903], %get3A_923 : memref<8x8x129xf32, #tpu.memory_space<vmem>>[vector<16xi32>, vector<16xi32>, vector<16xi32>], vector<16xf32>,
        %add3A_924 = arith.constant 6 : i32
        %add3A_925 = arith.addi %mul3A_787, %add3A_924 : i32
        %broadcast_in_dim3A_926 = vector.broadcast %add3A_925 : i32 to vector<16xi32>
        %add3A_927 = arith.constant 6 : i32
        %add3A_928 = arith.addi %mul3A_787, %add3A_927 : i32
        %get3A_929 = arith.index_cast %add3A_928 : i32 to index
        %get3A_930 = arith.constant 0 : index
        %get3A_931 = tpu.vector_load %arg13[%get3A_929, %get3A_930] {strides = array<i32>} : memref<128x64xf32, #tpu.memory_space<vmem>>, vector<16xf32>,
        %add3A_932 = arith.constant 6 : i32
        %add3A_933 = arith.addi %mul3A_787, %add3A_932 : i32
        %get3A_934 = arith.index_cast %add3A_933 : i32 to index
        %get3A_935 = arith.constant 16 : index
        %get3A_936 = tpu.vector_load %arg13[%get3A_934, %get3A_935] {strides = array<i32>} : memref<128x64xf32, #tpu.memory_space<vmem>>, vector<16xf32>,
        %add3A_937 = arith.constant 6 : i32
        %add3A_938 = arith.addi %mul3A_787, %add3A_937 : i32
        %get3A_939 = arith.index_cast %add3A_938 : i32 to index
        %get3A_940 = arith.constant 32 : index
        %get3A_941 = tpu.vector_load %arg13[%get3A_939, %get3A_940] {strides = array<i32>} : memref<128x64xf32, #tpu.memory_space<vmem>>, vector<16xf32>,
        %add3A_942 = arith.constant 6 : i32
        %add3A_943 = arith.addi %mul3A_787, %add3A_942 : i32
        %get3A_944 = arith.index_cast %add3A_943 : i32 to index
        %get3A_945 = arith.constant 48 : index
        %get3A_946 = tpu.vector_load %arg13[%get3A_944, %get3A_945] {strides = array<i32>} : memref<128x64xf32, #tpu.memory_space<vmem>>, vector<16xf32>,
        tpu.vector_store_idx %arg17[%select_n3A, %select_n3A_152, %broadcast_in_dim3A_926], %get3A_931 : memref<8x8x129xf32, #tpu.memory_space<vmem>>[vector<16xi32>, vector<16xi32>, vector<16xi32>], vector<16xf32>,
        tpu.vector_store_idx %arg17[%select_n3A_64, %select_n3A_152, %broadcast_in_dim3A_926], %get3A_936 : memref<8x8x129xf32, #tpu.memory_space<vmem>>[vector<16xi32>, vector<16xi32>, vector<16xi32>], vector<16xf32>,
        tpu.vector_store_idx %arg17[%select_n3A_98, %select_n3A_152, %broadcast_in_dim3A_926], %get3A_941 : memref<8x8x129xf32, #tpu.memory_space<vmem>>[vector<16xi32>, vector<16xi32>, vector<16xi32>], vector<16xf32>,
        tpu.vector_store_idx %arg17[%select_n3A_132, %select_n3A_152, %broadcast_in_dim3A_926], %get3A_946 : memref<8x8x129xf32, #tpu.memory_space<vmem>>[vector<16xi32>, vector<16xi32>, vector<16xi32>], vector<16xf32>,
        %add3A_947 = arith.constant 7 : i32
        %add3A_948 = arith.addi %mul3A_787, %add3A_947 : i32
        %broadcast_in_dim3A_949 = vector.broadcast %add3A_948 : i32 to vector<16xi32>
        %add3A_950 = arith.constant 7 : i32
        %add3A_951 = arith.addi %mul3A_787, %add3A_950 : i32
        %get3A_952 = arith.index_cast %add3A_951 : i32 to index
        %get3A_953 = arith.constant 0 : index
        %get3A_954 = tpu.vector_load %arg13[%get3A_952, %get3A_953] {strides = array<i32>} : memref<128x64xf32, #tpu.memory_space<vmem>>, vector<16xf32>,
        %add3A_955 = arith.constant 7 : i32
        %add3A_956 = arith.addi %mul3A_787, %add3A_955 : i32
        %get3A_957 = arith.index_cast %add3A_956 : i32 to index
        %get3A_958 = arith.constant 16 : index
        %get3A_959 = tpu.vector_load %arg13[%get3A_957, %get3A_958] {strides = array<i32>} : memref<128x64xf32, #tpu.memory_space<vmem>>, vector<16xf32>,
        %add3A_960 = arith.constant 7 : i32
        %add3A_961 = arith.addi %mul3A_787, %add3A_960 : i32
        %get3A_962 = arith.index_cast %add3A_961 : i32 to index
        %get3A_963 = arith.constant 32 : index
        %get3A_964 = tpu.vector_load %arg13[%get3A_962, %get3A_963] {strides = array<i32>} : memref<128x64xf32, #tpu.memory_space<vmem>>, vector<16xf32>,
        %add3A_965 = arith.constant 7 : i32
        %add3A_966 = arith.addi %mul3A_787, %add3A_965 : i32
        %get3A_967 = arith.index_cast %add3A_966 : i32 to index
        %get3A_968 = arith.constant 48 : index
        %get3A_969 = tpu.vector_load %arg13[%get3A_967, %get3A_968] {strides = array<i32>} : memref<128x64xf32, #tpu.memory_space<vmem>>, vector<16xf32>,
        tpu.vector_store_idx %arg17[%select_n3A, %select_n3A_152, %broadcast_in_dim3A_949], %get3A_954 : memref<8x8x129xf32, #tpu.memory_space<vmem>>[vector<16xi32>, vector<16xi32>, vector<16xi32>], vector<16xf32>,
        tpu.vector_store_idx %arg17[%select_n3A_64, %select_n3A_152, %broadcast_in_dim3A_949], %get3A_959 : memref<8x8x129xf32, #tpu.memory_space<vmem>>[vector<16xi32>, vector<16xi32>, vector<16xi32>], vector<16xf32>,
        tpu.vector_store_idx %arg17[%select_n3A_98, %select_n3A_152, %broadcast_in_dim3A_949], %get3A_964 : memref<8x8x129xf32, #tpu.memory_space<vmem>>[vector<16xi32>, vector<16xi32>, vector<16xi32>], vector<16xf32>,
        tpu.vector_store_idx %arg17[%select_n3A_132, %select_n3A_152, %broadcast_in_dim3A_949], %get3A_969 : memref<8x8x129xf32, #tpu.memory_space<vmem>>[vector<16xi32>, vector<16xi32>, vector<16xi32>], vector<16xf32>,
      }
      %scan3A_455 = arith.constant 16 : i32
      %add3A_456 = arith.addi %mul3A_4, %add3A_442 : i32
      %jit3A_457 = arith.constant 32 : i32
      %div3A_458 = arith.divsi %add3A_456, %jit3A_457 : i32
      %sign3A_459 = arith.constant 0 : i32
      %sign3A_460 = arith.cmpi sgt, %add3A_456, %sign3A_459 : i32
      %sign3A_461 = arith.extui %sign3A_460 : i1 to i32
      %sign3A_462 = arith.constant 0 : i32
      %sign3A_463 = arith.cmpi slt, %add3A_456, %sign3A_462 : i32
      %sign3A_464 = arith.extui %sign3A_463 : i1 to i32
      %sign3A_465 = arith.subi %sign3A_461, %sign3A_464 : i32
      %sign3A_466 = arith.constant 0 : i32
      %sign3A_467 = arith.cmpi sgt, %jit3A_457, %sign3A_466 : i32
      %sign3A_468 = arith.extui %sign3A_467 : i1 to i32
      %sign3A_469 = arith.constant 0 : i32
      %sign3A_470 = arith.cmpi slt, %jit3A_457, %sign3A_469 : i32
      %sign3A_471 = arith.extui %sign3A_470 : i1 to i32
      %sign3A_472 = arith.subi %sign3A_468, %sign3A_471 : i32
      %ne3A_473 = arith.cmpi ne, %sign3A_465, %sign3A_472 : i32
      %rem3A_474 = arith.remsi %add3A_456, %jit3A_457 : i32
      %ne3A_475 = arith.constant 0 : i32
      %ne3A_476 = arith.cmpi ne, %rem3A_474, %ne3A_475 : i32
      %and3A_477 = arith.andi %ne3A_473, %ne3A_476 : i1
      %sub3A_478 = arith.constant 1 : i32
      %sub3A_479 = arith.subi %div3A_458, %sub3A_478 : i32
      %select_n3A_480 = arith.select %and3A_477, %sub3A_479, %div3A_458 : i32
      %jit3A_481 = arith.constant 32 : i32
      %eq3A_482 = arith.constant 0 : i32
      %eq3A_483 = arith.cmpi eq, %jit3A_481, %eq3A_482 : i32
      %jit3A_484 = arith.constant 1 : i32
      %select_n3A_485 = arith.select %eq3A_483, %jit3A_484, %jit3A_481 : i32
      %rem3A_486 = arith.remsi %add3A_456, %select_n3A_485 : i32
      %ne3A_487 = arith.constant 0 : i32
      %ne3A_488 = arith.cmpi ne, %rem3A_486, %ne3A_487 : i32
      %lt3A_489 = arith.constant 0 : i32
      %lt3A_490 = arith.cmpi slt, %rem3A_486, %lt3A_489 : i32
      %lt3A_491 = arith.constant 0 : i32
      %lt3A_492 = arith.cmpi slt, %select_n3A_485, %lt3A_491 : i32
      %ne3A_493 = arith.xori %lt3A_490, %lt3A_492 : i1
      %and3A_494 = arith.andi %ne3A_493, %ne3A_488 : i1
      %add3A_495 = arith.addi %rem3A_486, %select_n3A_485 : i32
      %select_n3A_496 = arith.select %and3A_494, %add3A_495, %rem3A_486 : i32
      %dma_start3A_497 = arith.constant 0 : i32
      %dma_start3A_498 = arith.constant 0 : i32
      %dma_start3A_499 = arith.constant 0 : i32
      %dma_start3A_500 = tpu.memref_slice %arg17[%dma_start3A_497, %dma_start3A_498, %dma_start3A_499] : memref<8x8x129xf32, #tpu.memory_space<vmem>> -> memref<8x8x128xf32, #tpu.memory_space<vmem>>
      %dma_start3A_501 = arith.constant 0 : i32
      %dma_start3A_502 = arith.constant 0 : i32
      %dma_start3A_503 = arith.constant 0 : i32
      %dma_start3A_504 = tpu.memref_slice %arg7[%select_n3A_480, %dma_start3A_501, %select_n3A_496, %dma_start3A_502, %dma_start3A_503] : memref<200x8x32x8x128xf32, #tpu.memory_space<hbm>> -> memref<1x8x1x8x128xf32, #tpu.memory_space<hbm>>
      %dma_start3A_505 = tpu.memref_squeeze %dma_start3A_504 : memref<1x8x1x8x128xf32, #tpu.memory_space<hbm>> -> memref<8x8x128xf32, #tpu.memory_space<hbm>>
      %dma_start3A_506 = arith.constant 0 : i32
      %dma_start3A_507 = arith.constant 0 : i32
      %dma_start3A_508 = arith.constant 0 : i32
      %dma_start3A_509 = tpu.memref_slice %arg7[%select_n3A_480, %dma_start3A_506, %select_n3A_496, %dma_start3A_507, %dma_start3A_508] : memref<200x8x32x8x128xf32, #tpu.memory_space<hbm>> -> memref<1x8x1x8x128xf32, #tpu.memory_space<hbm>>
      %dma_start3A_510 = tpu.memref_squeeze %dma_start3A_509 : memref<1x8x1x8x128xf32, #tpu.memory_space<hbm>> -> memref<8x8x128xf32, #tpu.memory_space<hbm>>
      %dma_start3A_511 = arith.constant 0 : i32
      %dma_start3A_512 = arith.constant 0 : i32
      %dma_start3A_513 = arith.constant 0 : i32
      %dma_start3A_514 = tpu.memref_slice %arg17[%dma_start3A_511, %dma_start3A_512, %dma_start3A_513] : memref<8x8x129xf32, #tpu.memory_space<vmem>> -> memref<8x8x128xf32, #tpu.memory_space<vmem>>
      tpu.enqueue_dma source(%dma_start3A_514 : memref<8x8x128xf32, #tpu.memory_space<vmem>>) target(%dma_start3A_510 : memref<8x8x128xf32, #tpu.memory_space<hbm>>) target_semaphore(%arg25 : memref<!tpu.dma_semaphore, #tpu.memory_space<semaphore_mem>>)
      %mul3A_515 = arith.constant 4 : i32
      %mul3A_516 = arith.muli %scan3A_211, %mul3A_515 : i32
      %add3A_517 = arith.constant 0 : i32
      %add3A_518 = arith.addi %mul3A_516, %add3A_517 : i32
      %add3A_519 = arith.addi %mul3A_4, %add3A_518 : i32
      %jit3A_520 = arith.constant 32 : i32
      %div3A_521 = arith.divsi %add3A_519, %jit3A_520 : i32
      %sign3A_522 = arith.constant 0 : i32
      %sign3A_523 = arith.cmpi sgt, %add3A_519, %sign3A_522 : i32
      %sign3A_524 = arith.extui %sign3A_523 : i1 to i32
      %sign3A_525 = arith.constant 0 : i32
      %sign3A_526 = arith.cmpi slt, %add3A_519, %sign3A_525 : i32
      %sign3A_527 = arith.extui %sign3A_526 : i1 to i32
      %sign3A_528 = arith.subi %sign3A_524, %sign3A_527 : i32
      %sign3A_529 = arith.constant 0 : i32
      %sign3A_530 = arith.cmpi sgt, %jit3A_520, %sign3A_529 : i32
      %sign3A_531 = arith.extui %sign3A_530 : i1 to i32
      %sign3A_532 = arith.constant 0 : i32
      %sign3A_533 = arith.cmpi slt, %jit3A_520, %sign3A_532 : i32
      %sign3A_534 = arith.extui %sign3A_533 : i1 to i32
      %sign3A_535 = arith.subi %sign3A_531, %sign3A_534 : i32
      %ne3A_536 = arith.cmpi ne, %sign3A_528, %sign3A_535 : i32
      %rem3A_537 = arith.remsi %add3A_519, %jit3A_520 : i32
      %ne3A_538 = arith.constant 0 : i32
      %ne3A_539 = arith.cmpi ne, %rem3A_537, %ne3A_538 : i32
      %and3A_540 = arith.andi %ne3A_536, %ne3A_539 : i1
      %sub3A_541 = arith.constant 1 : i32
      %sub3A_542 = arith.subi %div3A_521, %sub3A_541 : i32
      %select_n3A_543 = arith.select %and3A_540, %sub3A_542, %div3A_521 : i32
      %jit3A_544 = arith.constant 32 : i32
      %eq3A_545 = arith.constant 0 : i32
      %eq3A_546 = arith.cmpi eq, %jit3A_544, %eq3A_545 : i32
      %jit3A_547 = arith.constant 1 : i32
      %select_n3A_548 = arith.select %eq3A_546, %jit3A_547, %jit3A_544 : i32
      %rem3A_549 = arith.remsi %add3A_519, %select_n3A_548 : i32
      %ne3A_550 = arith.constant 0 : i32
      %ne3A_551 = arith.cmpi ne, %rem3A_549, %ne3A_550 : i32
      %lt3A_552 = arith.constant 0 : i32
      %lt3A_553 = arith.cmpi slt, %rem3A_549, %lt3A_552 : i32
      %lt3A_554 = arith.constant 0 : i32
      %lt3A_555 = arith.cmpi slt, %select_n3A_548, %lt3A_554 : i32
      %ne3A_556 = arith.xori %lt3A_553, %lt3A_555 : i1
      %and3A_557 = arith.andi %ne3A_556, %ne3A_551 : i1
      %add3A_558 = arith.addi %rem3A_549, %select_n3A_548 : i32
      %select_n3A_559 = arith.select %and3A_557, %add3A_558, %rem3A_549 : i32
      %dma_wait3A_560 = arith.constant 0 : i32
      %dma_wait3A_561 = arith.constant 0 : i32
      %dma_wait3A_562 = arith.constant 0 : i32
      %dma_wait3A_563 = tpu.memref_slice %arg14[%dma_wait3A_560, %dma_wait3A_561, %dma_wait3A_562] : memref<8x8x129xf32, #tpu.memory_space<vmem>> -> memref<8x8x128xf32, #tpu.memory_space<vmem>>
      %dma_wait3A_564 = arith.constant 0 : i32
      %dma_wait3A_565 = arith.constant 0 : i32
      %dma_wait3A_566 = arith.constant 0 : i32
      %dma_wait3A_567 = tpu.memref_slice %arg7[%select_n3A_543, %dma_wait3A_564, %select_n3A_559, %dma_wait3A_565, %dma_wait3A_566] : memref<200x8x32x8x128xf32, #tpu.memory_space<hbm>> -> memref<1x8x1x8x128xf32, #tpu.memory_space<hbm>>
      %dma_wait3A_568 = tpu.memref_squeeze %dma_wait3A_567 : memref<1x8x1x8x128xf32, #tpu.memory_space<hbm>> -> memref<8x8x128xf32, #tpu.memory_space<hbm>>
      %dma_wait3A_569 = arith.constant 0 : i32
      %dma_wait3A_570 = arith.constant 0 : i32
      %dma_wait3A_571 = arith.constant 0 : i32
      %dma_wait3A_572 = tpu.memref_slice %arg7[%select_n3A_543, %dma_wait3A_569, %select_n3A_559, %dma_wait3A_570, %dma_wait3A_571] : memref<200x8x32x8x128xf32, #tpu.memory_space<hbm>> -> memref<1x8x1x8x128xf32, #tpu.memory_space<hbm>>
      %dma_wait3A_573 = tpu.memref_squeeze %dma_wait3A_572 : memref<1x8x1x8x128xf32, #tpu.memory_space<hbm>> -> memref<8x8x128xf32, #tpu.memory_space<hbm>>
      %dma_wait3A_574 = arith.constant 0 : i32
      %dma_wait3A_575 = arith.constant 0 : i32
      %dma_wait3A_576 = arith.constant 0 : i32
      %dma_wait3A_577 = tpu.memref_slice %arg14[%dma_wait3A_574, %dma_wait3A_575, %dma_wait3A_576] : memref<8x8x129xf32, #tpu.memory_space<vmem>> -> memref<8x8x128xf32, #tpu.memory_space<vmem>>
      tpu.wait_dma2 semaphore(%arg22 : memref<!tpu.dma_semaphore, #tpu.memory_space<semaphore_mem>>) src(%dma_wait3A_577 : memref<8x8x128xf32, #tpu.memory_space<vmem>>) dst(%dma_wait3A_573 : memref<8x8x128xf32, #tpu.memory_space<hbm>>)
      %lt3A_578 = arith.constant 49 : i32
      %lt3A_579 = arith.cmpi slt, %scan3A_211, %lt3A_578 : i32
      %convert_element_type3A = arith.extui %lt3A_579 : i1 to i32
      %cond3A = arith.constant 0 : i32
      %cond3A_580 = arith.cmpi ne, %convert_element_type3A, %cond3A : i32
      scf.if %cond3A_580 {
        %add3A_785 = arith.constant 4 : i32
        %add3A_786 = arith.addi %add3A_518, %add3A_785 : i32
        %mul3A_787 = arith.constant 128 : i32
        %mul3A_788 = arith.muli %add3A_786, %mul3A_787 : i32
        %multiple_of3A_789 = tpu.assume_multiple %mul3A_788, 8 : i32
        %dma_start3A_790 = tpu.memref_slice %arg9[%multiple_of3A_789] : memref<25600xi32, #tpu.memory_space<vmem>> -> memref<128xi32, #tpu.memory_space<vmem>>
        %dma_start3A_791 = arith.constant 0 : i32
        %dma_start3A_792 = arith.constant 0 : i32
        %dma_start3A_793 = tpu.memref_slice %arg5[%dma_start3A_791, %dma_start3A_792] : memref<2048x64xf32, #tpu.memory_space<hbm>> -> memref<2048x64xf32, #tpu.memory_space<hbm>>
        tpu.enqueue_indirect_dma source(%dma_start3A_793 : memref<2048x64xf32, #tpu.memory_space<hbm>>) target(%arg10 : memref<128x64xf32, #tpu.memory_space<vmem>>) offsets(%dma_start3A_790 : memref<128xi32, #tpu.memory_space<vmem>>) semaphore(%arg18 : memref<!tpu.dma_semaphore, #tpu.memory_space<semaphore_mem>>)
      } else {
      }
      %mul3A_581 = arith.constant 4 : i32
      %mul3A_582 = arith.muli %scan3A_211, %mul3A_581 : i32
      %add3A_583 = arith.constant 1 : i32
      %add3A_584 = arith.addi %mul3A_582, %add3A_583 : i32
      %add3A_585 = arith.addi %mul3A_4, %add3A_584 : i32
      %jit3A_586 = arith.constant 32 : i32
      %div3A_587 = arith.divsi %add3A_585, %jit3A_586 : i32
      %sign3A_588 = arith.constant 0 : i32
      %sign3A_589 = arith.cmpi sgt, %add3A_585, %sign3A_588 : i32
      %sign3A_590 = arith.extui %sign3A_589 : i1 to i32
      %sign3A_591 = arith.constant 0 : i32
      %sign3A_592 = arith.cmpi slt, %add3A_585, %sign3A_591 : i32
      %sign3A_593 = arith.extui %sign3A_592 : i1 to i32
      %sign3A_594 = arith.subi %sign3A_590, %sign3A_593 : i32
      %sign3A_595 = arith.constant 0 : i32
      %sign3A_596 = arith.cmpi sgt, %jit3A_586, %sign3A_595 : i32
      %sign3A_597 = arith.extui %sign3A_596 : i1 to i32
      %sign3A_598 = arith.constant 0 : i32
      %sign3A_599 = arith.cmpi slt, %jit3A_586, %sign3A_598 : i32
      %sign3A_600 = arith.extui %sign3A_599 : i1 to i32
      %sign3A_601 = arith.subi %sign3A_597, %sign3A_600 : i32
      %ne3A_602 = arith.cmpi ne, %sign3A_594, %sign3A_601 : i32
      %rem3A_603 = arith.remsi %add3A_585, %jit3A_586 : i32
      %ne3A_604 = arith.constant 0 : i32
      %ne3A_605 = arith.cmpi ne, %rem3A_603, %ne3A_604 : i32
      %and3A_606 = arith.andi %ne3A_602, %ne3A_605 : i1
      %sub3A_607 = arith.constant 1 : i32
      %sub3A_608 = arith.subi %div3A_587, %sub3A_607 : i32
      %select_n3A_609 = arith.select %and3A_606, %sub3A_608, %div3A_587 : i32
      %jit3A_610 = arith.constant 32 : i32
      %eq3A_611 = arith.constant 0 : i32
      %eq3A_612 = arith.cmpi eq, %jit3A_610, %eq3A_611 : i32
      %jit3A_613 = arith.constant 1 : i32
      %select_n3A_614 = arith.select %eq3A_612, %jit3A_613, %jit3A_610 : i32
      %rem3A_615 = arith.remsi %add3A_585, %select_n3A_614 : i32
      %ne3A_616 = arith.constant 0 : i32
      %ne3A_617 = arith.cmpi ne, %rem3A_615, %ne3A_616 : i32
      %lt3A_618 = arith.constant 0 : i32
      %lt3A_619 = arith.cmpi slt, %rem3A_615, %lt3A_618 : i32
      %lt3A_620 = arith.constant 0 : i32
      %lt3A_621 = arith.cmpi slt, %select_n3A_614, %lt3A_620 : i32
      %ne3A_622 = arith.xori %lt3A_619, %lt3A_621 : i1
      %and3A_623 = arith.andi %ne3A_622, %ne3A_617 : i1
      %add3A_624 = arith.addi %rem3A_615, %select_n3A_614 : i32
      %select_n3A_625 = arith.select %and3A_623, %add3A_624, %rem3A_615 : i32
      %dma_wait3A_626 = arith.constant 0 : i32
      %dma_wait3A_627 = arith.constant 0 : i32
      %dma_wait3A_628 = arith.constant 0 : i32
      %dma_wait3A_629 = tpu.memref_slice %arg15[%dma_wait3A_626, %dma_wait3A_627, %dma_wait3A_628] : memref<8x8x129xf32, #tpu.memory_space<vmem>> -> memref<8x8x128xf32, #tpu.memory_space<vmem>>
      %dma_wait3A_630 = arith.constant 0 : i32
      %dma_wait3A_631 = arith.constant 0 : i32
      %dma_wait3A_632 = arith.constant 0 : i32
      %dma_wait3A_633 = tpu.memref_slice %arg7[%select_n3A_609, %dma_wait3A_630, %select_n3A_625, %dma_wait3A_631, %dma_wait3A_632] : memref<200x8x32x8x128xf32, #tpu.memory_space<hbm>> -> memref<1x8x1x8x128xf32, #tpu.memory_space<hbm>>
      %dma_wait3A_634 = tpu.memref_squeeze %dma_wait3A_633 : memref<1x8x1x8x128xf32, #tpu.memory_space<hbm>> -> memref<8x8x128xf32, #tpu.memory_space<hbm>>
      %dma_wait3A_635 = arith.constant 0 : i32
      %dma_wait3A_636 = arith.constant 0 : i32
      %dma_wait3A_637 = arith.constant 0 : i32
      %dma_wait3A_638 = tpu.memref_slice %arg7[%select_n3A_609, %dma_wait3A_635, %select_n3A_625, %dma_wait3A_636, %dma_wait3A_637] : memref<200x8x32x8x128xf32, #tpu.memory_space<hbm>> -> memref<1x8x1x8x128xf32, #tpu.memory_space<hbm>>
      %dma_wait3A_639 = tpu.memref_squeeze %dma_wait3A_638 : memref<1x8x1x8x128xf32, #tpu.memory_space<hbm>> -> memref<8x8x128xf32, #tpu.memory_space<hbm>>
      %dma_wait3A_640 = arith.constant 0 : i32
      %dma_wait3A_641 = arith.constant 0 : i32
      %dma_wait3A_642 = arith.constant 0 : i32
      %dma_wait3A_643 = tpu.memref_slice %arg15[%dma_wait3A_640, %dma_wait3A_641, %dma_wait3A_642] : memref<8x8x129xf32, #tpu.memory_space<vmem>> -> memref<8x8x128xf32, #tpu.memory_space<vmem>>
      tpu.wait_dma2 semaphore(%arg23 : memref<!tpu.dma_semaphore, #tpu.memory_space<semaphore_mem>>) src(%dma_wait3A_643 : memref<8x8x128xf32, #tpu.memory_space<vmem>>) dst(%dma_wait3A_639 : memref<8x8x128xf32, #tpu.memory_space<hbm>>)
      %lt3A_644 = arith.constant 49 : i32
      %lt3A_645 = arith.cmpi slt, %scan3A_211, %lt3A_644 : i32
      %convert_element_type3A_646 = arith.extui %lt3A_645 : i1 to i32
      %cond3A_647 = arith.constant 0 : i32
      %cond3A_648 = arith.cmpi ne, %convert_element_type3A_646, %cond3A_647 : i32
      scf.if %cond3A_648 {
        %add3A_785 = arith.constant 4 : i32
        %add3A_786 = arith.addi %add3A_584, %add3A_785 : i32
        %mul3A_787 = arith.constant 128 : i32
        %mul3A_788 = arith.muli %add3A_786, %mul3A_787 : i32
        %multiple_of3A_789 = tpu.assume_multiple %mul3A_788, 8 : i32
        %dma_start3A_790 = tpu.memref_slice %arg9[%multiple_of3A_789] : memref<25600xi32, #tpu.memory_space<vmem>> -> memref<128xi32, #tpu.memory_space<vmem>>
        %dma_start3A_791 = arith.constant 0 : i32
        %dma_start3A_792 = arith.constant 0 : i32
        %dma_start3A_793 = tpu.memref_slice %arg5[%dma_start3A_791, %dma_start3A_792] : memref<2048x64xf32, #tpu.memory_space<hbm>> -> memref<2048x64xf32, #tpu.memory_space<hbm>>
        tpu.enqueue_indirect_dma source(%dma_start3A_793 : memref<2048x64xf32, #tpu.memory_space<hbm>>) target(%arg11 : memref<128x64xf32, #tpu.memory_space<vmem>>) offsets(%dma_start3A_790 : memref<128xi32, #tpu.memory_space<vmem>>) semaphore(%arg19 : memref<!tpu.dma_semaphore, #tpu.memory_space<semaphore_mem>>)
      } else {
      }
      %mul3A_649 = arith.constant 4 : i32
      %mul3A_650 = arith.muli %scan3A_211, %mul3A_649 : i32
      %add3A_651 = arith.constant 2 : i32
      %add3A_652 = arith.addi %mul3A_650, %add3A_651 : i32
      %add3A_653 = arith.addi %mul3A_4, %add3A_652 : i32
      %jit3A_654 = arith.constant 32 : i32
      %div3A_655 = arith.divsi %add3A_653, %jit3A_654 : i32
      %sign3A_656 = arith.constant 0 : i32
      %sign3A_657 = arith.cmpi sgt, %add3A_653, %sign3A_656 : i32
      %sign3A_658 = arith.extui %sign3A_657 : i1 to i32
      %sign3A_659 = arith.constant 0 : i32
      %sign3A_660 = arith.cmpi slt, %add3A_653, %sign3A_659 : i32
      %sign3A_661 = arith.extui %sign3A_660 : i1 to i32
      %sign3A_662 = arith.subi %sign3A_658, %sign3A_661 : i32
      %sign3A_663 = arith.constant 0 : i32
      %sign3A_664 = arith.cmpi sgt, %jit3A_654, %sign3A_663 : i32
      %sign3A_665 = arith.extui %sign3A_664 : i1 to i32
      %sign3A_666 = arith.constant 0 : i32
      %sign3A_667 = arith.cmpi slt, %jit3A_654, %sign3A_666 : i32
      %sign3A_668 = arith.extui %sign3A_667 : i1 to i32
      %sign3A_669 = arith.subi %sign3A_665, %sign3A_668 : i32
      %ne3A_670 = arith.cmpi ne, %sign3A_662, %sign3A_669 : i32
      %rem3A_671 = arith.remsi %add3A_653, %jit3A_654 : i32
      %ne3A_672 = arith.constant 0 : i32
      %ne3A_673 = arith.cmpi ne, %rem3A_671, %ne3A_672 : i32
      %and3A_674 = arith.andi %ne3A_670, %ne3A_673 : i1
      %sub3A_675 = arith.constant 1 : i32
      %sub3A_676 = arith.subi %div3A_655, %sub3A_675 : i32
      %select_n3A_677 = arith.select %and3A_674, %sub3A_676, %div3A_655 : i32
      %jit3A_678 = arith.constant 32 : i32
      %eq3A_679 = arith.constant 0 : i32
      %eq3A_680 = arith.cmpi eq, %jit3A_678, %eq3A_679 : i32
      %jit3A_681 = arith.constant 1 : i32
      %select_n3A_682 = arith.select %eq3A_680, %jit3A_681, %jit3A_678 : i32
      %rem3A_683 = arith.remsi %add3A_653, %select_n3A_682 : i32
      %ne3A_684 = arith.constant 0 : i32
      %ne3A_685 = arith.cmpi ne, %rem3A_683, %ne3A_684 : i32
      %lt3A_686 = arith.constant 0 : i32
      %lt3A_687 = arith.cmpi slt, %rem3A_683, %lt3A_686 : i32
      %lt3A_688 = arith.constant 0 : i32
      %lt3A_689 = arith.cmpi slt, %select_n3A_682, %lt3A_688 : i32
      %ne3A_690 = arith.xori %lt3A_687, %lt3A_689 : i1
      %and3A_691 = arith.andi %ne3A_690, %ne3A_685 : i1
      %add3A_692 = arith.addi %rem3A_683, %select_n3A_682 : i32
      %select_n3A_693 = arith.select %and3A_691, %add3A_692, %rem3A_683 : i32
      %dma_wait3A_694 = arith.constant 0 : i32
      %dma_wait3A_695 = arith.constant 0 : i32
      %dma_wait3A_696 = arith.constant 0 : i32
      %dma_wait3A_697 = tpu.memref_slice %arg16[%dma_wait3A_694, %dma_wait3A_695, %dma_wait3A_696] : memref<8x8x129xf32, #tpu.memory_space<vmem>> -> memref<8x8x128xf32, #tpu.memory_space<vmem>>
      %dma_wait3A_698 = arith.constant 0 : i32
      %dma_wait3A_699 = arith.constant 0 : i32
      %dma_wait3A_700 = arith.constant 0 : i32
      %dma_wait3A_701 = tpu.memref_slice %arg7[%select_n3A_677, %dma_wait3A_698, %select_n3A_693, %dma_wait3A_699, %dma_wait3A_700] : memref<200x8x32x8x128xf32, #tpu.memory_space<hbm>> -> memref<1x8x1x8x128xf32, #tpu.memory_space<hbm>>
      %dma_wait3A_702 = tpu.memref_squeeze %dma_wait3A_701 : memref<1x8x1x8x128xf32, #tpu.memory_space<hbm>> -> memref<8x8x128xf32, #tpu.memory_space<hbm>>
      %dma_wait3A_703 = arith.constant 0 : i32
      %dma_wait3A_704 = arith.constant 0 : i32
      %dma_wait3A_705 = arith.constant 0 : i32
      %dma_wait3A_706 = tpu.memref_slice %arg7[%select_n3A_677, %dma_wait3A_703, %select_n3A_693, %dma_wait3A_704, %dma_wait3A_705] : memref<200x8x32x8x128xf32, #tpu.memory_space<hbm>> -> memref<1x8x1x8x128xf32, #tpu.memory_space<hbm>>
      %dma_wait3A_707 = tpu.memref_squeeze %dma_wait3A_706 : memref<1x8x1x8x128xf32, #tpu.memory_space<hbm>> -> memref<8x8x128xf32, #tpu.memory_space<hbm>>
      %dma_wait3A_708 = arith.constant 0 : i32
      %dma_wait3A_709 = arith.constant 0 : i32
      %dma_wait3A_710 = arith.constant 0 : i32
      %dma_wait3A_711 = tpu.memref_slice %arg16[%dma_wait3A_708, %dma_wait3A_709, %dma_wait3A_710] : memref<8x8x129xf32, #tpu.memory_space<vmem>> -> memref<8x8x128xf32, #tpu.memory_space<vmem>>
      tpu.wait_dma2 semaphore(%arg24 : memref<!tpu.dma_semaphore, #tpu.memory_space<semaphore_mem>>) src(%dma_wait3A_711 : memref<8x8x128xf32, #tpu.memory_space<vmem>>) dst(%dma_wait3A_707 : memref<8x8x128xf32, #tpu.memory_space<hbm>>)
      %lt3A_712 = arith.constant 49 : i32
      %lt3A_713 = arith.cmpi slt, %scan3A_211, %lt3A_712 : i32
      %convert_element_type3A_714 = arith.extui %lt3A_713 : i1 to i32
      %cond3A_715 = arith.constant 0 : i32
      %cond3A_716 = arith.cmpi ne, %convert_element_type3A_714, %cond3A_715 : i32
      scf.if %cond3A_716 {
        %add3A_785 = arith.constant 4 : i32
        %add3A_786 = arith.addi %add3A_652, %add3A_785 : i32
        %mul3A_787 = arith.constant 128 : i32
        %mul3A_788 = arith.muli %add3A_786, %mul3A_787 : i32
        %multiple_of3A_789 = tpu.assume_multiple %mul3A_788, 8 : i32
        %dma_start3A_790 = tpu.memref_slice %arg9[%multiple_of3A_789] : memref<25600xi32, #tpu.memory_space<vmem>> -> memref<128xi32, #tpu.memory_space<vmem>>
        %dma_start3A_791 = arith.constant 0 : i32
        %dma_start3A_792 = arith.constant 0 : i32
        %dma_start3A_793 = tpu.memref_slice %arg5[%dma_start3A_791, %dma_start3A_792] : memref<2048x64xf32, #tpu.memory_space<hbm>> -> memref<2048x64xf32, #tpu.memory_space<hbm>>
        tpu.enqueue_indirect_dma source(%dma_start3A_793 : memref<2048x64xf32, #tpu.memory_space<hbm>>) target(%arg12 : memref<128x64xf32, #tpu.memory_space<vmem>>) offsets(%dma_start3A_790 : memref<128xi32, #tpu.memory_space<vmem>>) semaphore(%arg20 : memref<!tpu.dma_semaphore, #tpu.memory_space<semaphore_mem>>)
      } else {
      }
      %mul3A_717 = arith.constant 4 : i32
      %mul3A_718 = arith.muli %scan3A_211, %mul3A_717 : i32
      %add3A_719 = arith.constant 3 : i32
      %add3A_720 = arith.addi %mul3A_718, %add3A_719 : i32
      %add3A_721 = arith.addi %mul3A_4, %add3A_720 : i32
      %jit3A_722 = arith.constant 32 : i32
      %div3A_723 = arith.divsi %add3A_721, %jit3A_722 : i32
      %sign3A_724 = arith.constant 0 : i32
      %sign3A_725 = arith.cmpi sgt, %add3A_721, %sign3A_724 : i32
      %sign3A_726 = arith.extui %sign3A_725 : i1 to i32
      %sign3A_727 = arith.constant 0 : i32
      %sign3A_728 = arith.cmpi slt, %add3A_721, %sign3A_727 : i32
      %sign3A_729 = arith.extui %sign3A_728 : i1 to i32
      %sign3A_730 = arith.subi %sign3A_726, %sign3A_729 : i32
      %sign3A_731 = arith.constant 0 : i32
      %sign3A_732 = arith.cmpi sgt, %jit3A_722, %sign3A_731 : i32
      %sign3A_733 = arith.extui %sign3A_732 : i1 to i32
      %sign3A_734 = arith.constant 0 : i32
      %sign3A_735 = arith.cmpi slt, %jit3A_722, %sign3A_734 : i32
      %sign3A_736 = arith.extui %sign3A_735 : i1 to i32
      %sign3A_737 = arith.subi %sign3A_733, %sign3A_736 : i32
      %ne3A_738 = arith.cmpi ne, %sign3A_730, %sign3A_737 : i32
      %rem3A_739 = arith.remsi %add3A_721, %jit3A_722 : i32
      %ne3A_740 = arith.constant 0 : i32
      %ne3A_741 = arith.cmpi ne, %rem3A_739, %ne3A_740 : i32
      %and3A_742 = arith.andi %ne3A_738, %ne3A_741 : i1
      %sub3A_743 = arith.constant 1 : i32
      %sub3A_744 = arith.subi %div3A_723, %sub3A_743 : i32
      %select_n3A_745 = arith.select %and3A_742, %sub3A_744, %div3A_723 : i32
      %jit3A_746 = arith.constant 32 : i32
      %eq3A_747 = arith.constant 0 : i32
      %eq3A_748 = arith.cmpi eq, %jit3A_746, %eq3A_747 : i32
      %jit3A_749 = arith.constant 1 : i32
      %select_n3A_750 = arith.select %eq3A_748, %jit3A_749, %jit3A_746 : i32
      %rem3A_751 = arith.remsi %add3A_721, %select_n3A_750 : i32
      %ne3A_752 = arith.constant 0 : i32
      %ne3A_753 = arith.cmpi ne, %rem3A_751, %ne3A_752 : i32
      %lt3A_754 = arith.constant 0 : i32
      %lt3A_755 = arith.cmpi slt, %rem3A_751, %lt3A_754 : i32
      %lt3A_756 = arith.constant 0 : i32
      %lt3A_757 = arith.cmpi slt, %select_n3A_750, %lt3A_756 : i32
      %ne3A_758 = arith.xori %lt3A_755, %lt3A_757 : i1
      %and3A_759 = arith.andi %ne3A_758, %ne3A_753 : i1
      %add3A_760 = arith.addi %rem3A_751, %select_n3A_750 : i32
      %select_n3A_761 = arith.select %and3A_759, %add3A_760, %rem3A_751 : i32
      %dma_wait3A_762 = arith.constant 0 : i32
      %dma_wait3A_763 = arith.constant 0 : i32
      %dma_wait3A_764 = arith.constant 0 : i32
      %dma_wait3A_765 = tpu.memref_slice %arg17[%dma_wait3A_762, %dma_wait3A_763, %dma_wait3A_764] : memref<8x8x129xf32, #tpu.memory_space<vmem>> -> memref<8x8x128xf32, #tpu.memory_space<vmem>>
      %dma_wait3A_766 = arith.constant 0 : i32
      %dma_wait3A_767 = arith.constant 0 : i32
      %dma_wait3A_768 = arith.constant 0 : i32
      %dma_wait3A_769 = tpu.memref_slice %arg7[%select_n3A_745, %dma_wait3A_766, %select_n3A_761, %dma_wait3A_767, %dma_wait3A_768] : memref<200x8x32x8x128xf32, #tpu.memory_space<hbm>> -> memref<1x8x1x8x128xf32, #tpu.memory_space<hbm>>
      %dma_wait3A_770 = tpu.memref_squeeze %dma_wait3A_769 : memref<1x8x1x8x128xf32, #tpu.memory_space<hbm>> -> memref<8x8x128xf32, #tpu.memory_space<hbm>>
      %dma_wait3A_771 = arith.constant 0 : i32
      %dma_wait3A_772 = arith.constant 0 : i32
      %dma_wait3A_773 = arith.constant 0 : i32
      %dma_wait3A_774 = tpu.memref_slice %arg7[%select_n3A_745, %dma_wait3A_771, %select_n3A_761, %dma_wait3A_772, %dma_wait3A_773] : memref<200x8x32x8x128xf32, #tpu.memory_space<hbm>> -> memref<1x8x1x8x128xf32, #tpu.memory_space<hbm>>
      %dma_wait3A_775 = tpu.memref_squeeze %dma_wait3A_774 : memref<1x8x1x8x128xf32, #tpu.memory_space<hbm>> -> memref<8x8x128xf32, #tpu.memory_space<hbm>>
      %dma_wait3A_776 = arith.constant 0 : i32
      %dma_wait3A_777 = arith.constant 0 : i32
      %dma_wait3A_778 = arith.constant 0 : i32
      %dma_wait3A_779 = tpu.memref_slice %arg17[%dma_wait3A_776, %dma_wait3A_777, %dma_wait3A_778] : memref<8x8x129xf32, #tpu.memory_space<vmem>> -> memref<8x8x128xf32, #tpu.memory_space<vmem>>
      tpu.wait_dma2 semaphore(%arg25 : memref<!tpu.dma_semaphore, #tpu.memory_space<semaphore_mem>>) src(%dma_wait3A_779 : memref<8x8x128xf32, #tpu.memory_space<vmem>>) dst(%dma_wait3A_775 : memref<8x8x128xf32, #tpu.memory_space<hbm>>)
      %lt3A_780 = arith.constant 49 : i32
      %lt3A_781 = arith.cmpi slt, %scan3A_211, %lt3A_780 : i32
      %convert_element_type3A_782 = arith.extui %lt3A_781 : i1 to i32
      %cond3A_783 = arith.constant 0 : i32
      %cond3A_784 = arith.cmpi ne, %convert_element_type3A_782, %cond3A_783 : i32
      scf.if %cond3A_784 {
        %add3A_785 = arith.constant 4 : i32
        %add3A_786 = arith.addi %add3A_720, %add3A_785 : i32
        %mul3A_787 = arith.constant 128 : i32
        %mul3A_788 = arith.muli %add3A_786, %mul3A_787 : i32
        %multiple_of3A_789 = tpu.assume_multiple %mul3A_788, 8 : i32
        %dma_start3A_790 = tpu.memref_slice %arg9[%multiple_of3A_789] : memref<25600xi32, #tpu.memory_space<vmem>> -> memref<128xi32, #tpu.memory_space<vmem>>
        %dma_start3A_791 = arith.constant 0 : i32
        %dma_start3A_792 = arith.constant 0 : i32
        %dma_start3A_793 = tpu.memref_slice %arg5[%dma_start3A_791, %dma_start3A_792] : memref<2048x64xf32, #tpu.memory_space<hbm>> -> memref<2048x64xf32, #tpu.memory_space<hbm>>
        tpu.enqueue_indirect_dma source(%dma_start3A_793 : memref<2048x64xf32, #tpu.memory_space<hbm>>) target(%arg13 : memref<128x64xf32, #tpu.memory_space<vmem>>) offsets(%dma_start3A_790 : memref<128xi32, #tpu.memory_space<vmem>>) semaphore(%arg21 : memref<!tpu.dma_semaphore, #tpu.memory_space<semaphore_mem>>)
      } else {
      }
    }
    %scan3A_210 = arith.constant 50 : i32
    return
  }
}

</mosaic_0001>

<sc_bundles>
// kernel: kernel.3.cloned.1.call-start
scs
__scs_entry_jumppad:
0x0: {  	(pc) =	sbr.rel $0x88, $3  }
0x1: {  	(tag) =	ssettag $0x0;
	lr =	simm.s32 $0x1  }
0x2: {  	[smem:$0x3F9D] =	sst lr;
	_ =	strace $0xD0000000  }
0x3: {  	_ = 	snop  }
0x4: {  	_ = 	snop  }
0x5: {  	_ = 	snop  }
0x6: {  	_ = 	snop  }
0x7: {  	_ = 	snop  }
__scs_overlays_trampoline_lowered:
0x8: {  	[smem:$0x3FAC] =	sst s0  }
0x9: {  	[smem:$0x3FAD] =	sst s1  }
0xa: {  	[smem:$0x3FAE] =	sst s2  }
0xb: {  	[smem:$0x3FAF] =	sst s3  }
0xc: {  	[smem:$0x3FB0] =	sst s4  }
0xd: {  	[smem:$0x3FB1] =	sst s5  }
0xe: {  	[smem:$0x3FB2] =	sst s6  }
0xf: {  	[smem:$0x3FB3] =	sst s7  }
0x10: {  	[smem:$0x3FB4] =	sst s8  }
0x11: {  	[smem:$0x3FB5] =	sst s9;
	s0 =	simm.s32 @!p0 $0x0  }
0x12: {  	s1 =	sld [smem:$0x3F9B];
	s0 =	simm.s32 @p0 $0x1  }
0x13: {  	[smem:$0x3FB6] =	sst s0;
	s0 =	simm.s32 @!p1 $0x0  }
0x14: {  	s2 =	sld [smem:$0x3F9A];
	s0 =	simm.s32 @p1 $0x1  }
0x15: {  	[smem:$0x3FB7] =	sst s0;
	s0 =	simm.s32 @!p2 $0x0  }
0x16: {  	s3 =	sld [smem:$0x3FDB];
	s0 =	simm.s32 @p2 $0x1  }
0x17: {  	s4 =	simm.s32 $0x1BF5;
	[smem:$0x3FB9] =	sst s0  }
0x18: {  	s0 =	sld [smem:$0x3F9C];
	_ =	swait.ge [sflag:s4], $0x0  }
0x19: {  	s7 =	sld [smem:$0x3F9D]  }
0x1a: {  	s8 =	sadd.s32 $0xFFFFE003, lr  }
0x1b: {  	s9 =	sadd.s32 $0xFFFFFEF7, lr;
	s5 =	simm.s32 $0xFFFFFFFF;
	p2 =	slt.u32 s8, $0xFFFFF086  }
0x1c: {  	p1 =	slt.u32 s9, $0xF7A;
	s5 =	simm.s32 @!p2 $0x0  }
0x1d: {  	s5 =	simm.s32 @p1 $0x1;
	p0 =	seq.s32 s7, s2  }
0x1e: {  	s7 =	smul.u32 @!p0 $0xF7A, s2;
	p2 =	seq.s32 @!p0 s5, $0x0  }
0x1f: {  	s9 =	smul.u32 $0xF7A, s1;
	s8 =	simm.s32 @!p0 $0x1BF5;
	p2 =	por !p2, p0  }
0x20: {  	[sflag:s8] =	ssyncset.s32 @!p0 $0xFFFFF086;
	s6 =	sadd.s32 @!p0 s3, s7;
	s7 =	simm.s32 @!p0 $0x108  }
0x21: {  	s3 =	sadd.s32 s3, s9;
	s6 =	sadd.s32 @!p0 $0x88, s6;
	s7 =	simm.s32 @p2 $0x1082  }
0x22: {  	[simem:s7], [sflag:s8] =	dma.local @!p0 [hbm:s6], $0xF7A  }
0x23: {  	s9 =	sor.u32 $0xD0000000, s2;
	s6 =	simm.s32 $0x108;
	_ =	swait.ge @!p0 [sflag:s8], $0x0  }
0x24: {  	s3 =	sadd.s32 $0x88, s3;
	s6 =	simm.s32 @!p1 $0x1082;
	[sflag:s4] =	ssyncset.s32 $0xFFFFF086  }
0x25: {  	[simem:s6], [sflag:s4] =	dma.local [hbm:s3], $0xF7A  }
0x26: {  	[smem:$0x3F9D] =	sst s1;
	(tag) =	ssettag s2;
	_ =	strace s9  }
0x27: {  	s1 =	sld [smem:$0x3FAD]  }
0x28: {  	s2 =	sld [smem:$0x3FAE]  }
0x29: {  	s4 =	sld [smem:$0x3FB0]  }
0x2a: {  	p0 =	seq.s32 s5, $0x0;
	s5 =	sld [smem:$0x3FB1]  }
0x2b: {  	s6 =	sld [smem:$0x3FB2]  }
0x2c: {  	s7 =	sld [smem:$0x3FB3]  }
0x2d: {  	s3 =	simm.s32 $0x108;
	s8 =	sld [smem:$0x3FB4]  }
0x2e: {  	s3 =	simm.s32 @!p0 $0x1082;
	s9 =	sld [smem:$0x3FB5]  }
0x2f: {  	lr =	sadd.s32 s0, s3;
	s0 =	sld [smem:$0x3FAC]  }
0x30: {  	s3 =	sld [smem:$0x3FAF]  }
0x31: {  	[smem:$0x3FB8] =	sst s10  }
0x32: {  	s10 =	sld [smem:$0x3FB6];
	_ =	sdelay $0x3  }
0x33: {  	p0 =	seq.s32 s10, $0x1;
	s10 =	sld [smem:$0x3FB8];
	_ =	sdelay $0x3  }
0x34: {  	[smem:$0x3FB8] =	sst s10  }
0x35: {  	s10 =	sld [smem:$0x3FB7];
	_ =	sdelay $0x3  }
0x36: {  	p1 =	seq.s32 s10, $0x1;
	s10 =	sld [smem:$0x3FB8];
	_ =	sdelay $0x3  }
0x37: {  	[smem:$0x3FB8] =	sst s10  }
0x38: {  	s10 =	sld [smem:$0x3FB9]  }
0x39: {  	_ = 	snop;
	(pc) =	sbr.ind lr, $3  }
0x3a: {  	_ = 	snop  }
0x3b: {  	_ = 	snop  }
0x3c: {  	p2 =	seq.s32 s10, $0x1;
	s10 =	sld [smem:$0x3FB8]  }
0x3d: {  	_ =	shalt  }
0x3e: {  	_ =	shalt  }
0x3f: {  	_ =	shalt  }
0x40: {  	_ =	shalt  }
0x41: {  	_ =	shalt  }
0x42: {  	_ =	shalt  }
0x43: {  	_ =	shalt  }
0x44: {  	_ =	shalt  }
0x45: {  	_ =	shalt  }
0x46: {  	_ =	shalt  }
0x47: {  	_ =	shalt  }
0x48: {  	_ =	shalt  }
0x49: {  	_ =	shalt  }
0x4a: {  	_ =	shalt  }
0x4b: {  	_ =	shalt  }
0x4c: {  	_ =	shalt  }
0x4d: {  	_ =	shalt  }
0x4e: {  	_ =	shalt  }
0x4f: {  	_ =	shalt  }
0x50: {  	_ =	shalt  }
0x51: {  	_ =	shalt  }
0x52: {  	_ =	shalt  }
0x53: {  	_ =	shalt  }
0x54: {  	_ =	shalt  }
0x55: {  	_ =	shalt  }
0x56: {  	_ =	shalt  }
0x57: {  	_ =	shalt  }
0x58: {  	_ =	shalt  }
0x59: {  	_ =	shalt  }
0x5a: {  	_ =	shalt  }
0x5b: {  	_ =	shalt  }
0x5c: {  	_ =	shalt  }
0x5d: {  	_ =	shalt  }
0x5e: {  	_ =	shalt  }
0x5f: {  	_ =	shalt  }
0x60: {  	_ =	shalt  }
0x61: {  	_ =	shalt  }
0x62: {  	_ =	shalt  }
0x63: {  	_ =	shalt  }
0x64: {  	_ =	shalt  }
0x65: {  	_ =	shalt  }
0x66: {  	_ =	shalt  }
0x67: {  	_ =	shalt  }
0x68: {  	_ =	shalt  }
0x69: {  	_ =	shalt  }
0x6a: {  	_ =	shalt  }
0x6b: {  	_ =	shalt  }
0x6c: {  	_ =	shalt  }
0x6d: {  	_ =	shalt  }
0x6e: {  	_ =	shalt  }
0x6f: {  	_ =	shalt  }
0x70: {  	_ =	shalt  }
0x71: {  	_ =	shalt  }
0x72: {  	_ =	shalt  }
0x73: {  	_ =	shalt  }
0x74: {  	_ =	shalt  }
0x75: {  	_ =	shalt  }
0x76: {  	_ =	shalt  }
0x77: {  	_ =	shalt  }
0x78: {  	_ =	shalt  }
0x79: {  	_ =	shalt  }
0x7a: {  	_ =	shalt  }
0x7b: {  	_ =	shalt  }
0x7c: {  	_ =	shalt  }
0x7d: {  	_ =	shalt  }
0x7e: {  	_ =	shalt  }
0x7f: {  	_ =	shalt  }
0x80: {  	_ =	shalt  }
0x81: {  	_ =	shalt  }
0x82: {  	_ =	shalt  }
0x83: {  	_ =	shalt  }
0x84: {  	_ =	shalt  }
0x85: {  	_ =	shalt  }
0x86: {  	_ =	shalt  }
0x87: {  	_ =	shalt  }
.Lfunc_end0:
.L_simem_size_0:
called_computation_lowered:
.L_overlay_start_0:
0x88: {  	s2 =	sld [smem:$0x3FD9]  }
0x89: {  	s3 =	sld [smem:$0x3FFE];
	_ =	sdelay $0x1  }
0x8a: {  	s1 =	srdreg.scid  }
0x8b: {  	s0 =	sand.u32 $0x1, s1  }
0x8c: {  	s14 =	sshll.u32 s0, $0xA;
	s2 =	sadd.s32 s3, s2  }
0x8d: {  	s2 =	sadd.s32 s2, s14  }
0x8e: {  	[smem:$0x3FC4] =	sst s2  }
0x8f: {  	_ = 	snop  }
0x90: {  	s2 =	sld [smem:$0x3FD0];
	_ =	sdelay $0x2  }
0x91: {  	s15 =	simm.s32 $0xA;
	s4 =	simm.s32 $0x10  }
0x92: {  	[smem:s4], [sflag:s15] =	dma.local [hbm:s2], $0x1  }
0x93: {  	_ =	swait.eq [sflag:s15], $0x1  }
0x94: {  	[sflag:s15] =	ssyncset.done $0x0  }
0x95: {  	s16 =	sld [smem:$0x10];
	[sflag:s15] =	ssyncadd.s32 $0xFFFFFFFF  }
0x96: {  	s17 =	sld [smem:$0x11];
	(tm) =	ssettm $0x1  }
0x97: {  	s18 =	sld [smem:$0x3FFB];
	_ =	sdelay $0x3  }
0x98: {  	_ =	strace s18  }
0x99: {  	s4 =	sld [smem:$0x3FFC];
	_ =	sdelay $0x3  }
0x9a: {  	_ =	strace s4  }
0x9b: {  	s4 =	sld [smem:$0x3FFD];
	_ =	sdelay $0x3  }
0x9c: {  	_ =	strace s4  }
0x9d: {  	_ =	strace $0x8FFFFFFF  }
0x9e: {  	s19 =	sld [smem:$0x3FDB];
	_ =	sdelay $0x1  }
0x9f: {  	s5 =	simm.s32 $_scs_section_size  }
0xa0: {  	s6 =	simm.s32 $_size__tile_overlayer_lowered;
	s7 =	simm.s32 $_tile_overlayer_lowered  }
0xa1: {  	s22 =	simm.s32 $0x1BFF;
	s21 =	sshll.u32 s7, $0x1;
	s4 =	sadd.s32 s5, s19  }
0xa2: {  	s8 =	simm.s32 $0x0;
	s20 =	sshll.u32 s6, $0x1;
	s6 =	sadd.s32 s21, s4  }
0xa3: {  	[timem:s8], [sflag:s22] =	dma.local [hbm:s6], s20  }
0xa4: {  	_ =	swait.ge [sflag:s22], s20  }
0xa5: {  	s5 =	ssub.s32 $0x0, s20;
	[sflag:s22] =	ssyncset.done $0x0  }
0xa6: {  	[sflag:s22] =	ssyncadd.s32 s5;
	_ =	sdelay $0x1  }
0xa7: {  	s23 =	simm.s32 $0x1B8B  }
0xa8: {  	_ =	swait.ge [sflag:s23], $0x1  }
0xa9: {  	[sflag:s23] =	ssyncset.done $0x0  }
0xaa: {  	s25 =	simm.s32 $0x1B8E;
	s24 =	sld [smem:$0x3FFE];
	[sflag:s23] =	ssyncadd.s32 $0xFFFFFFFF  }
0xab: {  	s26 =	simm.s32 $execute0_lowered;
	[smem:$0x3FD2] =	sst s25  }
0xac: {  	s6 =	sshll.u32 s26, $0x1;
	_ =	strace $0x80000046;
	[dreg:$0x1] =	wrdreg $0xFFFFFFFF  }
0xad: {  	s28 =	simm.s32 $_size_execute0_lowered;
	s4 =	sadd.s32 s4, s6;
	[dreg:$0x0] =	wrdreg $0x0  }
0xae: {  	s6 =	sshll.u32 s28, $0x1;
	[dreg:$0x2] =	wrdreg s4  }
0xaf: {  	[dreg:$0x3] =	wrdreg s6  }
0xb0: {  	[dreg:$0x4] =	wrdreg $0xC0  }
0xb1: {  	_ =	task [dreg:s8], $0x5FFFF  }
0xb2: {  	[dreg:$0x1] =	wrdreg $0xFFFFFFFF  }
0xb3: {  	[dreg:$0x0] =	wrdreg $0x60  }
0xb4: {  	[dreg:$0x2] =	wrdreg s24  }
0xb5: {  	[dreg:$0x3] =	wrdreg s16  }
0xb6: {  	[dreg:$0x4] =	wrdreg s17  }
0xb7: {  	[dreg:$0x5] =	wrdreg $0x9  }
0xb8: {  	_ =	task.clear_ibuf [dreg:s8], $0x6FFFF;
	_ =	strace $0x90000046  }
0xb9: {  	s29 =	simm.s32 $0x9;
	_ =	strace $0x80000048  }
0xba: {  	_ =	swait.ge [sflag:s29], $0x1  }
0xbb: {  	[sflag:s29] =	ssyncadd.s32 $0xFFFFFFFF  }
0xbc: {  	_ =	strace $0x90000048  }
0xbd: {  	_ =	sfence  }
0xbe: {  	s30 =	sld [smem:$0x0];
	_ =	sdelay $0x2  }
0xbf: {  	s31 =	sshll.u32 s1, $0xD;
	s1 =	sshrl.u32 s1, $0x2  }
0xc0: {  	s3 =	sand.u32 $0x4000, s31;
	s1 =	sadd.s32 s1, s30  }
0xc1: {  	s0 =	sor.u32 s3, s0;
	s1 =	sshll.u32 s1, $0x11  }
0xc2: {  	s0 =	sor.u32 s1, s0  }
0xc3: {  	s0 =	sadd.s32 $0x8F2B, s0  }
0xc4: {  	[sflag:s0] =	ssyncadd.remote.s32 $0x1  }
0xc5: {  	_ =	sfence.sel $0xFFFF  }
0xc6: {  	[dreg:$0x0] =	wrdreg $0xFFFFFFFF;
	(pc) =	sbr.abs _section_cstart, $3  }
0xc7: {  	[dreg:$0x1] =	wrdreg $0xFFFFFFFF  }
0xc8: {  	_ =	task.clear_ibuf [dreg:s8], $0x2FFFF;
	_ =	strace $0x9FFFFFFF  }
0xc9: {  	(tm) =	ssettm $0x7FFFFFFF  }
tec
execute0_lowered:
.L_overlay_start_1:
0x0: {  	(tag) =	ssettag $0x1  }
0x1: {  	s0 =	rddreg [dreg:$0x0];
	s1 =	srdreg.scid  }
0x2: {  	s3 =	stileid.u32;
	s2 =	rddreg [dreg:$0x1];
	v0 =	vlaneseq.u32  }
0x3: {  	s13 =	simm.s32 $0x80;
	s15 =	simm.s32 $0xE800;
	s17 =	simm.s32 $0x10800;
	v0 =	vmul.u32 $0x88, v0  }
0x4: {  	v1 =	vimm.s32 $0x0;
	vm0 =	vcmask $0x300;
	s19 =	simm.s32 $0x12800;
	s20 =	simm.s32 $0x1;
	s21 =	simm.s32 $0x14800  }
0x5: {  	s22 =	simm.s32 $0x2;
	s23 =	simm.s32 $0x16A00;
	s28 =	simm.s32 $0x1AE00;
	v1 =	vsel vm0, $0x3, v1;
	v2 =	vadd.s32 $0x880, v0  }
0x6: {  	s29 =	simm.s32 $0x5;
	s30 =	simm.s32 $0x6;
	s31 =	simm.s32 $0x7;
	v3 =	vadd.s32 $0x1100, v0;
	v4 =	vadd.s32 $0x1980, v0;
	v5 =	vor.u32 $0x1, v0  }
0x7: {  	s1 =	sand.u32 $0x1, s1;
	s4 =	sshll.u32 s3, $0x1;
	s3 =	rddreg [dreg:$0x2];
	v6 =	vadd.s32 $0x881, v0;
	v7 =	vadd.s32 $0x1101, v0;
	v8 =	vadd.s32 $0x1981, v0  }
0x8: {  	s6 =	sadd.s32 $0x32E00, s0;
	s7 =	sor.u32 s1, s4;
	s4 =	simm.s32 $0x0;
	v9 =	vor.u32 $0x2, v0;
	v10 =	vadd.s32 $0x882, v0;
	v11 =	vadd.s32 $0x1102, v0  }
0x9: {  	s1 =	ssub.s32 $0x2, s1;
	s5 =	smul.u32 $0xC80, s7;
	[smem:$0x7FF] =	sst s4;
	v12 =	vadd.s32 $0x1982, v0;
	v13 =	vor.u32 $0x3, v0;
	v14 =	vadd.s32 $0x883, v0  }
0xa: {  	s24 =	sshrl.u32 s1, $0x1;
	s7 =	smul.u32 $0xC8, s7;
	v15 =	vadd.s32 $0x1103, v0;
	v16 =	vadd.s32 $0x1983, v0;
	v17 =	vor.u32 $0x4, v0;
	_ =	strace $0x80000047  }
.Ltmp0:
0xb: {  	v18 =	vadd.s32 $0x884, v0;
	v19 =	vadd.s32 $0x1104, v0;
	v20 =	vadd.s32 $0x1984, v0;
	s8 =	sadd.s32 s5, s0;
	s5 =	sadd.s32 $0xF43200, s0;
	(pc) =	sbr.rel .LBB2_1-.Ltmp0, $4  }
0xc: {  	v21 =	vor.u32 $0x5, v0;
	v22 =	vadd.s32 $0x885, v0;
	v23 =	vadd.s32 $0x1105, v0;
	s0 =	ssub.s32 s1, s24;
	s24 =	simm.s32 $0x3;
	s25 =	sadd.s32 $0x19E00, s8  }
0xd: {  	v24 =	vadd.s32 $0x1985, v0;
	v25 =	vor.u32 $0x6, v0;
	v26 =	vadd.s32 $0x886, v0;
	s1 =	simm.s32 $0x8;
	s26 =	sadd.s32 $0xE00, s8;
	[dreg:$0x4] =	wrdreg s25  }
0xe: {  	v27 =	vadd.s32 $0x1106, v0;
	v28 =	vadd.s32 $0x1986, v0;
	v29 =	vor.u32 $0x7, v0;
	s0 =	smax.u32 s0, $0x1;
	s8 =	simm.s32 $0x0;
	[dreg:$0x5] =	wrdreg s26  }
0xf: {  	v30 =	vadd.s32 $0x887, v0;
	v31 =	vadd.s32 $0x1107, v0;
	v32 =	vadd.s32 $0x1987, v0;
	[dreg:$0x6] =	wrdreg s0;
	s25 =	simm.s32 $0x18C00;
	s26 =	simm.s32 $0x4  }
.LBB2_39:
0x10: {  	_ =	swait.ge [sflag:s30], $0x2000  }
0x11: {  	[sflag:s30] =	ssyncset.done $0x0  }
0x12: {  	[sflag:s30] =	ssyncadd.s32 $0xFFFFE000  }
0x13: {  	_ =	swait.ge [sflag:s31], $0x2000  }
0x14: {  	[sflag:s31] =	ssyncset.done $0x0  }
0x15: {  	[sflag:s31] =	ssyncadd.s32 $0xFFFFE000  }
0x16: {  	_ =	swait.ge [sflag:s1], $0x2000  }
0x17: {  	s8 =	rddreg [dreg:$0x7]  }
0x18: {  	s0 =	rddreg [dreg:$0x6];
	s8 =	sadd.s32 $0x1, s8  }
0x19: {  	p0 =	sne.s32 s8, s0  }
.Ltmp1:
0x1a: {  	_ = 	snop;
	(pc) =	sbr.rel @!p0 .LBB2_40-.Ltmp1, $3  }
0x1b: {  	_ =	sdelay $0x1  }
0x1c: {  	[sflag:s1] =	ssyncset.done $0x0  }
0x1d: {  	[sflag:s1] =	ssyncadd.s32 $0xFFFFE000  }
.LBB2_1:
0x1e: {  	[dreg:$0x7] =	wrdreg s8  }
0x1f: {  	s0 =	rddreg [dreg:$0x4];
	s11 =	simm.s32 $0x9  }
0x20: {  	[tilespmem:s4], [sflag:$0x9] =	stream.linear.gather [hbm4b:s0+s4], $0x6400, $0x38;
	[tilespmem:$0x1D000] =	vst v63  }
0x21: {  	_ =	swait.ge [sflag:s11], $0x6400  }
0x22: {  	[sflag:s11] =	ssyncset.done $0x0  }
0x23: {  	s9 =	simm.s32 $0x6400;
	s12 =	rddreg [dreg:$0x5];
	[sflag:s11] =	ssyncadd.s32 $0xFFFF9C00  }
0x24: {  	[tilespmem:s9], [sflag:$0x9] =	stream.linear.gather [hbm4b:s12+s4], $0x6400, $0x38;
	[tilespmem:$0x1D000] =	vst v63  }
0x25: {  	_ =	swait.ge [sflag:s11], $0x6400  }
0x26: {  	[sflag:s11] =	ssyncset.done $0x0  }
0x27: {  	s14 =	simm.s32 $0xC800;
	[sflag:s11] =	ssyncadd.s32 $0xFFFF9C00  }
0x28: {  	[tilespmem:s14], [sflag:$0x1] =	stream.indirect.gather [hbm4b:s5+s13], $0x40, s4, s13, $0xb8;
	[tilespmem:$0x1D000] =	vst v63  }
0x29: {  	_ = 	snop  }
0x2a: {  	[tilespmem:s15], [sflag:$0x2] =	stream.indirect.gather [hbm4b:s5+s13], $0x40, s13, s13, $0xb8;
	[tilespmem:$0x1D000] =	vst v63  }
0x2b: {  	s16 =	simm.s32 $0x100  }
0x2c: {  	[tilespmem:s17], [sflag:$0x3] =	stream.indirect.gather [hbm4b:s5+s13], $0x40, s16, s13, $0xb8;
	[tilespmem:$0x1D000] =	vst v63  }
0x2d: {  	s18 =	simm.s32 $0x180;
	s16 =	simm.s32 $0x0  }
0x2e: {  	[tilespmem:s19], [sflag:$0x4] =	stream.indirect.gather [hbm4b:s5+s13], $0x40, s18, s13, $0xb8;
	[tilespmem:$0x1D000] =	vst v63  }
.LBB2_2:
0x2f: {  	s8 =	simm.s32 $0x0  }
0x30: {  	v33 =	vmov s8  }
0x31: {  	v33 =	vshrl.u32 v33, $0x3  }
0x32: {  	_ =	swait.ge [sflag:s20], $0x2000;
	v33 =	vshll.u32 v33, v1  }
0x33: {  	[sflag:s20] =	ssyncset.done $0x0;
	v33 =	vbroadcast v33, $0x0  }
0x34: {  	s18 =	simm.s32 $0xC900;
	[sflag:s20] =	ssyncadd.s32 $0xFFFFE000  }
0x35: {  	v34 =	vld [tilespmem:s18+$0xFFFFFF00];
	v35 =	vadd.s32 v0, v33  }
0x36: {  	v36 =	vld [tilespmem:s18+$0xFFFFFF10];
	v37 =	vadd.s32 v2, v33  }
0x37: {  	v38 =	vld [tilespmem:s18+$0xFFFFFF20];
	v39 =	vadd.s32 v3, v33  }
0x38: {  	s12 =	simm.s32 $0x1;
	v40 =	vld [tilespmem:s18+$0xFFFFFF30];
	v33 =	vadd.s32 v4, v33  }
0x39: {  	v41 =	vmov s12  }
0x3a: {  	v47 =	vshrl.u32 v41, $0x3;
	[tilespmem:v35+s21+$0x0] =	vst.idx.msk $0xffff, v34  }
0x3b: {  	v34 =	vshll.u32 v47, v1;
	[tilespmem:v37+s21+$0x0] =	vst.idx.msk $0xffff, v36  }
0x3c: {  	v34 =	vbroadcast v34, $0x0;
	[tilespmem:v39+s21+$0x0] =	vst.idx.msk $0xffff, v38  }
0x3d: {  	[tilespmem:v33+s21+$0x0] =	vst.idx.msk $0xffff, v40  }
0x3e: {  	v48 =	vadd.s32 v5, v34;
	v33 =	vld [tilespmem:s18+$0xFFFFFF40]  }
0x3f: {  	v49 =	vadd.s32 v6, v34;
	v36 =	vld [tilespmem:s18+$0xFFFFFF50]  }
0x40: {  	v50 =	vadd.s32 v7, v34;
	v38 =	vld [tilespmem:s18+$0xFFFFFF60]  }
0x41: {  	s14 =	simm.s32 $0x2;
	v34 =	vadd.s32 v8, v34;
	v40 =	vld [tilespmem:s18+$0xFFFFFF70]  }
0x42: {  	v51 =	vmov s14  }
0x43: {  	v52 =	vshrl.u32 v51, $0x3;
	[tilespmem:v48+s21+$0x0] =	vst.idx.msk $0xffff, v33  }
0x44: {  	v33 =	vshll.u32 v52, v1;
	[tilespmem:v49+s21+$0x0] =	vst.idx.msk $0xffff, v36  }
0x45: {  	v33 =	vbroadcast v33, $0x0;
	[tilespmem:v50+s21+$0x0] =	vst.idx.msk $0xffff, v38  }
0x46: {  	[tilespmem:v34+s21+$0x0] =	vst.idx.msk $0xffff, v40  }
0x47: {  	v53 =	vadd.s32 v9, v33;
	v34 =	vld [tilespmem:s18+$0xFFFFFF80]  }
0x48: {  	v54 =	vadd.s32 v10, v33;
	v36 =	vld [tilespmem:s18+$0xFFFFFF90]  }
0x49: {  	v55 =	vadd.s32 v11, v33;
	v38 =	vld [tilespmem:s18+$0xFFFFFFA0]  }
0x4a: {  	s0 =	simm.s32 $0x3;
	v33 =	vadd.s32 v12, v33;
	v40 =	vld [tilespmem:s18+$0xFFFFFFB0]  }
0x4b: {  	v56 =	vmov s0  }
0x4c: {  	v57 =	vshrl.u32 v56, $0x3;
	[tilespmem:v53+s21+$0x0] =	vst.idx.msk $0xffff, v34  }
0x4d: {  	v34 =	vshll.u32 v57, v1;
	[tilespmem:v54+s21+$0x0] =	vst.idx.msk $0xffff, v36  }
0x4e: {  	v34 =	vbroadcast v34, $0x0;
	[tilespmem:v55+s21+$0x0] =	vst.idx.msk $0xffff, v38  }
0x4f: {  	[tilespmem:v33+s21+$0x0] =	vst.idx.msk $0xffff, v40  }
0x50: {  	v58 =	vadd.s32 v13, v34;
	v33 =	vld [tilespmem:s18+$0xFFFFFFC0]  }
0x51: {  	v59 =	vadd.s32 v14, v34;
	v36 =	vld [tilespmem:s18+$0xFFFFFFD0]  }
0x52: {  	v60 =	vadd.s32 v15, v34;
	v38 =	vld [tilespmem:s18+$0xFFFFFFE0]  }
0x53: {  	s9 =	simm.s32 $0x4;
	v34 =	vadd.s32 v16, v34;
	v40 =	vld [tilespmem:s18+$0xFFFFFFF0]  }
0x54: {  	v61 =	vmov s9  }
0x55: {  	v62 =	vshrl.u32 v61, $0x3;
	[tilespmem:v58+s21+$0x0] =	vst.idx.msk $0xffff, v33  }
0x56: {  	v33 =	vshll.u32 v62, v1;
	[tilespmem:v59+s21+$0x0] =	vst.idx.msk $0xffff, v36  }
0x57: {  	v33 =	vbroadcast v33, $0x0;
	[tilespmem:v60+s21+$0x0] =	vst.idx.msk $0xffff, v38  }
0x58: {  	[tilespmem:v34+s21+$0x0] =	vst.idx.msk $0xffff, v40  }
0x59: {  	v63 =	vadd.s32 v17, v33;
	v34 =	vld [tilespmem:s18+$0x0]  }
0x5a: {  	v44 =	vadd.s32 v18, v33;
	v36 =	vld [tilespmem:s18+$0x10]  }
0x5b: {  	v45 =	vadd.s32 v19, v33;
	v38 =	vld [tilespmem:s18+$0x20]  }
0x5c: {  	s10 =	simm.s32 $0x5;
	v33 =	vadd.s32 v20, v33;
	v40 =	vld [tilespmem:s18+$0x30]  }
0x5d: {  	v46 =	vmov s10  }
0x5e: {  	v47 =	vshrl.u32 v46, $0x3;
	[tilespmem:v63+s21+$0x0] =	vst.idx.msk $0xffff, v34  }
0x5f: {  	v34 =	vshll.u32 v47, v1;
	[tilespmem:v44+s21+$0x0] =	vst.idx.msk $0xffff, v36  }
0x60: {  	v34 =	vbroadcast v34, $0x0;
	[tilespmem:v45+s21+$0x0] =	vst.idx.msk $0xffff, v38  }
0x61: {  	[tilespmem:v33+s21+$0x0] =	vst.idx.msk $0xffff, v40  }
0x62: {  	v48 =	vadd.s32 v21, v34;
	v33 =	vld [tilespmem:s18+$0x40]  }
0x63: {  	v49 =	vadd.s32 v22, v34;
	v36 =	vld [tilespmem:s18+$0x50]  }
0x64: {  	v50 =	vadd.s32 v23, v34;
	v38 =	vld [tilespmem:s18+$0x60]  }
0x65: {  	s11 =	simm.s32 $0x6;
	v34 =	vadd.s32 v24, v34;
	v40 =	vld [tilespmem:s18+$0x70]  }
0x66: {  	v51 =	vmov s11  }
0x67: {  	v52 =	vshrl.u32 v51, $0x3;
	[tilespmem:v48+s21+$0x0] =	vst.idx.msk $0xffff, v33  }
0x68: {  	v33 =	vshll.u32 v52, v1;
	[tilespmem:v49+s21+$0x0] =	vst.idx.msk $0xffff, v36  }
0x69: {  	v33 =	vbroadcast v33, $0x0;
	[tilespmem:v50+s21+$0x0] =	vst.idx.msk $0xffff, v38  }
0x6a: {  	[tilespmem:v34+s21+$0x0] =	vst.idx.msk $0xffff, v40  }
0x6b: {  	v53 =	vadd.s32 v25, v33;
	v34 =	vld [tilespmem:s18+$0x80]  }
0x6c: {  	v54 =	vadd.s32 v26, v33;
	v36 =	vld [tilespmem:s18+$0x90]  }
0x6d: {  	v55 =	vadd.s32 v27, v33;
	v38 =	vld [tilespmem:s18+$0xA0]  }
0x6e: {  	s12 =	simm.s32 $0x7;
	v33 =	vadd.s32 v28, v33;
	v40 =	vld [tilespmem:s18+$0xB0]  }
0x6f: {  	v56 =	vmov s12  }
0x70: {  	v57 =	vshrl.u32 v56, $0x3;
	[tilespmem:v53+s21+$0x0] =	vst.idx.msk $0xffff, v34  }
0x71: {  	v34 =	vshll.u32 v57, v1;
	[tilespmem:v54+s21+$0x0] =	vst.idx.msk $0xffff, v36  }
0x72: {  	v58 =	vbroadcast v34, $0x0;
	[tilespmem:v55+s21+$0x0] =	vst.idx.msk $0xffff, v38  }
0x73: {  	[tilespmem:v33+s21+$0x0] =	vst.idx.msk $0xffff, v40  }
0x74: {  	v59 =	vadd.s32 v29, v58;
	v33 =	vld [tilespmem:s18+$0xC0]  }
0x75: {  	v60 =	vadd.s32 v30, v58;
	v37 =	vld [tilespmem:s18+$0xD0]  }
0x76: {  	v61 =	vadd.s32 v31, v58;
	v39 =	vld [tilespmem:s18+$0xE0]  }
0x77: {  	s14 =	simm.s32 $0x8  }
0x78: {  	v62 =	vmov s14;
	v35 =	vadd.s32 v32, v58;
	v34 =	vld [tilespmem:s18+$0xF0]  }
0x79: {  	v41 =	vshrl.u32 v62, $0x3;
	[tilespmem:v59+s21+$0x0] =	vst.idx.msk $0xffff, v33  }
0x7a: {  	v63 =	vshll.u32 v41, v1;
	[tilespmem:v60+s21+$0x0] =	vst.idx.msk $0xffff, v37  }
0x7b: {  	s8 =	simm.s32 $0x17;
	s12 =	simm.s32 $0xF;
	v33 =	vbroadcast v63, $0x0;
	[tilespmem:v61+s21+$0x0] =	vst.idx.msk $0xffff, v39  }
.LBB2_3:
0x7c: {  	p0 =	sne.s32 s8, $0x7F  }
0x7d: {  	[tilespmem:v35+s21+$0x0] =	vst.idx.msk $0xffff, v34;
	s18 =	sadd.s32 $0x200, s18;
	s9 =	smov.u32 s8;
	s8 =	sadd.s32 $0x8, s8  }
0x7e: {  	v34 =	vld [tilespmem:s18+$0xFFFFFF00];
	v35 =	vadd.s32 v0, v33  }
0x7f: {  	v37 =	vadd.s32 v2, v33;
	v36 =	vld [tilespmem:s18+$0xFFFFFF10]  }
0x80: {  	v39 =	vadd.s32 v3, v33;
	v38 =	vld [tilespmem:s18+$0xFFFFFF20]  }
0x81: {  	s10 =	sadd.s32 $0xFFFFFFFA, s12;
	v33 =	vadd.s32 v4, v33;
	v40 =	vld [tilespmem:s18+$0xFFFFFF30]  }
0x82: {  	v41 =	vmov s10  }
0x83: {  	[tilespmem:v35+s21+$0x0] =	vst.idx.msk $0xffff, v34;
	v34 =	vshrl.u32 v41, $0x3  }
0x84: {  	[tilespmem:v37+s21+$0x0] =	vst.idx.msk $0xffff, v36;
	v34 =	vshll.u32 v34, v1  }
0x85: {  	[tilespmem:v39+s21+$0x0] =	vst.idx.msk $0xffff, v38;
	v34 =	vbroadcast v34, $0x0  }
0x86: {  	[tilespmem:v33+s21+$0x0] =	vst.idx.msk $0xffff, v40  }
0x87: {  	v33 =	vld [tilespmem:s18+$0xFFFFFF40];
	v35 =	vadd.s32 v5, v34  }
0x88: {  	v37 =	vadd.s32 v6, v34;
	v36 =	vld [tilespmem:s18+$0xFFFFFF50]  }
0x89: {  	v39 =	vadd.s32 v7, v34;
	v38 =	vld [tilespmem:s18+$0xFFFFFF60]  }
0x8a: {  	s10 =	sadd.s32 $0xFFFFFFFB, s12;
	v34 =	vadd.s32 v8, v34;
	v40 =	vld [tilespmem:s18+$0xFFFFFF70]  }
0x8b: {  	v41 =	vmov s10  }
0x8c: {  	[tilespmem:v35+s21+$0x0] =	vst.idx.msk $0xffff, v33;
	v33 =	vshrl.u32 v41, $0x3  }
0x8d: {  	[tilespmem:v37+s21+$0x0] =	vst.idx.msk $0xffff, v36;
	v33 =	vshll.u32 v33, v1  }
0x8e: {  	[tilespmem:v39+s21+$0x0] =	vst.idx.msk $0xffff, v38;
	v33 =	vbroadcast v33, $0x0  }
0x8f: {  	[tilespmem:v34+s21+$0x0] =	vst.idx.msk $0xffff, v40  }
0x90: {  	v34 =	vld [tilespmem:s18+$0xFFFFFF80];
	v35 =	vadd.s32 v9, v33  }
0x91: {  	v37 =	vadd.s32 v10, v33;
	v36 =	vld [tilespmem:s18+$0xFFFFFF90]  }
0x92: {  	v39 =	vadd.s32 v11, v33;
	v38 =	vld [tilespmem:s18+$0xFFFFFFA0]  }
0x93: {  	s10 =	sadd.s32 $0xFFFFFFFC, s12;
	v33 =	vadd.s32 v12, v33;
	v40 =	vld [tilespmem:s18+$0xFFFFFFB0]  }
0x94: {  	v41 =	vmov s10  }
0x95: {  	[tilespmem:v35+s21+$0x0] =	vst.idx.msk $0xffff, v34;
	v34 =	vshrl.u32 v41, $0x3  }
0x96: {  	[tilespmem:v37+s21+$0x0] =	vst.idx.msk $0xffff, v36;
	v34 =	vshll.u32 v34, v1  }
0x97: {  	[tilespmem:v39+s21+$0x0] =	vst.idx.msk $0xffff, v38;
	v34 =	vbroadcast v34, $0x0  }
0x98: {  	[tilespmem:v33+s21+$0x0] =	vst.idx.msk $0xffff, v40  }
0x99: {  	v33 =	vld [tilespmem:s18+$0xFFFFFFC0];
	v35 =	vadd.s32 v13, v34  }
0x9a: {  	v37 =	vadd.s32 v14, v34;
	v36 =	vld [tilespmem:s18+$0xFFFFFFD0]  }
0x9b: {  	v39 =	vadd.s32 v15, v34;
	v38 =	vld [tilespmem:s18+$0xFFFFFFE0]  }
0x9c: {  	s10 =	sadd.s32 $0xFFFFFFFD, s12;
	v34 =	vadd.s32 v16, v34;
	v40 =	vld [tilespmem:s18+$0xFFFFFFF0]  }
0x9d: {  	v41 =	vmov s10  }
0x9e: {  	[tilespmem:v35+s21+$0x0] =	vst.idx.msk $0xffff, v33;
	v33 =	vshrl.u32 v41, $0x3  }
0x9f: {  	[tilespmem:v37+s21+$0x0] =	vst.idx.msk $0xffff, v36;
	v33 =	vshll.u32 v33, v1  }
0xa0: {  	[tilespmem:v39+s21+$0x0] =	vst.idx.msk $0xffff, v38;
	v33 =	vbroadcast v33, $0x0  }
0xa1: {  	[tilespmem:v34+s21+$0x0] =	vst.idx.msk $0xffff, v40  }
0xa2: {  	v34 =	vld [tilespmem:s18+$0x0];
	v35 =	vadd.s32 v17, v33  }
0xa3: {  	v37 =	vadd.s32 v18, v33;
	v36 =	vld [tilespmem:s18+$0x10]  }
0xa4: {  	v39 =	vadd.s32 v19, v33;
	v38 =	vld [tilespmem:s18+$0x20]  }
0xa5: {  	s10 =	sadd.s32 $0xFFFFFFFE, s12;
	v33 =	vadd.s32 v20, v33;
	v40 =	vld [tilespmem:s18+$0x30]  }
0xa6: {  	v41 =	vmov s10  }
0xa7: {  	[tilespmem:v35+s21+$0x0] =	vst.idx.msk $0xffff, v34;
	v34 =	vshrl.u32 v41, $0x3  }
0xa8: {  	[tilespmem:v37+s21+$0x0] =	vst.idx.msk $0xffff, v36;
	v34 =	vshll.u32 v34, v1  }
0xa9: {  	[tilespmem:v39+s21+$0x0] =	vst.idx.msk $0xffff, v38;
	v34 =	vbroadcast v34, $0x0  }
0xaa: {  	[tilespmem:v33+s21+$0x0] =	vst.idx.msk $0xffff, v40  }
0xab: {  	v33 =	vld [tilespmem:s18+$0x40];
	v35 =	vadd.s32 v21, v34  }
0xac: {  	v37 =	vadd.s32 v22, v34;
	v36 =	vld [tilespmem:s18+$0x50]  }
0xad: {  	v39 =	vadd.s32 v23, v34;
	v38 =	vld [tilespmem:s18+$0x60]  }
0xae: {  	s10 =	sadd.s32 $0xFFFFFFFF, s12;
	v34 =	vadd.s32 v24, v34;
	v40 =	vld [tilespmem:s18+$0x70]  }
0xaf: {  	v41 =	vmov s10  }
0xb0: {  	[tilespmem:v35+s21+$0x0] =	vst.idx.msk $0xffff, v33;
	v33 =	vshrl.u32 v41, $0x3  }
0xb1: {  	[tilespmem:v37+s21+$0x0] =	vst.idx.msk $0xffff, v36;
	v33 =	vshll.u32 v33, v1  }
0xb2: {  	[tilespmem:v39+s21+$0x0] =	vst.idx.msk $0xffff, v38;
	v33 =	vbroadcast v33, $0x0  }
0xb3: {  	[tilespmem:v34+s21+$0x0] =	vst.idx.msk $0xffff, v40  }
0xb4: {  	v34 =	vld [tilespmem:s18+$0x80];
	v35 =	vadd.s32 v25, v33  }
0xb5: {  	v37 =	vadd.s32 v26, v33;
	v36 =	vld [tilespmem:s18+$0x90]  }
0xb6: {  	v39 =	vadd.s32 v27, v33;
	v38 =	vld [tilespmem:s18+$0xA0]  }
0xb7: {  	v33 =	vadd.s32 v28, v33;
	v40 =	vld [tilespmem:s18+$0xB0]  }
0xb8: {  	v41 =	vmov s12;
	s12 =	smov.u32 s9  }
0xb9: {  	[tilespmem:v35+s21+$0x0] =	vst.idx.msk $0xffff, v34;
	v34 =	vshrl.u32 v41, $0x3  }
0xba: {  	[tilespmem:v37+s21+$0x0] =	vst.idx.msk $0xffff, v36;
	v34 =	vshll.u32 v34, v1  }
0xbb: {  	[tilespmem:v39+s21+$0x0] =	vst.idx.msk $0xffff, v38;
	v35 =	vbroadcast v34, $0x0  }
0xbc: {  	[tilespmem:v33+s21+$0x0] =	vst.idx.msk $0xffff, v40  }
0xbd: {  	v33 =	vld [tilespmem:s18+$0xC0];
	v36 =	vadd.s32 v29, v35  }
0xbe: {  	v38 =	vadd.s32 v30, v35;
	v37 =	vld [tilespmem:s18+$0xD0]  }
0xbf: {  	v40 =	vadd.s32 v31, v35;
	v39 =	vld [tilespmem:s18+$0xE0]  }
.Ltmp2:
0xc0: {  	s9 =	sadd.s32 $0xFFFFFFF9, s12;
	v35 =	vadd.s32 v32, v35;
	v34 =	vld [tilespmem:s18+$0xF0];
	(pc) =	sbr.rel @p0 .LBB2_3-.Ltmp2, $4  }
0xc1: {  	v41 =	vmov s9  }
0xc2: {  	v41 =	vshrl.u32 v41, $0x3;
	[tilespmem:v36+s21+$0x0] =	vst.idx.msk $0xffff, v33  }
0xc3: {  	v33 =	vshll.u32 v41, v1;
	[tilespmem:v38+s21+$0x0] =	vst.idx.msk $0xffff, v37  }
0xc4: {  	v33 =	vbroadcast v33, $0x0;
	[tilespmem:v40+s21+$0x0] =	vst.idx.msk $0xffff, v39  }
0xc5: {  	_ =	sdelay $0x3  }
0xc6: {  	[tilespmem:v35+s21+$0x0] =	vst.idx.msk $0xffff, v34;
	s8 =	sadd.s32 $0x200, s18  }
0xc7: {  	v34 =	vld [tilespmem:s8+$0xFFFFFF00];
	v48 =	vadd.s32 v0, v33  }
0xc8: {  	v36 =	vld [tilespmem:s8+$0xFFFFFF10];
	v37 =	vadd.s32 v2, v33  }
0xc9: {  	v38 =	vld [tilespmem:s8+$0xFFFFFF20];
	v39 =	vadd.s32 v3, v33  }
0xca: {  	s9 =	sadd.s32 $0xFFFFFFFA, s12;
	v40 =	vld [tilespmem:s8+$0xFFFFFF30];
	v49 =	vadd.s32 v4, v33  }
0xcb: {  	v41 =	vmov s9  }
0xcc: {  	v50 =	vshrl.u32 v41, $0x3;
	[tilespmem:v48+s21+$0x0] =	vst.idx.msk $0xffff, v34  }
0xcd: {  	v34 =	vshll.u32 v50, v1;
	[tilespmem:v37+s21+$0x0] =	vst.idx.msk $0xffff, v36  }
0xce: {  	v34 =	vbroadcast v34, $0x0;
	[tilespmem:v39+s21+$0x0] =	vst.idx.msk $0xffff, v38  }
0xcf: {  	[tilespmem:v49+s21+$0x0] =	vst.idx.msk $0xffff, v40  }
0xd0: {  	v51 =	vadd.s32 v5, v34;
	v33 =	vld [tilespmem:s8+$0xFFFFFF40]  }
0xd1: {  	v52 =	vadd.s32 v6, v34;
	v36 =	vld [tilespmem:s8+$0xFFFFFF50]  }
0xd2: {  	v53 =	vadd.s32 v7, v34;
	v38 =	vld [tilespmem:s8+$0xFFFFFF60]  }
0xd3: {  	s10 =	sadd.s32 $0xFFFFFFFB, s12;
	v34 =	vadd.s32 v8, v34;
	v40 =	vld [tilespmem:s8+$0xFFFFFF70]  }
0xd4: {  	v54 =	vmov s10  }
0xd5: {  	v55 =	vshrl.u32 v54, $0x3;
	[tilespmem:v51+s21+$0x0] =	vst.idx.msk $0xffff, v33  }
0xd6: {  	v33 =	vshll.u32 v55, v1;
	[tilespmem:v52+s21+$0x0] =	vst.idx.msk $0xffff, v36  }
0xd7: {  	v33 =	vbroadcast v33, $0x0;
	[tilespmem:v53+s21+$0x0] =	vst.idx.msk $0xffff, v38  }
0xd8: {  	[tilespmem:v34+s21+$0x0] =	vst.idx.msk $0xffff, v40  }
0xd9: {  	v56 =	vadd.s32 v9, v33;
	v34 =	vld [tilespmem:s8+$0xFFFFFF80]  }
0xda: {  	v57 =	vadd.s32 v10, v33;
	v36 =	vld [tilespmem:s8+$0xFFFFFF90]  }
0xdb: {  	v58 =	vadd.s32 v11, v33;
	v38 =	vld [tilespmem:s8+$0xFFFFFFA0]  }
0xdc: {  	s11 =	sadd.s32 $0xFFFFFFFC, s12;
	v33 =	vadd.s32 v12, v33;
	v40 =	vld [tilespmem:s8+$0xFFFFFFB0]  }
0xdd: {  	v59 =	vmov s11  }
0xde: {  	v60 =	vshrl.u32 v59, $0x3;
	[tilespmem:v56+s21+$0x0] =	vst.idx.msk $0xffff, v34  }
0xdf: {  	v34 =	vshll.u32 v60, v1;
	[tilespmem:v57+s21+$0x0] =	vst.idx.msk $0xffff, v36  }
0xe0: {  	v34 =	vbroadcast v34, $0x0;
	[tilespmem:v58+s21+$0x0] =	vst.idx.msk $0xffff, v38  }
0xe1: {  	[tilespmem:v33+s21+$0x0] =	vst.idx.msk $0xffff, v40  }
0xe2: {  	v61 =	vadd.s32 v13, v34;
	v33 =	vld [tilespmem:s8+$0xFFFFFFC0]  }
0xe3: {  	v62 =	vadd.s32 v14, v34;
	v36 =	vld [tilespmem:s8+$0xFFFFFFD0]  }
0xe4: {  	v63 =	vadd.s32 v15, v34;
	v38 =	vld [tilespmem:s8+$0xFFFFFFE0]  }
0xe5: {  	s14 =	sadd.s32 $0xFFFFFFFD, s12;
	v34 =	vadd.s32 v16, v34;
	v40 =	vld [tilespmem:s8+$0xFFFFFFF0]  }
0xe6: {  	v44 =	vmov s14  }
0xe7: {  	v45 =	vshrl.u32 v44, $0x3;
	[tilespmem:v61+s21+$0x0] =	vst.idx.msk $0xffff, v33  }
0xe8: {  	v33 =	vshll.u32 v45, v1;
	[tilespmem:v62+s21+$0x0] =	vst.idx.msk $0xffff, v36  }
0xe9: {  	v33 =	vbroadcast v33, $0x0;
	[tilespmem:v63+s21+$0x0] =	vst.idx.msk $0xffff, v38  }
0xea: {  	[tilespmem:v34+s21+$0x0] =	vst.idx.msk $0xffff, v40  }
0xeb: {  	v46 =	vadd.s32 v17, v33;
	v34 =	vld [tilespmem:s8+$0x0]  }
0xec: {  	v47 =	vadd.s32 v18, v33;
	v36 =	vld [tilespmem:s8+$0x10]  }
0xed: {  	v48 =	vadd.s32 v19, v33;
	v38 =	vld [tilespmem:s8+$0x20]  }
0xee: {  	s18 =	sadd.s32 $0xFFFFFFFE, s12;
	v33 =	vadd.s32 v20, v33;
	v40 =	vld [tilespmem:s8+$0x30]  }
0xef: {  	v49 =	vmov s18  }
0xf0: {  	v50 =	vshrl.u32 v49, $0x3;
	[tilespmem:v46+s21+$0x0] =	vst.idx.msk $0xffff, v34  }
0xf1: {  	v34 =	vshll.u32 v50, v1;
	[tilespmem:v47+s21+$0x0] =	vst.idx.msk $0xffff, v36  }
0xf2: {  	v34 =	vbroadcast v34, $0x0;
	[tilespmem:v48+s21+$0x0] =	vst.idx.msk $0xffff, v38  }
0xf3: {  	[tilespmem:v33+s21+$0x0] =	vst.idx.msk $0xffff, v40  }
0xf4: {  	v51 =	vadd.s32 v21, v34;
	v33 =	vld [tilespmem:s8+$0x40]  }
0xf5: {  	v52 =	vadd.s32 v22, v34;
	v36 =	vld [tilespmem:s8+$0x50]  }
0xf6: {  	v53 =	vadd.s32 v23, v34;
	v38 =	vld [tilespmem:s8+$0x60]  }
0xf7: {  	s0 =	sadd.s32 $0xFFFFFFFF, s12;
	v34 =	vadd.s32 v24, v34;
	v40 =	vld [tilespmem:s8+$0x70]  }
0xf8: {  	v54 =	vmov s0  }
0xf9: {  	v55 =	vshrl.u32 v54, $0x3;
	[tilespmem:v51+s21+$0x0] =	vst.idx.msk $0xffff, v33  }
0xfa: {  	v33 =	vshll.u32 v55, v1;
	[tilespmem:v52+s21+$0x0] =	vst.idx.msk $0xffff, v36  }
0xfb: {  	v33 =	vbroadcast v33, $0x0;
	[tilespmem:v53+s21+$0x0] =	vst.idx.msk $0xffff, v38  }
0xfc: {  	[tilespmem:v34+s21+$0x0] =	vst.idx.msk $0xffff, v40  }
0xfd: {  	v56 =	vadd.s32 v25, v33;
	v34 =	vld [tilespmem:s8+$0x80]  }
0xfe: {  	v57 =	vadd.s32 v26, v33;
	v36 =	vld [tilespmem:s8+$0x90]  }
0xff: {  	v58 =	vadd.s32 v27, v33;
	v38 =	vld [tilespmem:s8+$0xA0]  }
0x100: {  	v33 =	vadd.s32 v28, v33;
	v40 =	vld [tilespmem:s8+$0xB0]  }
0x101: {  	v59 =	vmov s12  }
0x102: {  	v60 =	vshrl.u32 v59, $0x3;
	[tilespmem:v56+s21+$0x0] =	vst.idx.msk $0xffff, v34  }
0x103: {  	v34 =	vshll.u32 v60, v1;
	[tilespmem:v57+s21+$0x0] =	vst.idx.msk $0xffff, v36  }
0x104: {  	v34 =	vbroadcast v34, $0x0;
	[tilespmem:v58+s21+$0x0] =	vst.idx.msk $0xffff, v38  }
0x105: {  	[tilespmem:v33+s21+$0x0] =	vst.idx.msk $0xffff, v40  }
0x106: {  	v61 =	vadd.s32 v29, v34;
	v33 =	vld [tilespmem:s8+$0xC0]  }
0x107: {  	v62 =	vadd.s32 v30, v34;
	v36 =	vld [tilespmem:s8+$0xD0]  }
0x108: {  	v63 =	vadd.s32 v31, v34;
	v38 =	vld [tilespmem:s8+$0xE0]  }
0x109: {  	s18 =	sshll.u32 s16, $0x2;
	v34 =	vadd.s32 v32, v34;
	v40 =	vld [tilespmem:s8+$0xF0]  }
0x10a: {  	s9 =	sadd.s32 s7, s18  }
0x10b: {  	s10 =	sshll.u32 s9, $0x7;
	[tilespmem:v61+s21+$0x0] =	vst.idx.msk $0xffff, v33  }
0x10c: {  	s8 =	sshll.u32 s9, $0xA;
	s9 =	sand.u32 $0xE00, s10;
	[tilespmem:v62+s21+$0x0] =	vst.idx.msk $0xffff, v36  }
0x10d: {  	s8 =	sand.u32 $0xFFF8000, s8;
	s9 =	sadd.s32 s2, s9;
	[tilespmem:v63+s21+$0x0] =	vst.idx.msk $0xffff, v38  }
0x10e: {  	s11 =	simm.s32 $0x14800;
	s9 =	sadd.s32 s8, s9;
	[tilespmem:v34+s21+$0x0] =	vst.idx.msk $0xffff, v40  }
0x10f: {  	[hbm4b:s9+s4] =	stream.linear.scatter [tilespmem:s11], [sflag:$0x5], $0x80, $0x38;
	[tilespmem:$0x1D000] =	vst v63  }
0x110: {  	s12 =	simm.s32 $0x14888;
	s10 =	sadd.s32 $0x10, s9  }
0x111: {  	[hbm4b:s10+s4] =	stream.linear.scatter [tilespmem:s12], [sflag:$0x5], $0x80, $0x38;
	[tilespmem:$0x1D000] =	vst v63  }
0x112: {  	s14 =	simm.s32 $0x14910;
	s0 =	sadd.s32 $0x20, s9  }
0x113: {  	[hbm4b:s0+s4] =	stream.linear.scatter [tilespmem:s14], [sflag:$0x5], $0x80, $0x38;
	[tilespmem:$0x1D000] =	vst v63  }
0x114: {  	s11 =	simm.s32 $0x14998;
	s12 =	sadd.s32 $0x30, s9  }
0x115: {  	[hbm4b:s12+s4] =	stream.linear.scatter [tilespmem:s11], [sflag:$0x5], $0x80, $0x38;
	[tilespmem:$0x1D000] =	vst v63  }
0x116: {  	s14 =	simm.s32 $0x14A20;
	s0 =	sadd.s32 $0x40, s9  }
0x117: {  	[hbm4b:s0+s4] =	stream.linear.scatter [tilespmem:s14], [sflag:$0x5], $0x80, $0x38;
	[tilespmem:$0x1D000] =	vst v63  }
0x118: {  	s8 =	simm.s32 $0x440;
	s10 =	simm.s32 $0x14AA8;
	s11 =	sadd.s32 $0x50, s9  }
0x119: {  	[hbm4b:s11+s4] =	stream.linear.scatter [tilespmem:s10], [sflag:$0x5], $0x80, $0x38;
	[tilespmem:$0x1D000] =	vst v63  }
0x11a: {  	s12 =	simm.s32 $0x14B30;
	s14 =	sadd.s32 $0x60, s9;
	s10 =	simm.s32 $0x2200  }
0x11b: {  	[hbm4b:s14+s4] =	stream.linear.scatter [tilespmem:s12], [sflag:$0x5], $0x80, $0x38;
	[tilespmem:$0x1D000] =	vst v63  }
0x11c: {  	s11 =	sadd.s32 $0x70, s9;
	s9 =	sadd.s32 $0x1000, s9;
	s12 =	simm.s32 $0x14BB8  }
.LBB2_5:
0x11d: {  	[hbm4b:s11+s4] =	stream.linear.scatter [tilespmem:s12], [sflag:$0x5], $0x80, $0x38;
	[tilespmem:$0x1D000] =	vst v63  }
0x11e: {  	s11 =	smov.u32 s8;
	s8 =	smov.u32 s10  }
0x11f: {  	s0 =	sadd.s32 $0x1100, s10;
	s8 =	sshra.s32 s8, $0x2;
	s12 =	sadd.s32 $0x14800, s11  }
0x120: {  	[hbm4b:s9+s4] =	stream.linear.scatter [tilespmem:s12], [sflag:$0x5], $0x80, $0x38;
	[tilespmem:$0x1D000] =	vst v63  }
0x121: {  	p0 =	sne.s32 s10, $0x7700;
	s10 =	sadd.s32 $0x14888, s11;
	s12 =	sadd.s32 $0x10, s9  }
0x122: {  	[hbm4b:s12+s4] =	stream.linear.scatter [tilespmem:s10], [sflag:$0x5], $0x80, $0x38;
	[tilespmem:$0x1D000] =	vst v63  }
0x123: {  	s10 =	sadd.s32 $0x14910, s11;
	s12 =	sadd.s32 $0x20, s9  }
0x124: {  	[hbm4b:s12+s4] =	stream.linear.scatter [tilespmem:s10], [sflag:$0x5], $0x80, $0x38;
	[tilespmem:$0x1D000] =	vst v63  }
0x125: {  	s10 =	sadd.s32 $0x14998, s11;
	s12 =	sadd.s32 $0x30, s9  }
0x126: {  	[hbm4b:s12+s4] =	stream.linear.scatter [tilespmem:s10], [sflag:$0x5], $0x80, $0x38;
	[tilespmem:$0x1D000] =	vst v63  }
0x127: {  	s10 =	sadd.s32 $0x14A20, s11;
	s12 =	sadd.s32 $0x40, s9  }
0x128: {  	[hbm4b:s12+s4] =	stream.linear.scatter [tilespmem:s10], [sflag:$0x5], $0x80, $0x38;
	[tilespmem:$0x1D000] =	vst v63  }
0x129: {  	s10 =	sadd.s32 $0x14AA8, s11;
	s12 =	sadd.s32 $0x50, s9  }
0x12a: {  	[hbm4b:s12+s4] =	stream.linear.scatter [tilespmem:s10], [sflag:$0x5], $0x80, $0x38;
	[tilespmem:$0x1D000] =	vst v63  }
.Ltmp3:
0x12b: {  	_ = 	snop;
	(pc) =	sbr.rel @p0 .LBB2_5-.Ltmp3, $4  }
0x12c: {  	s10 =	sadd.s32 $0x14B30, s11;
	s12 =	sadd.s32 $0x60, s9  }
0x12d: {  	[hbm4b:s12+s4] =	stream.linear.scatter [tilespmem:s10], [sflag:$0x5], $0x80, $0x38;
	[tilespmem:$0x1D000] =	vst v63  }
0x12e: {  	s12 =	sadd.s32 $0x14BB8, s11  }
0x12f: {  	s11 =	sadd.s32 $0x70, s9;
	s9 =	sadd.s32 $0x1000, s9;
	s10 =	smov.u32 s0  }
0x130: {  	[hbm4b:s11+s4] =	stream.linear.scatter [tilespmem:s12], [sflag:$0x5], $0x80, $0x38;
	[tilespmem:$0x1D000] =	vst v63  }
0x131: {  	s0 =	sadd.s32 $0x14800, s8  }
0x132: {  	[hbm4b:s9+s4] =	stream.linear.scatter [tilespmem:s0], [sflag:$0x5], $0x80, $0x38;
	[tilespmem:$0x1D000] =	vst v63  }
0x133: {  	s11 =	sadd.s32 $0x14888, s8;
	s10 =	sadd.s32 $0x10, s9  }
0x134: {  	[hbm4b:s10+s4] =	stream.linear.scatter [tilespmem:s11], [sflag:$0x5], $0x80, $0x38;
	[tilespmem:$0x1D000] =	vst v63  }
0x135: {  	s12 =	sadd.s32 $0x14910, s8;
	s14 =	sadd.s32 $0x20, s9  }
0x136: {  	[hbm4b:s14+s4] =	stream.linear.scatter [tilespmem:s12], [sflag:$0x5], $0x80, $0x38;
	[tilespmem:$0x1D000] =	vst v63  }
0x137: {  	s10 =	sadd.s32 $0x14998, s8;
	s11 =	sadd.s32 $0x30, s9  }
0x138: {  	[hbm4b:s11+s4] =	stream.linear.scatter [tilespmem:s10], [sflag:$0x5], $0x80, $0x38;
	[tilespmem:$0x1D000] =	vst v63  }
0x139: {  	s12 =	sadd.s32 $0x14A20, s8;
	s14 =	sadd.s32 $0x40, s9  }
0x13a: {  	[hbm4b:s14+s4] =	stream.linear.scatter [tilespmem:s12], [sflag:$0x5], $0x80, $0x38;
	[tilespmem:$0x1D000] =	vst v63  }
0x13b: {  	s10 =	sadd.s32 $0x14AA8, s8;
	s11 =	sadd.s32 $0x50, s9  }
0x13c: {  	[hbm4b:s11+s4] =	stream.linear.scatter [tilespmem:s10], [sflag:$0x5], $0x80, $0x38;
	[tilespmem:$0x1D000] =	vst v63  }
0x13d: {  	s12 =	sadd.s32 $0x14B30, s8;
	s14 =	sadd.s32 $0x60, s9;
	s11 =	simm.s32 $0x0  }
0x13e: {  	[hbm4b:s14+s4] =	stream.linear.scatter [tilespmem:s12], [sflag:$0x5], $0x80, $0x38;
	[tilespmem:$0x1D000] =	vst v63  }
0x13f: {  	v33 =	vmov s11;
	s12 =	sadd.s32 $0x14BB8, s8;
	s14 =	sadd.s32 $0x70, s9  }
0x140: {  	v33 =	vshrl.u32 v33, $0x3;
	[hbm4b:s14+s4] =	stream.linear.scatter [tilespmem:s12], [sflag:$0x5], $0x80, $0x38;
	[tilespmem:$0x1D000] =	vst v63  }
0x141: {  	v33 =	vshll.u32 v33, v1;
	_ =	swait.ge [sflag:s22], $0x2000  }
0x142: {  	v33 =	vbroadcast v33, $0x0;
	[sflag:s22] =	ssyncset.done $0x0  }
0x143: {  	s12 =	simm.s32 $0xE900;
	[sflag:s22] =	ssyncadd.s32 $0xFFFFE000  }
0x144: {  	v35 =	vadd.s32 v0, v33;
	v34 =	vld [tilespmem:s12+$0xFFFFFF00]  }
0x145: {  	v37 =	vadd.s32 v2, v33;
	v36 =	vld [tilespmem:s12+$0xFFFFFF10]  }
0x146: {  	v39 =	vadd.s32 v3, v33;
	v38 =	vld [tilespmem:s12+$0xFFFFFF20]  }
0x147: {  	s10 =	simm.s32 $0x1;
	v33 =	vadd.s32 v4, v33;
	v40 =	vld [tilespmem:s12+$0xFFFFFF30]  }
0x148: {  	v41 =	vmov s10  }
0x149: {  	v47 =	vshrl.u32 v41, $0x3;
	[tilespmem:v35+s23+$0x0] =	vst.idx.msk $0xffff, v34  }
0x14a: {  	v34 =	vshll.u32 v47, v1;
	[tilespmem:v37+s23+$0x0] =	vst.idx.msk $0xffff, v36  }
0x14b: {  	v34 =	vbroadcast v34, $0x0;
	[tilespmem:v39+s23+$0x0] =	vst.idx.msk $0xffff, v38  }
0x14c: {  	[tilespmem:v33+s23+$0x0] =	vst.idx.msk $0xffff, v40  }
0x14d: {  	v48 =	vadd.s32 v5, v34;
	v33 =	vld [tilespmem:s12+$0xFFFFFF40]  }
0x14e: {  	v49 =	vadd.s32 v6, v34;
	v36 =	vld [tilespmem:s12+$0xFFFFFF50]  }
0x14f: {  	v50 =	vadd.s32 v7, v34;
	v38 =	vld [tilespmem:s12+$0xFFFFFF60]  }
0x150: {  	s11 =	simm.s32 $0x2;
	v34 =	vadd.s32 v8, v34;
	v40 =	vld [tilespmem:s12+$0xFFFFFF70]  }
0x151: {  	v51 =	vmov s11  }
0x152: {  	v52 =	vshrl.u32 v51, $0x3;
	[tilespmem:v48+s23+$0x0] =	vst.idx.msk $0xffff, v33  }
0x153: {  	v33 =	vshll.u32 v52, v1;
	[tilespmem:v49+s23+$0x0] =	vst.idx.msk $0xffff, v36  }
0x154: {  	v33 =	vbroadcast v33, $0x0;
	[tilespmem:v50+s23+$0x0] =	vst.idx.msk $0xffff, v38  }
0x155: {  	[tilespmem:v34+s23+$0x0] =	vst.idx.msk $0xffff, v40  }
0x156: {  	v53 =	vadd.s32 v9, v33;
	v34 =	vld [tilespmem:s12+$0xFFFFFF80]  }
0x157: {  	v54 =	vadd.s32 v10, v33;
	v36 =	vld [tilespmem:s12+$0xFFFFFF90]  }
0x158: {  	v55 =	vadd.s32 v11, v33;
	v38 =	vld [tilespmem:s12+$0xFFFFFFA0]  }
0x159: {  	s14 =	simm.s32 $0x3;
	v33 =	vadd.s32 v12, v33;
	v40 =	vld [tilespmem:s12+$0xFFFFFFB0]  }
0x15a: {  	v56 =	vmov s14  }
0x15b: {  	v57 =	vshrl.u32 v56, $0x3;
	[tilespmem:v53+s23+$0x0] =	vst.idx.msk $0xffff, v34  }
0x15c: {  	v34 =	vshll.u32 v57, v1;
	[tilespmem:v54+s23+$0x0] =	vst.idx.msk $0xffff, v36  }
0x15d: {  	v34 =	vbroadcast v34, $0x0;
	[tilespmem:v55+s23+$0x0] =	vst.idx.msk $0xffff, v38  }
0x15e: {  	[tilespmem:v33+s23+$0x0] =	vst.idx.msk $0xffff, v40  }
0x15f: {  	v58 =	vadd.s32 v13, v34;
	v33 =	vld [tilespmem:s12+$0xFFFFFFC0]  }
0x160: {  	v59 =	vadd.s32 v14, v34;
	v36 =	vld [tilespmem:s12+$0xFFFFFFD0]  }
0x161: {  	v60 =	vadd.s32 v15, v34;
	v38 =	vld [tilespmem:s12+$0xFFFFFFE0]  }
0x162: {  	s8 =	simm.s32 $0x4;
	v34 =	vadd.s32 v16, v34;
	v40 =	vld [tilespmem:s12+$0xFFFFFFF0]  }
0x163: {  	v61 =	vmov s8  }
0x164: {  	v62 =	vshrl.u32 v61, $0x3;
	[tilespmem:v58+s23+$0x0] =	vst.idx.msk $0xffff, v33  }
0x165: {  	v33 =	vshll.u32 v62, v1;
	[tilespmem:v59+s23+$0x0] =	vst.idx.msk $0xffff, v36  }
0x166: {  	v33 =	vbroadcast v33, $0x0;
	[tilespmem:v60+s23+$0x0] =	vst.idx.msk $0xffff, v38  }
0x167: {  	[tilespmem:v34+s23+$0x0] =	vst.idx.msk $0xffff, v40  }
0x168: {  	v63 =	vadd.s32 v17, v33;
	v34 =	vld [tilespmem:s12+$0x0]  }
0x169: {  	v44 =	vadd.s32 v18, v33;
	v36 =	vld [tilespmem:s12+$0x10]  }
0x16a: {  	v45 =	vadd.s32 v19, v33;
	v38 =	vld [tilespmem:s12+$0x20]  }
0x16b: {  	s9 =	simm.s32 $0x5;
	v33 =	vadd.s32 v20, v33;
	v40 =	vld [tilespmem:s12+$0x30]  }
0x16c: {  	v46 =	vmov s9  }
0x16d: {  	v47 =	vshrl.u32 v46, $0x3;
	[tilespmem:v63+s23+$0x0] =	vst.idx.msk $0xffff, v34  }
0x16e: {  	v34 =	vshll.u32 v47, v1;
	[tilespmem:v44+s23+$0x0] =	vst.idx.msk $0xffff, v36  }
0x16f: {  	v34 =	vbroadcast v34, $0x0;
	[tilespmem:v45+s23+$0x0] =	vst.idx.msk $0xffff, v38  }
0x170: {  	[tilespmem:v33+s23+$0x0] =	vst.idx.msk $0xffff, v40  }
0x171: {  	v48 =	vadd.s32 v21, v34;
	v33 =	vld [tilespmem:s12+$0x40]  }
0x172: {  	v49 =	vadd.s32 v22, v34;
	v36 =	vld [tilespmem:s12+$0x50]  }
0x173: {  	v50 =	vadd.s32 v23, v34;
	v38 =	vld [tilespmem:s12+$0x60]  }
0x174: {  	s10 =	simm.s32 $0x6;
	v34 =	vadd.s32 v24, v34;
	v40 =	vld [tilespmem:s12+$0x70]  }
0x175: {  	v51 =	vmov s10  }
0x176: {  	v52 =	vshrl.u32 v51, $0x3;
	[tilespmem:v48+s23+$0x0] =	vst.idx.msk $0xffff, v33  }
0x177: {  	v33 =	vshll.u32 v52, v1;
	[tilespmem:v49+s23+$0x0] =	vst.idx.msk $0xffff, v36  }
0x178: {  	v33 =	vbroadcast v33, $0x0;
	[tilespmem:v50+s23+$0x0] =	vst.idx.msk $0xffff, v38  }
0x179: {  	[tilespmem:v34+s23+$0x0] =	vst.idx.msk $0xffff, v40  }
0x17a: {  	v53 =	vadd.s32 v25, v33;
	v34 =	vld [tilespmem:s12+$0x80]  }
0x17b: {  	v54 =	vadd.s32 v26, v33;
	v36 =	vld [tilespmem:s12+$0x90]  }
0x17c: {  	v55 =	vadd.s32 v27, v33;
	v38 =	vld [tilespmem:s12+$0xA0]  }
0x17d: {  	s11 =	simm.s32 $0x7;
	v33 =	vadd.s32 v28, v33;
	v40 =	vld [tilespmem:s12+$0xB0]  }
0x17e: {  	v56 =	vmov s11  }
0x17f: {  	v57 =	vshrl.u32 v56, $0x3;
	[tilespmem:v53+s23+$0x0] =	vst.idx.msk $0xffff, v34  }
0x180: {  	v34 =	vshll.u32 v57, v1;
	[tilespmem:v54+s23+$0x0] =	vst.idx.msk $0xffff, v36  }
0x181: {  	v58 =	vbroadcast v34, $0x0;
	[tilespmem:v55+s23+$0x0] =	vst.idx.msk $0xffff, v38  }
0x182: {  	[tilespmem:v33+s23+$0x0] =	vst.idx.msk $0xffff, v40  }
0x183: {  	v59 =	vadd.s32 v29, v58;
	v33 =	vld [tilespmem:s12+$0xC0]  }
0x184: {  	v60 =	vadd.s32 v30, v58;
	v37 =	vld [tilespmem:s12+$0xD0]  }
0x185: {  	v61 =	vadd.s32 v31, v58;
	v39 =	vld [tilespmem:s12+$0xE0]  }
0x186: {  	s14 =	simm.s32 $0x8  }
0x187: {  	v62 =	vmov s14;
	v35 =	vadd.s32 v32, v58;
	v34 =	vld [tilespmem:s12+$0xF0]  }
0x188: {  	v41 =	vshrl.u32 v62, $0x3;
	[tilespmem:v59+s23+$0x0] =	vst.idx.msk $0xffff, v33  }
0x189: {  	v63 =	vshll.u32 v41, v1;
	[tilespmem:v60+s23+$0x0] =	vst.idx.msk $0xffff, v37  }
0x18a: {  	s8 =	simm.s32 $0xF;
	s9 =	simm.s32 $0x17;
	v33 =	vbroadcast v63, $0x0;
	[tilespmem:v61+s23+$0x0] =	vst.idx.msk $0xffff, v39  }
.LBB2_7:
0x18b: {  	p0 =	sne.s32 s9, $0x7F  }
0x18c: {  	[tilespmem:v35+s23+$0x0] =	vst.idx.msk $0xffff, v34;
	s12 =	sadd.s32 $0x200, s12;
	s10 =	smov.u32 s9;
	s9 =	sadd.s32 $0x8, s9  }
0x18d: {  	v34 =	vld [tilespmem:s12+$0xFFFFFF00];
	v35 =	vadd.s32 v0, v33  }
0x18e: {  	v37 =	vadd.s32 v2, v33;
	v36 =	vld [tilespmem:s12+$0xFFFFFF10]  }
0x18f: {  	v39 =	vadd.s32 v3, v33;
	v38 =	vld [tilespmem:s12+$0xFFFFFF20]  }
0x190: {  	s0 =	sadd.s32 $0xFFFFFFFA, s8;
	v33 =	vadd.s32 v4, v33;
	v40 =	vld [tilespmem:s12+$0xFFFFFF30]  }
0x191: {  	v41 =	vmov s0  }
0x192: {  	[tilespmem:v35+s23+$0x0] =	vst.idx.msk $0xffff, v34;
	v34 =	vshrl.u32 v41, $0x3  }
0x193: {  	[tilespmem:v37+s23+$0x0] =	vst.idx.msk $0xffff, v36;
	v34 =	vshll.u32 v34, v1  }
0x194: {  	[tilespmem:v39+s23+$0x0] =	vst.idx.msk $0xffff, v38;
	v34 =	vbroadcast v34, $0x0  }
0x195: {  	[tilespmem:v33+s23+$0x0] =	vst.idx.msk $0xffff, v40  }
0x196: {  	v33 =	vld [tilespmem:s12+$0xFFFFFF40];
	v35 =	vadd.s32 v5, v34  }
0x197: {  	v37 =	vadd.s32 v6, v34;
	v36 =	vld [tilespmem:s12+$0xFFFFFF50]  }
0x198: {  	v39 =	vadd.s32 v7, v34;
	v38 =	vld [tilespmem:s12+$0xFFFFFF60]  }
0x199: {  	s0 =	sadd.s32 $0xFFFFFFFB, s8;
	v34 =	vadd.s32 v8, v34;
	v40 =	vld [tilespmem:s12+$0xFFFFFF70]  }
0x19a: {  	v41 =	vmov s0  }
0x19b: {  	[tilespmem:v35+s23+$0x0] =	vst.idx.msk $0xffff, v33;
	v33 =	vshrl.u32 v41, $0x3  }
0x19c: {  	[tilespmem:v37+s23+$0x0] =	vst.idx.msk $0xffff, v36;
	v33 =	vshll.u32 v33, v1  }
0x19d: {  	[tilespmem:v39+s23+$0x0] =	vst.idx.msk $0xffff, v38;
	v33 =	vbroadcast v33, $0x0  }
0x19e: {  	[tilespmem:v34+s23+$0x0] =	vst.idx.msk $0xffff, v40  }
0x19f: {  	v34 =	vld [tilespmem:s12+$0xFFFFFF80];
	v35 =	vadd.s32 v9, v33  }
0x1a0: {  	v37 =	vadd.s32 v10, v33;
	v36 =	vld [tilespmem:s12+$0xFFFFFF90]  }
0x1a1: {  	v39 =	vadd.s32 v11, v33;
	v38 =	vld [tilespmem:s12+$0xFFFFFFA0]  }
0x1a2: {  	s0 =	sadd.s32 $0xFFFFFFFC, s8;
	v33 =	vadd.s32 v12, v33;
	v40 =	vld [tilespmem:s12+$0xFFFFFFB0]  }
0x1a3: {  	v41 =	vmov s0  }
0x1a4: {  	[tilespmem:v35+s23+$0x0] =	vst.idx.msk $0xffff, v34;
	v34 =	vshrl.u32 v41, $0x3  }
0x1a5: {  	[tilespmem:v37+s23+$0x0] =	vst.idx.msk $0xffff, v36;
	v34 =	vshll.u32 v34, v1  }
0x1a6: {  	[tilespmem:v39+s23+$0x0] =	vst.idx.msk $0xffff, v38;
	v34 =	vbroadcast v34, $0x0  }
0x1a7: {  	[tilespmem:v33+s23+$0x0] =	vst.idx.msk $0xffff, v40  }
0x1a8: {  	v33 =	vld [tilespmem:s12+$0xFFFFFFC0];
	v35 =	vadd.s32 v13, v34  }
0x1a9: {  	v37 =	vadd.s32 v14, v34;
	v36 =	vld [tilespmem:s12+$0xFFFFFFD0]  }
0x1aa: {  	v39 =	vadd.s32 v15, v34;
	v38 =	vld [tilespmem:s12+$0xFFFFFFE0]  }
0x1ab: {  	s0 =	sadd.s32 $0xFFFFFFFD, s8;
	v34 =	vadd.s32 v16, v34;
	v40 =	vld [tilespmem:s12+$0xFFFFFFF0]  }
0x1ac: {  	v41 =	vmov s0  }
0x1ad: {  	[tilespmem:v35+s23+$0x0] =	vst.idx.msk $0xffff, v33;
	v33 =	vshrl.u32 v41, $0x3  }
0x1ae: {  	[tilespmem:v37+s23+$0x0] =	vst.idx.msk $0xffff, v36;
	v33 =	vshll.u32 v33, v1  }
0x1af: {  	[tilespmem:v39+s23+$0x0] =	vst.idx.msk $0xffff, v38;
	v33 =	vbroadcast v33, $0x0  }
0x1b0: {  	[tilespmem:v34+s23+$0x0] =	vst.idx.msk $0xffff, v40  }
0x1b1: {  	v34 =	vld [tilespmem:s12+$0x0];
	v35 =	vadd.s32 v17, v33  }
0x1b2: {  	v37 =	vadd.s32 v18, v33;
	v36 =	vld [tilespmem:s12+$0x10]  }
0x1b3: {  	v39 =	vadd.s32 v19, v33;
	v38 =	vld [tilespmem:s12+$0x20]  }
0x1b4: {  	s0 =	sadd.s32 $0xFFFFFFFE, s8;
	v33 =	vadd.s32 v20, v33;
	v40 =	vld [tilespmem:s12+$0x30]  }
0x1b5: {  	v41 =	vmov s0  }
0x1b6: {  	[tilespmem:v35+s23+$0x0] =	vst.idx.msk $0xffff, v34;
	v34 =	vshrl.u32 v41, $0x3  }
0x1b7: {  	[tilespmem:v37+s23+$0x0] =	vst.idx.msk $0xffff, v36;
	v34 =	vshll.u32 v34, v1  }
0x1b8: {  	[tilespmem:v39+s23+$0x0] =	vst.idx.msk $0xffff, v38;
	v34 =	vbroadcast v34, $0x0  }
0x1b9: {  	[tilespmem:v33+s23+$0x0] =	vst.idx.msk $0xffff, v40  }
0x1ba: {  	v33 =	vld [tilespmem:s12+$0x40];
	v35 =	vadd.s32 v21, v34  }
0x1bb: {  	v37 =	vadd.s32 v22, v34;
	v36 =	vld [tilespmem:s12+$0x50]  }
0x1bc: {  	v39 =	vadd.s32 v23, v34;
	v38 =	vld [tilespmem:s12+$0x60]  }
0x1bd: {  	s0 =	sadd.s32 $0xFFFFFFFF, s8;
	v34 =	vadd.s32 v24, v34;
	v40 =	vld [tilespmem:s12+$0x70]  }
0x1be: {  	v41 =	vmov s0  }
0x1bf: {  	[tilespmem:v35+s23+$0x0] =	vst.idx.msk $0xffff, v33;
	v33 =	vshrl.u32 v41, $0x3  }
0x1c0: {  	[tilespmem:v37+s23+$0x0] =	vst.idx.msk $0xffff, v36;
	v33 =	vshll.u32 v33, v1  }
0x1c1: {  	[tilespmem:v39+s23+$0x0] =	vst.idx.msk $0xffff, v38;
	v33 =	vbroadcast v33, $0x0  }
0x1c2: {  	[tilespmem:v34+s23+$0x0] =	vst.idx.msk $0xffff, v40  }
0x1c3: {  	v34 =	vld [tilespmem:s12+$0x80];
	v35 =	vadd.s32 v25, v33  }
0x1c4: {  	v37 =	vadd.s32 v26, v33;
	v36 =	vld [tilespmem:s12+$0x90]  }
0x1c5: {  	v39 =	vadd.s32 v27, v33;
	v38 =	vld [tilespmem:s12+$0xA0]  }
0x1c6: {  	v33 =	vadd.s32 v28, v33;
	v40 =	vld [tilespmem:s12+$0xB0]  }
0x1c7: {  	v41 =	vmov s8;
	s8 =	smov.u32 s10  }
0x1c8: {  	[tilespmem:v35+s23+$0x0] =	vst.idx.msk $0xffff, v34;
	v34 =	vshrl.u32 v41, $0x3  }
0x1c9: {  	[tilespmem:v37+s23+$0x0] =	vst.idx.msk $0xffff, v36;
	v34 =	vshll.u32 v34, v1  }
0x1ca: {  	[tilespmem:v39+s23+$0x0] =	vst.idx.msk $0xffff, v38;
	v35 =	vbroadcast v34, $0x0  }
0x1cb: {  	[tilespmem:v33+s23+$0x0] =	vst.idx.msk $0xffff, v40  }
0x1cc: {  	v33 =	vld [tilespmem:s12+$0xC0];
	v36 =	vadd.s32 v29, v35  }
0x1cd: {  	v38 =	vadd.s32 v30, v35;
	v37 =	vld [tilespmem:s12+$0xD0]  }
0x1ce: {  	v40 =	vadd.s32 v31, v35;
	v39 =	vld [tilespmem:s12+$0xE0]  }
.Ltmp4:
0x1cf: {  	s0 =	sadd.s32 $0xFFFFFFF9, s8;
	v35 =	vadd.s32 v32, v35;
	v34 =	vld [tilespmem:s12+$0xF0];
	(pc) =	sbr.rel @p0 .LBB2_7-.Ltmp4, $4  }
0x1d0: {  	v41 =	vmov s0  }
0x1d1: {  	v41 =	vshrl.u32 v41, $0x3;
	[tilespmem:v36+s23+$0x0] =	vst.idx.msk $0xffff, v33  }
0x1d2: {  	v33 =	vshll.u32 v41, v1;
	[tilespmem:v38+s23+$0x0] =	vst.idx.msk $0xffff, v37  }
0x1d3: {  	v33 =	vbroadcast v33, $0x0;
	[tilespmem:v40+s23+$0x0] =	vst.idx.msk $0xffff, v39  }
0x1d4: {  	_ =	sdelay $0x3  }
0x1d5: {  	[tilespmem:v35+s23+$0x0] =	vst.idx.msk $0xffff, v34;
	s9 =	sadd.s32 $0x200, s12  }
0x1d6: {  	v34 =	vld [tilespmem:s9+$0xFFFFFF00];
	v48 =	vadd.s32 v0, v33  }
0x1d7: {  	v36 =	vld [tilespmem:s9+$0xFFFFFF10];
	v37 =	vadd.s32 v2, v33  }
0x1d8: {  	v38 =	vld [tilespmem:s9+$0xFFFFFF20];
	v39 =	vadd.s32 v3, v33  }
0x1d9: {  	s0 =	sadd.s32 $0xFFFFFFFA, s8;
	v40 =	vld [tilespmem:s9+$0xFFFFFF30];
	v49 =	vadd.s32 v4, v33  }
0x1da: {  	v41 =	vmov s0  }
0x1db: {  	v50 =	vshrl.u32 v41, $0x3;
	[tilespmem:v48+s23+$0x0] =	vst.idx.msk $0xffff, v34  }
0x1dc: {  	v34 =	vshll.u32 v50, v1;
	[tilespmem:v37+s23+$0x0] =	vst.idx.msk $0xffff, v36  }
0x1dd: {  	v34 =	vbroadcast v34, $0x0;
	[tilespmem:v39+s23+$0x0] =	vst.idx.msk $0xffff, v38  }
0x1de: {  	[tilespmem:v49+s23+$0x0] =	vst.idx.msk $0xffff, v40  }
0x1df: {  	v51 =	vadd.s32 v5, v34;
	v33 =	vld [tilespmem:s9+$0xFFFFFF40]  }
0x1e0: {  	v52 =	vadd.s32 v6, v34;
	v36 =	vld [tilespmem:s9+$0xFFFFFF50]  }
0x1e1: {  	v53 =	vadd.s32 v7, v34;
	v38 =	vld [tilespmem:s9+$0xFFFFFF60]  }
0x1e2: {  	s11 =	sadd.s32 $0xFFFFFFFB, s8;
	v34 =	vadd.s32 v8, v34;
	v40 =	vld [tilespmem:s9+$0xFFFFFF70]  }
0x1e3: {  	v54 =	vmov s11  }
0x1e4: {  	v55 =	vshrl.u32 v54, $0x3;
	[tilespmem:v51+s23+$0x0] =	vst.idx.msk $0xffff, v33  }
0x1e5: {  	v33 =	vshll.u32 v55, v1;
	[tilespmem:v52+s23+$0x0] =	vst.idx.msk $0xffff, v36  }
0x1e6: {  	v33 =	vbroadcast v33, $0x0;
	[tilespmem:v53+s23+$0x0] =	vst.idx.msk $0xffff, v38  }
0x1e7: {  	[tilespmem:v34+s23+$0x0] =	vst.idx.msk $0xffff, v40  }
0x1e8: {  	v56 =	vadd.s32 v9, v33;
	v34 =	vld [tilespmem:s9+$0xFFFFFF80]  }
0x1e9: {  	v57 =	vadd.s32 v10, v33;
	v36 =	vld [tilespmem:s9+$0xFFFFFF90]  }
0x1ea: {  	v58 =	vadd.s32 v11, v33;
	v38 =	vld [tilespmem:s9+$0xFFFFFFA0]  }
0x1eb: {  	s12 =	sadd.s32 $0xFFFFFFFC, s8;
	v33 =	vadd.s32 v12, v33;
	v40 =	vld [tilespmem:s9+$0xFFFFFFB0]  }
0x1ec: {  	v59 =	vmov s12  }
0x1ed: {  	v60 =	vshrl.u32 v59, $0x3;
	[tilespmem:v56+s23+$0x0] =	vst.idx.msk $0xffff, v34  }
0x1ee: {  	v34 =	vshll.u32 v60, v1;
	[tilespmem:v57+s23+$0x0] =	vst.idx.msk $0xffff, v36  }
0x1ef: {  	v34 =	vbroadcast v34, $0x0;
	[tilespmem:v58+s23+$0x0] =	vst.idx.msk $0xffff, v38  }
0x1f0: {  	[tilespmem:v33+s23+$0x0] =	vst.idx.msk $0xffff, v40  }
0x1f1: {  	v61 =	vadd.s32 v13, v34;
	v33 =	vld [tilespmem:s9+$0xFFFFFFC0]  }
0x1f2: {  	v62 =	vadd.s32 v14, v34;
	v36 =	vld [tilespmem:s9+$0xFFFFFFD0]  }
0x1f3: {  	v63 =	vadd.s32 v15, v34;
	v38 =	vld [tilespmem:s9+$0xFFFFFFE0]  }
0x1f4: {  	s14 =	sadd.s32 $0xFFFFFFFD, s8;
	v34 =	vadd.s32 v16, v34;
	v40 =	vld [tilespmem:s9+$0xFFFFFFF0]  }
0x1f5: {  	v44 =	vmov s14  }
0x1f6: {  	v45 =	vshrl.u32 v44, $0x3;
	[tilespmem:v61+s23+$0x0] =	vst.idx.msk $0xffff, v33  }
0x1f7: {  	v33 =	vshll.u32 v45, v1;
	[tilespmem:v62+s23+$0x0] =	vst.idx.msk $0xffff, v36  }
0x1f8: {  	v33 =	vbroadcast v33, $0x0;
	[tilespmem:v63+s23+$0x0] =	vst.idx.msk $0xffff, v38  }
0x1f9: {  	[tilespmem:v34+s23+$0x0] =	vst.idx.msk $0xffff, v40  }
0x1fa: {  	v46 =	vadd.s32 v17, v33;
	v34 =	vld [tilespmem:s9+$0x0]  }
0x1fb: {  	v47 =	vadd.s32 v18, v33;
	v36 =	vld [tilespmem:s9+$0x10]  }
0x1fc: {  	v48 =	vadd.s32 v19, v33;
	v38 =	vld [tilespmem:s9+$0x20]  }
0x1fd: {  	s10 =	sadd.s32 $0xFFFFFFFE, s8;
	v33 =	vadd.s32 v20, v33;
	v40 =	vld [tilespmem:s9+$0x30]  }
0x1fe: {  	v49 =	vmov s10  }
0x1ff: {  	v50 =	vshrl.u32 v49, $0x3;
	[tilespmem:v46+s23+$0x0] =	vst.idx.msk $0xffff, v34  }
0x200: {  	v34 =	vshll.u32 v50, v1;
	[tilespmem:v47+s23+$0x0] =	vst.idx.msk $0xffff, v36  }
0x201: {  	v34 =	vbroadcast v34, $0x0;
	[tilespmem:v48+s23+$0x0] =	vst.idx.msk $0xffff, v38  }
0x202: {  	[tilespmem:v33+s23+$0x0] =	vst.idx.msk $0xffff, v40  }
0x203: {  	v51 =	vadd.s32 v21, v34;
	v33 =	vld [tilespmem:s9+$0x40]  }
0x204: {  	v52 =	vadd.s32 v22, v34;
	v36 =	vld [tilespmem:s9+$0x50]  }
0x205: {  	v53 =	vadd.s32 v23, v34;
	v38 =	vld [tilespmem:s9+$0x60]  }
0x206: {  	s11 =	sadd.s32 $0xFFFFFFFF, s8;
	v34 =	vadd.s32 v24, v34;
	v40 =	vld [tilespmem:s9+$0x70]  }
0x207: {  	v54 =	vmov s11  }
0x208: {  	v55 =	vshrl.u32 v54, $0x3;
	[tilespmem:v51+s23+$0x0] =	vst.idx.msk $0xffff, v33  }
0x209: {  	v33 =	vshll.u32 v55, v1;
	[tilespmem:v52+s23+$0x0] =	vst.idx.msk $0xffff, v36  }
0x20a: {  	v33 =	vbroadcast v33, $0x0;
	[tilespmem:v53+s23+$0x0] =	vst.idx.msk $0xffff, v38  }
0x20b: {  	[tilespmem:v34+s23+$0x0] =	vst.idx.msk $0xffff, v40  }
0x20c: {  	v56 =	vadd.s32 v25, v33;
	v34 =	vld [tilespmem:s9+$0x80]  }
0x20d: {  	v57 =	vadd.s32 v26, v33;
	v36 =	vld [tilespmem:s9+$0x90]  }
0x20e: {  	v58 =	vadd.s32 v27, v33;
	v38 =	vld [tilespmem:s9+$0xA0]  }
0x20f: {  	v33 =	vadd.s32 v28, v33;
	v40 =	vld [tilespmem:s9+$0xB0]  }
0x210: {  	v59 =	vmov s8  }
0x211: {  	v60 =	vshrl.u32 v59, $0x3;
	[tilespmem:v56+s23+$0x0] =	vst.idx.msk $0xffff, v34  }
0x212: {  	v34 =	vshll.u32 v60, v1;
	[tilespmem:v57+s23+$0x0] =	vst.idx.msk $0xffff, v36  }
0x213: {  	v34 =	vbroadcast v34, $0x0;
	[tilespmem:v58+s23+$0x0] =	vst.idx.msk $0xffff, v38  }
0x214: {  	[tilespmem:v33+s23+$0x0] =	vst.idx.msk $0xffff, v40  }
0x215: {  	v61 =	vadd.s32 v29, v34;
	v33 =	vld [tilespmem:s9+$0xC0]  }
0x216: {  	v62 =	vadd.s32 v30, v34;
	v36 =	vld [tilespmem:s9+$0xD0]  }
0x217: {  	v63 =	vadd.s32 v31, v34;
	v38 =	vld [tilespmem:s9+$0xE0]  }
0x218: {  	s18 =	sadd.s32 s18, s7;
	v34 =	vadd.s32 v32, v34;
	v40 =	vld [tilespmem:s9+$0xF0]  }
0x219: {  	s12 =	sadd.s32 $0x1, s18  }
0x21a: {  	s14 =	sshll.u32 s12, $0x7;
	[tilespmem:v61+s23+$0x0] =	vst.idx.msk $0xffff, v33  }
0x21b: {  	s0 =	sshll.u32 s12, $0xA;
	s8 =	sand.u32 $0xE80, s14;
	[tilespmem:v62+s23+$0x0] =	vst.idx.msk $0xffff, v36  }
0x21c: {  	s0 =	sand.u32 $0xFFF8000, s0;
	s8 =	sadd.s32 s2, s8;
	[tilespmem:v63+s23+$0x0] =	vst.idx.msk $0xffff, v38  }
0x21d: {  	s0 =	sadd.s32 s0, s8;
	s9 =	simm.s32 $0x16A00;
	[tilespmem:v34+s23+$0x0] =	vst.idx.msk $0xffff, v40  }
0x21e: {  	[hbm4b:s0+s4] =	stream.linear.scatter [tilespmem:s9], [sflag:$0x6], $0x80, $0x38;
	[tilespmem:$0x1D000] =	vst v63  }
0x21f: {  	s11 =	sadd.s32 $0x10, s0;
	s10 =	simm.s32 $0x16A88  }
0x220: {  	[hbm4b:s11+s4] =	stream.linear.scatter [tilespmem:s10], [sflag:$0x6], $0x80, $0x38;
	[tilespmem:$0x1D000] =	vst v63  }
0x221: {  	s12 =	simm.s32 $0x16B10;
	s14 =	sadd.s32 $0x20, s0  }
0x222: {  	[hbm4b:s14+s4] =	stream.linear.scatter [tilespmem:s12], [sflag:$0x6], $0x80, $0x38;
	[tilespmem:$0x1D000] =	vst v63  }
0x223: {  	s10 =	simm.s32 $0x16B98;
	s11 =	sadd.s32 $0x30, s0  }
0x224: {  	[hbm4b:s11+s4] =	stream.linear.scatter [tilespmem:s10], [sflag:$0x6], $0x80, $0x38;
	[tilespmem:$0x1D000] =	vst v63  }
0x225: {  	s12 =	simm.s32 $0x16C20;
	s14 =	sadd.s32 $0x40, s0  }
0x226: {  	[hbm4b:s14+s4] =	stream.linear.scatter [tilespmem:s12], [sflag:$0x6], $0x80, $0x38;
	[tilespmem:$0x1D000] =	vst v63  }
0x227: {  	s8 =	simm.s32 $0x440;
	s10 =	simm.s32 $0x16CA8;
	s11 =	sadd.s32 $0x50, s0  }
0x228: {  	[hbm4b:s11+s4] =	stream.linear.scatter [tilespmem:s10], [sflag:$0x6], $0x80, $0x38;
	[tilespmem:$0x1D000] =	vst v63  }
0x229: {  	s9 =	sadd.s32 $0x1000, s0;
	s12 =	simm.s32 $0x16D30;
	s14 =	sadd.s32 $0x60, s0  }
0x22a: {  	[hbm4b:s14+s4] =	stream.linear.scatter [tilespmem:s12], [sflag:$0x6], $0x80, $0x38;
	[tilespmem:$0x1D000] =	vst v63  }
0x22b: {  	s10 =	simm.s32 $0x2200;
	s11 =	sadd.s32 $0x70, s0;
	s12 =	simm.s32 $0x16DB8  }
.LBB2_9:
0x22c: {  	[hbm4b:s11+s4] =	stream.linear.scatter [tilespmem:s12], [sflag:$0x6], $0x80, $0x38;
	[tilespmem:$0x1D000] =	vst v63  }
0x22d: {  	s0 =	smov.u32 s8;
	s8 =	smov.u32 s10  }
0x22e: {  	s14 =	sadd.s32 $0x1100, s10;
	s8 =	sshra.s32 s8, $0x2;
	s11 =	sadd.s32 $0x16A00, s0  }
0x22f: {  	[hbm4b:s9+s4] =	stream.linear.scatter [tilespmem:s11], [sflag:$0x6], $0x80, $0x38;
	[tilespmem:$0x1D000] =	vst v63  }
0x230: {  	p0 =	sne.s32 s10, $0x7700;
	s10 =	sadd.s32 $0x16A88, s0;
	s11 =	sadd.s32 $0x10, s9  }
0x231: {  	[hbm4b:s11+s4] =	stream.linear.scatter [tilespmem:s10], [sflag:$0x6], $0x80, $0x38;
	[tilespmem:$0x1D000] =	vst v63  }
0x232: {  	s10 =	sadd.s32 $0x16B10, s0;
	s11 =	sadd.s32 $0x20, s9  }
0x233: {  	[hbm4b:s11+s4] =	stream.linear.scatter [tilespmem:s10], [sflag:$0x6], $0x80, $0x38;
	[tilespmem:$0x1D000] =	vst v63  }
0x234: {  	s10 =	sadd.s32 $0x16B98, s0;
	s11 =	sadd.s32 $0x30, s9  }
0x235: {  	[hbm4b:s11+s4] =	stream.linear.scatter [tilespmem:s10], [sflag:$0x6], $0x80, $0x38;
	[tilespmem:$0x1D000] =	vst v63  }
0x236: {  	s10 =	sadd.s32 $0x16C20, s0;
	s11 =	sadd.s32 $0x40, s9  }
0x237: {  	[hbm4b:s11+s4] =	stream.linear.scatter [tilespmem:s10], [sflag:$0x6], $0x80, $0x38;
	[tilespmem:$0x1D000] =	vst v63  }
.Ltmp5:
0x238: {  	s10 =	sadd.s32 $0x16CA8, s0;
	s11 =	sadd.s32 $0x50, s9;
	(pc) =	sbr.rel @p0 .LBB2_9-.Ltmp5, $4  }
0x239: {  	[hbm4b:s11+s4] =	stream.linear.scatter [tilespmem:s10], [sflag:$0x6], $0x80, $0x38;
	[tilespmem:$0x1D000] =	vst v63  }
0x23a: {  	s12 =	sadd.s32 $0x16DB8, s0;
	s10 =	sadd.s32 $0x16D30, s0;
	s11 =	sadd.s32 $0x60, s9  }
0x23b: {  	[hbm4b:s11+s4] =	stream.linear.scatter [tilespmem:s10], [sflag:$0x6], $0x80, $0x38;
	[tilespmem:$0x1D000] =	vst v63  }
0x23c: {  	s11 =	sadd.s32 $0x70, s9;
	s9 =	sadd.s32 $0x1000, s9;
	s10 =	smov.u32 s14  }
0x23d: {  	[hbm4b:s11+s4] =	stream.linear.scatter [tilespmem:s12], [sflag:$0x6], $0x80, $0x38;
	[tilespmem:$0x1D000] =	vst v63  }
0x23e: {  	s0 =	sadd.s32 $0x16A00, s8  }
0x23f: {  	[hbm4b:s9+s4] =	stream.linear.scatter [tilespmem:s0], [sflag:$0x6], $0x80, $0x38;
	[tilespmem:$0x1D000] =	vst v63  }
0x240: {  	s11 =	sadd.s32 $0x16A88, s8;
	s10 =	sadd.s32 $0x10, s9  }
0x241: {  	[hbm4b:s10+s4] =	stream.linear.scatter [tilespmem:s11], [sflag:$0x6], $0x80, $0x38;
	[tilespmem:$0x1D000] =	vst v63  }
0x242: {  	s12 =	sadd.s32 $0x16B10, s8;
	s14 =	sadd.s32 $0x20, s9  }
0x243: {  	[hbm4b:s14+s4] =	stream.linear.scatter [tilespmem:s12], [sflag:$0x6], $0x80, $0x38;
	[tilespmem:$0x1D000] =	vst v63  }
0x244: {  	s10 =	sadd.s32 $0x16B98, s8;
	s11 =	sadd.s32 $0x30, s9  }
0x245: {  	[hbm4b:s11+s4] =	stream.linear.scatter [tilespmem:s10], [sflag:$0x6], $0x80, $0x38;
	[tilespmem:$0x1D000] =	vst v63  }
0x246: {  	s12 =	sadd.s32 $0x16C20, s8;
	s14 =	sadd.s32 $0x40, s9  }
0x247: {  	[hbm4b:s14+s4] =	stream.linear.scatter [tilespmem:s12], [sflag:$0x6], $0x80, $0x38;
	[tilespmem:$0x1D000] =	vst v63  }
0x248: {  	s10 =	sadd.s32 $0x16CA8, s8;
	s11 =	sadd.s32 $0x50, s9  }
0x249: {  	[hbm4b:s11+s4] =	stream.linear.scatter [tilespmem:s10], [sflag:$0x6], $0x80, $0x38;
	[tilespmem:$0x1D000] =	vst v63  }
0x24a: {  	s12 =	sadd.s32 $0x16D30, s8;
	s14 =	sadd.s32 $0x60, s9;
	s11 =	simm.s32 $0x0  }
0x24b: {  	[hbm4b:s14+s4] =	stream.linear.scatter [tilespmem:s12], [sflag:$0x6], $0x80, $0x38;
	[tilespmem:$0x1D000] =	vst v63  }
0x24c: {  	v33 =	vmov s11;
	s12 =	sadd.s32 $0x16DB8, s8;
	s14 =	sadd.s32 $0x70, s9  }
0x24d: {  	v33 =	vshrl.u32 v33, $0x3;
	[hbm4b:s14+s4] =	stream.linear.scatter [tilespmem:s12], [sflag:$0x6], $0x80, $0x38;
	[tilespmem:$0x1D000] =	vst v63  }
0x24e: {  	v33 =	vshll.u32 v33, v1;
	_ =	swait.ge [sflag:s24], $0x2000  }
0x24f: {  	v33 =	vbroadcast v33, $0x0;
	[sflag:s24] =	ssyncset.done $0x0  }
0x250: {  	s12 =	simm.s32 $0x10900;
	[sflag:s24] =	ssyncadd.s32 $0xFFFFE000  }
0x251: {  	v35 =	vadd.s32 v0, v33;
	v34 =	vld [tilespmem:s12+$0xFFFFFF00]  }
0x252: {  	v37 =	vadd.s32 v2, v33;
	v36 =	vld [tilespmem:s12+$0xFFFFFF10]  }
0x253: {  	v39 =	vadd.s32 v3, v33;
	v38 =	vld [tilespmem:s12+$0xFFFFFF20]  }
0x254: {  	s10 =	simm.s32 $0x1;
	v33 =	vadd.s32 v4, v33;
	v40 =	vld [tilespmem:s12+$0xFFFFFF30]  }
0x255: {  	v41 =	vmov s10  }
0x256: {  	v47 =	vshrl.u32 v41, $0x3;
	[tilespmem:v35+s25+$0x0] =	vst.idx.msk $0xffff, v34  }
0x257: {  	v34 =	vshll.u32 v47, v1;
	[tilespmem:v37+s25+$0x0] =	vst.idx.msk $0xffff, v36  }
0x258: {  	v34 =	vbroadcast v34, $0x0;
	[tilespmem:v39+s25+$0x0] =	vst.idx.msk $0xffff, v38  }
0x259: {  	[tilespmem:v33+s25+$0x0] =	vst.idx.msk $0xffff, v40  }
0x25a: {  	v48 =	vadd.s32 v5, v34;
	v33 =	vld [tilespmem:s12+$0xFFFFFF40]  }
0x25b: {  	v49 =	vadd.s32 v6, v34;
	v36 =	vld [tilespmem:s12+$0xFFFFFF50]  }
0x25c: {  	v50 =	vadd.s32 v7, v34;
	v38 =	vld [tilespmem:s12+$0xFFFFFF60]  }
0x25d: {  	s11 =	simm.s32 $0x2;
	v34 =	vadd.s32 v8, v34;
	v40 =	vld [tilespmem:s12+$0xFFFFFF70]  }
0x25e: {  	v51 =	vmov s11  }
0x25f: {  	v52 =	vshrl.u32 v51, $0x3;
	[tilespmem:v48+s25+$0x0] =	vst.idx.msk $0xffff, v33  }
0x260: {  	v33 =	vshll.u32 v52, v1;
	[tilespmem:v49+s25+$0x0] =	vst.idx.msk $0xffff, v36  }
0x261: {  	v33 =	vbroadcast v33, $0x0;
	[tilespmem:v50+s25+$0x0] =	vst.idx.msk $0xffff, v38  }
0x262: {  	[tilespmem:v34+s25+$0x0] =	vst.idx.msk $0xffff, v40  }
0x263: {  	v53 =	vadd.s32 v9, v33;
	v34 =	vld [tilespmem:s12+$0xFFFFFF80]  }
0x264: {  	v54 =	vadd.s32 v10, v33;
	v36 =	vld [tilespmem:s12+$0xFFFFFF90]  }
0x265: {  	v55 =	vadd.s32 v11, v33;
	v38 =	vld [tilespmem:s12+$0xFFFFFFA0]  }
0x266: {  	s14 =	simm.s32 $0x3;
	v33 =	vadd.s32 v12, v33;
	v40 =	vld [tilespmem:s12+$0xFFFFFFB0]  }
0x267: {  	v56 =	vmov s14  }
0x268: {  	v57 =	vshrl.u32 v56, $0x3;
	[tilespmem:v53+s25+$0x0] =	vst.idx.msk $0xffff, v34  }
0x269: {  	v34 =	vshll.u32 v57, v1;
	[tilespmem:v54+s25+$0x0] =	vst.idx.msk $0xffff, v36  }
0x26a: {  	v34 =	vbroadcast v34, $0x0;
	[tilespmem:v55+s25+$0x0] =	vst.idx.msk $0xffff, v38  }
0x26b: {  	[tilespmem:v33+s25+$0x0] =	vst.idx.msk $0xffff, v40  }
0x26c: {  	v58 =	vadd.s32 v13, v34;
	v33 =	vld [tilespmem:s12+$0xFFFFFFC0]  }
0x26d: {  	v59 =	vadd.s32 v14, v34;
	v36 =	vld [tilespmem:s12+$0xFFFFFFD0]  }
0x26e: {  	v60 =	vadd.s32 v15, v34;
	v38 =	vld [tilespmem:s12+$0xFFFFFFE0]  }
0x26f: {  	s8 =	simm.s32 $0x4;
	v34 =	vadd.s32 v16, v34;
	v40 =	vld [tilespmem:s12+$0xFFFFFFF0]  }
0x270: {  	v61 =	vmov s8  }
0x271: {  	v62 =	vshrl.u32 v61, $0x3;
	[tilespmem:v58+s25+$0x0] =	vst.idx.msk $0xffff, v33  }
0x272: {  	v33 =	vshll.u32 v62, v1;
	[tilespmem:v59+s25+$0x0] =	vst.idx.msk $0xffff, v36  }
0x273: {  	v33 =	vbroadcast v33, $0x0;
	[tilespmem:v60+s25+$0x0] =	vst.idx.msk $0xffff, v38  }
0x274: {  	[tilespmem:v34+s25+$0x0] =	vst.idx.msk $0xffff, v40  }
0x275: {  	v63 =	vadd.s32 v17, v33;
	v34 =	vld [tilespmem:s12+$0x0]  }
0x276: {  	v44 =	vadd.s32 v18, v33;
	v36 =	vld [tilespmem:s12+$0x10]  }
0x277: {  	v45 =	vadd.s32 v19, v33;
	v38 =	vld [tilespmem:s12+$0x20]  }
0x278: {  	s9 =	simm.s32 $0x5;
	v33 =	vadd.s32 v20, v33;
	v40 =	vld [tilespmem:s12+$0x30]  }
0x279: {  	v46 =	vmov s9  }
0x27a: {  	v47 =	vshrl.u32 v46, $0x3;
	[tilespmem:v63+s25+$0x0] =	vst.idx.msk $0xffff, v34  }
0x27b: {  	v34 =	vshll.u32 v47, v1;
	[tilespmem:v44+s25+$0x0] =	vst.idx.msk $0xffff, v36  }
0x27c: {  	v34 =	vbroadcast v34, $0x0;
	[tilespmem:v45+s25+$0x0] =	vst.idx.msk $0xffff, v38  }
0x27d: {  	[tilespmem:v33+s25+$0x0] =	vst.idx.msk $0xffff, v40  }
0x27e: {  	v48 =	vadd.s32 v21, v34;
	v33 =	vld [tilespmem:s12+$0x40]  }
0x27f: {  	v49 =	vadd.s32 v22, v34;
	v36 =	vld [tilespmem:s12+$0x50]  }
0x280: {  	v50 =	vadd.s32 v23, v34;
	v38 =	vld [tilespmem:s12+$0x60]  }
0x281: {  	s10 =	simm.s32 $0x6;
	v34 =	vadd.s32 v24, v34;
	v40 =	vld [tilespmem:s12+$0x70]  }
0x282: {  	v51 =	vmov s10  }
0x283: {  	v52 =	vshrl.u32 v51, $0x3;
	[tilespmem:v48+s25+$0x0] =	vst.idx.msk $0xffff, v33  }
0x284: {  	v33 =	vshll.u32 v52, v1;
	[tilespmem:v49+s25+$0x0] =	vst.idx.msk $0xffff, v36  }
0x285: {  	v33 =	vbroadcast v33, $0x0;
	[tilespmem:v50+s25+$0x0] =	vst.idx.msk $0xffff, v38  }
0x286: {  	[tilespmem:v34+s25+$0x0] =	vst.idx.msk $0xffff, v40  }
0x287: {  	v53 =	vadd.s32 v25, v33;
	v34 =	vld [tilespmem:s12+$0x80]  }
0x288: {  	v54 =	vadd.s32 v26, v33;
	v36 =	vld [tilespmem:s12+$0x90]  }
0x289: {  	v55 =	vadd.s32 v27, v33;
	v38 =	vld [tilespmem:s12+$0xA0]  }
0x28a: {  	s11 =	simm.s32 $0x7;
	v33 =	vadd.s32 v28, v33;
	v40 =	vld [tilespmem:s12+$0xB0]  }
0x28b: {  	v56 =	vmov s11  }
0x28c: {  	v57 =	vshrl.u32 v56, $0x3;
	[tilespmem:v53+s25+$0x0] =	vst.idx.msk $0xffff, v34  }
0x28d: {  	v34 =	vshll.u32 v57, v1;
	[tilespmem:v54+s25+$0x0] =	vst.idx.msk $0xffff, v36  }
0x28e: {  	v58 =	vbroadcast v34, $0x0;
	[tilespmem:v55+s25+$0x0] =	vst.idx.msk $0xffff, v38  }
0x28f: {  	[tilespmem:v33+s25+$0x0] =	vst.idx.msk $0xffff, v40  }
0x290: {  	v59 =	vadd.s32 v29, v58;
	v33 =	vld [tilespmem:s12+$0xC0]  }
0x291: {  	v60 =	vadd.s32 v30, v58;
	v37 =	vld [tilespmem:s12+$0xD0]  }
0x292: {  	v61 =	vadd.s32 v31, v58;
	v39 =	vld [tilespmem:s12+$0xE0]  }
0x293: {  	s14 =	simm.s32 $0x8  }
0x294: {  	v62 =	vmov s14;
	v35 =	vadd.s32 v32, v58;
	v34 =	vld [tilespmem:s12+$0xF0]  }
0x295: {  	v41 =	vshrl.u32 v62, $0x3;
	[tilespmem:v59+s25+$0x0] =	vst.idx.msk $0xffff, v33  }
0x296: {  	v63 =	vshll.u32 v41, v1;
	[tilespmem:v60+s25+$0x0] =	vst.idx.msk $0xffff, v37  }
0x297: {  	s8 =	simm.s32 $0xF;
	s9 =	simm.s32 $0x17;
	v33 =	vbroadcast v63, $0x0;
	[tilespmem:v61+s25+$0x0] =	vst.idx.msk $0xffff, v39  }
.LBB2_11:
0x298: {  	p0 =	sne.s32 s9, $0x7F  }
0x299: {  	[tilespmem:v35+s25+$0x0] =	vst.idx.msk $0xffff, v34;
	s12 =	sadd.s32 $0x200, s12;
	s10 =	smov.u32 s9;
	s9 =	sadd.s32 $0x8, s9  }
0x29a: {  	v34 =	vld [tilespmem:s12+$0xFFFFFF00];
	v35 =	vadd.s32 v0, v33  }
0x29b: {  	v37 =	vadd.s32 v2, v33;
	v36 =	vld [tilespmem:s12+$0xFFFFFF10]  }
0x29c: {  	v39 =	vadd.s32 v3, v33;
	v38 =	vld [tilespmem:s12+$0xFFFFFF20]  }
0x29d: {  	s0 =	sadd.s32 $0xFFFFFFFA, s8;
	v33 =	vadd.s32 v4, v33;
	v40 =	vld [tilespmem:s12+$0xFFFFFF30]  }
0x29e: {  	v41 =	vmov s0  }
0x29f: {  	[tilespmem:v35+s25+$0x0] =	vst.idx.msk $0xffff, v34;
	v34 =	vshrl.u32 v41, $0x3  }
0x2a0: {  	[tilespmem:v37+s25+$0x0] =	vst.idx.msk $0xffff, v36;
	v34 =	vshll.u32 v34, v1  }
0x2a1: {  	[tilespmem:v39+s25+$0x0] =	vst.idx.msk $0xffff, v38;
	v34 =	vbroadcast v34, $0x0  }
0x2a2: {  	[tilespmem:v33+s25+$0x0] =	vst.idx.msk $0xffff, v40  }
0x2a3: {  	v33 =	vld [tilespmem:s12+$0xFFFFFF40];
	v35 =	vadd.s32 v5, v34  }
0x2a4: {  	v37 =	vadd.s32 v6, v34;
	v36 =	vld [tilespmem:s12+$0xFFFFFF50]  }
0x2a5: {  	v39 =	vadd.s32 v7, v34;
	v38 =	vld [tilespmem:s12+$0xFFFFFF60]  }
0x2a6: {  	s0 =	sadd.s32 $0xFFFFFFFB, s8;
	v34 =	vadd.s32 v8, v34;
	v40 =	vld [tilespmem:s12+$0xFFFFFF70]  }
0x2a7: {  	v41 =	vmov s0  }
0x2a8: {  	[tilespmem:v35+s25+$0x0] =	vst.idx.msk $0xffff, v33;
	v33 =	vshrl.u32 v41, $0x3  }
0x2a9: {  	[tilespmem:v37+s25+$0x0] =	vst.idx.msk $0xffff, v36;
	v33 =	vshll.u32 v33, v1  }
0x2aa: {  	[tilespmem:v39+s25+$0x0] =	vst.idx.msk $0xffff, v38;
	v33 =	vbroadcast v33, $0x0  }
0x2ab: {  	[tilespmem:v34+s25+$0x0] =	vst.idx.msk $0xffff, v40  }
0x2ac: {  	v34 =	vld [tilespmem:s12+$0xFFFFFF80];
	v35 =	vadd.s32 v9, v33  }
0x2ad: {  	v37 =	vadd.s32 v10, v33;
	v36 =	vld [tilespmem:s12+$0xFFFFFF90]  }
0x2ae: {  	v39 =	vadd.s32 v11, v33;
	v38 =	vld [tilespmem:s12+$0xFFFFFFA0]  }
0x2af: {  	s0 =	sadd.s32 $0xFFFFFFFC, s8;
	v33 =	vadd.s32 v12, v33;
	v40 =	vld [tilespmem:s12+$0xFFFFFFB0]  }
0x2b0: {  	v41 =	vmov s0  }
0x2b1: {  	[tilespmem:v35+s25+$0x0] =	vst.idx.msk $0xffff, v34;
	v34 =	vshrl.u32 v41, $0x3  }
0x2b2: {  	[tilespmem:v37+s25+$0x0] =	vst.idx.msk $0xffff, v36;
	v34 =	vshll.u32 v34, v1  }
0x2b3: {  	[tilespmem:v39+s25+$0x0] =	vst.idx.msk $0xffff, v38;
	v34 =	vbroadcast v34, $0x0  }
0x2b4: {  	[tilespmem:v33+s25+$0x0] =	vst.idx.msk $0xffff, v40  }
0x2b5: {  	v33 =	vld [tilespmem:s12+$0xFFFFFFC0];
	v35 =	vadd.s32 v13, v34  }
0x2b6: {  	v37 =	vadd.s32 v14, v34;
	v36 =	vld [tilespmem:s12+$0xFFFFFFD0]  }
0x2b7: {  	v39 =	vadd.s32 v15, v34;
	v38 =	vld [tilespmem:s12+$0xFFFFFFE0]  }
0x2b8: {  	s0 =	sadd.s32 $0xFFFFFFFD, s8;
	v34 =	vadd.s32 v16, v34;
	v40 =	vld [tilespmem:s12+$0xFFFFFFF0]  }
0x2b9: {  	v41 =	vmov s0  }
0x2ba: {  	[tilespmem:v35+s25+$0x0] =	vst.idx.msk $0xffff, v33;
	v33 =	vshrl.u32 v41, $0x3  }
0x2bb: {  	[tilespmem:v37+s25+$0x0] =	vst.idx.msk $0xffff, v36;
	v33 =	vshll.u32 v33, v1  }
0x2bc: {  	[tilespmem:v39+s25+$0x0] =	vst.idx.msk $0xffff, v38;
	v33 =	vbroadcast v33, $0x0  }
0x2bd: {  	[tilespmem:v34+s25+$0x0] =	vst.idx.msk $0xffff, v40  }
0x2be: {  	v34 =	vld [tilespmem:s12+$0x0];
	v35 =	vadd.s32 v17, v33  }
0x2bf: {  	v37 =	vadd.s32 v18, v33;
	v36 =	vld [tilespmem:s12+$0x10]  }
0x2c0: {  	v39 =	vadd.s32 v19, v33;
	v38 =	vld [tilespmem:s12+$0x20]  }
0x2c1: {  	s0 =	sadd.s32 $0xFFFFFFFE, s8;
	v33 =	vadd.s32 v20, v33;
	v40 =	vld [tilespmem:s12+$0x30]  }
0x2c2: {  	v41 =	vmov s0  }
0x2c3: {  	[tilespmem:v35+s25+$0x0] =	vst.idx.msk $0xffff, v34;
	v34 =	vshrl.u32 v41, $0x3  }
0x2c4: {  	[tilespmem:v37+s25+$0x0] =	vst.idx.msk $0xffff, v36;
	v34 =	vshll.u32 v34, v1  }
0x2c5: {  	[tilespmem:v39+s25+$0x0] =	vst.idx.msk $0xffff, v38;
	v34 =	vbroadcast v34, $0x0  }
0x2c6: {  	[tilespmem:v33+s25+$0x0] =	vst.idx.msk $0xffff, v40  }
0x2c7: {  	v33 =	vld [tilespmem:s12+$0x40];
	v35 =	vadd.s32 v21, v34  }
0x2c8: {  	v37 =	vadd.s32 v22, v34;
	v36 =	vld [tilespmem:s12+$0x50]  }
0x2c9: {  	v39 =	vadd.s32 v23, v34;
	v38 =	vld [tilespmem:s12+$0x60]  }
0x2ca: {  	s0 =	sadd.s32 $0xFFFFFFFF, s8;
	v34 =	vadd.s32 v24, v34;
	v40 =	vld [tilespmem:s12+$0x70]  }
0x2cb: {  	v41 =	vmov s0  }
0x2cc: {  	[tilespmem:v35+s25+$0x0] =	vst.idx.msk $0xffff, v33;
	v33 =	vshrl.u32 v41, $0x3  }
0x2cd: {  	[tilespmem:v37+s25+$0x0] =	vst.idx.msk $0xffff, v36;
	v33 =	vshll.u32 v33, v1  }
0x2ce: {  	[tilespmem:v39+s25+$0x0] =	vst.idx.msk $0xffff, v38;
	v33 =	vbroadcast v33, $0x0  }
0x2cf: {  	[tilespmem:v34+s25+$0x0] =	vst.idx.msk $0xffff, v40  }
0x2d0: {  	v34 =	vld [tilespmem:s12+$0x80];
	v35 =	vadd.s32 v25, v33  }
0x2d1: {  	v37 =	vadd.s32 v26, v33;
	v36 =	vld [tilespmem:s12+$0x90]  }
0x2d2: {  	v39 =	vadd.s32 v27, v33;
	v38 =	vld [tilespmem:s12+$0xA0]  }
0x2d3: {  	v33 =	vadd.s32 v28, v33;
	v40 =	vld [tilespmem:s12+$0xB0]  }
0x2d4: {  	v41 =	vmov s8;
	s8 =	smov.u32 s10  }
0x2d5: {  	[tilespmem:v35+s25+$0x0] =	vst.idx.msk $0xffff, v34;
	v34 =	vshrl.u32 v41, $0x3  }
0x2d6: {  	[tilespmem:v37+s25+$0x0] =	vst.idx.msk $0xffff, v36;
	v34 =	vshll.u32 v34, v1  }
0x2d7: {  	[tilespmem:v39+s25+$0x0] =	vst.idx.msk $0xffff, v38;
	v35 =	vbroadcast v34, $0x0  }
0x2d8: {  	[tilespmem:v33+s25+$0x0] =	vst.idx.msk $0xffff, v40  }
0x2d9: {  	v33 =	vld [tilespmem:s12+$0xC0];
	v36 =	vadd.s32 v29, v35  }
0x2da: {  	v38 =	vadd.s32 v30, v35;
	v37 =	vld [tilespmem:s12+$0xD0]  }
0x2db: {  	v40 =	vadd.s32 v31, v35;
	v39 =	vld [tilespmem:s12+$0xE0]  }
.Ltmp6:
0x2dc: {  	s0 =	sadd.s32 $0xFFFFFFF9, s8;
	v35 =	vadd.s32 v32, v35;
	v34 =	vld [tilespmem:s12+$0xF0];
	(pc) =	sbr.rel @p0 .LBB2_11-.Ltmp6, $4  }
0x2dd: {  	v41 =	vmov s0  }
0x2de: {  	v41 =	vshrl.u32 v41, $0x3;
	[tilespmem:v36+s25+$0x0] =	vst.idx.msk $0xffff, v33  }
0x2df: {  	v33 =	vshll.u32 v41, v1;
	[tilespmem:v38+s25+$0x0] =	vst.idx.msk $0xffff, v37  }
0x2e0: {  	v33 =	vbroadcast v33, $0x0;
	[tilespmem:v40+s25+$0x0] =	vst.idx.msk $0xffff, v39  }
0x2e1: {  	_ =	sdelay $0x3  }
0x2e2: {  	[tilespmem:v35+s25+$0x0] =	vst.idx.msk $0xffff, v34;
	s9 =	sadd.s32 $0x200, s12  }
0x2e3: {  	v34 =	vld [tilespmem:s9+$0xFFFFFF00];
	v48 =	vadd.s32 v0, v33  }
0x2e4: {  	v36 =	vld [tilespmem:s9+$0xFFFFFF10];
	v37 =	vadd.s32 v2, v33  }
0x2e5: {  	v38 =	vld [tilespmem:s9+$0xFFFFFF20];
	v39 =	vadd.s32 v3, v33  }
0x2e6: {  	s0 =	sadd.s32 $0xFFFFFFFA, s8;
	v40 =	vld [tilespmem:s9+$0xFFFFFF30];
	v49 =	vadd.s32 v4, v33  }
0x2e7: {  	v41 =	vmov s0  }
0x2e8: {  	v50 =	vshrl.u32 v41, $0x3;
	[tilespmem:v48+s25+$0x0] =	vst.idx.msk $0xffff, v34  }
0x2e9: {  	v34 =	vshll.u32 v50, v1;
	[tilespmem:v37+s25+$0x0] =	vst.idx.msk $0xffff, v36  }
0x2ea: {  	v34 =	vbroadcast v34, $0x0;
	[tilespmem:v39+s25+$0x0] =	vst.idx.msk $0xffff, v38  }
0x2eb: {  	[tilespmem:v49+s25+$0x0] =	vst.idx.msk $0xffff, v40  }
0x2ec: {  	v51 =	vadd.s32 v5, v34;
	v33 =	vld [tilespmem:s9+$0xFFFFFF40]  }
0x2ed: {  	v52 =	vadd.s32 v6, v34;
	v36 =	vld [tilespmem:s9+$0xFFFFFF50]  }
0x2ee: {  	v53 =	vadd.s32 v7, v34;
	v38 =	vld [tilespmem:s9+$0xFFFFFF60]  }
0x2ef: {  	s11 =	sadd.s32 $0xFFFFFFFB, s8;
	v34 =	vadd.s32 v8, v34;
	v40 =	vld [tilespmem:s9+$0xFFFFFF70]  }
0x2f0: {  	v54 =	vmov s11  }
0x2f1: {  	v55 =	vshrl.u32 v54, $0x3;
	[tilespmem:v51+s25+$0x0] =	vst.idx.msk $0xffff, v33  }
0x2f2: {  	v33 =	vshll.u32 v55, v1;
	[tilespmem:v52+s25+$0x0] =	vst.idx.msk $0xffff, v36  }
0x2f3: {  	v33 =	vbroadcast v33, $0x0;
	[tilespmem:v53+s25+$0x0] =	vst.idx.msk $0xffff, v38  }
0x2f4: {  	[tilespmem:v34+s25+$0x0] =	vst.idx.msk $0xffff, v40  }
0x2f5: {  	v56 =	vadd.s32 v9, v33;
	v34 =	vld [tilespmem:s9+$0xFFFFFF80]  }
0x2f6: {  	v57 =	vadd.s32 v10, v33;
	v36 =	vld [tilespmem:s9+$0xFFFFFF90]  }
0x2f7: {  	v58 =	vadd.s32 v11, v33;
	v38 =	vld [tilespmem:s9+$0xFFFFFFA0]  }
0x2f8: {  	s12 =	sadd.s32 $0xFFFFFFFC, s8;
	v33 =	vadd.s32 v12, v33;
	v40 =	vld [tilespmem:s9+$0xFFFFFFB0]  }
0x2f9: {  	v59 =	vmov s12  }
0x2fa: {  	v60 =	vshrl.u32 v59, $0x3;
	[tilespmem:v56+s25+$0x0] =	vst.idx.msk $0xffff, v34  }
0x2fb: {  	v34 =	vshll.u32 v60, v1;
	[tilespmem:v57+s25+$0x0] =	vst.idx.msk $0xffff, v36  }
0x2fc: {  	v34 =	vbroadcast v34, $0x0;
	[tilespmem:v58+s25+$0x0] =	vst.idx.msk $0xffff, v38  }
0x2fd: {  	[tilespmem:v33+s25+$0x0] =	vst.idx.msk $0xffff, v40  }
0x2fe: {  	v61 =	vadd.s32 v13, v34;
	v33 =	vld [tilespmem:s9+$0xFFFFFFC0]  }
0x2ff: {  	v62 =	vadd.s32 v14, v34;
	v36 =	vld [tilespmem:s9+$0xFFFFFFD0]  }
0x300: {  	v63 =	vadd.s32 v15, v34;
	v38 =	vld [tilespmem:s9+$0xFFFFFFE0]  }
0x301: {  	s14 =	sadd.s32 $0xFFFFFFFD, s8;
	v34 =	vadd.s32 v16, v34;
	v40 =	vld [tilespmem:s9+$0xFFFFFFF0]  }
0x302: {  	v44 =	vmov s14  }
0x303: {  	v45 =	vshrl.u32 v44, $0x3;
	[tilespmem:v61+s25+$0x0] =	vst.idx.msk $0xffff, v33  }
0x304: {  	v33 =	vshll.u32 v45, v1;
	[tilespmem:v62+s25+$0x0] =	vst.idx.msk $0xffff, v36  }
0x305: {  	v33 =	vbroadcast v33, $0x0;
	[tilespmem:v63+s25+$0x0] =	vst.idx.msk $0xffff, v38  }
0x306: {  	[tilespmem:v34+s25+$0x0] =	vst.idx.msk $0xffff, v40  }
0x307: {  	v46 =	vadd.s32 v17, v33;
	v34 =	vld [tilespmem:s9+$0x0]  }
0x308: {  	v47 =	vadd.s32 v18, v33;
	v36 =	vld [tilespmem:s9+$0x10]  }
0x309: {  	v48 =	vadd.s32 v19, v33;
	v38 =	vld [tilespmem:s9+$0x20]  }
0x30a: {  	s10 =	sadd.s32 $0xFFFFFFFE, s8;
	v33 =	vadd.s32 v20, v33;
	v40 =	vld [tilespmem:s9+$0x30]  }
0x30b: {  	v49 =	vmov s10  }
0x30c: {  	v50 =	vshrl.u32 v49, $0x3;
	[tilespmem:v46+s25+$0x0] =	vst.idx.msk $0xffff, v34  }
0x30d: {  	v34 =	vshll.u32 v50, v1;
	[tilespmem:v47+s25+$0x0] =	vst.idx.msk $0xffff, v36  }
0x30e: {  	v34 =	vbroadcast v34, $0x0;
	[tilespmem:v48+s25+$0x0] =	vst.idx.msk $0xffff, v38  }
0x30f: {  	[tilespmem:v33+s25+$0x0] =	vst.idx.msk $0xffff, v40  }
0x310: {  	v51 =	vadd.s32 v21, v34;
	v33 =	vld [tilespmem:s9+$0x40]  }
0x311: {  	v52 =	vadd.s32 v22, v34;
	v36 =	vld [tilespmem:s9+$0x50]  }
0x312: {  	v53 =	vadd.s32 v23, v34;
	v38 =	vld [tilespmem:s9+$0x60]  }
0x313: {  	s11 =	sadd.s32 $0xFFFFFFFF, s8;
	v34 =	vadd.s32 v24, v34;
	v40 =	vld [tilespmem:s9+$0x70]  }
0x314: {  	v54 =	vmov s11  }
0x315: {  	v55 =	vshrl.u32 v54, $0x3;
	[tilespmem:v51+s25+$0x0] =	vst.idx.msk $0xffff, v33  }
0x316: {  	v33 =	vshll.u32 v55, v1;
	[tilespmem:v52+s25+$0x0] =	vst.idx.msk $0xffff, v36  }
0x317: {  	v33 =	vbroadcast v33, $0x0;
	[tilespmem:v53+s25+$0x0] =	vst.idx.msk $0xffff, v38  }
0x318: {  	[tilespmem:v34+s25+$0x0] =	vst.idx.msk $0xffff, v40  }
0x319: {  	v56 =	vadd.s32 v25, v33;
	v34 =	vld [tilespmem:s9+$0x80]  }
0x31a: {  	v57 =	vadd.s32 v26, v33;
	v36 =	vld [tilespmem:s9+$0x90]  }
0x31b: {  	v58 =	vadd.s32 v27, v33;
	v38 =	vld [tilespmem:s9+$0xA0]  }
0x31c: {  	v33 =	vadd.s32 v28, v33;
	v40 =	vld [tilespmem:s9+$0xB0]  }
0x31d: {  	v59 =	vmov s8  }
0x31e: {  	v60 =	vshrl.u32 v59, $0x3;
	[tilespmem:v56+s25+$0x0] =	vst.idx.msk $0xffff, v34  }
0x31f: {  	v34 =	vshll.u32 v60, v1;
	[tilespmem:v57+s25+$0x0] =	vst.idx.msk $0xffff, v36  }
0x320: {  	v34 =	vbroadcast v34, $0x0;
	[tilespmem:v58+s25+$0x0] =	vst.idx.msk $0xffff, v38  }
0x321: {  	[tilespmem:v33+s25+$0x0] =	vst.idx.msk $0xffff, v40  }
0x322: {  	v61 =	vadd.s32 v29, v34;
	v33 =	vld [tilespmem:s9+$0xC0]  }
0x323: {  	v62 =	vadd.s32 v30, v34;
	v36 =	vld [tilespmem:s9+$0xD0]  }
0x324: {  	v63 =	vadd.s32 v31, v34;
	v38 =	vld [tilespmem:s9+$0xE0]  }
0x325: {  	v34 =	vadd.s32 v32, v34;
	v40 =	vld [tilespmem:s9+$0xF0]  }
0x326: {  	s12 =	sadd.s32 $0x2, s18  }
0x327: {  	s14 =	sshll.u32 s12, $0x7;
	[tilespmem:v61+s25+$0x0] =	vst.idx.msk $0xffff, v33  }
0x328: {  	s0 =	sshll.u32 s12, $0xA;
	s8 =	sand.u32 $0xF00, s14;
	[tilespmem:v62+s25+$0x0] =	vst.idx.msk $0xffff, v36  }
0x329: {  	s0 =	sand.u32 $0xFFF8000, s0;
	s8 =	sadd.s32 s2, s8;
	[tilespmem:v63+s25+$0x0] =	vst.idx.msk $0xffff, v38  }
0x32a: {  	s0 =	sadd.s32 s0, s8;
	s9 =	simm.s32 $0x18C00;
	[tilespmem:v34+s25+$0x0] =	vst.idx.msk $0xffff, v40  }
0x32b: {  	[hbm4b:s0+s4] =	stream.linear.scatter [tilespmem:s9], [sflag:$0x7], $0x80, $0x38;
	[tilespmem:$0x1D000] =	vst v63  }
0x32c: {  	s11 =	sadd.s32 $0x10, s0;
	s10 =	simm.s32 $0x18C88  }
0x32d: {  	[hbm4b:s11+s4] =	stream.linear.scatter [tilespmem:s10], [sflag:$0x7], $0x80, $0x38;
	[tilespmem:$0x1D000] =	vst v63  }
0x32e: {  	s12 =	simm.s32 $0x18D10;
	s14 =	sadd.s32 $0x20, s0  }
0x32f: {  	[hbm4b:s14+s4] =	stream.linear.scatter [tilespmem:s12], [sflag:$0x7], $0x80, $0x38;
	[tilespmem:$0x1D000] =	vst v63  }
0x330: {  	s10 =	simm.s32 $0x18D98;
	s11 =	sadd.s32 $0x30, s0  }
0x331: {  	[hbm4b:s11+s4] =	stream.linear.scatter [tilespmem:s10], [sflag:$0x7], $0x80, $0x38;
	[tilespmem:$0x1D000] =	vst v63  }
0x332: {  	s12 =	simm.s32 $0x18E20;
	s14 =	sadd.s32 $0x40, s0  }
0x333: {  	[hbm4b:s14+s4] =	stream.linear.scatter [tilespmem:s12], [sflag:$0x7], $0x80, $0x38;
	[tilespmem:$0x1D000] =	vst v63  }
0x334: {  	s8 =	simm.s32 $0x440;
	s10 =	simm.s32 $0x18EA8;
	s11 =	sadd.s32 $0x50, s0  }
0x335: {  	[hbm4b:s11+s4] =	stream.linear.scatter [tilespmem:s10], [sflag:$0x7], $0x80, $0x38;
	[tilespmem:$0x1D000] =	vst v63  }
0x336: {  	s9 =	sadd.s32 $0x1000, s0;
	s12 =	simm.s32 $0x18F30;
	s14 =	sadd.s32 $0x60, s0  }
0x337: {  	[hbm4b:s14+s4] =	stream.linear.scatter [tilespmem:s12], [sflag:$0x7], $0x80, $0x38;
	[tilespmem:$0x1D000] =	vst v63  }
0x338: {  	s10 =	simm.s32 $0x2200;
	s11 =	sadd.s32 $0x70, s0;
	s12 =	simm.s32 $0x18FB8  }
.LBB2_13:
0x339: {  	[hbm4b:s11+s4] =	stream.linear.scatter [tilespmem:s12], [sflag:$0x7], $0x80, $0x38;
	[tilespmem:$0x1D000] =	vst v63  }
0x33a: {  	s0 =	smov.u32 s8;
	s8 =	smov.u32 s10  }
0x33b: {  	s14 =	sadd.s32 $0x1100, s10;
	s8 =	sshra.s32 s8, $0x2;
	s11 =	sadd.s32 $0x18C00, s0  }
0x33c: {  	[hbm4b:s9+s4] =	stream.linear.scatter [tilespmem:s11], [sflag:$0x7], $0x80, $0x38;
	[tilespmem:$0x1D000] =	vst v63  }
0x33d: {  	p0 =	sne.s32 s10, $0x7700;
	s10 =	sadd.s32 $0x18C88, s0;
	s11 =	sadd.s32 $0x10, s9  }
0x33e: {  	[hbm4b:s11+s4] =	stream.linear.scatter [tilespmem:s10], [sflag:$0x7], $0x80, $0x38;
	[tilespmem:$0x1D000] =	vst v63  }
0x33f: {  	s10 =	sadd.s32 $0x18D10, s0;
	s11 =	sadd.s32 $0x20, s9  }
0x340: {  	[hbm4b:s11+s4] =	stream.linear.scatter [tilespmem:s10], [sflag:$0x7], $0x80, $0x38;
	[tilespmem:$0x1D000] =	vst v63  }
0x341: {  	s10 =	sadd.s32 $0x18D98, s0;
	s11 =	sadd.s32 $0x30, s9  }
0x342: {  	[hbm4b:s11+s4] =	stream.linear.scatter [tilespmem:s10], [sflag:$0x7], $0x80, $0x38;
	[tilespmem:$0x1D000] =	vst v63  }
0x343: {  	s10 =	sadd.s32 $0x18E20, s0;
	s11 =	sadd.s32 $0x40, s9  }
0x344: {  	[hbm4b:s11+s4] =	stream.linear.scatter [tilespmem:s10], [sflag:$0x7], $0x80, $0x38;
	[tilespmem:$0x1D000] =	vst v63  }
.Ltmp7:
0x345: {  	s10 =	sadd.s32 $0x18EA8, s0;
	s11 =	sadd.s32 $0x50, s9;
	(pc) =	sbr.rel @p0 .LBB2_13-.Ltmp7, $4  }
0x346: {  	[hbm4b:s11+s4] =	stream.linear.scatter [tilespmem:s10], [sflag:$0x7], $0x80, $0x38;
	[tilespmem:$0x1D000] =	vst v63  }
0x347: {  	s12 =	sadd.s32 $0x18FB8, s0;
	s10 =	sadd.s32 $0x18F30, s0;
	s11 =	sadd.s32 $0x60, s9  }
0x348: {  	[hbm4b:s11+s4] =	stream.linear.scatter [tilespmem:s10], [sflag:$0x7], $0x80, $0x38;
	[tilespmem:$0x1D000] =	vst v63  }
0x349: {  	s11 =	sadd.s32 $0x70, s9;
	s9 =	sadd.s32 $0x1000, s9;
	s10 =	smov.u32 s14  }
0x34a: {  	[hbm4b:s11+s4] =	stream.linear.scatter [tilespmem:s12], [sflag:$0x7], $0x80, $0x38;
	[tilespmem:$0x1D000] =	vst v63  }
0x34b: {  	s0 =	sadd.s32 $0x18C00, s8  }
0x34c: {  	[hbm4b:s9+s4] =	stream.linear.scatter [tilespmem:s0], [sflag:$0x7], $0x80, $0x38;
	[tilespmem:$0x1D000] =	vst v63  }
0x34d: {  	s11 =	sadd.s32 $0x18C88, s8;
	s10 =	sadd.s32 $0x10, s9  }
0x34e: {  	[hbm4b:s10+s4] =	stream.linear.scatter [tilespmem:s11], [sflag:$0x7], $0x80, $0x38;
	[tilespmem:$0x1D000] =	vst v63  }
0x34f: {  	s12 =	sadd.s32 $0x18D10, s8;
	s14 =	sadd.s32 $0x20, s9  }
0x350: {  	[hbm4b:s14+s4] =	stream.linear.scatter [tilespmem:s12], [sflag:$0x7], $0x80, $0x38;
	[tilespmem:$0x1D000] =	vst v63  }
0x351: {  	s10 =	sadd.s32 $0x18D98, s8;
	s11 =	sadd.s32 $0x30, s9  }
0x352: {  	[hbm4b:s11+s4] =	stream.linear.scatter [tilespmem:s10], [sflag:$0x7], $0x80, $0x38;
	[tilespmem:$0x1D000] =	vst v63  }
0x353: {  	s12 =	sadd.s32 $0x18E20, s8;
	s14 =	sadd.s32 $0x40, s9  }
0x354: {  	[hbm4b:s14+s4] =	stream.linear.scatter [tilespmem:s12], [sflag:$0x7], $0x80, $0x38;
	[tilespmem:$0x1D000] =	vst v63  }
0x355: {  	s10 =	sadd.s32 $0x18EA8, s8;
	s11 =	sadd.s32 $0x50, s9  }
0x356: {  	[hbm4b:s11+s4] =	stream.linear.scatter [tilespmem:s10], [sflag:$0x7], $0x80, $0x38;
	[tilespmem:$0x1D000] =	vst v63  }
0x357: {  	s12 =	sadd.s32 $0x18F30, s8;
	s14 =	sadd.s32 $0x60, s9;
	s11 =	simm.s32 $0x0  }
0x358: {  	[hbm4b:s14+s4] =	stream.linear.scatter [tilespmem:s12], [sflag:$0x7], $0x80, $0x38;
	[tilespmem:$0x1D000] =	vst v63  }
0x359: {  	v33 =	vmov s11;
	s12 =	sadd.s32 $0x18FB8, s8;
	s14 =	sadd.s32 $0x70, s9  }
0x35a: {  	v33 =	vshrl.u32 v33, $0x3;
	[hbm4b:s14+s4] =	stream.linear.scatter [tilespmem:s12], [sflag:$0x7], $0x80, $0x38;
	[tilespmem:$0x1D000] =	vst v63  }
0x35b: {  	v33 =	vshll.u32 v33, v1;
	_ =	swait.ge [sflag:s26], $0x2000  }
0x35c: {  	v33 =	vbroadcast v33, $0x0;
	[sflag:s26] =	ssyncset.done $0x0  }
0x35d: {  	s12 =	simm.s32 $0x12900;
	[sflag:s26] =	ssyncadd.s32 $0xFFFFE000  }
0x35e: {  	v35 =	vadd.s32 v0, v33;
	v34 =	vld [tilespmem:s12+$0xFFFFFF00]  }
0x35f: {  	v37 =	vadd.s32 v2, v33;
	v36 =	vld [tilespmem:s12+$0xFFFFFF10]  }
0x360: {  	v39 =	vadd.s32 v3, v33;
	v38 =	vld [tilespmem:s12+$0xFFFFFF20]  }
0x361: {  	s10 =	simm.s32 $0x1;
	v33 =	vadd.s32 v4, v33;
	v40 =	vld [tilespmem:s12+$0xFFFFFF30]  }
0x362: {  	v41 =	vmov s10  }
0x363: {  	v47 =	vshrl.u32 v41, $0x3;
	[tilespmem:v35+s28+$0x0] =	vst.idx.msk $0xffff, v34  }
0x364: {  	v34 =	vshll.u32 v47, v1;
	[tilespmem:v37+s28+$0x0] =	vst.idx.msk $0xffff, v36  }
0x365: {  	v34 =	vbroadcast v34, $0x0;
	[tilespmem:v39+s28+$0x0] =	vst.idx.msk $0xffff, v38  }
0x366: {  	[tilespmem:v33+s28+$0x0] =	vst.idx.msk $0xffff, v40  }
0x367: {  	v48 =	vadd.s32 v5, v34;
	v33 =	vld [tilespmem:s12+$0xFFFFFF40]  }
0x368: {  	v49 =	vadd.s32 v6, v34;
	v36 =	vld [tilespmem:s12+$0xFFFFFF50]  }
0x369: {  	v50 =	vadd.s32 v7, v34;
	v38 =	vld [tilespmem:s12+$0xFFFFFF60]  }
0x36a: {  	s11 =	simm.s32 $0x2;
	v34 =	vadd.s32 v8, v34;
	v40 =	vld [tilespmem:s12+$0xFFFFFF70]  }
0x36b: {  	v51 =	vmov s11  }
0x36c: {  	v52 =	vshrl.u32 v51, $0x3;
	[tilespmem:v48+s28+$0x0] =	vst.idx.msk $0xffff, v33  }
0x36d: {  	v33 =	vshll.u32 v52, v1;
	[tilespmem:v49+s28+$0x0] =	vst.idx.msk $0xffff, v36  }
0x36e: {  	v33 =	vbroadcast v33, $0x0;
	[tilespmem:v50+s28+$0x0] =	vst.idx.msk $0xffff, v38  }
0x36f: {  	[tilespmem:v34+s28+$0x0] =	vst.idx.msk $0xffff, v40  }
0x370: {  	v53 =	vadd.s32 v9, v33;
	v34 =	vld [tilespmem:s12+$0xFFFFFF80]  }
0x371: {  	v54 =	vadd.s32 v10, v33;
	v36 =	vld [tilespmem:s12+$0xFFFFFF90]  }
0x372: {  	v55 =	vadd.s32 v11, v33;
	v38 =	vld [tilespmem:s12+$0xFFFFFFA0]  }
0x373: {  	s14 =	simm.s32 $0x3;
	v33 =	vadd.s32 v12, v33;
	v40 =	vld [tilespmem:s12+$0xFFFFFFB0]  }
0x374: {  	v56 =	vmov s14  }
0x375: {  	v57 =	vshrl.u32 v56, $0x3;
	[tilespmem:v53+s28+$0x0] =	vst.idx.msk $0xffff, v34  }
0x376: {  	v34 =	vshll.u32 v57, v1;
	[tilespmem:v54+s28+$0x0] =	vst.idx.msk $0xffff, v36  }
0x377: {  	v34 =	vbroadcast v34, $0x0;
	[tilespmem:v55+s28+$0x0] =	vst.idx.msk $0xffff, v38  }
0x378: {  	[tilespmem:v33+s28+$0x0] =	vst.idx.msk $0xffff, v40  }
0x379: {  	v58 =	vadd.s32 v13, v34;
	v33 =	vld [tilespmem:s12+$0xFFFFFFC0]  }
0x37a: {  	v59 =	vadd.s32 v14, v34;
	v36 =	vld [tilespmem:s12+$0xFFFFFFD0]  }
0x37b: {  	v60 =	vadd.s32 v15, v34;
	v38 =	vld [tilespmem:s12+$0xFFFFFFE0]  }
0x37c: {  	s8 =	simm.s32 $0x4;
	v34 =	vadd.s32 v16, v34;
	v40 =	vld [tilespmem:s12+$0xFFFFFFF0]  }
0x37d: {  	v61 =	vmov s8  }
0x37e: {  	v62 =	vshrl.u32 v61, $0x3;
	[tilespmem:v58+s28+$0x0] =	vst.idx.msk $0xffff, v33  }
0x37f: {  	v33 =	vshll.u32 v62, v1;
	[tilespmem:v59+s28+$0x0] =	vst.idx.msk $0xffff, v36  }
0x380: {  	v33 =	vbroadcast v33, $0x0;
	[tilespmem:v60+s28+$0x0] =	vst.idx.msk $0xffff, v38  }
0x381: {  	[tilespmem:v34+s28+$0x0] =	vst.idx.msk $0xffff, v40  }
0x382: {  	v63 =	vadd.s32 v17, v33;
	v34 =	vld [tilespmem:s12+$0x0]  }
0x383: {  	v44 =	vadd.s32 v18, v33;
	v36 =	vld [tilespmem:s12+$0x10]  }
0x384: {  	v45 =	vadd.s32 v19, v33;
	v38 =	vld [tilespmem:s12+$0x20]  }
0x385: {  	s9 =	simm.s32 $0x5;
	v33 =	vadd.s32 v20, v33;
	v40 =	vld [tilespmem:s12+$0x30]  }
0x386: {  	v46 =	vmov s9  }
0x387: {  	v47 =	vshrl.u32 v46, $0x3;
	[tilespmem:v63+s28+$0x0] =	vst.idx.msk $0xffff, v34  }
0x388: {  	v34 =	vshll.u32 v47, v1;
	[tilespmem:v44+s28+$0x0] =	vst.idx.msk $0xffff, v36  }
0x389: {  	v34 =	vbroadcast v34, $0x0;
	[tilespmem:v45+s28+$0x0] =	vst.idx.msk $0xffff, v38  }
0x38a: {  	[tilespmem:v33+s28+$0x0] =	vst.idx.msk $0xffff, v40  }
0x38b: {  	v48 =	vadd.s32 v21, v34;
	v33 =	vld [tilespmem:s12+$0x40]  }
0x38c: {  	v49 =	vadd.s32 v22, v34;
	v36 =	vld [tilespmem:s12+$0x50]  }
0x38d: {  	v50 =	vadd.s32 v23, v34;
	v38 =	vld [tilespmem:s12+$0x60]  }
0x38e: {  	s10 =	simm.s32 $0x6;
	v34 =	vadd.s32 v24, v34;
	v40 =	vld [tilespmem:s12+$0x70]  }
0x38f: {  	v51 =	vmov s10  }
0x390: {  	v52 =	vshrl.u32 v51, $0x3;
	[tilespmem:v48+s28+$0x0] =	vst.idx.msk $0xffff, v33  }
0x391: {  	v33 =	vshll.u32 v52, v1;
	[tilespmem:v49+s28+$0x0] =	vst.idx.msk $0xffff, v36  }
0x392: {  	v33 =	vbroadcast v33, $0x0;
	[tilespmem:v50+s28+$0x0] =	vst.idx.msk $0xffff, v38  }
0x393: {  	[tilespmem:v34+s28+$0x0] =	vst.idx.msk $0xffff, v40  }
0x394: {  	v53 =	vadd.s32 v25, v33;
	v34 =	vld [tilespmem:s12+$0x80]  }
0x395: {  	v54 =	vadd.s32 v26, v33;
	v36 =	vld [tilespmem:s12+$0x90]  }
0x396: {  	v55 =	vadd.s32 v27, v33;
	v38 =	vld [tilespmem:s12+$0xA0]  }
0x397: {  	s11 =	simm.s32 $0x7;
	v33 =	vadd.s32 v28, v33;
	v40 =	vld [tilespmem:s12+$0xB0]  }
0x398: {  	v56 =	vmov s11  }
0x399: {  	v57 =	vshrl.u32 v56, $0x3;
	[tilespmem:v53+s28+$0x0] =	vst.idx.msk $0xffff, v34  }
0x39a: {  	v34 =	vshll.u32 v57, v1;
	[tilespmem:v54+s28+$0x0] =	vst.idx.msk $0xffff, v36  }
0x39b: {  	v58 =	vbroadcast v34, $0x0;
	[tilespmem:v55+s28+$0x0] =	vst.idx.msk $0xffff, v38  }
0x39c: {  	[tilespmem:v33+s28+$0x0] =	vst.idx.msk $0xffff, v40  }
0x39d: {  	v59 =	vadd.s32 v29, v58;
	v33 =	vld [tilespmem:s12+$0xC0]  }
0x39e: {  	v60 =	vadd.s32 v30, v58;
	v37 =	vld [tilespmem:s12+$0xD0]  }
0x39f: {  	v61 =	vadd.s32 v31, v58;
	v39 =	vld [tilespmem:s12+$0xE0]  }
0x3a0: {  	s14 =	simm.s32 $0x8  }
0x3a1: {  	v62 =	vmov s14;
	v35 =	vadd.s32 v32, v58;
	v34 =	vld [tilespmem:s12+$0xF0]  }
0x3a2: {  	v41 =	vshrl.u32 v62, $0x3;
	[tilespmem:v59+s28+$0x0] =	vst.idx.msk $0xffff, v33  }
0x3a3: {  	v63 =	vshll.u32 v41, v1;
	[tilespmem:v60+s28+$0x0] =	vst.idx.msk $0xffff, v37  }
0x3a4: {  	s8 =	simm.s32 $0xF;
	s9 =	simm.s32 $0x17;
	v33 =	vbroadcast v63, $0x0;
	[tilespmem:v61+s28+$0x0] =	vst.idx.msk $0xffff, v39  }
.LBB2_15:
0x3a5: {  	p0 =	sne.s32 s9, $0x7F  }
0x3a6: {  	[tilespmem:v35+s28+$0x0] =	vst.idx.msk $0xffff, v34;
	s12 =	sadd.s32 $0x200, s12;
	s10 =	smov.u32 s9;
	s9 =	sadd.s32 $0x8, s9  }
0x3a7: {  	v34 =	vld [tilespmem:s12+$0xFFFFFF00];
	v35 =	vadd.s32 v0, v33  }
0x3a8: {  	v37 =	vadd.s32 v2, v33;
	v36 =	vld [tilespmem:s12+$0xFFFFFF10]  }
0x3a9: {  	v39 =	vadd.s32 v3, v33;
	v38 =	vld [tilespmem:s12+$0xFFFFFF20]  }
0x3aa: {  	s0 =	sadd.s32 $0xFFFFFFFA, s8;
	v33 =	vadd.s32 v4, v33;
	v40 =	vld [tilespmem:s12+$0xFFFFFF30]  }
0x3ab: {  	v41 =	vmov s0  }
0x3ac: {  	[tilespmem:v35+s28+$0x0] =	vst.idx.msk $0xffff, v34;
	v34 =	vshrl.u32 v41, $0x3  }
0x3ad: {  	[tilespmem:v37+s28+$0x0] =	vst.idx.msk $0xffff, v36;
	v34 =	vshll.u32 v34, v1  }
0x3ae: {  	[tilespmem:v39+s28+$0x0] =	vst.idx.msk $0xffff, v38;
	v34 =	vbroadcast v34, $0x0  }
0x3af: {  	[tilespmem:v33+s28+$0x0] =	vst.idx.msk $0xffff, v40  }
0x3b0: {  	v33 =	vld [tilespmem:s12+$0xFFFFFF40];
	v35 =	vadd.s32 v5, v34  }
0x3b1: {  	v37 =	vadd.s32 v6, v34;
	v36 =	vld [tilespmem:s12+$0xFFFFFF50]  }
0x3b2: {  	v39 =	vadd.s32 v7, v34;
	v38 =	vld [tilespmem:s12+$0xFFFFFF60]  }
0x3b3: {  	s0 =	sadd.s32 $0xFFFFFFFB, s8;
	v34 =	vadd.s32 v8, v34;
	v40 =	vld [tilespmem:s12+$0xFFFFFF70]  }
0x3b4: {  	v41 =	vmov s0  }
0x3b5: {  	[tilespmem:v35+s28+$0x0] =	vst.idx.msk $0xffff, v33;
	v33 =	vshrl.u32 v41, $0x3  }
0x3b6: {  	[tilespmem:v37+s28+$0x0] =	vst.idx.msk $0xffff, v36;
	v33 =	vshll.u32 v33, v1  }
0x3b7: {  	[tilespmem:v39+s28+$0x0] =	vst.idx.msk $0xffff, v38;
	v33 =	vbroadcast v33, $0x0  }
0x3b8: {  	[tilespmem:v34+s28+$0x0] =	vst.idx.msk $0xffff, v40  }
0x3b9: {  	v34 =	vld [tilespmem:s12+$0xFFFFFF80];
	v35 =	vadd.s32 v9, v33  }
0x3ba: {  	v37 =	vadd.s32 v10, v33;
	v36 =	vld [tilespmem:s12+$0xFFFFFF90]  }
0x3bb: {  	v39 =	vadd.s32 v11, v33;
	v38 =	vld [tilespmem:s12+$0xFFFFFFA0]  }
0x3bc: {  	s0 =	sadd.s32 $0xFFFFFFFC, s8;
	v33 =	vadd.s32 v12, v33;
	v40 =	vld [tilespmem:s12+$0xFFFFFFB0]  }
0x3bd: {  	v41 =	vmov s0  }
0x3be: {  	[tilespmem:v35+s28+$0x0] =	vst.idx.msk $0xffff, v34;
	v34 =	vshrl.u32 v41, $0x3  }
0x3bf: {  	[tilespmem:v37+s28+$0x0] =	vst.idx.msk $0xffff, v36;
	v34 =	vshll.u32 v34, v1  }
0x3c0: {  	[tilespmem:v39+s28+$0x0] =	vst.idx.msk $0xffff, v38;
	v34 =	vbroadcast v34, $0x0  }
0x3c1: {  	[tilespmem:v33+s28+$0x0] =	vst.idx.msk $0xffff, v40  }
0x3c2: {  	v33 =	vld [tilespmem:s12+$0xFFFFFFC0];
	v35 =	vadd.s32 v13, v34  }
0x3c3: {  	v37 =	vadd.s32 v14, v34;
	v36 =	vld [tilespmem:s12+$0xFFFFFFD0]  }
0x3c4: {  	v39 =	vadd.s32 v15, v34;
	v38 =	vld [tilespmem:s12+$0xFFFFFFE0]  }
0x3c5: {  	s0 =	sadd.s32 $0xFFFFFFFD, s8;
	v34 =	vadd.s32 v16, v34;
	v40 =	vld [tilespmem:s12+$0xFFFFFFF0]  }
0x3c6: {  	v41 =	vmov s0  }
0x3c7: {  	[tilespmem:v35+s28+$0x0] =	vst.idx.msk $0xffff, v33;
	v33 =	vshrl.u32 v41, $0x3  }
0x3c8: {  	[tilespmem:v37+s28+$0x0] =	vst.idx.msk $0xffff, v36;
	v33 =	vshll.u32 v33, v1  }
0x3c9: {  	[tilespmem:v39+s28+$0x0] =	vst.idx.msk $0xffff, v38;
	v33 =	vbroadcast v33, $0x0  }
0x3ca: {  	[tilespmem:v34+s28+$0x0] =	vst.idx.msk $0xffff, v40  }
0x3cb: {  	v34 =	vld [tilespmem:s12+$0x0];
	v35 =	vadd.s32 v17, v33  }
0x3cc: {  	v37 =	vadd.s32 v18, v33;
	v36 =	vld [tilespmem:s12+$0x10]  }
0x3cd: {  	v39 =	vadd.s32 v19, v33;
	v38 =	vld [tilespmem:s12+$0x20]  }
0x3ce: {  	s0 =	sadd.s32 $0xFFFFFFFE, s8;
	v33 =	vadd.s32 v20, v33;
	v40 =	vld [tilespmem:s12+$0x30]  }
0x3cf: {  	v41 =	vmov s0  }
0x3d0: {  	[tilespmem:v35+s28+$0x0] =	vst.idx.msk $0xffff, v34;
	v34 =	vshrl.u32 v41, $0x3  }
0x3d1: {  	[tilespmem:v37+s28+$0x0] =	vst.idx.msk $0xffff, v36;
	v34 =	vshll.u32 v34, v1  }
0x3d2: {  	[tilespmem:v39+s28+$0x0] =	vst.idx.msk $0xffff, v38;
	v34 =	vbroadcast v34, $0x0  }
0x3d3: {  	[tilespmem:v33+s28+$0x0] =	vst.idx.msk $0xffff, v40  }
0x3d4: {  	v33 =	vld [tilespmem:s12+$0x40];
	v35 =	vadd.s32 v21, v34  }
0x3d5: {  	v37 =	vadd.s32 v22, v34;
	v36 =	vld [tilespmem:s12+$0x50]  }
0x3d6: {  	v39 =	vadd.s32 v23, v34;
	v38 =	vld [tilespmem:s12+$0x60]  }
0x3d7: {  	s0 =	sadd.s32 $0xFFFFFFFF, s8;
	v34 =	vadd.s32 v24, v34;
	v40 =	vld [tilespmem:s12+$0x70]  }
0x3d8: {  	v41 =	vmov s0  }
0x3d9: {  	[tilespmem:v35+s28+$0x0] =	vst.idx.msk $0xffff, v33;
	v33 =	vshrl.u32 v41, $0x3  }
0x3da: {  	[tilespmem:v37+s28+$0x0] =	vst.idx.msk $0xffff, v36;
	v33 =	vshll.u32 v33, v1  }
0x3db: {  	[tilespmem:v39+s28+$0x0] =	vst.idx.msk $0xffff, v38;
	v33 =	vbroadcast v33, $0x0  }
0x3dc: {  	[tilespmem:v34+s28+$0x0] =	vst.idx.msk $0xffff, v40  }
0x3dd: {  	v34 =	vld [tilespmem:s12+$0x80];
	v35 =	vadd.s32 v25, v33  }
0x3de: {  	v37 =	vadd.s32 v26, v33;
	v36 =	vld [tilespmem:s12+$0x90]  }
0x3df: {  	v39 =	vadd.s32 v27, v33;
	v38 =	vld [tilespmem:s12+$0xA0]  }
0x3e0: {  	v33 =	vadd.s32 v28, v33;
	v40 =	vld [tilespmem:s12+$0xB0]  }
0x3e1: {  	v41 =	vmov s8;
	s8 =	smov.u32 s10  }
0x3e2: {  	[tilespmem:v35+s28+$0x0] =	vst.idx.msk $0xffff, v34;
	v34 =	vshrl.u32 v41, $0x3  }
0x3e3: {  	[tilespmem:v37+s28+$0x0] =	vst.idx.msk $0xffff, v36;
	v34 =	vshll.u32 v34, v1  }
0x3e4: {  	[tilespmem:v39+s28+$0x0] =	vst.idx.msk $0xffff, v38;
	v35 =	vbroadcast v34, $0x0  }
0x3e5: {  	[tilespmem:v33+s28+$0x0] =	vst.idx.msk $0xffff, v40  }
0x3e6: {  	v33 =	vld [tilespmem:s12+$0xC0];
	v36 =	vadd.s32 v29, v35  }
0x3e7: {  	v38 =	vadd.s32 v30, v35;
	v37 =	vld [tilespmem:s12+$0xD0]  }
0x3e8: {  	v40 =	vadd.s32 v31, v35;
	v39 =	vld [tilespmem:s12+$0xE0]  }
.Ltmp8:
0x3e9: {  	s0 =	sadd.s32 $0xFFFFFFF9, s8;
	v35 =	vadd.s32 v32, v35;
	v34 =	vld [tilespmem:s12+$0xF0];
	(pc) =	sbr.rel @p0 .LBB2_15-.Ltmp8, $4  }
0x3ea: {  	v41 =	vmov s0  }
0x3eb: {  	v41 =	vshrl.u32 v41, $0x3;
	[tilespmem:v36+s28+$0x0] =	vst.idx.msk $0xffff, v33  }
0x3ec: {  	v33 =	vshll.u32 v41, v1;
	[tilespmem:v38+s28+$0x0] =	vst.idx.msk $0xffff, v37  }
0x3ed: {  	v33 =	vbroadcast v33, $0x0;
	[tilespmem:v40+s28+$0x0] =	vst.idx.msk $0xffff, v39  }
0x3ee: {  	_ =	sdelay $0x3  }
0x3ef: {  	[tilespmem:v35+s28+$0x0] =	vst.idx.msk $0xffff, v34;
	s9 =	sadd.s32 $0x200, s12  }
0x3f0: {  	v34 =	vld [tilespmem:s9+$0xFFFFFF00];
	v48 =	vadd.s32 v0, v33  }
0x3f1: {  	v36 =	vld [tilespmem:s9+$0xFFFFFF10];
	v37 =	vadd.s32 v2, v33  }
0x3f2: {  	v38 =	vld [tilespmem:s9+$0xFFFFFF20];
	v39 =	vadd.s32 v3, v33  }
0x3f3: {  	s0 =	sadd.s32 $0xFFFFFFFA, s8;
	v40 =	vld [tilespmem:s9+$0xFFFFFF30];
	v49 =	vadd.s32 v4, v33  }
0x3f4: {  	v41 =	vmov s0  }
0x3f5: {  	v50 =	vshrl.u32 v41, $0x3;
	[tilespmem:v48+s28+$0x0] =	vst.idx.msk $0xffff, v34  }
0x3f6: {  	v34 =	vshll.u32 v50, v1;
	[tilespmem:v37+s28+$0x0] =	vst.idx.msk $0xffff, v36  }
0x3f7: {  	v34 =	vbroadcast v34, $0x0;
	[tilespmem:v39+s28+$0x0] =	vst.idx.msk $0xffff, v38  }
0x3f8: {  	[tilespmem:v49+s28+$0x0] =	vst.idx.msk $0xffff, v40  }
0x3f9: {  	v51 =	vadd.s32 v5, v34;
	v33 =	vld [tilespmem:s9+$0xFFFFFF40]  }
0x3fa: {  	v52 =	vadd.s32 v6, v34;
	v36 =	vld [tilespmem:s9+$0xFFFFFF50]  }
0x3fb: {  	v53 =	vadd.s32 v7, v34;
	v38 =	vld [tilespmem:s9+$0xFFFFFF60]  }
0x3fc: {  	s11 =	sadd.s32 $0xFFFFFFFB, s8;
	v34 =	vadd.s32 v8, v34;
	v40 =	vld [tilespmem:s9+$0xFFFFFF70]  }
0x3fd: {  	v54 =	vmov s11  }
0x3fe: {  	v55 =	vshrl.u32 v54, $0x3;
	[tilespmem:v51+s28+$0x0] =	vst.idx.msk $0xffff, v33  }
0x3ff: {  	v33 =	vshll.u32 v55, v1;
	[tilespmem:v52+s28+$0x0] =	vst.idx.msk $0xffff, v36  }
0x400: {  	v33 =	vbroadcast v33, $0x0;
	[tilespmem:v53+s28+$0x0] =	vst.idx.msk $0xffff, v38  }
0x401: {  	[tilespmem:v34+s28+$0x0] =	vst.idx.msk $0xffff, v40  }
0x402: {  	v56 =	vadd.s32 v9, v33;
	v34 =	vld [tilespmem:s9+$0xFFFFFF80]  }
0x403: {  	v57 =	vadd.s32 v10, v33;
	v36 =	vld [tilespmem:s9+$0xFFFFFF90]  }
0x404: {  	v58 =	vadd.s32 v11, v33;
	v38 =	vld [tilespmem:s9+$0xFFFFFFA0]  }
0x405: {  	s12 =	sadd.s32 $0xFFFFFFFC, s8;
	v33 =	vadd.s32 v12, v33;
	v40 =	vld [tilespmem:s9+$0xFFFFFFB0]  }
0x406: {  	v59 =	vmov s12  }
0x407: {  	v60 =	vshrl.u32 v59, $0x3;
	[tilespmem:v56+s28+$0x0] =	vst.idx.msk $0xffff, v34  }
0x408: {  	v34 =	vshll.u32 v60, v1;
	[tilespmem:v57+s28+$0x0] =	vst.idx.msk $0xffff, v36  }
0x409: {  	v34 =	vbroadcast v34, $0x0;
	[tilespmem:v58+s28+$0x0] =	vst.idx.msk $0xffff, v38  }
0x40a: {  	[tilespmem:v33+s28+$0x0] =	vst.idx.msk $0xffff, v40  }
0x40b: {  	v61 =	vadd.s32 v13, v34;
	v33 =	vld [tilespmem:s9+$0xFFFFFFC0]  }
0x40c: {  	v62 =	vadd.s32 v14, v34;
	v36 =	vld [tilespmem:s9+$0xFFFFFFD0]  }
0x40d: {  	v63 =	vadd.s32 v15, v34;
	v38 =	vld [tilespmem:s9+$0xFFFFFFE0]  }
0x40e: {  	s14 =	sadd.s32 $0xFFFFFFFD, s8;
	v34 =	vadd.s32 v16, v34;
	v40 =	vld [tilespmem:s9+$0xFFFFFFF0]  }
0x40f: {  	v44 =	vmov s14  }
0x410: {  	v45 =	vshrl.u32 v44, $0x3;
	[tilespmem:v61+s28+$0x0] =	vst.idx.msk $0xffff, v33  }
0x411: {  	v33 =	vshll.u32 v45, v1;
	[tilespmem:v62+s28+$0x0] =	vst.idx.msk $0xffff, v36  }
0x412: {  	v33 =	vbroadcast v33, $0x0;
	[tilespmem:v63+s28+$0x0] =	vst.idx.msk $0xffff, v38  }
0x413: {  	[tilespmem:v34+s28+$0x0] =	vst.idx.msk $0xffff, v40  }
0x414: {  	v46 =	vadd.s32 v17, v33;
	v34 =	vld [tilespmem:s9+$0x0]  }
0x415: {  	v47 =	vadd.s32 v18, v33;
	v36 =	vld [tilespmem:s9+$0x10]  }
0x416: {  	v48 =	vadd.s32 v19, v33;
	v38 =	vld [tilespmem:s9+$0x20]  }
0x417: {  	s10 =	sadd.s32 $0xFFFFFFFE, s8;
	v33 =	vadd.s32 v20, v33;
	v40 =	vld [tilespmem:s9+$0x30]  }
0x418: {  	v49 =	vmov s10  }
0x419: {  	v50 =	vshrl.u32 v49, $0x3;
	[tilespmem:v46+s28+$0x0] =	vst.idx.msk $0xffff, v34  }
0x41a: {  	v34 =	vshll.u32 v50, v1;
	[tilespmem:v47+s28+$0x0] =	vst.idx.msk $0xffff, v36  }
0x41b: {  	v34 =	vbroadcast v34, $0x0;
	[tilespmem:v48+s28+$0x0] =	vst.idx.msk $0xffff, v38  }
0x41c: {  	[tilespmem:v33+s28+$0x0] =	vst.idx.msk $0xffff, v40  }
0x41d: {  	v51 =	vadd.s32 v21, v34;
	v33 =	vld [tilespmem:s9+$0x40]  }
0x41e: {  	v52 =	vadd.s32 v22, v34;
	v36 =	vld [tilespmem:s9+$0x50]  }
0x41f: {  	v53 =	vadd.s32 v23, v34;
	v38 =	vld [tilespmem:s9+$0x60]  }
0x420: {  	s11 =	sadd.s32 $0xFFFFFFFF, s8;
	v34 =	vadd.s32 v24, v34;
	v40 =	vld [tilespmem:s9+$0x70]  }
0x421: {  	v54 =	vmov s11  }
0x422: {  	v55 =	vshrl.u32 v54, $0x3;
	[tilespmem:v51+s28+$0x0] =	vst.idx.msk $0xffff, v33  }
0x423: {  	v33 =	vshll.u32 v55, v1;
	[tilespmem:v52+s28+$0x0] =	vst.idx.msk $0xffff, v36  }
0x424: {  	v33 =	vbroadcast v33, $0x0;
	[tilespmem:v53+s28+$0x0] =	vst.idx.msk $0xffff, v38  }
0x425: {  	[tilespmem:v34+s28+$0x0] =	vst.idx.msk $0xffff, v40  }
0x426: {  	v56 =	vadd.s32 v25, v33;
	v34 =	vld [tilespmem:s9+$0x80]  }
0x427: {  	v57 =	vadd.s32 v26, v33;
	v36 =	vld [tilespmem:s9+$0x90]  }
0x428: {  	v58 =	vadd.s32 v27, v33;
	v38 =	vld [tilespmem:s9+$0xA0]  }
0x429: {  	v33 =	vadd.s32 v28, v33;
	v40 =	vld [tilespmem:s9+$0xB0]  }
0x42a: {  	v59 =	vmov s8  }
0x42b: {  	v60 =	vshrl.u32 v59, $0x3;
	[tilespmem:v56+s28+$0x0] =	vst.idx.msk $0xffff, v34  }
0x42c: {  	v34 =	vshll.u32 v60, v1;
	[tilespmem:v57+s28+$0x0] =	vst.idx.msk $0xffff, v36  }
0x42d: {  	v34 =	vbroadcast v34, $0x0;
	[tilespmem:v58+s28+$0x0] =	vst.idx.msk $0xffff, v38  }
0x42e: {  	[tilespmem:v33+s28+$0x0] =	vst.idx.msk $0xffff, v40  }
0x42f: {  	v61 =	vadd.s32 v29, v34;
	v33 =	vld [tilespmem:s9+$0xC0]  }
0x430: {  	v62 =	vadd.s32 v30, v34;
	v36 =	vld [tilespmem:s9+$0xD0]  }
0x431: {  	v63 =	vadd.s32 v31, v34;
	v38 =	vld [tilespmem:s9+$0xE0]  }
0x432: {  	v34 =	vadd.s32 v32, v34;
	v40 =	vld [tilespmem:s9+$0xF0]  }
0x433: {  	s12 =	sadd.s32 $0x3, s18  }
0x434: {  	s14 =	sshll.u32 s12, $0x7;
	[tilespmem:v61+s28+$0x0] =	vst.idx.msk $0xffff, v33  }
0x435: {  	s0 =	sshll.u32 s12, $0xA;
	s8 =	sand.u32 $0xF80, s14;
	[tilespmem:v62+s28+$0x0] =	vst.idx.msk $0xffff, v36  }
0x436: {  	s0 =	sand.u32 $0xFFF8000, s0;
	s8 =	sadd.s32 s2, s8;
	[tilespmem:v63+s28+$0x0] =	vst.idx.msk $0xffff, v38  }
0x437: {  	s18 =	simm.s32 $0x1AE00;
	s0 =	sadd.s32 s0, s8;
	[tilespmem:v34+s28+$0x0] =	vst.idx.msk $0xffff, v40  }
0x438: {  	[hbm4b:s0+s4] =	stream.linear.scatter [tilespmem:s18], [sflag:$0x8], $0x80, $0x38;
	[tilespmem:$0x1D000] =	vst v63  }
0x439: {  	s10 =	sadd.s32 $0x10, s0;
	s9 =	simm.s32 $0x1AE88  }
0x43a: {  	[hbm4b:s10+s4] =	stream.linear.scatter [tilespmem:s9], [sflag:$0x8], $0x80, $0x38;
	[tilespmem:$0x1D000] =	vst v63  }
0x43b: {  	s11 =	simm.s32 $0x1AF10;
	s14 =	simm.s32 $0x1AF98;
	s12 =	sadd.s32 $0x20, s0  }
0x43c: {  	[hbm4b:s12+s4] =	stream.linear.scatter [tilespmem:s11], [sflag:$0x8], $0x80, $0x38;
	[tilespmem:$0x1D000] =	vst v63  }
0x43d: {  	s8 =	simm.s32 $0x440;
	s18 =	sadd.s32 $0x30, s0;
	s9 =	simm.s32 $0x1B020  }
0x43e: {  	[hbm4b:s18+s4] =	stream.linear.scatter [tilespmem:s14], [sflag:$0x8], $0x80, $0x38;
	[tilespmem:$0x1D000] =	vst v63  }
0x43f: {  	s10 =	sadd.s32 $0x40, s0;
	s11 =	simm.s32 $0x1B0A8;
	s12 =	sadd.s32 $0x50, s0  }
0x440: {  	[hbm4b:s10+s4] =	stream.linear.scatter [tilespmem:s9], [sflag:$0x8], $0x80, $0x38;
	[tilespmem:$0x1D000] =	vst v63  }
0x441: {  	s14 =	simm.s32 $0x1B130;
	s18 =	sadd.s32 $0x60, s0;
	s10 =	simm.s32 $0x2200  }
0x442: {  	[hbm4b:s12+s4] =	stream.linear.scatter [tilespmem:s11], [sflag:$0x8], $0x80, $0x38;
	[tilespmem:$0x1D000] =	vst v63  }
0x443: {  	s9 =	sadd.s32 $0x1000, s0;
	s12 =	simm.s32 $0x1B1B8;
	s11 =	sadd.s32 $0x70, s0  }
0x444: {  	[hbm4b:s18+s4] =	stream.linear.scatter [tilespmem:s14], [sflag:$0x8], $0x80, $0x38;
	[tilespmem:$0x1D000] =	vst v63  }
.LBB2_17:
0x445: {  	[hbm4b:s11+s4] =	stream.linear.scatter [tilespmem:s12], [sflag:$0x8], $0x80, $0x38;
	[tilespmem:$0x1D000] =	vst v63  }
0x446: {  	s0 =	smov.u32 s8;
	s8 =	smov.u32 s10  }
0x447: {  	s14 =	sadd.s32 $0x1100, s10;
	s8 =	sshra.s32 s8, $0x2;
	s11 =	sadd.s32 $0x1AE00, s0  }
0x448: {  	[hbm4b:s9+s4] =	stream.linear.scatter [tilespmem:s11], [sflag:$0x8], $0x80, $0x38;
	[tilespmem:$0x1D000] =	vst v63  }
0x449: {  	p0 =	sne.s32 s10, $0x7700;
	s10 =	sadd.s32 $0x1AE88, s0;
	s11 =	sadd.s32 $0x10, s9  }
0x44a: {  	[hbm4b:s11+s4] =	stream.linear.scatter [tilespmem:s10], [sflag:$0x8], $0x80, $0x38;
	[tilespmem:$0x1D000] =	vst v63  }
0x44b: {  	s10 =	sadd.s32 $0x1AF10, s0;
	s11 =	sadd.s32 $0x20, s9  }
0x44c: {  	[hbm4b:s11+s4] =	stream.linear.scatter [tilespmem:s10], [sflag:$0x8], $0x80, $0x38;
	[tilespmem:$0x1D000] =	vst v63  }
0x44d: {  	s10 =	sadd.s32 $0x1AF98, s0;
	s11 =	sadd.s32 $0x30, s9  }
0x44e: {  	[hbm4b:s11+s4] =	stream.linear.scatter [tilespmem:s10], [sflag:$0x8], $0x80, $0x38;
	[tilespmem:$0x1D000] =	vst v63  }
0x44f: {  	s10 =	sadd.s32 $0x1B020, s0;
	s11 =	sadd.s32 $0x40, s9  }
0x450: {  	[hbm4b:s11+s4] =	stream.linear.scatter [tilespmem:s10], [sflag:$0x8], $0x80, $0x38;
	[tilespmem:$0x1D000] =	vst v63  }
.Ltmp9:
0x451: {  	s10 =	sadd.s32 $0x1B0A8, s0;
	s11 =	sadd.s32 $0x50, s9;
	(pc) =	sbr.rel @p0 .LBB2_17-.Ltmp9, $4  }
0x452: {  	[hbm4b:s11+s4] =	stream.linear.scatter [tilespmem:s10], [sflag:$0x8], $0x80, $0x38;
	[tilespmem:$0x1D000] =	vst v63  }
0x453: {  	s12 =	sadd.s32 $0x1B1B8, s0;
	s10 =	sadd.s32 $0x1B130, s0;
	s11 =	sadd.s32 $0x60, s9  }
0x454: {  	[hbm4b:s11+s4] =	stream.linear.scatter [tilespmem:s10], [sflag:$0x8], $0x80, $0x38;
	[tilespmem:$0x1D000] =	vst v63  }
0x455: {  	s11 =	sadd.s32 $0x70, s9;
	s9 =	sadd.s32 $0x1000, s9;
	s10 =	smov.u32 s14  }
0x456: {  	[hbm4b:s11+s4] =	stream.linear.scatter [tilespmem:s12], [sflag:$0x8], $0x80, $0x38;
	[tilespmem:$0x1D000] =	vst v63  }
0x457: {  	s0 =	sadd.s32 $0x1AE00, s8  }
0x458: {  	[hbm4b:s9+s4] =	stream.linear.scatter [tilespmem:s0], [sflag:$0x8], $0x80, $0x38;
	[tilespmem:$0x1D000] =	vst v63  }
0x459: {  	s18 =	sadd.s32 $0x1AE88, s8;
	s10 =	sadd.s32 $0x10, s9  }
0x45a: {  	[hbm4b:s10+s4] =	stream.linear.scatter [tilespmem:s18], [sflag:$0x8], $0x80, $0x38;
	[tilespmem:$0x1D000] =	vst v63  }
0x45b: {  	s11 =	sadd.s32 $0x1AF10, s8;
	s12 =	sadd.s32 $0x20, s9  }
0x45c: {  	[hbm4b:s12+s4] =	stream.linear.scatter [tilespmem:s11], [sflag:$0x8], $0x80, $0x38;
	[tilespmem:$0x1D000] =	vst v63  }
0x45d: {  	s14 =	sadd.s32 $0x1AF98, s8;
	s18 =	sadd.s32 $0x30, s9  }
0x45e: {  	[hbm4b:s18+s4] =	stream.linear.scatter [tilespmem:s14], [sflag:$0x8], $0x80, $0x38;
	[tilespmem:$0x1D000] =	vst v63  }
0x45f: {  	s11 =	sadd.s32 $0x1B020, s8;
	s12 =	sadd.s32 $0x40, s9  }
0x460: {  	[hbm4b:s12+s4] =	stream.linear.scatter [tilespmem:s11], [sflag:$0x8], $0x80, $0x38;
	[tilespmem:$0x1D000] =	vst v63  }
0x461: {  	s14 =	sadd.s32 $0x1B0A8, s8;
	s18 =	sadd.s32 $0x50, s9  }
0x462: {  	[hbm4b:s18+s4] =	stream.linear.scatter [tilespmem:s14], [sflag:$0x8], $0x80, $0x38;
	[tilespmem:$0x1D000] =	vst v63  }
0x463: {  	p0 =	seq.s32 s16, $0x31;
	s11 =	sadd.s32 $0x1B130, s8;
	s12 =	sadd.s32 $0x60, s9  }
0x464: {  	[hbm4b:s12+s4] =	stream.linear.scatter [tilespmem:s11], [sflag:$0x8], $0x80, $0x38;
	[tilespmem:$0x1D000] =	vst v63  }
.Ltmp10:
0x465: {  	s14 =	sadd.s32 $0x1B1B8, s8;
	s18 =	sadd.s32 $0x70, s9;
	(pc) =	sbr.rel @p0 .LBB2_20-.Ltmp10, $4  }
0x466: {  	[hbm4b:s18+s4] =	stream.linear.scatter [tilespmem:s14], [sflag:$0x8], $0x80, $0x38;
	[tilespmem:$0x1D000] =	vst v63  }
0x467: {  	_ =	swait.ge [sflag:s29], $0x2000  }
0x468: {  	[sflag:s29] =	ssyncset.done $0x0  }
0x469: {  	[sflag:s29] =	ssyncadd.s32 $0xFFFFE000  }
0x46a: {  	s0 =	sshll.u32 s16, $0x9  }
0x46b: {  	s0 =	sand.u32 $0x3FFFFE00, s0  }
0x46c: {  	s9 =	simm.s32 $0xC800;
	s8 =	sadd.s32 $0x200, s0  }
0x46d: {  	[tilespmem:s9], [sflag:$0x1] =	stream.indirect.gather [hbm4b:s5+s13], $0x40, s8, s13, $0xb8;
	[tilespmem:$0x1D000] =	vst v63  }
0x46e: {  	_ =	swait.ge [sflag:s30], $0x2000  }
0x46f: {  	[sflag:s30] =	ssyncset.done $0x0  }
0x470: {  	s14 =	sadd.s32 $0x280, s0;
	[sflag:s30] =	ssyncadd.s32 $0xFFFFE000  }
0x471: {  	[tilespmem:s15], [sflag:$0x2] =	stream.indirect.gather [hbm4b:s5+s13], $0x40, s14, s13, $0xb8;
	[tilespmem:$0x1D000] =	vst v63  }
0x472: {  	_ =	swait.ge [sflag:s31], $0x2000  }
0x473: {  	[sflag:s31] =	ssyncset.done $0x0  }
0x474: {  	s18 =	sadd.s32 $0x300, s0;
	[sflag:s31] =	ssyncadd.s32 $0xFFFFE000  }
0x475: {  	[tilespmem:s17], [sflag:$0x3] =	stream.indirect.gather [hbm4b:s5+s13], $0x40, s18, s13, $0xb8;
	[tilespmem:$0x1D000] =	vst v63  }
.Ltmp11:
0x476: {  	_ = 	snop;
	(pc) =	sbr.rel .LBB2_2-.Ltmp11, $4  }
0x477: {  	_ =	swait.ge [sflag:s1], $0x2000  }
0x478: {  	[sflag:s1] =	ssyncset.done $0x0  }
0x479: {  	s16 =	sadd.s32 $0x1, s16;
	s0 =	sadd.s32 $0x380, s0;
	[sflag:s1] =	ssyncadd.s32 $0xFFFFE000  }
0x47a: {  	[tilespmem:s19], [sflag:$0x4] =	stream.indirect.gather [hbm4b:s5+s13], $0x40, s0, s13, $0xb8;
	[tilespmem:$0x1D000] =	vst v63  }
.LBB2_20:
0x47b: {  	_ =	swait.ge [sflag:s30], $0x2000  }
0x47c: {  	[sflag:s30] =	ssyncset.done $0x0  }
0x47d: {  	[sflag:s30] =	ssyncadd.s32 $0xFFFFE000  }
0x47e: {  	_ =	swait.ge [sflag:s31], $0x2000  }
0x47f: {  	[sflag:s31] =	ssyncset.done $0x0  }
0x480: {  	[sflag:s31] =	ssyncadd.s32 $0xFFFFE000  }
0x481: {  	_ =	swait.ge [sflag:s1], $0x2000  }
0x482: {  	[sflag:s1] =	ssyncset.done $0x0  }
0x483: {  	s0 =	simm.s32 $0x6400;
	s8 =	simm.s32 $0xC800;
	[sflag:s1] =	ssyncadd.s32 $0xFFFFE000  }
0x484: {  	[tilespmem:s8], [sflag:$0x1] =	stream.indirect.gather [hbm4b:s6+s13], $0x40, s0, s13, $0xb8;
	[tilespmem:$0x1D000] =	vst v63  }
0x485: {  	s14 =	simm.s32 $0x6480  }
0x486: {  	[tilespmem:s15], [sflag:$0x2] =	stream.indirect.gather [hbm4b:s6+s13], $0x40, s14, s13, $0xb8;
	[tilespmem:$0x1D000] =	vst v63  }
0x487: {  	s16 =	simm.s32 $0x6500  }
0x488: {  	[tilespmem:s17], [sflag:$0x3] =	stream.indirect.gather [hbm4b:s6+s13], $0x40, s16, s13, $0xb8;
	[tilespmem:$0x1D000] =	vst v63  }
0x489: {  	s18 =	simm.s32 $0x6580;
	s16 =	simm.s32 $0x0  }
0x48a: {  	[tilespmem:s19], [sflag:$0x4] =	stream.indirect.gather [hbm4b:s6+s13], $0x40, s18, s13, $0xb8;
	[tilespmem:$0x1D000] =	vst v63  }
.LBB2_21:
0x48b: {  	s0 =	simm.s32 $0x0  }
0x48c: {  	v33 =	vmov s0  }
0x48d: {  	v33 =	vshrl.u32 v33, $0x3  }
0x48e: {  	_ =	swait.ge [sflag:s20], $0x2000;
	v33 =	vshll.u32 v33, v1  }
0x48f: {  	[sflag:s20] =	ssyncset.done $0x0;
	v33 =	vbroadcast v33, $0x0  }
0x490: {  	s12 =	simm.s32 $0xC900;
	[sflag:s20] =	ssyncadd.s32 $0xFFFFE000  }
0x491: {  	v34 =	vld [tilespmem:s12+$0xFFFFFF00];
	v35 =	vadd.s32 v0, v33  }
0x492: {  	v36 =	vld [tilespmem:s12+$0xFFFFFF10];
	v37 =	vadd.s32 v2, v33  }
0x493: {  	v38 =	vld [tilespmem:s12+$0xFFFFFF20];
	v39 =	vadd.s32 v3, v33  }
0x494: {  	s14 =	simm.s32 $0x1;
	v40 =	vld [tilespmem:s12+$0xFFFFFF30];
	v33 =	vadd.s32 v4, v33  }
0x495: {  	v41 =	vmov s14  }
0x496: {  	v47 =	vshrl.u32 v41, $0x3;
	[tilespmem:v35+s21+$0x0] =	vst.idx.msk $0xffff, v34  }
0x497: {  	v34 =	vshll.u32 v47, v1;
	[tilespmem:v37+s21+$0x0] =	vst.idx.msk $0xffff, v36  }
0x498: {  	v34 =	vbroadcast v34, $0x0;
	[tilespmem:v39+s21+$0x0] =	vst.idx.msk $0xffff, v38  }
0x499: {  	[tilespmem:v33+s21+$0x0] =	vst.idx.msk $0xffff, v40  }
0x49a: {  	v48 =	vadd.s32 v5, v34;
	v33 =	vld [tilespmem:s12+$0xFFFFFF40]  }
0x49b: {  	v49 =	vadd.s32 v6, v34;
	v36 =	vld [tilespmem:s12+$0xFFFFFF50]  }
0x49c: {  	v50 =	vadd.s32 v7, v34;
	v38 =	vld [tilespmem:s12+$0xFFFFFF60]  }
0x49d: {  	s18 =	simm.s32 $0x2;
	v34 =	vadd.s32 v8, v34;
	v40 =	vld [tilespmem:s12+$0xFFFFFF70]  }
0x49e: {  	v51 =	vmov s18  }
0x49f: {  	v52 =	vshrl.u32 v51, $0x3;
	[tilespmem:v48+s21+$0x0] =	vst.idx.msk $0xffff, v33  }
0x4a0: {  	v33 =	vshll.u32 v52, v1;
	[tilespmem:v49+s21+$0x0] =	vst.idx.msk $0xffff, v36  }
0x4a1: {  	v33 =	vbroadcast v33, $0x0;
	[tilespmem:v50+s21+$0x0] =	vst.idx.msk $0xffff, v38  }
0x4a2: {  	[tilespmem:v34+s21+$0x0] =	vst.idx.msk $0xffff, v40  }
0x4a3: {  	v53 =	vadd.s32 v9, v33;
	v34 =	vld [tilespmem:s12+$0xFFFFFF80]  }
0x4a4: {  	v54 =	vadd.s32 v10, v33;
	v36 =	vld [tilespmem:s12+$0xFFFFFF90]  }
0x4a5: {  	v55 =	vadd.s32 v11, v33;
	v38 =	vld [tilespmem:s12+$0xFFFFFFA0]  }
0x4a6: {  	s8 =	simm.s32 $0x3;
	v33 =	vadd.s32 v12, v33;
	v40 =	vld [tilespmem:s12+$0xFFFFFFB0]  }
0x4a7: {  	v56 =	vmov s8  }
0x4a8: {  	v57 =	vshrl.u32 v56, $0x3;
	[tilespmem:v53+s21+$0x0] =	vst.idx.msk $0xffff, v34  }
0x4a9: {  	v34 =	vshll.u32 v57, v1;
	[tilespmem:v54+s21+$0x0] =	vst.idx.msk $0xffff, v36  }
0x4aa: {  	v34 =	vbroadcast v34, $0x0;
	[tilespmem:v55+s21+$0x0] =	vst.idx.msk $0xffff, v38  }
0x4ab: {  	[tilespmem:v33+s21+$0x0] =	vst.idx.msk $0xffff, v40  }
0x4ac: {  	v58 =	vadd.s32 v13, v34;
	v33 =	vld [tilespmem:s12+$0xFFFFFFC0]  }
0x4ad: {  	v59 =	vadd.s32 v14, v34;
	v36 =	vld [tilespmem:s12+$0xFFFFFFD0]  }
0x4ae: {  	v60 =	vadd.s32 v15, v34;
	v38 =	vld [tilespmem:s12+$0xFFFFFFE0]  }
0x4af: {  	s9 =	simm.s32 $0x4;
	v34 =	vadd.s32 v16, v34;
	v40 =	vld [tilespmem:s12+$0xFFFFFFF0]  }
0x4b0: {  	v61 =	vmov s9  }
0x4b1: {  	v62 =	vshrl.u32 v61, $0x3;
	[tilespmem:v58+s21+$0x0] =	vst.idx.msk $0xffff, v33  }
0x4b2: {  	v33 =	vshll.u32 v62, v1;
	[tilespmem:v59+s21+$0x0] =	vst.idx.msk $0xffff, v36  }
0x4b3: {  	v33 =	vbroadcast v33, $0x0;
	[tilespmem:v60+s21+$0x0] =	vst.idx.msk $0xffff, v38  }
0x4b4: {  	[tilespmem:v34+s21+$0x0] =	vst.idx.msk $0xffff, v40  }
0x4b5: {  	v63 =	vadd.s32 v17, v33;
	v34 =	vld [tilespmem:s12+$0x0]  }
0x4b6: {  	v44 =	vadd.s32 v18, v33;
	v36 =	vld [tilespmem:s12+$0x10]  }
0x4b7: {  	v45 =	vadd.s32 v19, v33;
	v38 =	vld [tilespmem:s12+$0x20]  }
0x4b8: {  	s10 =	simm.s32 $0x5;
	v33 =	vadd.s32 v20, v33;
	v40 =	vld [tilespmem:s12+$0x30]  }
0x4b9: {  	v46 =	vmov s10  }
0x4ba: {  	v47 =	vshrl.u32 v46, $0x3;
	[tilespmem:v63+s21+$0x0] =	vst.idx.msk $0xffff, v34  }
0x4bb: {  	v34 =	vshll.u32 v47, v1;
	[tilespmem:v44+s21+$0x0] =	vst.idx.msk $0xffff, v36  }
0x4bc: {  	v34 =	vbroadcast v34, $0x0;
	[tilespmem:v45+s21+$0x0] =	vst.idx.msk $0xffff, v38  }
0x4bd: {  	[tilespmem:v33+s21+$0x0] =	vst.idx.msk $0xffff, v40  }
0x4be: {  	v48 =	vadd.s32 v21, v34;
	v33 =	vld [tilespmem:s12+$0x40]  }
0x4bf: {  	v49 =	vadd.s32 v22, v34;
	v36 =	vld [tilespmem:s12+$0x50]  }
0x4c0: {  	v50 =	vadd.s32 v23, v34;
	v38 =	vld [tilespmem:s12+$0x60]  }
0x4c1: {  	s11 =	simm.s32 $0x6;
	v34 =	vadd.s32 v24, v34;
	v40 =	vld [tilespmem:s12+$0x70]  }
0x4c2: {  	v51 =	vmov s11  }
0x4c3: {  	v52 =	vshrl.u32 v51, $0x3;
	[tilespmem:v48+s21+$0x0] =	vst.idx.msk $0xffff, v33  }
0x4c4: {  	v33 =	vshll.u32 v52, v1;
	[tilespmem:v49+s21+$0x0] =	vst.idx.msk $0xffff, v36  }
0x4c5: {  	v33 =	vbroadcast v33, $0x0;
	[tilespmem:v50+s21+$0x0] =	vst.idx.msk $0xffff, v38  }
0x4c6: {  	[tilespmem:v34+s21+$0x0] =	vst.idx.msk $0xffff, v40  }
0x4c7: {  	v53 =	vadd.s32 v25, v33;
	v34 =	vld [tilespmem:s12+$0x80]  }
0x4c8: {  	v54 =	vadd.s32 v26, v33;
	v36 =	vld [tilespmem:s12+$0x90]  }
0x4c9: {  	v55 =	vadd.s32 v27, v33;
	v38 =	vld [tilespmem:s12+$0xA0]  }
0x4ca: {  	s14 =	simm.s32 $0x7;
	v33 =	vadd.s32 v28, v33;
	v40 =	vld [tilespmem:s12+$0xB0]  }
0x4cb: {  	v56 =	vmov s14  }
0x4cc: {  	v57 =	vshrl.u32 v56, $0x3;
	[tilespmem:v53+s21+$0x0] =	vst.idx.msk $0xffff, v34  }
0x4cd: {  	v34 =	vshll.u32 v57, v1;
	[tilespmem:v54+s21+$0x0] =	vst.idx.msk $0xffff, v36  }
0x4ce: {  	v58 =	vbroadcast v34, $0x0;
	[tilespmem:v55+s21+$0x0] =	vst.idx.msk $0xffff, v38  }
0x4cf: {  	[tilespmem:v33+s21+$0x0] =	vst.idx.msk $0xffff, v40  }
0x4d0: {  	v59 =	vadd.s32 v29, v58;
	v33 =	vld [tilespmem:s12+$0xC0]  }
0x4d1: {  	v60 =	vadd.s32 v30, v58;
	v37 =	vld [tilespmem:s12+$0xD0]  }
0x4d2: {  	v61 =	vadd.s32 v31, v58;
	v39 =	vld [tilespmem:s12+$0xE0]  }
0x4d3: {  	s18 =	simm.s32 $0x8  }
0x4d4: {  	v62 =	vmov s18;
	v35 =	vadd.s32 v32, v58;
	v34 =	vld [tilespmem:s12+$0xF0]  }
0x4d5: {  	v41 =	vshrl.u32 v62, $0x3;
	[tilespmem:v59+s21+$0x0] =	vst.idx.msk $0xffff, v33  }
0x4d6: {  	v63 =	vshll.u32 v41, v1;
	[tilespmem:v60+s21+$0x0] =	vst.idx.msk $0xffff, v37  }
0x4d7: {  	s8 =	simm.s32 $0xF;
	s9 =	simm.s32 $0x17;
	v33 =	vbroadcast v63, $0x0;
	[tilespmem:v61+s21+$0x0] =	vst.idx.msk $0xffff, v39  }
.LBB2_22:
0x4d8: {  	p0 =	sne.s32 s9, $0x7F  }
0x4d9: {  	[tilespmem:v35+s21+$0x0] =	vst.idx.msk $0xffff, v34;
	s12 =	sadd.s32 $0x200, s12;
	s10 =	smov.u32 s9;
	s9 =	sadd.s32 $0x8, s9  }
0x4da: {  	v34 =	vld [tilespmem:s12+$0xFFFFFF00];
	v35 =	vadd.s32 v0, v33  }
0x4db: {  	v37 =	vadd.s32 v2, v33;
	v36 =	vld [tilespmem:s12+$0xFFFFFF10]  }
0x4dc: {  	v39 =	vadd.s32 v3, v33;
	v38 =	vld [tilespmem:s12+$0xFFFFFF20]  }
0x4dd: {  	s0 =	sadd.s32 $0xFFFFFFFA, s8;
	v33 =	vadd.s32 v4, v33;
	v40 =	vld [tilespmem:s12+$0xFFFFFF30]  }
0x4de: {  	v41 =	vmov s0  }
0x4df: {  	[tilespmem:v35+s21+$0x0] =	vst.idx.msk $0xffff, v34;
	v34 =	vshrl.u32 v41, $0x3  }
0x4e0: {  	[tilespmem:v37+s21+$0x0] =	vst.idx.msk $0xffff, v36;
	v34 =	vshll.u32 v34, v1  }
0x4e1: {  	[tilespmem:v39+s21+$0x0] =	vst.idx.msk $0xffff, v38;
	v34 =	vbroadcast v34, $0x0  }
0x4e2: {  	[tilespmem:v33+s21+$0x0] =	vst.idx.msk $0xffff, v40  }
0x4e3: {  	v33 =	vld [tilespmem:s12+$0xFFFFFF40];
	v35 =	vadd.s32 v5, v34  }
0x4e4: {  	v37 =	vadd.s32 v6, v34;
	v36 =	vld [tilespmem:s12+$0xFFFFFF50]  }
0x4e5: {  	v39 =	vadd.s32 v7, v34;
	v38 =	vld [tilespmem:s12+$0xFFFFFF60]  }
0x4e6: {  	s0 =	sadd.s32 $0xFFFFFFFB, s8;
	v34 =	vadd.s32 v8, v34;
	v40 =	vld [tilespmem:s12+$0xFFFFFF70]  }
0x4e7: {  	v41 =	vmov s0  }
0x4e8: {  	[tilespmem:v35+s21+$0x0] =	vst.idx.msk $0xffff, v33;
	v33 =	vshrl.u32 v41, $0x3  }
0x4e9: {  	[tilespmem:v37+s21+$0x0] =	vst.idx.msk $0xffff, v36;
	v33 =	vshll.u32 v33, v1  }
0x4ea: {  	[tilespmem:v39+s21+$0x0] =	vst.idx.msk $0xffff, v38;
	v33 =	vbroadcast v33, $0x0  }
0x4eb: {  	[tilespmem:v34+s21+$0x0] =	vst.idx.msk $0xffff, v40  }
0x4ec: {  	v34 =	vld [tilespmem:s12+$0xFFFFFF80];
	v35 =	vadd.s32 v9, v33  }
0x4ed: {  	v37 =	vadd.s32 v10, v33;
	v36 =	vld [tilespmem:s12+$0xFFFFFF90]  }
0x4ee: {  	v39 =	vadd.s32 v11, v33;
	v38 =	vld [tilespmem:s12+$0xFFFFFFA0]  }
0x4ef: {  	s0 =	sadd.s32 $0xFFFFFFFC, s8;
	v33 =	vadd.s32 v12, v33;
	v40 =	vld [tilespmem:s12+$0xFFFFFFB0]  }
0x4f0: {  	v41 =	vmov s0  }
0x4f1: {  	[tilespmem:v35+s21+$0x0] =	vst.idx.msk $0xffff, v34;
	v34 =	vshrl.u32 v41, $0x3  }
0x4f2: {  	[tilespmem:v37+s21+$0x0] =	vst.idx.msk $0xffff, v36;
	v34 =	vshll.u32 v34, v1  }
0x4f3: {  	[tilespmem:v39+s21+$0x0] =	vst.idx.msk $0xffff, v38;
	v34 =	vbroadcast v34, $0x0  }
0x4f4: {  	[tilespmem:v33+s21+$0x0] =	vst.idx.msk $0xffff, v40  }
0x4f5: {  	v33 =	vld [tilespmem:s12+$0xFFFFFFC0];
	v35 =	vadd.s32 v13, v34  }
0x4f6: {  	v37 =	vadd.s32 v14, v34;
	v36 =	vld [tilespmem:s12+$0xFFFFFFD0]  }
0x4f7: {  	v39 =	vadd.s32 v15, v34;
	v38 =	vld [tilespmem:s12+$0xFFFFFFE0]  }
0x4f8: {  	s0 =	sadd.s32 $0xFFFFFFFD, s8;
	v34 =	vadd.s32 v16, v34;
	v40 =	vld [tilespmem:s12+$0xFFFFFFF0]  }
0x4f9: {  	v41 =	vmov s0  }
0x4fa: {  	[tilespmem:v35+s21+$0x0] =	vst.idx.msk $0xffff, v33;
	v33 =	vshrl.u32 v41, $0x3  }
0x4fb: {  	[tilespmem:v37+s21+$0x0] =	vst.idx.msk $0xffff, v36;
	v33 =	vshll.u32 v33, v1  }
0x4fc: {  	[tilespmem:v39+s21+$0x0] =	vst.idx.msk $0xffff, v38;
	v33 =	vbroadcast v33, $0x0  }
0x4fd: {  	[tilespmem:v34+s21+$0x0] =	vst.idx.msk $0xffff, v40  }
0x4fe: {  	v34 =	vld [tilespmem:s12+$0x0];
	v35 =	vadd.s32 v17, v33  }
0x4ff: {  	v37 =	vadd.s32 v18, v33;
	v36 =	vld [tilespmem:s12+$0x10]  }
0x500: {  	v39 =	vadd.s32 v19, v33;
	v38 =	vld [tilespmem:s12+$0x20]  }
0x501: {  	s0 =	sadd.s32 $0xFFFFFFFE, s8;
	v33 =	vadd.s32 v20, v33;
	v40 =	vld [tilespmem:s12+$0x30]  }
0x502: {  	v41 =	vmov s0  }
0x503: {  	[tilespmem:v35+s21+$0x0] =	vst.idx.msk $0xffff, v34;
	v34 =	vshrl.u32 v41, $0x3  }
0x504: {  	[tilespmem:v37+s21+$0x0] =	vst.idx.msk $0xffff, v36;
	v34 =	vshll.u32 v34, v1  }
0x505: {  	[tilespmem:v39+s21+$0x0] =	vst.idx.msk $0xffff, v38;
	v34 =	vbroadcast v34, $0x0  }
0x506: {  	[tilespmem:v33+s21+$0x0] =	vst.idx.msk $0xffff, v40  }
0x507: {  	v33 =	vld [tilespmem:s12+$0x40];
	v35 =	vadd.s32 v21, v34  }
0x508: {  	v37 =	vadd.s32 v22, v34;
	v36 =	vld [tilespmem:s12+$0x50]  }
0x509: {  	v39 =	vadd.s32 v23, v34;
	v38 =	vld [tilespmem:s12+$0x60]  }
0x50a: {  	s0 =	sadd.s32 $0xFFFFFFFF, s8;
	v34 =	vadd.s32 v24, v34;
	v40 =	vld [tilespmem:s12+$0x70]  }
0x50b: {  	v41 =	vmov s0  }
0x50c: {  	[tilespmem:v35+s21+$0x0] =	vst.idx.msk $0xffff, v33;
	v33 =	vshrl.u32 v41, $0x3  }
0x50d: {  	[tilespmem:v37+s21+$0x0] =	vst.idx.msk $0xffff, v36;
	v33 =	vshll.u32 v33, v1  }
0x50e: {  	[tilespmem:v39+s21+$0x0] =	vst.idx.msk $0xffff, v38;
	v33 =	vbroadcast v33, $0x0  }
0x50f: {  	[tilespmem:v34+s21+$0x0] =	vst.idx.msk $0xffff, v40  }
0x510: {  	v34 =	vld [tilespmem:s12+$0x80];
	v35 =	vadd.s32 v25, v33  }
0x511: {  	v37 =	vadd.s32 v26, v33;
	v36 =	vld [tilespmem:s12+$0x90]  }
0x512: {  	v39 =	vadd.s32 v27, v33;
	v38 =	vld [tilespmem:s12+$0xA0]  }
0x513: {  	v33 =	vadd.s32 v28, v33;
	v40 =	vld [tilespmem:s12+$0xB0]  }
0x514: {  	v41 =	vmov s8;
	s8 =	smov.u32 s10  }
0x515: {  	[tilespmem:v35+s21+$0x0] =	vst.idx.msk $0xffff, v34;
	v34 =	vshrl.u32 v41, $0x3  }
0x516: {  	[tilespmem:v37+s21+$0x0] =	vst.idx.msk $0xffff, v36;
	v34 =	vshll.u32 v34, v1  }
0x517: {  	[tilespmem:v39+s21+$0x0] =	vst.idx.msk $0xffff, v38;
	v35 =	vbroadcast v34, $0x0  }
0x518: {  	[tilespmem:v33+s21+$0x0] =	vst.idx.msk $0xffff, v40  }
0x519: {  	v33 =	vld [tilespmem:s12+$0xC0];
	v36 =	vadd.s32 v29, v35  }
0x51a: {  	v38 =	vadd.s32 v30, v35;
	v37 =	vld [tilespmem:s12+$0xD0]  }
0x51b: {  	v40 =	vadd.s32 v31, v35;
	v39 =	vld [tilespmem:s12+$0xE0]  }
.Ltmp12:
0x51c: {  	s0 =	sadd.s32 $0xFFFFFFF9, s8;
	v35 =	vadd.s32 v32, v35;
	v34 =	vld [tilespmem:s12+$0xF0];
	(pc) =	sbr.rel @p0 .LBB2_22-.Ltmp12, $4  }
0x51d: {  	v41 =	vmov s0  }
0x51e: {  	v41 =	vshrl.u32 v41, $0x3;
	[tilespmem:v36+s21+$0x0] =	vst.idx.msk $0xffff, v33  }
0x51f: {  	v33 =	vshll.u32 v41, v1;
	[tilespmem:v38+s21+$0x0] =	vst.idx.msk $0xffff, v37  }
0x520: {  	v33 =	vbroadcast v33, $0x0;
	[tilespmem:v40+s21+$0x0] =	vst.idx.msk $0xffff, v39  }
0x521: {  	_ =	sdelay $0x3  }
0x522: {  	[tilespmem:v35+s21+$0x0] =	vst.idx.msk $0xffff, v34;
	s9 =	sadd.s32 $0x200, s12  }
0x523: {  	v34 =	vld [tilespmem:s9+$0xFFFFFF00];
	v48 =	vadd.s32 v0, v33  }
0x524: {  	v36 =	vld [tilespmem:s9+$0xFFFFFF10];
	v37 =	vadd.s32 v2, v33  }
0x525: {  	v38 =	vld [tilespmem:s9+$0xFFFFFF20];
	v39 =	vadd.s32 v3, v33  }
0x526: {  	s0 =	sadd.s32 $0xFFFFFFFA, s8;
	v40 =	vld [tilespmem:s9+$0xFFFFFF30];
	v49 =	vadd.s32 v4, v33  }
0x527: {  	v41 =	vmov s0  }
0x528: {  	v50 =	vshrl.u32 v41, $0x3;
	[tilespmem:v48+s21+$0x0] =	vst.idx.msk $0xffff, v34  }
0x529: {  	v34 =	vshll.u32 v50, v1;
	[tilespmem:v37+s21+$0x0] =	vst.idx.msk $0xffff, v36  }
0x52a: {  	v34 =	vbroadcast v34, $0x0;
	[tilespmem:v39+s21+$0x0] =	vst.idx.msk $0xffff, v38  }
0x52b: {  	[tilespmem:v49+s21+$0x0] =	vst.idx.msk $0xffff, v40  }
0x52c: {  	v51 =	vadd.s32 v5, v34;
	v33 =	vld [tilespmem:s9+$0xFFFFFF40]  }
0x52d: {  	v52 =	vadd.s32 v6, v34;
	v36 =	vld [tilespmem:s9+$0xFFFFFF50]  }
0x52e: {  	v53 =	vadd.s32 v7, v34;
	v38 =	vld [tilespmem:s9+$0xFFFFFF60]  }
0x52f: {  	s12 =	sadd.s32 $0xFFFFFFFB, s8;
	v34 =	vadd.s32 v8, v34;
	v40 =	vld [tilespmem:s9+$0xFFFFFF70]  }
0x530: {  	v54 =	vmov s12  }
0x531: {  	v55 =	vshrl.u32 v54, $0x3;
	[tilespmem:v51+s21+$0x0] =	vst.idx.msk $0xffff, v33  }
0x532: {  	v33 =	vshll.u32 v55, v1;
	[tilespmem:v52+s21+$0x0] =	vst.idx.msk $0xffff, v36  }
0x533: {  	v33 =	vbroadcast v33, $0x0;
	[tilespmem:v53+s21+$0x0] =	vst.idx.msk $0xffff, v38  }
0x534: {  	[tilespmem:v34+s21+$0x0] =	vst.idx.msk $0xffff, v40  }
0x535: {  	v56 =	vadd.s32 v9, v33;
	v34 =	vld [tilespmem:s9+$0xFFFFFF80]  }
0x536: {  	v57 =	vadd.s32 v10, v33;
	v36 =	vld [tilespmem:s9+$0xFFFFFF90]  }
0x537: {  	v58 =	vadd.s32 v11, v33;
	v38 =	vld [tilespmem:s9+$0xFFFFFFA0]  }
0x538: {  	s14 =	sadd.s32 $0xFFFFFFFC, s8;
	v33 =	vadd.s32 v12, v33;
	v40 =	vld [tilespmem:s9+$0xFFFFFFB0]  }
0x539: {  	v59 =	vmov s14  }
0x53a: {  	v60 =	vshrl.u32 v59, $0x3;
	[tilespmem:v56+s21+$0x0] =	vst.idx.msk $0xffff, v34  }
0x53b: {  	v34 =	vshll.u32 v60, v1;
	[tilespmem:v57+s21+$0x0] =	vst.idx.msk $0xffff, v36  }
0x53c: {  	v34 =	vbroadcast v34, $0x0;
	[tilespmem:v58+s21+$0x0] =	vst.idx.msk $0xffff, v38  }
0x53d: {  	[tilespmem:v33+s21+$0x0] =	vst.idx.msk $0xffff, v40  }
0x53e: {  	v61 =	vadd.s32 v13, v34;
	v33 =	vld [tilespmem:s9+$0xFFFFFFC0]  }
0x53f: {  	v62 =	vadd.s32 v14, v34;
	v36 =	vld [tilespmem:s9+$0xFFFFFFD0]  }
0x540: {  	v63 =	vadd.s32 v15, v34;
	v38 =	vld [tilespmem:s9+$0xFFFFFFE0]  }
0x541: {  	s18 =	sadd.s32 $0xFFFFFFFD, s8;
	v34 =	vadd.s32 v16, v34;
	v40 =	vld [tilespmem:s9+$0xFFFFFFF0]  }
0x542: {  	v44 =	vmov s18  }
0x543: {  	v45 =	vshrl.u32 v44, $0x3;
	[tilespmem:v61+s21+$0x0] =	vst.idx.msk $0xffff, v33  }
0x544: {  	v33 =	vshll.u32 v45, v1;
	[tilespmem:v62+s21+$0x0] =	vst.idx.msk $0xffff, v36  }
0x545: {  	v33 =	vbroadcast v33, $0x0;
	[tilespmem:v63+s21+$0x0] =	vst.idx.msk $0xffff, v38  }
0x546: {  	[tilespmem:v34+s21+$0x0] =	vst.idx.msk $0xffff, v40  }
0x547: {  	v46 =	vadd.s32 v17, v33;
	v34 =	vld [tilespmem:s9+$0x0]  }
0x548: {  	v47 =	vadd.s32 v18, v33;
	v36 =	vld [tilespmem:s9+$0x10]  }
0x549: {  	v48 =	vadd.s32 v19, v33;
	v38 =	vld [tilespmem:s9+$0x20]  }
0x54a: {  	s10 =	sadd.s32 $0xFFFFFFFE, s8;
	v33 =	vadd.s32 v20, v33;
	v40 =	vld [tilespmem:s9+$0x30]  }
0x54b: {  	v49 =	vmov s10  }
0x54c: {  	v50 =	vshrl.u32 v49, $0x3;
	[tilespmem:v46+s21+$0x0] =	vst.idx.msk $0xffff, v34  }
0x54d: {  	v34 =	vshll.u32 v50, v1;
	[tilespmem:v47+s21+$0x0] =	vst.idx.msk $0xffff, v36  }
0x54e: {  	v34 =	vbroadcast v34, $0x0;
	[tilespmem:v48+s21+$0x0] =	vst.idx.msk $0xffff, v38  }
0x54f: {  	[tilespmem:v33+s21+$0x0] =	vst.idx.msk $0xffff, v40  }
0x550: {  	v51 =	vadd.s32 v21, v34;
	v33 =	vld [tilespmem:s9+$0x40]  }
0x551: {  	v52 =	vadd.s32 v22, v34;
	v36 =	vld [tilespmem:s9+$0x50]  }
0x552: {  	v53 =	vadd.s32 v23, v34;
	v38 =	vld [tilespmem:s9+$0x60]  }
0x553: {  	s11 =	sadd.s32 $0xFFFFFFFF, s8;
	v34 =	vadd.s32 v24, v34;
	v40 =	vld [tilespmem:s9+$0x70]  }
0x554: {  	v54 =	vmov s11  }
0x555: {  	v55 =	vshrl.u32 v54, $0x3;
	[tilespmem:v51+s21+$0x0] =	vst.idx.msk $0xffff, v33  }
0x556: {  	v33 =	vshll.u32 v55, v1;
	[tilespmem:v52+s21+$0x0] =	vst.idx.msk $0xffff, v36  }
0x557: {  	v33 =	vbroadcast v33, $0x0;
	[tilespmem:v53+s21+$0x0] =	vst.idx.msk $0xffff, v38  }
0x558: {  	[tilespmem:v34+s21+$0x0] =	vst.idx.msk $0xffff, v40  }
0x559: {  	v56 =	vadd.s32 v25, v33;
	v34 =	vld [tilespmem:s9+$0x80]  }
0x55a: {  	v57 =	vadd.s32 v26, v33;
	v36 =	vld [tilespmem:s9+$0x90]  }
0x55b: {  	v58 =	vadd.s32 v27, v33;
	v38 =	vld [tilespmem:s9+$0xA0]  }
0x55c: {  	v33 =	vadd.s32 v28, v33;
	v40 =	vld [tilespmem:s9+$0xB0]  }
0x55d: {  	v59 =	vmov s8  }
0x55e: {  	v60 =	vshrl.u32 v59, $0x3;
	[tilespmem:v56+s21+$0x0] =	vst.idx.msk $0xffff, v34  }
0x55f: {  	v34 =	vshll.u32 v60, v1;
	[tilespmem:v57+s21+$0x0] =	vst.idx.msk $0xffff, v36  }
0x560: {  	v34 =	vbroadcast v34, $0x0;
	[tilespmem:v58+s21+$0x0] =	vst.idx.msk $0xffff, v38  }
0x561: {  	[tilespmem:v33+s21+$0x0] =	vst.idx.msk $0xffff, v40  }
0x562: {  	v61 =	vadd.s32 v29, v34;
	v33 =	vld [tilespmem:s9+$0xC0]  }
0x563: {  	v62 =	vadd.s32 v30, v34;
	v36 =	vld [tilespmem:s9+$0xD0]  }
0x564: {  	v63 =	vadd.s32 v31, v34;
	v38 =	vld [tilespmem:s9+$0xE0]  }
0x565: {  	s18 =	sshll.u32 s16, $0x2;
	v34 =	vadd.s32 v32, v34;
	v40 =	vld [tilespmem:s9+$0xF0]  }
0x566: {  	s12 =	sadd.s32 s7, s18  }
0x567: {  	s14 =	sshll.u32 s12, $0x7;
	[tilespmem:v61+s21+$0x0] =	vst.idx.msk $0xffff, v33  }
0x568: {  	s0 =	sshll.u32 s12, $0xA;
	s8 =	sand.u32 $0xE00, s14;
	[tilespmem:v62+s21+$0x0] =	vst.idx.msk $0xffff, v36  }
0x569: {  	s0 =	sand.u32 $0xFFF8000, s0;
	s8 =	sadd.s32 s3, s8;
	[tilespmem:v63+s21+$0x0] =	vst.idx.msk $0xffff, v38  }
0x56a: {  	s0 =	sadd.s32 s0, s8;
	s9 =	simm.s32 $0x14800;
	[tilespmem:v34+s21+$0x0] =	vst.idx.msk $0xffff, v40  }
0x56b: {  	[hbm4b:s0+s4] =	stream.linear.scatter [tilespmem:s9], [sflag:$0x5], $0x80, $0x38;
	[tilespmem:$0x1D000] =	vst v63  }
0x56c: {  	s11 =	sadd.s32 $0x10, s0;
	s10 =	simm.s32 $0x14888  }
0x56d: {  	[hbm4b:s11+s4] =	stream.linear.scatter [tilespmem:s10], [sflag:$0x5], $0x80, $0x38;
	[tilespmem:$0x1D000] =	vst v63  }
0x56e: {  	s12 =	simm.s32 $0x14910;
	s14 =	sadd.s32 $0x20, s0  }
0x56f: {  	[hbm4b:s14+s4] =	stream.linear.scatter [tilespmem:s12], [sflag:$0x5], $0x80, $0x38;
	[tilespmem:$0x1D000] =	vst v63  }
0x570: {  	s10 =	simm.s32 $0x14998;
	s11 =	sadd.s32 $0x30, s0  }
0x571: {  	[hbm4b:s11+s4] =	stream.linear.scatter [tilespmem:s10], [sflag:$0x5], $0x80, $0x38;
	[tilespmem:$0x1D000] =	vst v63  }
0x572: {  	s12 =	simm.s32 $0x14A20;
	s14 =	sadd.s32 $0x40, s0  }
0x573: {  	[hbm4b:s14+s4] =	stream.linear.scatter [tilespmem:s12], [sflag:$0x5], $0x80, $0x38;
	[tilespmem:$0x1D000] =	vst v63  }
0x574: {  	s8 =	simm.s32 $0x440;
	s10 =	simm.s32 $0x14AA8;
	s11 =	sadd.s32 $0x50, s0  }
0x575: {  	[hbm4b:s11+s4] =	stream.linear.scatter [tilespmem:s10], [sflag:$0x5], $0x80, $0x38;
	[tilespmem:$0x1D000] =	vst v63  }
0x576: {  	s9 =	sadd.s32 $0x1000, s0;
	s12 =	simm.s32 $0x14B30;
	s14 =	sadd.s32 $0x60, s0  }
0x577: {  	[hbm4b:s14+s4] =	stream.linear.scatter [tilespmem:s12], [sflag:$0x5], $0x80, $0x38;
	[tilespmem:$0x1D000] =	vst v63  }
0x578: {  	s10 =	simm.s32 $0x2200;
	s11 =	sadd.s32 $0x70, s0;
	s12 =	simm.s32 $0x14BB8  }
.LBB2_24:
0x579: {  	[hbm4b:s11+s4] =	stream.linear.scatter [tilespmem:s12], [sflag:$0x5], $0x80, $0x38;
	[tilespmem:$0x1D000] =	vst v63  }
0x57a: {  	s0 =	smov.u32 s8;
	s8 =	smov.u32 s10  }
0x57b: {  	s14 =	sadd.s32 $0x1100, s10;
	s8 =	sshra.s32 s8, $0x2;
	s11 =	sadd.s32 $0x14800, s0  }
0x57c: {  	[hbm4b:s9+s4] =	stream.linear.scatter [tilespmem:s11], [sflag:$0x5], $0x80, $0x38;
	[tilespmem:$0x1D000] =	vst v63  }
0x57d: {  	p0 =	sne.s32 s10, $0x7700;
	s10 =	sadd.s32 $0x14888, s0;
	s11 =	sadd.s32 $0x10, s9  }
0x57e: {  	[hbm4b:s11+s4] =	stream.linear.scatter [tilespmem:s10], [sflag:$0x5], $0x80, $0x38;
	[tilespmem:$0x1D000] =	vst v63  }
0x57f: {  	s10 =	sadd.s32 $0x14910, s0;
	s11 =	sadd.s32 $0x20, s9  }
0x580: {  	[hbm4b:s11+s4] =	stream.linear.scatter [tilespmem:s10], [sflag:$0x5], $0x80, $0x38;
	[tilespmem:$0x1D000] =	vst v63  }
0x581: {  	s10 =	sadd.s32 $0x14998, s0;
	s11 =	sadd.s32 $0x30, s9  }
0x582: {  	[hbm4b:s11+s4] =	stream.linear.scatter [tilespmem:s10], [sflag:$0x5], $0x80, $0x38;
	[tilespmem:$0x1D000] =	vst v63  }
0x583: {  	s10 =	sadd.s32 $0x14A20, s0;
	s11 =	sadd.s32 $0x40, s9  }
0x584: {  	[hbm4b:s11+s4] =	stream.linear.scatter [tilespmem:s10], [sflag:$0x5], $0x80, $0x38;
	[tilespmem:$0x1D000] =	vst v63  }
.Ltmp13:
0x585: {  	s10 =	sadd.s32 $0x14AA8, s0;
	s11 =	sadd.s32 $0x50, s9;
	(pc) =	sbr.rel @p0 .LBB2_24-.Ltmp13, $4  }
0x586: {  	[hbm4b:s11+s4] =	stream.linear.scatter [tilespmem:s10], [sflag:$0x5], $0x80, $0x38;
	[tilespmem:$0x1D000] =	vst v63  }
0x587: {  	s12 =	sadd.s32 $0x14BB8, s0;
	s10 =	sadd.s32 $0x14B30, s0;
	s11 =	sadd.s32 $0x60, s9  }
0x588: {  	[hbm4b:s11+s4] =	stream.linear.scatter [tilespmem:s10], [sflag:$0x5], $0x80, $0x38;
	[tilespmem:$0x1D000] =	vst v63  }
0x589: {  	s11 =	sadd.s32 $0x70, s9;
	s9 =	sadd.s32 $0x1000, s9;
	s10 =	smov.u32 s14  }
0x58a: {  	[hbm4b:s11+s4] =	stream.linear.scatter [tilespmem:s12], [sflag:$0x5], $0x80, $0x38;
	[tilespmem:$0x1D000] =	vst v63  }
0x58b: {  	s0 =	sadd.s32 $0x14800, s8  }
0x58c: {  	[hbm4b:s9+s4] =	stream.linear.scatter [tilespmem:s0], [sflag:$0x5], $0x80, $0x38;
	[tilespmem:$0x1D000] =	vst v63  }
0x58d: {  	s11 =	sadd.s32 $0x14888, s8;
	s10 =	sadd.s32 $0x10, s9  }
0x58e: {  	[hbm4b:s10+s4] =	stream.linear.scatter [tilespmem:s11], [sflag:$0x5], $0x80, $0x38;
	[tilespmem:$0x1D000] =	vst v63  }
0x58f: {  	s12 =	sadd.s32 $0x14910, s8;
	s14 =	sadd.s32 $0x20, s9  }
0x590: {  	[hbm4b:s14+s4] =	stream.linear.scatter [tilespmem:s12], [sflag:$0x5], $0x80, $0x38;
	[tilespmem:$0x1D000] =	vst v63  }
0x591: {  	s10 =	sadd.s32 $0x14998, s8;
	s11 =	sadd.s32 $0x30, s9  }
0x592: {  	[hbm4b:s11+s4] =	stream.linear.scatter [tilespmem:s10], [sflag:$0x5], $0x80, $0x38;
	[tilespmem:$0x1D000] =	vst v63  }
0x593: {  	s12 =	sadd.s32 $0x14A20, s8;
	s14 =	sadd.s32 $0x40, s9  }
0x594: {  	[hbm4b:s14+s4] =	stream.linear.scatter [tilespmem:s12], [sflag:$0x5], $0x80, $0x38;
	[tilespmem:$0x1D000] =	vst v63  }
0x595: {  	s10 =	sadd.s32 $0x14AA8, s8;
	s11 =	sadd.s32 $0x50, s9  }
0x596: {  	[hbm4b:s11+s4] =	stream.linear.scatter [tilespmem:s10], [sflag:$0x5], $0x80, $0x38;
	[tilespmem:$0x1D000] =	vst v63  }
0x597: {  	s12 =	sadd.s32 $0x14B30, s8;
	s14 =	sadd.s32 $0x60, s9;
	s11 =	simm.s32 $0x0  }
0x598: {  	[hbm4b:s14+s4] =	stream.linear.scatter [tilespmem:s12], [sflag:$0x5], $0x80, $0x38;
	[tilespmem:$0x1D000] =	vst v63  }
0x599: {  	v33 =	vmov s11;
	s12 =	sadd.s32 $0x14BB8, s8;
	s14 =	sadd.s32 $0x70, s9  }
0x59a: {  	v33 =	vshrl.u32 v33, $0x3;
	[hbm4b:s14+s4] =	stream.linear.scatter [tilespmem:s12], [sflag:$0x5], $0x80, $0x38;
	[tilespmem:$0x1D000] =	vst v63  }
0x59b: {  	v33 =	vshll.u32 v33, v1;
	_ =	swait.ge [sflag:s22], $0x2000  }
0x59c: {  	v33 =	vbroadcast v33, $0x0;
	[sflag:s22] =	ssyncset.done $0x0  }
0x59d: {  	s12 =	simm.s32 $0xE900;
	[sflag:s22] =	ssyncadd.s32 $0xFFFFE000  }
0x59e: {  	v35 =	vadd.s32 v0, v33;
	v34 =	vld [tilespmem:s12+$0xFFFFFF00]  }
0x59f: {  	v37 =	vadd.s32 v2, v33;
	v36 =	vld [tilespmem:s12+$0xFFFFFF10]  }
0x5a0: {  	v39 =	vadd.s32 v3, v33;
	v38 =	vld [tilespmem:s12+$0xFFFFFF20]  }
0x5a1: {  	s10 =	simm.s32 $0x1;
	v33 =	vadd.s32 v4, v33;
	v40 =	vld [tilespmem:s12+$0xFFFFFF30]  }
0x5a2: {  	v41 =	vmov s10  }
0x5a3: {  	v47 =	vshrl.u32 v41, $0x3;
	[tilespmem:v35+s23+$0x0] =	vst.idx.msk $0xffff, v34  }
0x5a4: {  	v34 =	vshll.u32 v47, v1;
	[tilespmem:v37+s23+$0x0] =	vst.idx.msk $0xffff, v36  }
0x5a5: {  	v34 =	vbroadcast v34, $0x0;
	[tilespmem:v39+s23+$0x0] =	vst.idx.msk $0xffff, v38  }
0x5a6: {  	[tilespmem:v33+s23+$0x0] =	vst.idx.msk $0xffff, v40  }
0x5a7: {  	v48 =	vadd.s32 v5, v34;
	v33 =	vld [tilespmem:s12+$0xFFFFFF40]  }
0x5a8: {  	v49 =	vadd.s32 v6, v34;
	v36 =	vld [tilespmem:s12+$0xFFFFFF50]  }
0x5a9: {  	v50 =	vadd.s32 v7, v34;
	v38 =	vld [tilespmem:s12+$0xFFFFFF60]  }
0x5aa: {  	s11 =	simm.s32 $0x2;
	v34 =	vadd.s32 v8, v34;
	v40 =	vld [tilespmem:s12+$0xFFFFFF70]  }
0x5ab: {  	v51 =	vmov s11  }
0x5ac: {  	v52 =	vshrl.u32 v51, $0x3;
	[tilespmem:v48+s23+$0x0] =	vst.idx.msk $0xffff, v33  }
0x5ad: {  	v33 =	vshll.u32 v52, v1;
	[tilespmem:v49+s23+$0x0] =	vst.idx.msk $0xffff, v36  }
0x5ae: {  	v33 =	vbroadcast v33, $0x0;
	[tilespmem:v50+s23+$0x0] =	vst.idx.msk $0xffff, v38  }
0x5af: {  	[tilespmem:v34+s23+$0x0] =	vst.idx.msk $0xffff, v40  }
0x5b0: {  	v53 =	vadd.s32 v9, v33;
	v34 =	vld [tilespmem:s12+$0xFFFFFF80]  }
0x5b1: {  	v54 =	vadd.s32 v10, v33;
	v36 =	vld [tilespmem:s12+$0xFFFFFF90]  }
0x5b2: {  	v55 =	vadd.s32 v11, v33;
	v38 =	vld [tilespmem:s12+$0xFFFFFFA0]  }
0x5b3: {  	s14 =	simm.s32 $0x3;
	v33 =	vadd.s32 v12, v33;
	v40 =	vld [tilespmem:s12+$0xFFFFFFB0]  }
0x5b4: {  	v56 =	vmov s14  }
0x5b5: {  	v57 =	vshrl.u32 v56, $0x3;
	[tilespmem:v53+s23+$0x0] =	vst.idx.msk $0xffff, v34  }
0x5b6: {  	v34 =	vshll.u32 v57, v1;
	[tilespmem:v54+s23+$0x0] =	vst.idx.msk $0xffff, v36  }
0x5b7: {  	v34 =	vbroadcast v34, $0x0;
	[tilespmem:v55+s23+$0x0] =	vst.idx.msk $0xffff, v38  }
0x5b8: {  	[tilespmem:v33+s23+$0x0] =	vst.idx.msk $0xffff, v40  }
0x5b9: {  	v58 =	vadd.s32 v13, v34;
	v33 =	vld [tilespmem:s12+$0xFFFFFFC0]  }
0x5ba: {  	v59 =	vadd.s32 v14, v34;
	v36 =	vld [tilespmem:s12+$0xFFFFFFD0]  }
0x5bb: {  	v60 =	vadd.s32 v15, v34;
	v38 =	vld [tilespmem:s12+$0xFFFFFFE0]  }
0x5bc: {  	s8 =	simm.s32 $0x4;
	v34 =	vadd.s32 v16, v34;
	v40 =	vld [tilespmem:s12+$0xFFFFFFF0]  }
0x5bd: {  	v61 =	vmov s8  }
0x5be: {  	v62 =	vshrl.u32 v61, $0x3;
	[tilespmem:v58+s23+$0x0] =	vst.idx.msk $0xffff, v33  }
0x5bf: {  	v33 =	vshll.u32 v62, v1;
	[tilespmem:v59+s23+$0x0] =	vst.idx.msk $0xffff, v36  }
0x5c0: {  	v33 =	vbroadcast v33, $0x0;
	[tilespmem:v60+s23+$0x0] =	vst.idx.msk $0xffff, v38  }
0x5c1: {  	[tilespmem:v34+s23+$0x0] =	vst.idx.msk $0xffff, v40  }
0x5c2: {  	v63 =	vadd.s32 v17, v33;
	v34 =	vld [tilespmem:s12+$0x0]  }
0x5c3: {  	v44 =	vadd.s32 v18, v33;
	v36 =	vld [tilespmem:s12+$0x10]  }
0x5c4: {  	v45 =	vadd.s32 v19, v33;
	v38 =	vld [tilespmem:s12+$0x20]  }
0x5c5: {  	s9 =	simm.s32 $0x5;
	v33 =	vadd.s32 v20, v33;
	v40 =	vld [tilespmem:s12+$0x30]  }
0x5c6: {  	v46 =	vmov s9  }
0x5c7: {  	v47 =	vshrl.u32 v46, $0x3;
	[tilespmem:v63+s23+$0x0] =	vst.idx.msk $0xffff, v34  }
0x5c8: {  	v34 =	vshll.u32 v47, v1;
	[tilespmem:v44+s23+$0x0] =	vst.idx.msk $0xffff, v36  }
0x5c9: {  	v34 =	vbroadcast v34, $0x0;
	[tilespmem:v45+s23+$0x0] =	vst.idx.msk $0xffff, v38  }
0x5ca: {  	[tilespmem:v33+s23+$0x0] =	vst.idx.msk $0xffff, v40  }
0x5cb: {  	v48 =	vadd.s32 v21, v34;
	v33 =	vld [tilespmem:s12+$0x40]  }
0x5cc: {  	v49 =	vadd.s32 v22, v34;
	v36 =	vld [tilespmem:s12+$0x50]  }
0x5cd: {  	v50 =	vadd.s32 v23, v34;
	v38 =	vld [tilespmem:s12+$0x60]  }
0x5ce: {  	s10 =	simm.s32 $0x6;
	v34 =	vadd.s32 v24, v34;
	v40 =	vld [tilespmem:s12+$0x70]  }
0x5cf: {  	v51 =	vmov s10  }
0x5d0: {  	v52 =	vshrl.u32 v51, $0x3;
	[tilespmem:v48+s23+$0x0] =	vst.idx.msk $0xffff, v33  }
0x5d1: {  	v33 =	vshll.u32 v52, v1;
	[tilespmem:v49+s23+$0x0] =	vst.idx.msk $0xffff, v36  }
0x5d2: {  	v33 =	vbroadcast v33, $0x0;
	[tilespmem:v50+s23+$0x0] =	vst.idx.msk $0xffff, v38  }
0x5d3: {  	[tilespmem:v34+s23+$0x0] =	vst.idx.msk $0xffff, v40  }
0x5d4: {  	v53 =	vadd.s32 v25, v33;
	v34 =	vld [tilespmem:s12+$0x80]  }
0x5d5: {  	v54 =	vadd.s32 v26, v33;
	v36 =	vld [tilespmem:s12+$0x90]  }
0x5d6: {  	v55 =	vadd.s32 v27, v33;
	v38 =	vld [tilespmem:s12+$0xA0]  }
0x5d7: {  	s11 =	simm.s32 $0x7;
	v33 =	vadd.s32 v28, v33;
	v40 =	vld [tilespmem:s12+$0xB0]  }
0x5d8: {  	v56 =	vmov s11  }
0x5d9: {  	v57 =	vshrl.u32 v56, $0x3;
	[tilespmem:v53+s23+$0x0] =	vst.idx.msk $0xffff, v34  }
0x5da: {  	v34 =	vshll.u32 v57, v1;
	[tilespmem:v54+s23+$0x0] =	vst.idx.msk $0xffff, v36  }
0x5db: {  	v58 =	vbroadcast v34, $0x0;
	[tilespmem:v55+s23+$0x0] =	vst.idx.msk $0xffff, v38  }
0x5dc: {  	[tilespmem:v33+s23+$0x0] =	vst.idx.msk $0xffff, v40  }
0x5dd: {  	v59 =	vadd.s32 v29, v58;
	v33 =	vld [tilespmem:s12+$0xC0]  }
0x5de: {  	v60 =	vadd.s32 v30, v58;
	v37 =	vld [tilespmem:s12+$0xD0]  }
0x5df: {  	v61 =	vadd.s32 v31, v58;
	v39 =	vld [tilespmem:s12+$0xE0]  }
0x5e0: {  	s14 =	simm.s32 $0x8  }
0x5e1: {  	v62 =	vmov s14;
	v35 =	vadd.s32 v32, v58;
	v34 =	vld [tilespmem:s12+$0xF0]  }
0x5e2: {  	v41 =	vshrl.u32 v62, $0x3;
	[tilespmem:v59+s23+$0x0] =	vst.idx.msk $0xffff, v33  }
0x5e3: {  	v63 =	vshll.u32 v41, v1;
	[tilespmem:v60+s23+$0x0] =	vst.idx.msk $0xffff, v37  }
0x5e4: {  	s8 =	simm.s32 $0xF;
	s9 =	simm.s32 $0x17;
	v33 =	vbroadcast v63, $0x0;
	[tilespmem:v61+s23+$0x0] =	vst.idx.msk $0xffff, v39  }
.LBB2_26:
0x5e5: {  	p0 =	sne.s32 s9, $0x7F  }
0x5e6: {  	[tilespmem:v35+s23+$0x0] =	vst.idx.msk $0xffff, v34;
	s12 =	sadd.s32 $0x200, s12;
	s10 =	smov.u32 s9;
	s9 =	sadd.s32 $0x8, s9  }
0x5e7: {  	v34 =	vld [tilespmem:s12+$0xFFFFFF00];
	v35 =	vadd.s32 v0, v33  }
0x5e8: {  	v37 =	vadd.s32 v2, v33;
	v36 =	vld [tilespmem:s12+$0xFFFFFF10]  }
0x5e9: {  	v39 =	vadd.s32 v3, v33;
	v38 =	vld [tilespmem:s12+$0xFFFFFF20]  }
0x5ea: {  	s0 =	sadd.s32 $0xFFFFFFFA, s8;
	v33 =	vadd.s32 v4, v33;
	v40 =	vld [tilespmem:s12+$0xFFFFFF30]  }
0x5eb: {  	v41 =	vmov s0  }
0x5ec: {  	[tilespmem:v35+s23+$0x0] =	vst.idx.msk $0xffff, v34;
	v34 =	vshrl.u32 v41, $0x3  }
0x5ed: {  	[tilespmem:v37+s23+$0x0] =	vst.idx.msk $0xffff, v36;
	v34 =	vshll.u32 v34, v1  }
0x5ee: {  	[tilespmem:v39+s23+$0x0] =	vst.idx.msk $0xffff, v38;
	v34 =	vbroadcast v34, $0x0  }
0x5ef: {  	[tilespmem:v33+s23+$0x0] =	vst.idx.msk $0xffff, v40  }
0x5f0: {  	v33 =	vld [tilespmem:s12+$0xFFFFFF40];
	v35 =	vadd.s32 v5, v34  }
0x5f1: {  	v37 =	vadd.s32 v6, v34;
	v36 =	vld [tilespmem:s12+$0xFFFFFF50]  }
0x5f2: {  	v39 =	vadd.s32 v7, v34;
	v38 =	vld [tilespmem:s12+$0xFFFFFF60]  }
0x5f3: {  	s0 =	sadd.s32 $0xFFFFFFFB, s8;
	v34 =	vadd.s32 v8, v34;
	v40 =	vld [tilespmem:s12+$0xFFFFFF70]  }
0x5f4: {  	v41 =	vmov s0  }
0x5f5: {  	[tilespmem:v35+s23+$0x0] =	vst.idx.msk $0xffff, v33;
	v33 =	vshrl.u32 v41, $0x3  }
0x5f6: {  	[tilespmem:v37+s23+$0x0] =	vst.idx.msk $0xffff, v36;
	v33 =	vshll.u32 v33, v1  }
0x5f7: {  	[tilespmem:v39+s23+$0x0] =	vst.idx.msk $0xffff, v38;
	v33 =	vbroadcast v33, $0x0  }
0x5f8: {  	[tilespmem:v34+s23+$0x0] =	vst.idx.msk $0xffff, v40  }
0x5f9: {  	v34 =	vld [tilespmem:s12+$0xFFFFFF80];
	v35 =	vadd.s32 v9, v33  }
0x5fa: {  	v37 =	vadd.s32 v10, v33;
	v36 =	vld [tilespmem:s12+$0xFFFFFF90]  }
0x5fb: {  	v39 =	vadd.s32 v11, v33;
	v38 =	vld [tilespmem:s12+$0xFFFFFFA0]  }
0x5fc: {  	s0 =	sadd.s32 $0xFFFFFFFC, s8;
	v33 =	vadd.s32 v12, v33;
	v40 =	vld [tilespmem:s12+$0xFFFFFFB0]  }
0x5fd: {  	v41 =	vmov s0  }
0x5fe: {  	[tilespmem:v35+s23+$0x0] =	vst.idx.msk $0xffff, v34;
	v34 =	vshrl.u32 v41, $0x3  }
0x5ff: {  	[tilespmem:v37+s23+$0x0] =	vst.idx.msk $0xffff, v36;
	v34 =	vshll.u32 v34, v1  }
0x600: {  	[tilespmem:v39+s23+$0x0] =	vst.idx.msk $0xffff, v38;
	v34 =	vbroadcast v34, $0x0  }
0x601: {  	[tilespmem:v33+s23+$0x0] =	vst.idx.msk $0xffff, v40  }
0x602: {  	v33 =	vld [tilespmem:s12+$0xFFFFFFC0];
	v35 =	vadd.s32 v13, v34  }
0x603: {  	v37 =	vadd.s32 v14, v34;
	v36 =	vld [tilespmem:s12+$0xFFFFFFD0]  }
0x604: {  	v39 =	vadd.s32 v15, v34;
	v38 =	vld [tilespmem:s12+$0xFFFFFFE0]  }
0x605: {  	s0 =	sadd.s32 $0xFFFFFFFD, s8;
	v34 =	vadd.s32 v16, v34;
	v40 =	vld [tilespmem:s12+$0xFFFFFFF0]  }
0x606: {  	v41 =	vmov s0  }
0x607: {  	[tilespmem:v35+s23+$0x0] =	vst.idx.msk $0xffff, v33;
	v33 =	vshrl.u32 v41, $0x3  }
0x608: {  	[tilespmem:v37+s23+$0x0] =	vst.idx.msk $0xffff, v36;
	v33 =	vshll.u32 v33, v1  }
0x609: {  	[tilespmem:v39+s23+$0x0] =	vst.idx.msk $0xffff, v38;
	v33 =	vbroadcast v33, $0x0  }
0x60a: {  	[tilespmem:v34+s23+$0x0] =	vst.idx.msk $0xffff, v40  }
0x60b: {  	v34 =	vld [tilespmem:s12+$0x0];
	v35 =	vadd.s32 v17, v33  }
0x60c: {  	v37 =	vadd.s32 v18, v33;
	v36 =	vld [tilespmem:s12+$0x10]  }
0x60d: {  	v39 =	vadd.s32 v19, v33;
	v38 =	vld [tilespmem:s12+$0x20]  }
0x60e: {  	s0 =	sadd.s32 $0xFFFFFFFE, s8;
	v33 =	vadd.s32 v20, v33;
	v40 =	vld [tilespmem:s12+$0x30]  }
0x60f: {  	v41 =	vmov s0  }
0x610: {  	[tilespmem:v35+s23+$0x0] =	vst.idx.msk $0xffff, v34;
	v34 =	vshrl.u32 v41, $0x3  }
0x611: {  	[tilespmem:v37+s23+$0x0] =	vst.idx.msk $0xffff, v36;
	v34 =	vshll.u32 v34, v1  }
0x612: {  	[tilespmem:v39+s23+$0x0] =	vst.idx.msk $0xffff, v38;
	v34 =	vbroadcast v34, $0x0  }
0x613: {  	[tilespmem:v33+s23+$0x0] =	vst.idx.msk $0xffff, v40  }
0x614: {  	v33 =	vld [tilespmem:s12+$0x40];
	v35 =	vadd.s32 v21, v34  }
0x615: {  	v37 =	vadd.s32 v22, v34;
	v36 =	vld [tilespmem:s12+$0x50]  }
0x616: {  	v39 =	vadd.s32 v23, v34;
	v38 =	vld [tilespmem:s12+$0x60]  }
0x617: {  	s0 =	sadd.s32 $0xFFFFFFFF, s8;
	v34 =	vadd.s32 v24, v34;
	v40 =	vld [tilespmem:s12+$0x70]  }
0x618: {  	v41 =	vmov s0  }
0x619: {  	[tilespmem:v35+s23+$0x0] =	vst.idx.msk $0xffff, v33;
	v33 =	vshrl.u32 v41, $0x3  }
0x61a: {  	[tilespmem:v37+s23+$0x0] =	vst.idx.msk $0xffff, v36;
	v33 =	vshll.u32 v33, v1  }
0x61b: {  	[tilespmem:v39+s23+$0x0] =	vst.idx.msk $0xffff, v38;
	v33 =	vbroadcast v33, $0x0  }
0x61c: {  	[tilespmem:v34+s23+$0x0] =	vst.idx.msk $0xffff, v40  }
0x61d: {  	v34 =	vld [tilespmem:s12+$0x80];
	v35 =	vadd.s32 v25, v33  }
0x61e: {  	v37 =	vadd.s32 v26, v33;
	v36 =	vld [tilespmem:s12+$0x90]  }
0x61f: {  	v39 =	vadd.s32 v27, v33;
	v38 =	vld [tilespmem:s12+$0xA0]  }
0x620: {  	v33 =	vadd.s32 v28, v33;
	v40 =	vld [tilespmem:s12+$0xB0]  }
0x621: {  	v41 =	vmov s8;
	s8 =	smov.u32 s10  }
0x622: {  	[tilespmem:v35+s23+$0x0] =	vst.idx.msk $0xffff, v34;
	v34 =	vshrl.u32 v41, $0x3  }
0x623: {  	[tilespmem:v37+s23+$0x0] =	vst.idx.msk $0xffff, v36;
	v34 =	vshll.u32 v34, v1  }
0x624: {  	[tilespmem:v39+s23+$0x0] =	vst.idx.msk $0xffff, v38;
	v35 =	vbroadcast v34, $0x0  }
0x625: {  	[tilespmem:v33+s23+$0x0] =	vst.idx.msk $0xffff, v40  }
0x626: {  	v33 =	vld [tilespmem:s12+$0xC0];
	v36 =	vadd.s32 v29, v35  }
0x627: {  	v38 =	vadd.s32 v30, v35;
	v37 =	vld [tilespmem:s12+$0xD0]  }
0x628: {  	v40 =	vadd.s32 v31, v35;
	v39 =	vld [tilespmem:s12+$0xE0]  }
.Ltmp14:
0x629: {  	s0 =	sadd.s32 $0xFFFFFFF9, s8;
	v35 =	vadd.s32 v32, v35;
	v34 =	vld [tilespmem:s12+$0xF0];
	(pc) =	sbr.rel @p0 .LBB2_26-.Ltmp14, $4  }
0x62a: {  	v41 =	vmov s0  }
0x62b: {  	v41 =	vshrl.u32 v41, $0x3;
	[tilespmem:v36+s23+$0x0] =	vst.idx.msk $0xffff, v33  }
0x62c: {  	v33 =	vshll.u32 v41, v1;
	[tilespmem:v38+s23+$0x0] =	vst.idx.msk $0xffff, v37  }
0x62d: {  	v33 =	vbroadcast v33, $0x0;
	[tilespmem:v40+s23+$0x0] =	vst.idx.msk $0xffff, v39  }
0x62e: {  	_ =	sdelay $0x3  }
0x62f: {  	[tilespmem:v35+s23+$0x0] =	vst.idx.msk $0xffff, v34;
	s9 =	sadd.s32 $0x200, s12  }
0x630: {  	v34 =	vld [tilespmem:s9+$0xFFFFFF00];
	v48 =	vadd.s32 v0, v33  }
0x631: {  	v36 =	vld [tilespmem:s9+$0xFFFFFF10];
	v37 =	vadd.s32 v2, v33  }
0x632: {  	v38 =	vld [tilespmem:s9+$0xFFFFFF20];
	v39 =	vadd.s32 v3, v33  }
0x633: {  	s0 =	sadd.s32 $0xFFFFFFFA, s8;
	v40 =	vld [tilespmem:s9+$0xFFFFFF30];
	v49 =	vadd.s32 v4, v33  }
0x634: {  	v41 =	vmov s0  }
0x635: {  	v50 =	vshrl.u32 v41, $0x3;
	[tilespmem:v48+s23+$0x0] =	vst.idx.msk $0xffff, v34  }
0x636: {  	v34 =	vshll.u32 v50, v1;
	[tilespmem:v37+s23+$0x0] =	vst.idx.msk $0xffff, v36  }
0x637: {  	v34 =	vbroadcast v34, $0x0;
	[tilespmem:v39+s23+$0x0] =	vst.idx.msk $0xffff, v38  }
0x638: {  	[tilespmem:v49+s23+$0x0] =	vst.idx.msk $0xffff, v40  }
0x639: {  	v51 =	vadd.s32 v5, v34;
	v33 =	vld [tilespmem:s9+$0xFFFFFF40]  }
0x63a: {  	v52 =	vadd.s32 v6, v34;
	v36 =	vld [tilespmem:s9+$0xFFFFFF50]  }
0x63b: {  	v53 =	vadd.s32 v7, v34;
	v38 =	vld [tilespmem:s9+$0xFFFFFF60]  }
0x63c: {  	s11 =	sadd.s32 $0xFFFFFFFB, s8;
	v34 =	vadd.s32 v8, v34;
	v40 =	vld [tilespmem:s9+$0xFFFFFF70]  }
0x63d: {  	v54 =	vmov s11  }
0x63e: {  	v55 =	vshrl.u32 v54, $0x3;
	[tilespmem:v51+s23+$0x0] =	vst.idx.msk $0xffff, v33  }
0x63f: {  	v33 =	vshll.u32 v55, v1;
	[tilespmem:v52+s23+$0x0] =	vst.idx.msk $0xffff, v36  }
0x640: {  	v33 =	vbroadcast v33, $0x0;
	[tilespmem:v53+s23+$0x0] =	vst.idx.msk $0xffff, v38  }
0x641: {  	[tilespmem:v34+s23+$0x0] =	vst.idx.msk $0xffff, v40  }
0x642: {  	v56 =	vadd.s32 v9, v33;
	v34 =	vld [tilespmem:s9+$0xFFFFFF80]  }
0x643: {  	v57 =	vadd.s32 v10, v33;
	v36 =	vld [tilespmem:s9+$0xFFFFFF90]  }
0x644: {  	v58 =	vadd.s32 v11, v33;
	v38 =	vld [tilespmem:s9+$0xFFFFFFA0]  }
0x645: {  	s12 =	sadd.s32 $0xFFFFFFFC, s8;
	v33 =	vadd.s32 v12, v33;
	v40 =	vld [tilespmem:s9+$0xFFFFFFB0]  }
0x646: {  	v59 =	vmov s12  }
0x647: {  	v60 =	vshrl.u32 v59, $0x3;
	[tilespmem:v56+s23+$0x0] =	vst.idx.msk $0xffff, v34  }
0x648: {  	v34 =	vshll.u32 v60, v1;
	[tilespmem:v57+s23+$0x0] =	vst.idx.msk $0xffff, v36  }
0x649: {  	v34 =	vbroadcast v34, $0x0;
	[tilespmem:v58+s23+$0x0] =	vst.idx.msk $0xffff, v38  }
0x64a: {  	[tilespmem:v33+s23+$0x0] =	vst.idx.msk $0xffff, v40  }
0x64b: {  	v61 =	vadd.s32 v13, v34;
	v33 =	vld [tilespmem:s9+$0xFFFFFFC0]  }
0x64c: {  	v62 =	vadd.s32 v14, v34;
	v36 =	vld [tilespmem:s9+$0xFFFFFFD0]  }
0x64d: {  	v63 =	vadd.s32 v15, v34;
	v38 =	vld [tilespmem:s9+$0xFFFFFFE0]  }
0x64e: {  	s14 =	sadd.s32 $0xFFFFFFFD, s8;
	v34 =	vadd.s32 v16, v34;
	v40 =	vld [tilespmem:s9+$0xFFFFFFF0]  }
0x64f: {  	v44 =	vmov s14  }
0x650: {  	v45 =	vshrl.u32 v44, $0x3;
	[tilespmem:v61+s23+$0x0] =	vst.idx.msk $0xffff, v33  }
0x651: {  	v33 =	vshll.u32 v45, v1;
	[tilespmem:v62+s23+$0x0] =	vst.idx.msk $0xffff, v36  }
0x652: {  	v33 =	vbroadcast v33, $0x0;
	[tilespmem:v63+s23+$0x0] =	vst.idx.msk $0xffff, v38  }
0x653: {  	[tilespmem:v34+s23+$0x0] =	vst.idx.msk $0xffff, v40  }
0x654: {  	v46 =	vadd.s32 v17, v33;
	v34 =	vld [tilespmem:s9+$0x0]  }
0x655: {  	v47 =	vadd.s32 v18, v33;
	v36 =	vld [tilespmem:s9+$0x10]  }
0x656: {  	v48 =	vadd.s32 v19, v33;
	v38 =	vld [tilespmem:s9+$0x20]  }
0x657: {  	s10 =	sadd.s32 $0xFFFFFFFE, s8;
	v33 =	vadd.s32 v20, v33;
	v40 =	vld [tilespmem:s9+$0x30]  }
0x658: {  	v49 =	vmov s10  }
0x659: {  	v50 =	vshrl.u32 v49, $0x3;
	[tilespmem:v46+s23+$0x0] =	vst.idx.msk $0xffff, v34  }
0x65a: {  	v34 =	vshll.u32 v50, v1;
	[tilespmem:v47+s23+$0x0] =	vst.idx.msk $0xffff, v36  }
0x65b: {  	v34 =	vbroadcast v34, $0x0;
	[tilespmem:v48+s23+$0x0] =	vst.idx.msk $0xffff, v38  }
0x65c: {  	[tilespmem:v33+s23+$0x0] =	vst.idx.msk $0xffff, v40  }
0x65d: {  	v51 =	vadd.s32 v21, v34;
	v33 =	vld [tilespmem:s9+$0x40]  }
0x65e: {  	v52 =	vadd.s32 v22, v34;
	v36 =	vld [tilespmem:s9+$0x50]  }
0x65f: {  	v53 =	vadd.s32 v23, v34;
	v38 =	vld [tilespmem:s9+$0x60]  }
0x660: {  	s11 =	sadd.s32 $0xFFFFFFFF, s8;
	v34 =	vadd.s32 v24, v34;
	v40 =	vld [tilespmem:s9+$0x70]  }
0x661: {  	v54 =	vmov s11  }
0x662: {  	v55 =	vshrl.u32 v54, $0x3;
	[tilespmem:v51+s23+$0x0] =	vst.idx.msk $0xffff, v33  }
0x663: {  	v33 =	vshll.u32 v55, v1;
	[tilespmem:v52+s23+$0x0] =	vst.idx.msk $0xffff, v36  }
0x664: {  	v33 =	vbroadcast v33, $0x0;
	[tilespmem:v53+s23+$0x0] =	vst.idx.msk $0xffff, v38  }
0x665: {  	[tilespmem:v34+s23+$0x0] =	vst.idx.msk $0xffff, v40  }
0x666: {  	v56 =	vadd.s32 v25, v33;
	v34 =	vld [tilespmem:s9+$0x80]  }
0x667: {  	v57 =	vadd.s32 v26, v33;
	v36 =	vld [tilespmem:s9+$0x90]  }
0x668: {  	v58 =	vadd.s32 v27, v33;
	v38 =	vld [tilespmem:s9+$0xA0]  }
0x669: {  	v33 =	vadd.s32 v28, v33;
	v40 =	vld [tilespmem:s9+$0xB0]  }
0x66a: {  	v59 =	vmov s8  }
0x66b: {  	v60 =	vshrl.u32 v59, $0x3;
	[tilespmem:v56+s23+$0x0] =	vst.idx.msk $0xffff, v34  }
0x66c: {  	v34 =	vshll.u32 v60, v1;
	[tilespmem:v57+s23+$0x0] =	vst.idx.msk $0xffff, v36  }
0x66d: {  	v34 =	vbroadcast v34, $0x0;
	[tilespmem:v58+s23+$0x0] =	vst.idx.msk $0xffff, v38  }
0x66e: {  	[tilespmem:v33+s23+$0x0] =	vst.idx.msk $0xffff, v40  }
0x66f: {  	v61 =	vadd.s32 v29, v34;
	v33 =	vld [tilespmem:s9+$0xC0]  }
0x670: {  	v62 =	vadd.s32 v30, v34;
	v36 =	vld [tilespmem:s9+$0xD0]  }
0x671: {  	v63 =	vadd.s32 v31, v34;
	v38 =	vld [tilespmem:s9+$0xE0]  }
0x672: {  	s18 =	sadd.s32 s18, s7;
	v34 =	vadd.s32 v32, v34;
	v40 =	vld [tilespmem:s9+$0xF0]  }
0x673: {  	s12 =	sadd.s32 $0x1, s18  }
0x674: {  	s14 =	sshll.u32 s12, $0x7;
	[tilespmem:v61+s23+$0x0] =	vst.idx.msk $0xffff, v33  }
0x675: {  	s0 =	sshll.u32 s12, $0xA;
	s8 =	sand.u32 $0xE80, s14;
	[tilespmem:v62+s23+$0x0] =	vst.idx.msk $0xffff, v36  }
0x676: {  	s0 =	sand.u32 $0xFFF8000, s0;
	s8 =	sadd.s32 s3, s8;
	[tilespmem:v63+s23+$0x0] =	vst.idx.msk $0xffff, v38  }
0x677: {  	s0 =	sadd.s32 s0, s8;
	s9 =	simm.s32 $0x16A00;
	[tilespmem:v34+s23+$0x0] =	vst.idx.msk $0xffff, v40  }
0x678: {  	[hbm4b:s0+s4] =	stream.linear.scatter [tilespmem:s9], [sflag:$0x6], $0x80, $0x38;
	[tilespmem:$0x1D000] =	vst v63  }
0x679: {  	s11 =	sadd.s32 $0x10, s0;
	s10 =	simm.s32 $0x16A88  }
0x67a: {  	[hbm4b:s11+s4] =	stream.linear.scatter [tilespmem:s10], [sflag:$0x6], $0x80, $0x38;
	[tilespmem:$0x1D000] =	vst v63  }
0x67b: {  	s12 =	simm.s32 $0x16B10;
	s14 =	sadd.s32 $0x20, s0  }
0x67c: {  	[hbm4b:s14+s4] =	stream.linear.scatter [tilespmem:s12], [sflag:$0x6], $0x80, $0x38;
	[tilespmem:$0x1D000] =	vst v63  }
0x67d: {  	s10 =	simm.s32 $0x16B98;
	s11 =	sadd.s32 $0x30, s0  }
0x67e: {  	[hbm4b:s11+s4] =	stream.linear.scatter [tilespmem:s10], [sflag:$0x6], $0x80, $0x38;
	[tilespmem:$0x1D000] =	vst v63  }
0x67f: {  	s12 =	simm.s32 $0x16C20;
	s14 =	sadd.s32 $0x40, s0  }
0x680: {  	[hbm4b:s14+s4] =	stream.linear.scatter [tilespmem:s12], [sflag:$0x6], $0x80, $0x38;
	[tilespmem:$0x1D000] =	vst v63  }
0x681: {  	s8 =	simm.s32 $0x440;
	s10 =	simm.s32 $0x16CA8;
	s11 =	sadd.s32 $0x50, s0  }
0x682: {  	[hbm4b:s11+s4] =	stream.linear.scatter [tilespmem:s10], [sflag:$0x6], $0x80, $0x38;
	[tilespmem:$0x1D000] =	vst v63  }
0x683: {  	s9 =	sadd.s32 $0x1000, s0;
	s12 =	simm.s32 $0x16D30;
	s14 =	sadd.s32 $0x60, s0  }
0x684: {  	[hbm4b:s14+s4] =	stream.linear.scatter [tilespmem:s12], [sflag:$0x6], $0x80, $0x38;
	[tilespmem:$0x1D000] =	vst v63  }
0x685: {  	s10 =	simm.s32 $0x2200;
	s11 =	sadd.s32 $0x70, s0;
	s12 =	simm.s32 $0x16DB8  }
.LBB2_28:
0x686: {  	[hbm4b:s11+s4] =	stream.linear.scatter [tilespmem:s12], [sflag:$0x6], $0x80, $0x38;
	[tilespmem:$0x1D000] =	vst v63  }
0x687: {  	s0 =	smov.u32 s8;
	s8 =	smov.u32 s10  }
0x688: {  	s14 =	sadd.s32 $0x1100, s10;
	s8 =	sshra.s32 s8, $0x2;
	s11 =	sadd.s32 $0x16A00, s0  }
0x689: {  	[hbm4b:s9+s4] =	stream.linear.scatter [tilespmem:s11], [sflag:$0x6], $0x80, $0x38;
	[tilespmem:$0x1D000] =	vst v63  }
0x68a: {  	p0 =	sne.s32 s10, $0x7700;
	s10 =	sadd.s32 $0x16A88, s0;
	s11 =	sadd.s32 $0x10, s9  }
0x68b: {  	[hbm4b:s11+s4] =	stream.linear.scatter [tilespmem:s10], [sflag:$0x6], $0x80, $0x38;
	[tilespmem:$0x1D000] =	vst v63  }
0x68c: {  	s10 =	sadd.s32 $0x16B10, s0;
	s11 =	sadd.s32 $0x20, s9  }
0x68d: {  	[hbm4b:s11+s4] =	stream.linear.scatter [tilespmem:s10], [sflag:$0x6], $0x80, $0x38;
	[tilespmem:$0x1D000] =	vst v63  }
0x68e: {  	s10 =	sadd.s32 $0x16B98, s0;
	s11 =	sadd.s32 $0x30, s9  }
0x68f: {  	[hbm4b:s11+s4] =	stream.linear.scatter [tilespmem:s10], [sflag:$0x6], $0x80, $0x38;
	[tilespmem:$0x1D000] =	vst v63  }
0x690: {  	s10 =	sadd.s32 $0x16C20, s0;
	s11 =	sadd.s32 $0x40, s9  }
0x691: {  	[hbm4b:s11+s4] =	stream.linear.scatter [tilespmem:s10], [sflag:$0x6], $0x80, $0x38;
	[tilespmem:$0x1D000] =	vst v63  }
.Ltmp15:
0x692: {  	s10 =	sadd.s32 $0x16CA8, s0;
	s11 =	sadd.s32 $0x50, s9;
	(pc) =	sbr.rel @p0 .LBB2_28-.Ltmp15, $4  }
0x693: {  	[hbm4b:s11+s4] =	stream.linear.scatter [tilespmem:s10], [sflag:$0x6], $0x80, $0x38;
	[tilespmem:$0x1D000] =	vst v63  }
0x694: {  	s12 =	sadd.s32 $0x16DB8, s0;
	s10 =	sadd.s32 $0x16D30, s0;
	s11 =	sadd.s32 $0x60, s9  }
0x695: {  	[hbm4b:s11+s4] =	stream.linear.scatter [tilespmem:s10], [sflag:$0x6], $0x80, $0x38;
	[tilespmem:$0x1D000] =	vst v63  }
0x696: {  	s11 =	sadd.s32 $0x70, s9;
	s9 =	sadd.s32 $0x1000, s9;
	s10 =	smov.u32 s14  }
0x697: {  	[hbm4b:s11+s4] =	stream.linear.scatter [tilespmem:s12], [sflag:$0x6], $0x80, $0x38;
	[tilespmem:$0x1D000] =	vst v63  }
0x698: {  	s0 =	sadd.s32 $0x16A00, s8  }
0x699: {  	[hbm4b:s9+s4] =	stream.linear.scatter [tilespmem:s0], [sflag:$0x6], $0x80, $0x38;
	[tilespmem:$0x1D000] =	vst v63  }
0x69a: {  	s11 =	sadd.s32 $0x16A88, s8;
	s10 =	sadd.s32 $0x10, s9  }
0x69b: {  	[hbm4b:s10+s4] =	stream.linear.scatter [tilespmem:s11], [sflag:$0x6], $0x80, $0x38;
	[tilespmem:$0x1D000] =	vst v63  }
0x69c: {  	s12 =	sadd.s32 $0x16B10, s8;
	s14 =	sadd.s32 $0x20, s9  }
0x69d: {  	[hbm4b:s14+s4] =	stream.linear.scatter [tilespmem:s12], [sflag:$0x6], $0x80, $0x38;
	[tilespmem:$0x1D000] =	vst v63  }
0x69e: {  	s10 =	sadd.s32 $0x16B98, s8;
	s11 =	sadd.s32 $0x30, s9  }
0x69f: {  	[hbm4b:s11+s4] =	stream.linear.scatter [tilespmem:s10], [sflag:$0x6], $0x80, $0x38;
	[tilespmem:$0x1D000] =	vst v63  }
0x6a0: {  	s12 =	sadd.s32 $0x16C20, s8;
	s14 =	sadd.s32 $0x40, s9  }
0x6a1: {  	[hbm4b:s14+s4] =	stream.linear.scatter [tilespmem:s12], [sflag:$0x6], $0x80, $0x38;
	[tilespmem:$0x1D000] =	vst v63  }
0x6a2: {  	s10 =	sadd.s32 $0x16CA8, s8;
	s11 =	sadd.s32 $0x50, s9  }
0x6a3: {  	[hbm4b:s11+s4] =	stream.linear.scatter [tilespmem:s10], [sflag:$0x6], $0x80, $0x38;
	[tilespmem:$0x1D000] =	vst v63  }
0x6a4: {  	s12 =	sadd.s32 $0x16D30, s8;
	s14 =	sadd.s32 $0x60, s9;
	s11 =	simm.s32 $0x0  }
0x6a5: {  	[hbm4b:s14+s4] =	stream.linear.scatter [tilespmem:s12], [sflag:$0x6], $0x80, $0x38;
	[tilespmem:$0x1D000] =	vst v63  }
0x6a6: {  	v33 =	vmov s11;
	s12 =	sadd.s32 $0x16DB8, s8;
	s14 =	sadd.s32 $0x70, s9  }
0x6a7: {  	v33 =	vshrl.u32 v33, $0x3;
	[hbm4b:s14+s4] =	stream.linear.scatter [tilespmem:s12], [sflag:$0x6], $0x80, $0x38;
	[tilespmem:$0x1D000] =	vst v63  }
0x6a8: {  	v33 =	vshll.u32 v33, v1;
	_ =	swait.ge [sflag:s24], $0x2000  }
0x6a9: {  	v33 =	vbroadcast v33, $0x0;
	[sflag:s24] =	ssyncset.done $0x0  }
0x6aa: {  	s12 =	simm.s32 $0x10900;
	[sflag:s24] =	ssyncadd.s32 $0xFFFFE000  }
0x6ab: {  	v35 =	vadd.s32 v0, v33;
	v34 =	vld [tilespmem:s12+$0xFFFFFF00]  }
0x6ac: {  	v37 =	vadd.s32 v2, v33;
	v36 =	vld [tilespmem:s12+$0xFFFFFF10]  }
0x6ad: {  	v39 =	vadd.s32 v3, v33;
	v38 =	vld [tilespmem:s12+$0xFFFFFF20]  }
0x6ae: {  	s10 =	simm.s32 $0x1;
	v33 =	vadd.s32 v4, v33;
	v40 =	vld [tilespmem:s12+$0xFFFFFF30]  }
0x6af: {  	v41 =	vmov s10  }
0x6b0: {  	v47 =	vshrl.u32 v41, $0x3;
	[tilespmem:v35+s25+$0x0] =	vst.idx.msk $0xffff, v34  }
0x6b1: {  	v34 =	vshll.u32 v47, v1;
	[tilespmem:v37+s25+$0x0] =	vst.idx.msk $0xffff, v36  }
0x6b2: {  	v34 =	vbroadcast v34, $0x0;
	[tilespmem:v39+s25+$0x0] =	vst.idx.msk $0xffff, v38  }
0x6b3: {  	[tilespmem:v33+s25+$0x0] =	vst.idx.msk $0xffff, v40  }
0x6b4: {  	v48 =	vadd.s32 v5, v34;
	v33 =	vld [tilespmem:s12+$0xFFFFFF40]  }
0x6b5: {  	v49 =	vadd.s32 v6, v34;
	v36 =	vld [tilespmem:s12+$0xFFFFFF50]  }
0x6b6: {  	v50 =	vadd.s32 v7, v34;
	v38 =	vld [tilespmem:s12+$0xFFFFFF60]  }
0x6b7: {  	s11 =	simm.s32 $0x2;
	v34 =	vadd.s32 v8, v34;
	v40 =	vld [tilespmem:s12+$0xFFFFFF70]  }
0x6b8: {  	v51 =	vmov s11  }
0x6b9: {  	v52 =	vshrl.u32 v51, $0x3;
	[tilespmem:v48+s25+$0x0] =	vst.idx.msk $0xffff, v33  }
0x6ba: {  	v33 =	vshll.u32 v52, v1;
	[tilespmem:v49+s25+$0x0] =	vst.idx.msk $0xffff, v36  }
0x6bb: {  	v33 =	vbroadcast v33, $0x0;
	[tilespmem:v50+s25+$0x0] =	vst.idx.msk $0xffff, v38  }
0x6bc: {  	[tilespmem:v34+s25+$0x0] =	vst.idx.msk $0xffff, v40  }
0x6bd: {  	v53 =	vadd.s32 v9, v33;
	v34 =	vld [tilespmem:s12+$0xFFFFFF80]  }
0x6be: {  	v54 =	vadd.s32 v10, v33;
	v36 =	vld [tilespmem:s12+$0xFFFFFF90]  }
0x6bf: {  	v55 =	vadd.s32 v11, v33;
	v38 =	vld [tilespmem:s12+$0xFFFFFFA0]  }
0x6c0: {  	s14 =	simm.s32 $0x3;
	v33 =	vadd.s32 v12, v33;
	v40 =	vld [tilespmem:s12+$0xFFFFFFB0]  }
0x6c1: {  	v56 =	vmov s14  }
0x6c2: {  	v57 =	vshrl.u32 v56, $0x3;
	[tilespmem:v53+s25+$0x0] =	vst.idx.msk $0xffff, v34  }
0x6c3: {  	v34 =	vshll.u32 v57, v1;
	[tilespmem:v54+s25+$0x0] =	vst.idx.msk $0xffff, v36  }
0x6c4: {  	v34 =	vbroadcast v34, $0x0;
	[tilespmem:v55+s25+$0x0] =	vst.idx.msk $0xffff, v38  }
0x6c5: {  	[tilespmem:v33+s25+$0x0] =	vst.idx.msk $0xffff, v40  }
0x6c6: {  	v58 =	vadd.s32 v13, v34;
	v33 =	vld [tilespmem:s12+$0xFFFFFFC0]  }
0x6c7: {  	v59 =	vadd.s32 v14, v34;
	v36 =	vld [tilespmem:s12+$0xFFFFFFD0]  }
0x6c8: {  	v60 =	vadd.s32 v15, v34;
	v38 =	vld [tilespmem:s12+$0xFFFFFFE0]  }
0x6c9: {  	s8 =	simm.s32 $0x4;
	v34 =	vadd.s32 v16, v34;
	v40 =	vld [tilespmem:s12+$0xFFFFFFF0]  }
0x6ca: {  	v61 =	vmov s8  }
0x6cb: {  	v62 =	vshrl.u32 v61, $0x3;
	[tilespmem:v58+s25+$0x0] =	vst.idx.msk $0xffff, v33  }
0x6cc: {  	v33 =	vshll.u32 v62, v1;
	[tilespmem:v59+s25+$0x0] =	vst.idx.msk $0xffff, v36  }
0x6cd: {  	v33 =	vbroadcast v33, $0x0;
	[tilespmem:v60+s25+$0x0] =	vst.idx.msk $0xffff, v38  }
0x6ce: {  	[tilespmem:v34+s25+$0x0] =	vst.idx.msk $0xffff, v40  }
0x6cf: {  	v63 =	vadd.s32 v17, v33;
	v34 =	vld [tilespmem:s12+$0x0]  }
0x6d0: {  	v44 =	vadd.s32 v18, v33;
	v36 =	vld [tilespmem:s12+$0x10]  }
0x6d1: {  	v45 =	vadd.s32 v19, v33;
	v38 =	vld [tilespmem:s12+$0x20]  }
0x6d2: {  	s9 =	simm.s32 $0x5;
	v33 =	vadd.s32 v20, v33;
	v40 =	vld [tilespmem:s12+$0x30]  }
0x6d3: {  	v46 =	vmov s9  }
0x6d4: {  	v47 =	vshrl.u32 v46, $0x3;
	[tilespmem:v63+s25+$0x0] =	vst.idx.msk $0xffff, v34  }
0x6d5: {  	v34 =	vshll.u32 v47, v1;
	[tilespmem:v44+s25+$0x0] =	vst.idx.msk $0xffff, v36  }
0x6d6: {  	v34 =	vbroadcast v34, $0x0;
	[tilespmem:v45+s25+$0x0] =	vst.idx.msk $0xffff, v38  }
0x6d7: {  	[tilespmem:v33+s25+$0x0] =	vst.idx.msk $0xffff, v40  }
0x6d8: {  	v48 =	vadd.s32 v21, v34;
	v33 =	vld [tilespmem:s12+$0x40]  }
0x6d9: {  	v49 =	vadd.s32 v22, v34;
	v36 =	vld [tilespmem:s12+$0x50]  }
0x6da: {  	v50 =	vadd.s32 v23, v34;
	v38 =	vld [tilespmem:s12+$0x60]  }
0x6db: {  	s10 =	simm.s32 $0x6;
	v34 =	vadd.s32 v24, v34;
	v40 =	vld [tilespmem:s12+$0x70]  }
0x6dc: {  	v51 =	vmov s10  }
0x6dd: {  	v52 =	vshrl.u32 v51, $0x3;
	[tilespmem:v48+s25+$0x0] =	vst.idx.msk $0xffff, v33  }
0x6de: {  	v33 =	vshll.u32 v52, v1;
	[tilespmem:v49+s25+$0x0] =	vst.idx.msk $0xffff, v36  }
0x6df: {  	v33 =	vbroadcast v33, $0x0;
	[tilespmem:v50+s25+$0x0] =	vst.idx.msk $0xffff, v38  }
0x6e0: {  	[tilespmem:v34+s25+$0x0] =	vst.idx.msk $0xffff, v40  }
0x6e1: {  	v53 =	vadd.s32 v25, v33;
	v34 =	vld [tilespmem:s12+$0x80]  }
0x6e2: {  	v54 =	vadd.s32 v26, v33;
	v36 =	vld [tilespmem:s12+$0x90]  }
0x6e3: {  	v55 =	vadd.s32 v27, v33;
	v38 =	vld [tilespmem:s12+$0xA0]  }
0x6e4: {  	s11 =	simm.s32 $0x7;
	v33 =	vadd.s32 v28, v33;
	v40 =	vld [tilespmem:s12+$0xB0]  }
0x6e5: {  	v56 =	vmov s11  }
0x6e6: {  	v57 =	vshrl.u32 v56, $0x3;
	[tilespmem:v53+s25+$0x0] =	vst.idx.msk $0xffff, v34  }
0x6e7: {  	v34 =	vshll.u32 v57, v1;
	[tilespmem:v54+s25+$0x0] =	vst.idx.msk $0xffff, v36  }
0x6e8: {  	v58 =	vbroadcast v34, $0x0;
	[tilespmem:v55+s25+$0x0] =	vst.idx.msk $0xffff, v38  }
0x6e9: {  	[tilespmem:v33+s25+$0x0] =	vst.idx.msk $0xffff, v40  }
0x6ea: {  	v59 =	vadd.s32 v29, v58;
	v33 =	vld [tilespmem:s12+$0xC0]  }
0x6eb: {  	v60 =	vadd.s32 v30, v58;
	v37 =	vld [tilespmem:s12+$0xD0]  }
0x6ec: {  	v61 =	vadd.s32 v31, v58;
	v39 =	vld [tilespmem:s12+$0xE0]  }
0x6ed: {  	s14 =	simm.s32 $0x8  }
0x6ee: {  	v62 =	vmov s14;
	v35 =	vadd.s32 v32, v58;
	v34 =	vld [tilespmem:s12+$0xF0]  }
0x6ef: {  	v41 =	vshrl.u32 v62, $0x3;
	[tilespmem:v59+s25+$0x0] =	vst.idx.msk $0xffff, v33  }
0x6f0: {  	v63 =	vshll.u32 v41, v1;
	[tilespmem:v60+s25+$0x0] =	vst.idx.msk $0xffff, v37  }
0x6f1: {  	s8 =	simm.s32 $0xF;
	s9 =	simm.s32 $0x17;
	v33 =	vbroadcast v63, $0x0;
	[tilespmem:v61+s25+$0x0] =	vst.idx.msk $0xffff, v39  }
.LBB2_30:
0x6f2: {  	p0 =	sne.s32 s9, $0x7F  }
0x6f3: {  	[tilespmem:v35+s25+$0x0] =	vst.idx.msk $0xffff, v34;
	s12 =	sadd.s32 $0x200, s12;
	s10 =	smov.u32 s9;
	s9 =	sadd.s32 $0x8, s9  }
0x6f4: {  	v34 =	vld [tilespmem:s12+$0xFFFFFF00];
	v35 =	vadd.s32 v0, v33  }
0x6f5: {  	v37 =	vadd.s32 v2, v33;
	v36 =	vld [tilespmem:s12+$0xFFFFFF10]  }
0x6f6: {  	v39 =	vadd.s32 v3, v33;
	v38 =	vld [tilespmem:s12+$0xFFFFFF20]  }
0x6f7: {  	s0 =	sadd.s32 $0xFFFFFFFA, s8;
	v33 =	vadd.s32 v4, v33;
	v40 =	vld [tilespmem:s12+$0xFFFFFF30]  }
0x6f8: {  	v41 =	vmov s0  }
0x6f9: {  	[tilespmem:v35+s25+$0x0] =	vst.idx.msk $0xffff, v34;
	v34 =	vshrl.u32 v41, $0x3  }
0x6fa: {  	[tilespmem:v37+s25+$0x0] =	vst.idx.msk $0xffff, v36;
	v34 =	vshll.u32 v34, v1  }
0x6fb: {  	[tilespmem:v39+s25+$0x0] =	vst.idx.msk $0xffff, v38;
	v34 =	vbroadcast v34, $0x0  }
0x6fc: {  	[tilespmem:v33+s25+$0x0] =	vst.idx.msk $0xffff, v40  }
0x6fd: {  	v33 =	vld [tilespmem:s12+$0xFFFFFF40];
	v35 =	vadd.s32 v5, v34  }
0x6fe: {  	v37 =	vadd.s32 v6, v34;
	v36 =	vld [tilespmem:s12+$0xFFFFFF50]  }
0x6ff: {  	v39 =	vadd.s32 v7, v34;
	v38 =	vld [tilespmem:s12+$0xFFFFFF60]  }
0x700: {  	s0 =	sadd.s32 $0xFFFFFFFB, s8;
	v34 =	vadd.s32 v8, v34;
	v40 =	vld [tilespmem:s12+$0xFFFFFF70]  }
0x701: {  	v41 =	vmov s0  }
0x702: {  	[tilespmem:v35+s25+$0x0] =	vst.idx.msk $0xffff, v33;
	v33 =	vshrl.u32 v41, $0x3  }
0x703: {  	[tilespmem:v37+s25+$0x0] =	vst.idx.msk $0xffff, v36;
	v33 =	vshll.u32 v33, v1  }
0x704: {  	[tilespmem:v39+s25+$0x0] =	vst.idx.msk $0xffff, v38;
	v33 =	vbroadcast v33, $0x0  }
0x705: {  	[tilespmem:v34+s25+$0x0] =	vst.idx.msk $0xffff, v40  }
0x706: {  	v34 =	vld [tilespmem:s12+$0xFFFFFF80];
	v35 =	vadd.s32 v9, v33  }
0x707: {  	v37 =	vadd.s32 v10, v33;
	v36 =	vld [tilespmem:s12+$0xFFFFFF90]  }
0x708: {  	v39 =	vadd.s32 v11, v33;
	v38 =	vld [tilespmem:s12+$0xFFFFFFA0]  }
0x709: {  	s0 =	sadd.s32 $0xFFFFFFFC, s8;
	v33 =	vadd.s32 v12, v33;
	v40 =	vld [tilespmem:s12+$0xFFFFFFB0]  }
0x70a: {  	v41 =	vmov s0  }
0x70b: {  	[tilespmem:v35+s25+$0x0] =	vst.idx.msk $0xffff, v34;
	v34 =	vshrl.u32 v41, $0x3  }
0x70c: {  	[tilespmem:v37+s25+$0x0] =	vst.idx.msk $0xffff, v36;
	v34 =	vshll.u32 v34, v1  }
0x70d: {  	[tilespmem:v39+s25+$0x0] =	vst.idx.msk $0xffff, v38;
	v34 =	vbroadcast v34, $0x0  }
0x70e: {  	[tilespmem:v33+s25+$0x0] =	vst.idx.msk $0xffff, v40  }
0x70f: {  	v33 =	vld [tilespmem:s12+$0xFFFFFFC0];
	v35 =	vadd.s32 v13, v34  }
0x710: {  	v37 =	vadd.s32 v14, v34;
	v36 =	vld [tilespmem:s12+$0xFFFFFFD0]  }
0x711: {  	v39 =	vadd.s32 v15, v34;
	v38 =	vld [tilespmem:s12+$0xFFFFFFE0]  }
0x712: {  	s0 =	sadd.s32 $0xFFFFFFFD, s8;
	v34 =	vadd.s32 v16, v34;
	v40 =	vld [tilespmem:s12+$0xFFFFFFF0]  }
0x713: {  	v41 =	vmov s0  }
0x714: {  	[tilespmem:v35+s25+$0x0] =	vst.idx.msk $0xffff, v33;
	v33 =	vshrl.u32 v41, $0x3  }
0x715: {  	[tilespmem:v37+s25+$0x0] =	vst.idx.msk $0xffff, v36;
	v33 =	vshll.u32 v33, v1  }
0x716: {  	[tilespmem:v39+s25+$0x0] =	vst.idx.msk $0xffff, v38;
	v33 =	vbroadcast v33, $0x0  }
0x717: {  	[tilespmem:v34+s25+$0x0] =	vst.idx.msk $0xffff, v40  }
0x718: {  	v34 =	vld [tilespmem:s12+$0x0];
	v35 =	vadd.s32 v17, v33  }
0x719: {  	v37 =	vadd.s32 v18, v33;
	v36 =	vld [tilespmem:s12+$0x10]  }
0x71a: {  	v39 =	vadd.s32 v19, v33;
	v38 =	vld [tilespmem:s12+$0x20]  }
0x71b: {  	s0 =	sadd.s32 $0xFFFFFFFE, s8;
	v33 =	vadd.s32 v20, v33;
	v40 =	vld [tilespmem:s12+$0x30]  }
0x71c: {  	v41 =	vmov s0  }
0x71d: {  	[tilespmem:v35+s25+$0x0] =	vst.idx.msk $0xffff, v34;
	v34 =	vshrl.u32 v41, $0x3  }
0x71e: {  	[tilespmem:v37+s25+$0x0] =	vst.idx.msk $0xffff, v36;
	v34 =	vshll.u32 v34, v1  }
0x71f: {  	[tilespmem:v39+s25+$0x0] =	vst.idx.msk $0xffff, v38;
	v34 =	vbroadcast v34, $0x0  }
0x720: {  	[tilespmem:v33+s25+$0x0] =	vst.idx.msk $0xffff, v40  }
0x721: {  	v33 =	vld [tilespmem:s12+$0x40];
	v35 =	vadd.s32 v21, v34  }
0x722: {  	v37 =	vadd.s32 v22, v34;
	v36 =	vld [tilespmem:s12+$0x50]  }
0x723: {  	v39 =	vadd.s32 v23, v34;
	v38 =	vld [tilespmem:s12+$0x60]  }
0x724: {  	s0 =	sadd.s32 $0xFFFFFFFF, s8;
	v34 =	vadd.s32 v24, v34;
	v40 =	vld [tilespmem:s12+$0x70]  }
0x725: {  	v41 =	vmov s0  }
0x726: {  	[tilespmem:v35+s25+$0x0] =	vst.idx.msk $0xffff, v33;
	v33 =	vshrl.u32 v41, $0x3  }
0x727: {  	[tilespmem:v37+s25+$0x0] =	vst.idx.msk $0xffff, v36;
	v33 =	vshll.u32 v33, v1  }
0x728: {  	[tilespmem:v39+s25+$0x0] =	vst.idx.msk $0xffff, v38;
	v33 =	vbroadcast v33, $0x0  }
0x729: {  	[tilespmem:v34+s25+$0x0] =	vst.idx.msk $0xffff, v40  }
0x72a: {  	v34 =	vld [tilespmem:s12+$0x80];
	v35 =	vadd.s32 v25, v33  }
0x72b: {  	v37 =	vadd.s32 v26, v33;
	v36 =	vld [tilespmem:s12+$0x90]  }
0x72c: {  	v39 =	vadd.s32 v27, v33;
	v38 =	vld [tilespmem:s12+$0xA0]  }
0x72d: {  	v33 =	vadd.s32 v28, v33;
	v40 =	vld [tilespmem:s12+$0xB0]  }
0x72e: {  	v41 =	vmov s8;
	s8 =	smov.u32 s10  }
0x72f: {  	[tilespmem:v35+s25+$0x0] =	vst.idx.msk $0xffff, v34;
	v34 =	vshrl.u32 v41, $0x3  }
0x730: {  	[tilespmem:v37+s25+$0x0] =	vst.idx.msk $0xffff, v36;
	v34 =	vshll.u32 v34, v1  }
0x731: {  	[tilespmem:v39+s25+$0x0] =	vst.idx.msk $0xffff, v38;
	v35 =	vbroadcast v34, $0x0  }
0x732: {  	[tilespmem:v33+s25+$0x0] =	vst.idx.msk $0xffff, v40  }
0x733: {  	v33 =	vld [tilespmem:s12+$0xC0];
	v36 =	vadd.s32 v29, v35  }
0x734: {  	v38 =	vadd.s32 v30, v35;
	v37 =	vld [tilespmem:s12+$0xD0]  }
0x735: {  	v40 =	vadd.s32 v31, v35;
	v39 =	vld [tilespmem:s12+$0xE0]  }
.Ltmp16:
0x736: {  	s0 =	sadd.s32 $0xFFFFFFF9, s8;
	v35 =	vadd.s32 v32, v35;
	v34 =	vld [tilespmem:s12+$0xF0];
	(pc) =	sbr.rel @p0 .LBB2_30-.Ltmp16, $4  }
0x737: {  	v41 =	vmov s0  }
0x738: {  	v41 =	vshrl.u32 v41, $0x3;
	[tilespmem:v36+s25+$0x0] =	vst.idx.msk $0xffff, v33  }
0x739: {  	v33 =	vshll.u32 v41, v1;
	[tilespmem:v38+s25+$0x0] =	vst.idx.msk $0xffff, v37  }
0x73a: {  	v33 =	vbroadcast v33, $0x0;
	[tilespmem:v40+s25+$0x0] =	vst.idx.msk $0xffff, v39  }
0x73b: {  	_ =	sdelay $0x3  }
0x73c: {  	[tilespmem:v35+s25+$0x0] =	vst.idx.msk $0xffff, v34;
	s9 =	sadd.s32 $0x200, s12  }
0x73d: {  	v34 =	vld [tilespmem:s9+$0xFFFFFF00];
	v48 =	vadd.s32 v0, v33  }
0x73e: {  	v36 =	vld [tilespmem:s9+$0xFFFFFF10];
	v37 =	vadd.s32 v2, v33  }
0x73f: {  	v38 =	vld [tilespmem:s9+$0xFFFFFF20];
	v39 =	vadd.s32 v3, v33  }
0x740: {  	s0 =	sadd.s32 $0xFFFFFFFA, s8;
	v40 =	vld [tilespmem:s9+$0xFFFFFF30];
	v49 =	vadd.s32 v4, v33  }
0x741: {  	v41 =	vmov s0  }
0x742: {  	v50 =	vshrl.u32 v41, $0x3;
	[tilespmem:v48+s25+$0x0] =	vst.idx.msk $0xffff, v34  }
0x743: {  	v34 =	vshll.u32 v50, v1;
	[tilespmem:v37+s25+$0x0] =	vst.idx.msk $0xffff, v36  }
0x744: {  	v34 =	vbroadcast v34, $0x0;
	[tilespmem:v39+s25+$0x0] =	vst.idx.msk $0xffff, v38  }
0x745: {  	[tilespmem:v49+s25+$0x0] =	vst.idx.msk $0xffff, v40  }
0x746: {  	v51 =	vadd.s32 v5, v34;
	v33 =	vld [tilespmem:s9+$0xFFFFFF40]  }
0x747: {  	v52 =	vadd.s32 v6, v34;
	v36 =	vld [tilespmem:s9+$0xFFFFFF50]  }
0x748: {  	v53 =	vadd.s32 v7, v34;
	v38 =	vld [tilespmem:s9+$0xFFFFFF60]  }
0x749: {  	s11 =	sadd.s32 $0xFFFFFFFB, s8;
	v34 =	vadd.s32 v8, v34;
	v40 =	vld [tilespmem:s9+$0xFFFFFF70]  }
0x74a: {  	v54 =	vmov s11  }
0x74b: {  	v55 =	vshrl.u32 v54, $0x3;
	[tilespmem:v51+s25+$0x0] =	vst.idx.msk $0xffff, v33  }
0x74c: {  	v33 =	vshll.u32 v55, v1;
	[tilespmem:v52+s25+$0x0] =	vst.idx.msk $0xffff, v36  }
0x74d: {  	v33 =	vbroadcast v33, $0x0;
	[tilespmem:v53+s25+$0x0] =	vst.idx.msk $0xffff, v38  }
0x74e: {  	[tilespmem:v34+s25+$0x0] =	vst.idx.msk $0xffff, v40  }
0x74f: {  	v56 =	vadd.s32 v9, v33;
	v34 =	vld [tilespmem:s9+$0xFFFFFF80]  }
0x750: {  	v57 =	vadd.s32 v10, v33;
	v36 =	vld [tilespmem:s9+$0xFFFFFF90]  }
0x751: {  	v58 =	vadd.s32 v11, v33;
	v38 =	vld [tilespmem:s9+$0xFFFFFFA0]  }
0x752: {  	s12 =	sadd.s32 $0xFFFFFFFC, s8;
	v33 =	vadd.s32 v12, v33;
	v40 =	vld [tilespmem:s9+$0xFFFFFFB0]  }
0x753: {  	v59 =	vmov s12  }
0x754: {  	v60 =	vshrl.u32 v59, $0x3;
	[tilespmem:v56+s25+$0x0] =	vst.idx.msk $0xffff, v34  }
0x755: {  	v34 =	vshll.u32 v60, v1;
	[tilespmem:v57+s25+$0x0] =	vst.idx.msk $0xffff, v36  }
0x756: {  	v34 =	vbroadcast v34, $0x0;
	[tilespmem:v58+s25+$0x0] =	vst.idx.msk $0xffff, v38  }
0x757: {  	[tilespmem:v33+s25+$0x0] =	vst.idx.msk $0xffff, v40  }
0x758: {  	v61 =	vadd.s32 v13, v34;
	v33 =	vld [tilespmem:s9+$0xFFFFFFC0]  }
0x759: {  	v62 =	vadd.s32 v14, v34;
	v36 =	vld [tilespmem:s9+$0xFFFFFFD0]  }
0x75a: {  	v63 =	vadd.s32 v15, v34;
	v38 =	vld [tilespmem:s9+$0xFFFFFFE0]  }
0x75b: {  	s14 =	sadd.s32 $0xFFFFFFFD, s8;
	v34 =	vadd.s32 v16, v34;
	v40 =	vld [tilespmem:s9+$0xFFFFFFF0]  }
0x75c: {  	v44 =	vmov s14  }
0x75d: {  	v45 =	vshrl.u32 v44, $0x3;
	[tilespmem:v61+s25+$0x0] =	vst.idx.msk $0xffff, v33  }
0x75e: {  	v33 =	vshll.u32 v45, v1;
	[tilespmem:v62+s25+$0x0] =	vst.idx.msk $0xffff, v36  }
0x75f: {  	v33 =	vbroadcast v33, $0x0;
	[tilespmem:v63+s25+$0x0] =	vst.idx.msk $0xffff, v38  }
0x760: {  	[tilespmem:v34+s25+$0x0] =	vst.idx.msk $0xffff, v40  }
0x761: {  	v46 =	vadd.s32 v17, v33;
	v34 =	vld [tilespmem:s9+$0x0]  }
0x762: {  	v47 =	vadd.s32 v18, v33;
	v36 =	vld [tilespmem:s9+$0x10]  }
0x763: {  	v48 =	vadd.s32 v19, v33;
	v38 =	vld [tilespmem:s9+$0x20]  }
0x764: {  	s10 =	sadd.s32 $0xFFFFFFFE, s8;
	v33 =	vadd.s32 v20, v33;
	v40 =	vld [tilespmem:s9+$0x30]  }
0x765: {  	v49 =	vmov s10  }
0x766: {  	v50 =	vshrl.u32 v49, $0x3;
	[tilespmem:v46+s25+$0x0] =	vst.idx.msk $0xffff, v34  }
0x767: {  	v34 =	vshll.u32 v50, v1;
	[tilespmem:v47+s25+$0x0] =	vst.idx.msk $0xffff, v36  }
0x768: {  	v34 =	vbroadcast v34, $0x0;
	[tilespmem:v48+s25+$0x0] =	vst.idx.msk $0xffff, v38  }
0x769: {  	[tilespmem:v33+s25+$0x0] =	vst.idx.msk $0xffff, v40  }
0x76a: {  	v51 =	vadd.s32 v21, v34;
	v33 =	vld [tilespmem:s9+$0x40]  }
0x76b: {  	v52 =	vadd.s32 v22, v34;
	v36 =	vld [tilespmem:s9+$0x50]  }
0x76c: {  	v53 =	vadd.s32 v23, v34;
	v38 =	vld [tilespmem:s9+$0x60]  }
0x76d: {  	s11 =	sadd.s32 $0xFFFFFFFF, s8;
	v34 =	vadd.s32 v24, v34;
	v40 =	vld [tilespmem:s9+$0x70]  }
0x76e: {  	v54 =	vmov s11  }
0x76f: {  	v55 =	vshrl.u32 v54, $0x3;
	[tilespmem:v51+s25+$0x0] =	vst.idx.msk $0xffff, v33  }
0x770: {  	v33 =	vshll.u32 v55, v1;
	[tilespmem:v52+s25+$0x0] =	vst.idx.msk $0xffff, v36  }
0x771: {  	v33 =	vbroadcast v33, $0x0;
	[tilespmem:v53+s25+$0x0] =	vst.idx.msk $0xffff, v38  }
0x772: {  	[tilespmem:v34+s25+$0x0] =	vst.idx.msk $0xffff, v40  }
0x773: {  	v56 =	vadd.s32 v25, v33;
	v34 =	vld [tilespmem:s9+$0x80]  }
0x774: {  	v57 =	vadd.s32 v26, v33;
	v36 =	vld [tilespmem:s9+$0x90]  }
0x775: {  	v58 =	vadd.s32 v27, v33;
	v38 =	vld [tilespmem:s9+$0xA0]  }
0x776: {  	v33 =	vadd.s32 v28, v33;
	v40 =	vld [tilespmem:s9+$0xB0]  }
0x777: {  	v59 =	vmov s8  }
0x778: {  	v60 =	vshrl.u32 v59, $0x3;
	[tilespmem:v56+s25+$0x0] =	vst.idx.msk $0xffff, v34  }
0x779: {  	v34 =	vshll.u32 v60, v1;
	[tilespmem:v57+s25+$0x0] =	vst.idx.msk $0xffff, v36  }
0x77a: {  	v34 =	vbroadcast v34, $0x0;
	[tilespmem:v58+s25+$0x0] =	vst.idx.msk $0xffff, v38  }
0x77b: {  	[tilespmem:v33+s25+$0x0] =	vst.idx.msk $0xffff, v40  }
0x77c: {  	v61 =	vadd.s32 v29, v34;
	v33 =	vld [tilespmem:s9+$0xC0]  }
0x77d: {  	v62 =	vadd.s32 v30, v34;
	v36 =	vld [tilespmem:s9+$0xD0]  }
0x77e: {  	v63 =	vadd.s32 v31, v34;
	v38 =	vld [tilespmem:s9+$0xE0]  }
0x77f: {  	v34 =	vadd.s32 v32, v34;
	v40 =	vld [tilespmem:s9+$0xF0]  }
0x780: {  	s12 =	sadd.s32 $0x2, s18  }
0x781: {  	s14 =	sshll.u32 s12, $0x7;
	[tilespmem:v61+s25+$0x0] =	vst.idx.msk $0xffff, v33  }
0x782: {  	s0 =	sshll.u32 s12, $0xA;
	s8 =	sand.u32 $0xF00, s14;
	[tilespmem:v62+s25+$0x0] =	vst.idx.msk $0xffff, v36  }
0x783: {  	s0 =	sand.u32 $0xFFF8000, s0;
	s8 =	sadd.s32 s3, s8;
	[tilespmem:v63+s25+$0x0] =	vst.idx.msk $0xffff, v38  }
0x784: {  	s0 =	sadd.s32 s0, s8;
	s9 =	simm.s32 $0x18C00;
	[tilespmem:v34+s25+$0x0] =	vst.idx.msk $0xffff, v40  }
0x785: {  	[hbm4b:s0+s4] =	stream.linear.scatter [tilespmem:s9], [sflag:$0x7], $0x80, $0x38;
	[tilespmem:$0x1D000] =	vst v63  }
0x786: {  	s11 =	sadd.s32 $0x10, s0;
	s10 =	simm.s32 $0x18C88  }
0x787: {  	[hbm4b:s11+s4] =	stream.linear.scatter [tilespmem:s10], [sflag:$0x7], $0x80, $0x38;
	[tilespmem:$0x1D000] =	vst v63  }
0x788: {  	s12 =	simm.s32 $0x18D10;
	s14 =	sadd.s32 $0x20, s0  }
0x789: {  	[hbm4b:s14+s4] =	stream.linear.scatter [tilespmem:s12], [sflag:$0x7], $0x80, $0x38;
	[tilespmem:$0x1D000] =	vst v63  }
0x78a: {  	s10 =	simm.s32 $0x18D98;
	s11 =	sadd.s32 $0x30, s0  }
0x78b: {  	[hbm4b:s11+s4] =	stream.linear.scatter [tilespmem:s10], [sflag:$0x7], $0x80, $0x38;
	[tilespmem:$0x1D000] =	vst v63  }
0x78c: {  	s12 =	simm.s32 $0x18E20;
	s14 =	sadd.s32 $0x40, s0  }
0x78d: {  	[hbm4b:s14+s4] =	stream.linear.scatter [tilespmem:s12], [sflag:$0x7], $0x80, $0x38;
	[tilespmem:$0x1D000] =	vst v63  }
0x78e: {  	s8 =	simm.s32 $0x440;
	s10 =	simm.s32 $0x18EA8;
	s11 =	sadd.s32 $0x50, s0  }
0x78f: {  	[hbm4b:s11+s4] =	stream.linear.scatter [tilespmem:s10], [sflag:$0x7], $0x80, $0x38;
	[tilespmem:$0x1D000] =	vst v63  }
0x790: {  	s9 =	sadd.s32 $0x1000, s0;
	s12 =	simm.s32 $0x18F30;
	s14 =	sadd.s32 $0x60, s0  }
0x791: {  	[hbm4b:s14+s4] =	stream.linear.scatter [tilespmem:s12], [sflag:$0x7], $0x80, $0x38;
	[tilespmem:$0x1D000] =	vst v63  }
0x792: {  	s10 =	simm.s32 $0x2200;
	s11 =	sadd.s32 $0x70, s0;
	s12 =	simm.s32 $0x18FB8  }
.LBB2_32:
0x793: {  	[hbm4b:s11+s4] =	stream.linear.scatter [tilespmem:s12], [sflag:$0x7], $0x80, $0x38;
	[tilespmem:$0x1D000] =	vst v63  }
0x794: {  	s0 =	smov.u32 s8;
	s8 =	smov.u32 s10  }
0x795: {  	s14 =	sadd.s32 $0x1100, s10;
	s8 =	sshra.s32 s8, $0x2;
	s11 =	sadd.s32 $0x18C00, s0  }
0x796: {  	[hbm4b:s9+s4] =	stream.linear.scatter [tilespmem:s11], [sflag:$0x7], $0x80, $0x38;
	[tilespmem:$0x1D000] =	vst v63  }
0x797: {  	p0 =	sne.s32 s10, $0x7700;
	s10 =	sadd.s32 $0x18C88, s0;
	s11 =	sadd.s32 $0x10, s9  }
0x798: {  	[hbm4b:s11+s4] =	stream.linear.scatter [tilespmem:s10], [sflag:$0x7], $0x80, $0x38;
	[tilespmem:$0x1D000] =	vst v63  }
0x799: {  	s10 =	sadd.s32 $0x18D10, s0;
	s11 =	sadd.s32 $0x20, s9  }
0x79a: {  	[hbm4b:s11+s4] =	stream.linear.scatter [tilespmem:s10], [sflag:$0x7], $0x80, $0x38;
	[tilespmem:$0x1D000] =	vst v63  }
0x79b: {  	s10 =	sadd.s32 $0x18D98, s0;
	s11 =	sadd.s32 $0x30, s9  }
0x79c: {  	[hbm4b:s11+s4] =	stream.linear.scatter [tilespmem:s10], [sflag:$0x7], $0x80, $0x38;
	[tilespmem:$0x1D000] =	vst v63  }
0x79d: {  	s10 =	sadd.s32 $0x18E20, s0;
	s11 =	sadd.s32 $0x40, s9  }
0x79e: {  	[hbm4b:s11+s4] =	stream.linear.scatter [tilespmem:s10], [sflag:$0x7], $0x80, $0x38;
	[tilespmem:$0x1D000] =	vst v63  }
.Ltmp17:
0x79f: {  	s10 =	sadd.s32 $0x18EA8, s0;
	s11 =	sadd.s32 $0x50, s9;
	(pc) =	sbr.rel @p0 .LBB2_32-.Ltmp17, $4  }
0x7a0: {  	[hbm4b:s11+s4] =	stream.linear.scatter [tilespmem:s10], [sflag:$0x7], $0x80, $0x38;
	[tilespmem:$0x1D000] =	vst v63  }
0x7a1: {  	s12 =	sadd.s32 $0x18FB8, s0;
	s10 =	sadd.s32 $0x18F30, s0;
	s11 =	sadd.s32 $0x60, s9  }
0x7a2: {  	[hbm4b:s11+s4] =	stream.linear.scatter [tilespmem:s10], [sflag:$0x7], $0x80, $0x38;
	[tilespmem:$0x1D000] =	vst v63  }
0x7a3: {  	s11 =	sadd.s32 $0x70, s9;
	s9 =	sadd.s32 $0x1000, s9;
	s10 =	smov.u32 s14  }
0x7a4: {  	[hbm4b:s11+s4] =	stream.linear.scatter [tilespmem:s12], [sflag:$0x7], $0x80, $0x38;
	[tilespmem:$0x1D000] =	vst v63  }
0x7a5: {  	s0 =	sadd.s32 $0x18C00, s8  }
0x7a6: {  	[hbm4b:s9+s4] =	stream.linear.scatter [tilespmem:s0], [sflag:$0x7], $0x80, $0x38;
	[tilespmem:$0x1D000] =	vst v63  }
0x7a7: {  	s11 =	sadd.s32 $0x18C88, s8;
	s10 =	sadd.s32 $0x10, s9  }
0x7a8: {  	[hbm4b:s10+s4] =	stream.linear.scatter [tilespmem:s11], [sflag:$0x7], $0x80, $0x38;
	[tilespmem:$0x1D000] =	vst v63  }
0x7a9: {  	s12 =	sadd.s32 $0x18D10, s8;
	s14 =	sadd.s32 $0x20, s9  }
0x7aa: {  	[hbm4b:s14+s4] =	stream.linear.scatter [tilespmem:s12], [sflag:$0x7], $0x80, $0x38;
	[tilespmem:$0x1D000] =	vst v63  }
0x7ab: {  	s10 =	sadd.s32 $0x18D98, s8;
	s11 =	sadd.s32 $0x30, s9  }
0x7ac: {  	[hbm4b:s11+s4] =	stream.linear.scatter [tilespmem:s10], [sflag:$0x7], $0x80, $0x38;
	[tilespmem:$0x1D000] =	vst v63  }
0x7ad: {  	s12 =	sadd.s32 $0x18E20, s8;
	s14 =	sadd.s32 $0x40, s9  }
0x7ae: {  	[hbm4b:s14+s4] =	stream.linear.scatter [tilespmem:s12], [sflag:$0x7], $0x80, $0x38;
	[tilespmem:$0x1D000] =	vst v63  }
0x7af: {  	s10 =	sadd.s32 $0x18EA8, s8;
	s11 =	sadd.s32 $0x50, s9  }
0x7b0: {  	[hbm4b:s11+s4] =	stream.linear.scatter [tilespmem:s10], [sflag:$0x7], $0x80, $0x38;
	[tilespmem:$0x1D000] =	vst v63  }
0x7b1: {  	s12 =	sadd.s32 $0x18F30, s8;
	s14 =	sadd.s32 $0x60, s9;
	s11 =	simm.s32 $0x0  }
0x7b2: {  	[hbm4b:s14+s4] =	stream.linear.scatter [tilespmem:s12], [sflag:$0x7], $0x80, $0x38;
	[tilespmem:$0x1D000] =	vst v63  }
0x7b3: {  	v33 =	vmov s11;
	s12 =	sadd.s32 $0x18FB8, s8;
	s14 =	sadd.s32 $0x70, s9  }
0x7b4: {  	v33 =	vshrl.u32 v33, $0x3;
	[hbm4b:s14+s4] =	stream.linear.scatter [tilespmem:s12], [sflag:$0x7], $0x80, $0x38;
	[tilespmem:$0x1D000] =	vst v63  }
0x7b5: {  	v33 =	vshll.u32 v33, v1;
	_ =	swait.ge [sflag:s26], $0x2000  }
0x7b6: {  	v33 =	vbroadcast v33, $0x0;
	[sflag:s26] =	ssyncset.done $0x0  }
0x7b7: {  	s12 =	simm.s32 $0x12900;
	[sflag:s26] =	ssyncadd.s32 $0xFFFFE000  }
0x7b8: {  	v35 =	vadd.s32 v0, v33;
	v34 =	vld [tilespmem:s12+$0xFFFFFF00]  }
0x7b9: {  	v37 =	vadd.s32 v2, v33;
	v36 =	vld [tilespmem:s12+$0xFFFFFF10]  }
0x7ba: {  	v39 =	vadd.s32 v3, v33;
	v38 =	vld [tilespmem:s12+$0xFFFFFF20]  }
0x7bb: {  	s10 =	simm.s32 $0x1;
	v33 =	vadd.s32 v4, v33;
	v40 =	vld [tilespmem:s12+$0xFFFFFF30]  }
0x7bc: {  	v41 =	vmov s10  }
0x7bd: {  	v47 =	vshrl.u32 v41, $0x3;
	[tilespmem:v35+s28+$0x0] =	vst.idx.msk $0xffff, v34  }
0x7be: {  	v34 =	vshll.u32 v47, v1;
	[tilespmem:v37+s28+$0x0] =	vst.idx.msk $0xffff, v36  }
0x7bf: {  	v34 =	vbroadcast v34, $0x0;
	[tilespmem:v39+s28+$0x0] =	vst.idx.msk $0xffff, v38  }
0x7c0: {  	[tilespmem:v33+s28+$0x0] =	vst.idx.msk $0xffff, v40  }
0x7c1: {  	v48 =	vadd.s32 v5, v34;
	v33 =	vld [tilespmem:s12+$0xFFFFFF40]  }
0x7c2: {  	v49 =	vadd.s32 v6, v34;
	v36 =	vld [tilespmem:s12+$0xFFFFFF50]  }
0x7c3: {  	v50 =	vadd.s32 v7, v34;
	v38 =	vld [tilespmem:s12+$0xFFFFFF60]  }
0x7c4: {  	s11 =	simm.s32 $0x2;
	v34 =	vadd.s32 v8, v34;
	v40 =	vld [tilespmem:s12+$0xFFFFFF70]  }
0x7c5: {  	v51 =	vmov s11  }
0x7c6: {  	v52 =	vshrl.u32 v51, $0x3;
	[tilespmem:v48+s28+$0x0] =	vst.idx.msk $0xffff, v33  }
0x7c7: {  	v33 =	vshll.u32 v52, v1;
	[tilespmem:v49+s28+$0x0] =	vst.idx.msk $0xffff, v36  }
0x7c8: {  	v33 =	vbroadcast v33, $0x0;
	[tilespmem:v50+s28+$0x0] =	vst.idx.msk $0xffff, v38  }
0x7c9: {  	[tilespmem:v34+s28+$0x0] =	vst.idx.msk $0xffff, v40  }
0x7ca: {  	v53 =	vadd.s32 v9, v33;
	v34 =	vld [tilespmem:s12+$0xFFFFFF80]  }
0x7cb: {  	v54 =	vadd.s32 v10, v33;
	v36 =	vld [tilespmem:s12+$0xFFFFFF90]  }
0x7cc: {  	v55 =	vadd.s32 v11, v33;
	v38 =	vld [tilespmem:s12+$0xFFFFFFA0]  }
0x7cd: {  	s14 =	simm.s32 $0x3;
	v33 =	vadd.s32 v12, v33;
	v40 =	vld [tilespmem:s12+$0xFFFFFFB0]  }
0x7ce: {  	v56 =	vmov s14  }
0x7cf: {  	v57 =	vshrl.u32 v56, $0x3;
	[tilespmem:v53+s28+$0x0] =	vst.idx.msk $0xffff, v34  }
0x7d0: {  	v34 =	vshll.u32 v57, v1;
	[tilespmem:v54+s28+$0x0] =	vst.idx.msk $0xffff, v36  }
0x7d1: {  	v34 =	vbroadcast v34, $0x0;
	[tilespmem:v55+s28+$0x0] =	vst.idx.msk $0xffff, v38  }
0x7d2: {  	[tilespmem:v33+s28+$0x0] =	vst.idx.msk $0xffff, v40  }
0x7d3: {  	v58 =	vadd.s32 v13, v34;
	v33 =	vld [tilespmem:s12+$0xFFFFFFC0]  }
0x7d4: {  	v59 =	vadd.s32 v14, v34;
	v36 =	vld [tilespmem:s12+$0xFFFFFFD0]  }
0x7d5: {  	v60 =	vadd.s32 v15, v34;
	v38 =	vld [tilespmem:s12+$0xFFFFFFE0]  }
0x7d6: {  	s8 =	simm.s32 $0x4;
	v34 =	vadd.s32 v16, v34;
	v40 =	vld [tilespmem:s12+$0xFFFFFFF0]  }
0x7d7: {  	v61 =	vmov s8  }
0x7d8: {  	v62 =	vshrl.u32 v61, $0x3;
	[tilespmem:v58+s28+$0x0] =	vst.idx.msk $0xffff, v33  }
0x7d9: {  	v33 =	vshll.u32 v62, v1;
	[tilespmem:v59+s28+$0x0] =	vst.idx.msk $0xffff, v36  }
0x7da: {  	v33 =	vbroadcast v33, $0x0;
	[tilespmem:v60+s28+$0x0] =	vst.idx.msk $0xffff, v38  }
0x7db: {  	[tilespmem:v34+s28+$0x0] =	vst.idx.msk $0xffff, v40  }
0x7dc: {  	v63 =	vadd.s32 v17, v33;
	v34 =	vld [tilespmem:s12+$0x0]  }
0x7dd: {  	v44 =	vadd.s32 v18, v33;
	v36 =	vld [tilespmem:s12+$0x10]  }
0x7de: {  	v45 =	vadd.s32 v19, v33;
	v38 =	vld [tilespmem:s12+$0x20]  }
0x7df: {  	s9 =	simm.s32 $0x5;
	v33 =	vadd.s32 v20, v33;
	v40 =	vld [tilespmem:s12+$0x30]  }
0x7e0: {  	v46 =	vmov s9  }
0x7e1: {  	v47 =	vshrl.u32 v46, $0x3;
	[tilespmem:v63+s28+$0x0] =	vst.idx.msk $0xffff, v34  }
0x7e2: {  	v34 =	vshll.u32 v47, v1;
	[tilespmem:v44+s28+$0x0] =	vst.idx.msk $0xffff, v36  }
0x7e3: {  	v34 =	vbroadcast v34, $0x0;
	[tilespmem:v45+s28+$0x0] =	vst.idx.msk $0xffff, v38  }
0x7e4: {  	[tilespmem:v33+s28+$0x0] =	vst.idx.msk $0xffff, v40  }
0x7e5: {  	v48 =	vadd.s32 v21, v34;
	v33 =	vld [tilespmem:s12+$0x40]  }
0x7e6: {  	v49 =	vadd.s32 v22, v34;
	v36 =	vld [tilespmem:s12+$0x50]  }
0x7e7: {  	v50 =	vadd.s32 v23, v34;
	v38 =	vld [tilespmem:s12+$0x60]  }
0x7e8: {  	s10 =	simm.s32 $0x6;
	v34 =	vadd.s32 v24, v34;
	v40 =	vld [tilespmem:s12+$0x70]  }
0x7e9: {  	v51 =	vmov s10  }
0x7ea: {  	v52 =	vshrl.u32 v51, $0x3;
	[tilespmem:v48+s28+$0x0] =	vst.idx.msk $0xffff, v33  }
0x7eb: {  	v33 =	vshll.u32 v52, v1;
	[tilespmem:v49+s28+$0x0] =	vst.idx.msk $0xffff, v36  }
0x7ec: {  	v33 =	vbroadcast v33, $0x0;
	[tilespmem:v50+s28+$0x0] =	vst.idx.msk $0xffff, v38  }
0x7ed: {  	[tilespmem:v34+s28+$0x0] =	vst.idx.msk $0xffff, v40  }
0x7ee: {  	v53 =	vadd.s32 v25, v33;
	v34 =	vld [tilespmem:s12+$0x80]  }
0x7ef: {  	v54 =	vadd.s32 v26, v33;
	v36 =	vld [tilespmem:s12+$0x90]  }
0x7f0: {  	v55 =	vadd.s32 v27, v33;
	v38 =	vld [tilespmem:s12+$0xA0]  }
0x7f1: {  	s11 =	simm.s32 $0x7;
	v33 =	vadd.s32 v28, v33;
	v40 =	vld [tilespmem:s12+$0xB0]  }
0x7f2: {  	v56 =	vmov s11  }
0x7f3: {  	v57 =	vshrl.u32 v56, $0x3;
	[tilespmem:v53+s28+$0x0] =	vst.idx.msk $0xffff, v34  }
0x7f4: {  	v34 =	vshll.u32 v57, v1;
	[tilespmem:v54+s28+$0x0] =	vst.idx.msk $0xffff, v36  }
0x7f5: {  	v58 =	vbroadcast v34, $0x0;
	[tilespmem:v55+s28+$0x0] =	vst.idx.msk $0xffff, v38  }
0x7f6: {  	[tilespmem:v33+s28+$0x0] =	vst.idx.msk $0xffff, v40  }
0x7f7: {  	v59 =	vadd.s32 v29, v58;
	v33 =	vld [tilespmem:s12+$0xC0]  }
0x7f8: {  	v60 =	vadd.s32 v30, v58;
	v37 =	vld [tilespmem:s12+$0xD0]  }
0x7f9: {  	v61 =	vadd.s32 v31, v58;
	v39 =	vld [tilespmem:s12+$0xE0]  }
0x7fa: {  	s14 =	simm.s32 $0x8  }
0x7fb: {  	v62 =	vmov s14;
	v35 =	vadd.s32 v32, v58;
	v34 =	vld [tilespmem:s12+$0xF0]  }
0x7fc: {  	v41 =	vshrl.u32 v62, $0x3;
	[tilespmem:v59+s28+$0x0] =	vst.idx.msk $0xffff, v33  }
0x7fd: {  	v63 =	vshll.u32 v41, v1;
	[tilespmem:v60+s28+$0x0] =	vst.idx.msk $0xffff, v37  }
0x7fe: {  	s8 =	simm.s32 $0xF;
	s9 =	simm.s32 $0x17;
	v33 =	vbroadcast v63, $0x0;
	[tilespmem:v61+s28+$0x0] =	vst.idx.msk $0xffff, v39  }
.LBB2_34:
0x7ff: {  	p0 =	sne.s32 s9, $0x7F  }
0x800: {  	[tilespmem:v35+s28+$0x0] =	vst.idx.msk $0xffff, v34;
	s12 =	sadd.s32 $0x200, s12;
	s10 =	smov.u32 s9;
	s9 =	sadd.s32 $0x8, s9  }
0x801: {  	v34 =	vld [tilespmem:s12+$0xFFFFFF00];
	v35 =	vadd.s32 v0, v33  }
0x802: {  	v37 =	vadd.s32 v2, v33;
	v36 =	vld [tilespmem:s12+$0xFFFFFF10]  }
0x803: {  	v39 =	vadd.s32 v3, v33;
	v38 =	vld [tilespmem:s12+$0xFFFFFF20]  }
0x804: {  	s0 =	sadd.s32 $0xFFFFFFFA, s8;
	v33 =	vadd.s32 v4, v33;
	v40 =	vld [tilespmem:s12+$0xFFFFFF30]  }
0x805: {  	v41 =	vmov s0  }
0x806: {  	[tilespmem:v35+s28+$0x0] =	vst.idx.msk $0xffff, v34;
	v34 =	vshrl.u32 v41, $0x3  }
0x807: {  	[tilespmem:v37+s28+$0x0] =	vst.idx.msk $0xffff, v36;
	v34 =	vshll.u32 v34, v1  }
0x808: {  	[tilespmem:v39+s28+$0x0] =	vst.idx.msk $0xffff, v38;
	v34 =	vbroadcast v34, $0x0  }
0x809: {  	[tilespmem:v33+s28+$0x0] =	vst.idx.msk $0xffff, v40  }
0x80a: {  	v33 =	vld [tilespmem:s12+$0xFFFFFF40];
	v35 =	vadd.s32 v5, v34  }
0x80b: {  	v37 =	vadd.s32 v6, v34;
	v36 =	vld [tilespmem:s12+$0xFFFFFF50]  }
0x80c: {  	v39 =	vadd.s32 v7, v34;
	v38 =	vld [tilespmem:s12+$0xFFFFFF60]  }
0x80d: {  	s0 =	sadd.s32 $0xFFFFFFFB, s8;
	v34 =	vadd.s32 v8, v34;
	v40 =	vld [tilespmem:s12+$0xFFFFFF70]  }
0x80e: {  	v41 =	vmov s0  }
0x80f: {  	[tilespmem:v35+s28+$0x0] =	vst.idx.msk $0xffff, v33;
	v33 =	vshrl.u32 v41, $0x3  }
0x810: {  	[tilespmem:v37+s28+$0x0] =	vst.idx.msk $0xffff, v36;
	v33 =	vshll.u32 v33, v1  }
0x811: {  	[tilespmem:v39+s28+$0x0] =	vst.idx.msk $0xffff, v38;
	v33 =	vbroadcast v33, $0x0  }
0x812: {  	[tilespmem:v34+s28+$0x0] =	vst.idx.msk $0xffff, v40  }
0x813: {  	v34 =	vld [tilespmem:s12+$0xFFFFFF80];
	v35 =	vadd.s32 v9, v33  }
0x814: {  	v37 =	vadd.s32 v10, v33;
	v36 =	vld [tilespmem:s12+$0xFFFFFF90]  }
0x815: {  	v39 =	vadd.s32 v11, v33;
	v38 =	vld [tilespmem:s12+$0xFFFFFFA0]  }
0x816: {  	s0 =	sadd.s32 $0xFFFFFFFC, s8;
	v33 =	vadd.s32 v12, v33;
	v40 =	vld [tilespmem:s12+$0xFFFFFFB0]  }
0x817: {  	v41 =	vmov s0  }
0x818: {  	[tilespmem:v35+s28+$0x0] =	vst.idx.msk $0xffff, v34;
	v34 =	vshrl.u32 v41, $0x3  }
0x819: {  	[tilespmem:v37+s28+$0x0] =	vst.idx.msk $0xffff, v36;
	v34 =	vshll.u32 v34, v1  }
0x81a: {  	[tilespmem:v39+s28+$0x0] =	vst.idx.msk $0xffff, v38;
	v34 =	vbroadcast v34, $0x0  }
0x81b: {  	[tilespmem:v33+s28+$0x0] =	vst.idx.msk $0xffff, v40  }
0x81c: {  	v33 =	vld [tilespmem:s12+$0xFFFFFFC0];
	v35 =	vadd.s32 v13, v34  }
0x81d: {  	v37 =	vadd.s32 v14, v34;
	v36 =	vld [tilespmem:s12+$0xFFFFFFD0]  }
0x81e: {  	v39 =	vadd.s32 v15, v34;
	v38 =	vld [tilespmem:s12+$0xFFFFFFE0]  }
0x81f: {  	s0 =	sadd.s32 $0xFFFFFFFD, s8;
	v34 =	vadd.s32 v16, v34;
	v40 =	vld [tilespmem:s12+$0xFFFFFFF0]  }
0x820: {  	v41 =	vmov s0  }
0x821: {  	[tilespmem:v35+s28+$0x0] =	vst.idx.msk $0xffff, v33;
	v33 =	vshrl.u32 v41, $0x3  }
0x822: {  	[tilespmem:v37+s28+$0x0] =	vst.idx.msk $0xffff, v36;
	v33 =	vshll.u32 v33, v1  }
0x823: {  	[tilespmem:v39+s28+$0x0] =	vst.idx.msk $0xffff, v38;
	v33 =	vbroadcast v33, $0x0  }
0x824: {  	[tilespmem:v34+s28+$0x0] =	vst.idx.msk $0xffff, v40  }
0x825: {  	v34 =	vld [tilespmem:s12+$0x0];
	v35 =	vadd.s32 v17, v33  }
0x826: {  	v37 =	vadd.s32 v18, v33;
	v36 =	vld [tilespmem:s12+$0x10]  }
0x827: {  	v39 =	vadd.s32 v19, v33;
	v38 =	vld [tilespmem:s12+$0x20]  }
0x828: {  	s0 =	sadd.s32 $0xFFFFFFFE, s8;
	v33 =	vadd.s32 v20, v33;
	v40 =	vld [tilespmem:s12+$0x30]  }
0x829: {  	v41 =	vmov s0  }
0x82a: {  	[tilespmem:v35+s28+$0x0] =	vst.idx.msk $0xffff, v34;
	v34 =	vshrl.u32 v41, $0x3  }
0x82b: {  	[tilespmem:v37+s28+$0x0] =	vst.idx.msk $0xffff, v36;
	v34 =	vshll.u32 v34, v1  }
0x82c: {  	[tilespmem:v39+s28+$0x0] =	vst.idx.msk $0xffff, v38;
	v34 =	vbroadcast v34, $0x0  }
0x82d: {  	[tilespmem:v33+s28+$0x0] =	vst.idx.msk $0xffff, v40  }
0x82e: {  	v33 =	vld [tilespmem:s12+$0x40];
	v35 =	vadd.s32 v21, v34  }
0x82f: {  	v37 =	vadd.s32 v22, v34;
	v36 =	vld [tilespmem:s12+$0x50]  }
0x830: {  	v39 =	vadd.s32 v23, v34;
	v38 =	vld [tilespmem:s12+$0x60]  }
0x831: {  	s0 =	sadd.s32 $0xFFFFFFFF, s8;
	v34 =	vadd.s32 v24, v34;
	v40 =	vld [tilespmem:s12+$0x70]  }
0x832: {  	v41 =	vmov s0  }
0x833: {  	[tilespmem:v35+s28+$0x0] =	vst.idx.msk $0xffff, v33;
	v33 =	vshrl.u32 v41, $0x3  }
0x834: {  	[tilespmem:v37+s28+$0x0] =	vst.idx.msk $0xffff, v36;
	v33 =	vshll.u32 v33, v1  }
0x835: {  	[tilespmem:v39+s28+$0x0] =	vst.idx.msk $0xffff, v38;
	v33 =	vbroadcast v33, $0x0  }
0x836: {  	[tilespmem:v34+s28+$0x0] =	vst.idx.msk $0xffff, v40  }
0x837: {  	v34 =	vld [tilespmem:s12+$0x80];
	v35 =	vadd.s32 v25, v33  }
0x838: {  	v37 =	vadd.s32 v26, v33;
	v36 =	vld [tilespmem:s12+$0x90]  }
0x839: {  	v39 =	vadd.s32 v27, v33;
	v38 =	vld [tilespmem:s12+$0xA0]  }
0x83a: {  	v33 =	vadd.s32 v28, v33;
	v40 =	vld [tilespmem:s12+$0xB0]  }
0x83b: {  	v41 =	vmov s8;
	s8 =	smov.u32 s10  }
0x83c: {  	[tilespmem:v35+s28+$0x0] =	vst.idx.msk $0xffff, v34;
	v34 =	vshrl.u32 v41, $0x3  }
0x83d: {  	[tilespmem:v37+s28+$0x0] =	vst.idx.msk $0xffff, v36;
	v34 =	vshll.u32 v34, v1  }
0x83e: {  	[tilespmem:v39+s28+$0x0] =	vst.idx.msk $0xffff, v38;
	v35 =	vbroadcast v34, $0x0  }
0x83f: {  	[tilespmem:v33+s28+$0x0] =	vst.idx.msk $0xffff, v40  }
0x840: {  	v33 =	vld [tilespmem:s12+$0xC0];
	v36 =	vadd.s32 v29, v35  }
0x841: {  	v38 =	vadd.s32 v30, v35;
	v37 =	vld [tilespmem:s12+$0xD0]  }
0x842: {  	v40 =	vadd.s32 v31, v35;
	v39 =	vld [tilespmem:s12+$0xE0]  }
.Ltmp18:
0x843: {  	s0 =	sadd.s32 $0xFFFFFFF9, s8;
	v35 =	vadd.s32 v32, v35;
	v34 =	vld [tilespmem:s12+$0xF0];
	(pc) =	sbr.rel @p0 .LBB2_34-.Ltmp18, $4  }
0x844: {  	v41 =	vmov s0  }
0x845: {  	v41 =	vshrl.u32 v41, $0x3;
	[tilespmem:v36+s28+$0x0] =	vst.idx.msk $0xffff, v33  }
0x846: {  	v33 =	vshll.u32 v41, v1;
	[tilespmem:v38+s28+$0x0] =	vst.idx.msk $0xffff, v37  }
0x847: {  	v33 =	vbroadcast v33, $0x0;
	[tilespmem:v40+s28+$0x0] =	vst.idx.msk $0xffff, v39  }
0x848: {  	_ =	sdelay $0x3  }
0x849: {  	[tilespmem:v35+s28+$0x0] =	vst.idx.msk $0xffff, v34;
	s9 =	sadd.s32 $0x200, s12  }
0x84a: {  	v34 =	vld [tilespmem:s9+$0xFFFFFF00];
	v48 =	vadd.s32 v0, v33  }
0x84b: {  	v36 =	vld [tilespmem:s9+$0xFFFFFF10];
	v37 =	vadd.s32 v2, v33  }
0x84c: {  	v38 =	vld [tilespmem:s9+$0xFFFFFF20];
	v39 =	vadd.s32 v3, v33  }
0x84d: {  	s0 =	sadd.s32 $0xFFFFFFFA, s8;
	v40 =	vld [tilespmem:s9+$0xFFFFFF30];
	v49 =	vadd.s32 v4, v33  }
0x84e: {  	v41 =	vmov s0  }
0x84f: {  	v50 =	vshrl.u32 v41, $0x3;
	[tilespmem:v48+s28+$0x0] =	vst.idx.msk $0xffff, v34  }
0x850: {  	v34 =	vshll.u32 v50, v1;
	[tilespmem:v37+s28+$0x0] =	vst.idx.msk $0xffff, v36  }
0x851: {  	v34 =	vbroadcast v34, $0x0;
	[tilespmem:v39+s28+$0x0] =	vst.idx.msk $0xffff, v38  }
0x852: {  	[tilespmem:v49+s28+$0x0] =	vst.idx.msk $0xffff, v40  }
0x853: {  	v51 =	vadd.s32 v5, v34;
	v33 =	vld [tilespmem:s9+$0xFFFFFF40]  }
0x854: {  	v52 =	vadd.s32 v6, v34;
	v36 =	vld [tilespmem:s9+$0xFFFFFF50]  }
0x855: {  	v53 =	vadd.s32 v7, v34;
	v38 =	vld [tilespmem:s9+$0xFFFFFF60]  }
0x856: {  	s11 =	sadd.s32 $0xFFFFFFFB, s8;
	v34 =	vadd.s32 v8, v34;
	v40 =	vld [tilespmem:s9+$0xFFFFFF70]  }
0x857: {  	v54 =	vmov s11  }
0x858: {  	v55 =	vshrl.u32 v54, $0x3;
	[tilespmem:v51+s28+$0x0] =	vst.idx.msk $0xffff, v33  }
0x859: {  	v33 =	vshll.u32 v55, v1;
	[tilespmem:v52+s28+$0x0] =	vst.idx.msk $0xffff, v36  }
0x85a: {  	v33 =	vbroadcast v33, $0x0;
	[tilespmem:v53+s28+$0x0] =	vst.idx.msk $0xffff, v38  }
0x85b: {  	[tilespmem:v34+s28+$0x0] =	vst.idx.msk $0xffff, v40  }
0x85c: {  	v56 =	vadd.s32 v9, v33;
	v34 =	vld [tilespmem:s9+$0xFFFFFF80]  }
0x85d: {  	v57 =	vadd.s32 v10, v33;
	v36 =	vld [tilespmem:s9+$0xFFFFFF90]  }
0x85e: {  	v58 =	vadd.s32 v11, v33;
	v38 =	vld [tilespmem:s9+$0xFFFFFFA0]  }
0x85f: {  	s12 =	sadd.s32 $0xFFFFFFFC, s8;
	v33 =	vadd.s32 v12, v33;
	v40 =	vld [tilespmem:s9+$0xFFFFFFB0]  }
0x860: {  	v59 =	vmov s12  }
0x861: {  	v60 =	vshrl.u32 v59, $0x3;
	[tilespmem:v56+s28+$0x0] =	vst.idx.msk $0xffff, v34  }
0x862: {  	v34 =	vshll.u32 v60, v1;
	[tilespmem:v57+s28+$0x0] =	vst.idx.msk $0xffff, v36  }
0x863: {  	v34 =	vbroadcast v34, $0x0;
	[tilespmem:v58+s28+$0x0] =	vst.idx.msk $0xffff, v38  }
0x864: {  	[tilespmem:v33+s28+$0x0] =	vst.idx.msk $0xffff, v40  }
0x865: {  	v61 =	vadd.s32 v13, v34;
	v33 =	vld [tilespmem:s9+$0xFFFFFFC0]  }
0x866: {  	v62 =	vadd.s32 v14, v34;
	v36 =	vld [tilespmem:s9+$0xFFFFFFD0]  }
0x867: {  	v63 =	vadd.s32 v15, v34;
	v38 =	vld [tilespmem:s9+$0xFFFFFFE0]  }
0x868: {  	s14 =	sadd.s32 $0xFFFFFFFD, s8;
	v34 =	vadd.s32 v16, v34;
	v40 =	vld [tilespmem:s9+$0xFFFFFFF0]  }
0x869: {  	v44 =	vmov s14  }
0x86a: {  	v45 =	vshrl.u32 v44, $0x3;
	[tilespmem:v61+s28+$0x0] =	vst.idx.msk $0xffff, v33  }
0x86b: {  	v33 =	vshll.u32 v45, v1;
	[tilespmem:v62+s28+$0x0] =	vst.idx.msk $0xffff, v36  }
0x86c: {  	v33 =	vbroadcast v33, $0x0;
	[tilespmem:v63+s28+$0x0] =	vst.idx.msk $0xffff, v38  }
0x86d: {  	[tilespmem:v34+s28+$0x0] =	vst.idx.msk $0xffff, v40  }
0x86e: {  	v46 =	vadd.s32 v17, v33;
	v34 =	vld [tilespmem:s9+$0x0]  }
0x86f: {  	v47 =	vadd.s32 v18, v33;
	v36 =	vld [tilespmem:s9+$0x10]  }
0x870: {  	v48 =	vadd.s32 v19, v33;
	v38 =	vld [tilespmem:s9+$0x20]  }
0x871: {  	s10 =	sadd.s32 $0xFFFFFFFE, s8;
	v33 =	vadd.s32 v20, v33;
	v40 =	vld [tilespmem:s9+$0x30]  }
0x872: {  	v49 =	vmov s10  }
0x873: {  	v50 =	vshrl.u32 v49, $0x3;
	[tilespmem:v46+s28+$0x0] =	vst.idx.msk $0xffff, v34  }
0x874: {  	v34 =	vshll.u32 v50, v1;
	[tilespmem:v47+s28+$0x0] =	vst.idx.msk $0xffff, v36  }
0x875: {  	v34 =	vbroadcast v34, $0x0;
	[tilespmem:v48+s28+$0x0] =	vst.idx.msk $0xffff, v38  }
0x876: {  	[tilespmem:v33+s28+$0x0] =	vst.idx.msk $0xffff, v40  }
0x877: {  	v51 =	vadd.s32 v21, v34;
	v33 =	vld [tilespmem:s9+$0x40]  }
0x878: {  	v52 =	vadd.s32 v22, v34;
	v36 =	vld [tilespmem:s9+$0x50]  }
0x879: {  	v53 =	vadd.s32 v23, v34;
	v38 =	vld [tilespmem:s9+$0x60]  }
0x87a: {  	s11 =	sadd.s32 $0xFFFFFFFF, s8;
	v34 =	vadd.s32 v24, v34;
	v40 =	vld [tilespmem:s9+$0x70]  }
0x87b: {  	v54 =	vmov s11  }
0x87c: {  	v55 =	vshrl.u32 v54, $0x3;
	[tilespmem:v51+s28+$0x0] =	vst.idx.msk $0xffff, v33  }
0x87d: {  	v33 =	vshll.u32 v55, v1;
	[tilespmem:v52+s28+$0x0] =	vst.idx.msk $0xffff, v36  }
0x87e: {  	v33 =	vbroadcast v33, $0x0;
	[tilespmem:v53+s28+$0x0] =	vst.idx.msk $0xffff, v38  }
0x87f: {  	[tilespmem:v34+s28+$0x0] =	vst.idx.msk $0xffff, v40  }
0x880: {  	v56 =	vadd.s32 v25, v33;
	v34 =	vld [tilespmem:s9+$0x80]  }
0x881: {  	v57 =	vadd.s32 v26, v33;
	v36 =	vld [tilespmem:s9+$0x90]  }
0x882: {  	v58 =	vadd.s32 v27, v33;
	v38 =	vld [tilespmem:s9+$0xA0]  }
0x883: {  	v33 =	vadd.s32 v28, v33;
	v40 =	vld [tilespmem:s9+$0xB0]  }
0x884: {  	v59 =	vmov s8  }
0x885: {  	v60 =	vshrl.u32 v59, $0x3;
	[tilespmem:v56+s28+$0x0] =	vst.idx.msk $0xffff, v34  }
0x886: {  	v34 =	vshll.u32 v60, v1;
	[tilespmem:v57+s28+$0x0] =	vst.idx.msk $0xffff, v36  }
0x887: {  	v34 =	vbroadcast v34, $0x0;
	[tilespmem:v58+s28+$0x0] =	vst.idx.msk $0xffff, v38  }
0x888: {  	[tilespmem:v33+s28+$0x0] =	vst.idx.msk $0xffff, v40  }
0x889: {  	v61 =	vadd.s32 v29, v34;
	v33 =	vld [tilespmem:s9+$0xC0]  }
0x88a: {  	v62 =	vadd.s32 v30, v34;
	v36 =	vld [tilespmem:s9+$0xD0]  }
0x88b: {  	v63 =	vadd.s32 v31, v34;
	v38 =	vld [tilespmem:s9+$0xE0]  }
0x88c: {  	v34 =	vadd.s32 v32, v34;
	v40 =	vld [tilespmem:s9+$0xF0]  }
0x88d: {  	s12 =	sadd.s32 $0x3, s18  }
0x88e: {  	s14 =	sshll.u32 s12, $0x7;
	[tilespmem:v61+s28+$0x0] =	vst.idx.msk $0xffff, v33  }
0x88f: {  	s0 =	sshll.u32 s12, $0xA;
	s8 =	sand.u32 $0xF80, s14;
	[tilespmem:v62+s28+$0x0] =	vst.idx.msk $0xffff, v36  }
0x890: {  	s0 =	sand.u32 $0xFFF8000, s0;
	s8 =	sadd.s32 s3, s8;
	[tilespmem:v63+s28+$0x0] =	vst.idx.msk $0xffff, v38  }
0x891: {  	s18 =	simm.s32 $0x1AE00;
	s0 =	sadd.s32 s0, s8;
	[tilespmem:v34+s28+$0x0] =	vst.idx.msk $0xffff, v40  }
0x892: {  	[hbm4b:s0+s4] =	stream.linear.scatter [tilespmem:s18], [sflag:$0x8], $0x80, $0x38;
	[tilespmem:$0x1D000] =	vst v63  }
0x893: {  	s10 =	sadd.s32 $0x10, s0;
	s9 =	simm.s32 $0x1AE88  }
0x894: {  	[hbm4b:s10+s4] =	stream.linear.scatter [tilespmem:s9], [sflag:$0x8], $0x80, $0x38;
	[tilespmem:$0x1D000] =	vst v63  }
0x895: {  	s11 =	simm.s32 $0x1AF10;
	s14 =	simm.s32 $0x1AF98;
	s12 =	sadd.s32 $0x20, s0  }
0x896: {  	[hbm4b:s12+s4] =	stream.linear.scatter [tilespmem:s11], [sflag:$0x8], $0x80, $0x38;
	[tilespmem:$0x1D000] =	vst v63  }
0x897: {  	s8 =	simm.s32 $0x440;
	s18 =	sadd.s32 $0x30, s0;
	s9 =	simm.s32 $0x1B020  }
0x898: {  	[hbm4b:s18+s4] =	stream.linear.scatter [tilespmem:s14], [sflag:$0x8], $0x80, $0x38;
	[tilespmem:$0x1D000] =	vst v63  }
0x899: {  	s10 =	sadd.s32 $0x40, s0;
	s11 =	simm.s32 $0x1B0A8;
	s12 =	sadd.s32 $0x50, s0  }
0x89a: {  	[hbm4b:s10+s4] =	stream.linear.scatter [tilespmem:s9], [sflag:$0x8], $0x80, $0x38;
	[tilespmem:$0x1D000] =	vst v63  }
0x89b: {  	s14 =	simm.s32 $0x1B130;
	s18 =	sadd.s32 $0x60, s0;
	s10 =	simm.s32 $0x2200  }
0x89c: {  	[hbm4b:s12+s4] =	stream.linear.scatter [tilespmem:s11], [sflag:$0x8], $0x80, $0x38;
	[tilespmem:$0x1D000] =	vst v63  }
0x89d: {  	s9 =	sadd.s32 $0x1000, s0;
	s12 =	simm.s32 $0x1B1B8;
	s11 =	sadd.s32 $0x70, s0  }
0x89e: {  	[hbm4b:s18+s4] =	stream.linear.scatter [tilespmem:s14], [sflag:$0x8], $0x80, $0x38;
	[tilespmem:$0x1D000] =	vst v63  }
.LBB2_36:
0x89f: {  	[hbm4b:s11+s4] =	stream.linear.scatter [tilespmem:s12], [sflag:$0x8], $0x80, $0x38;
	[tilespmem:$0x1D000] =	vst v63  }
0x8a0: {  	s0 =	smov.u32 s8;
	s8 =	smov.u32 s10  }
0x8a1: {  	s14 =	sadd.s32 $0x1100, s10;
	s8 =	sshra.s32 s8, $0x2;
	s11 =	sadd.s32 $0x1AE00, s0  }
0x8a2: {  	[hbm4b:s9+s4] =	stream.linear.scatter [tilespmem:s11], [sflag:$0x8], $0x80, $0x38;
	[tilespmem:$0x1D000] =	vst v63  }
0x8a3: {  	p0 =	sne.s32 s10, $0x7700;
	s10 =	sadd.s32 $0x1AE88, s0;
	s11 =	sadd.s32 $0x10, s9  }
0x8a4: {  	[hbm4b:s11+s4] =	stream.linear.scatter [tilespmem:s10], [sflag:$0x8], $0x80, $0x38;
	[tilespmem:$0x1D000] =	vst v63  }
0x8a5: {  	s10 =	sadd.s32 $0x1AF10, s0;
	s11 =	sadd.s32 $0x20, s9  }
0x8a6: {  	[hbm4b:s11+s4] =	stream.linear.scatter [tilespmem:s10], [sflag:$0x8], $0x80, $0x38;
	[tilespmem:$0x1D000] =	vst v63  }
0x8a7: {  	s10 =	sadd.s32 $0x1AF98, s0;
	s11 =	sadd.s32 $0x30, s9  }
0x8a8: {  	[hbm4b:s11+s4] =	stream.linear.scatter [tilespmem:s10], [sflag:$0x8], $0x80, $0x38;
	[tilespmem:$0x1D000] =	vst v63  }
0x8a9: {  	s10 =	sadd.s32 $0x1B020, s0;
	s11 =	sadd.s32 $0x40, s9  }
0x8aa: {  	[hbm4b:s11+s4] =	stream.linear.scatter [tilespmem:s10], [sflag:$0x8], $0x80, $0x38;
	[tilespmem:$0x1D000] =	vst v63  }
.Ltmp19:
0x8ab: {  	s10 =	sadd.s32 $0x1B0A8, s0;
	s11 =	sadd.s32 $0x50, s9;
	(pc) =	sbr.rel @p0 .LBB2_36-.Ltmp19, $4  }
0x8ac: {  	[hbm4b:s11+s4] =	stream.linear.scatter [tilespmem:s10], [sflag:$0x8], $0x80, $0x38;
	[tilespmem:$0x1D000] =	vst v63  }
0x8ad: {  	s12 =	sadd.s32 $0x1B1B8, s0;
	s10 =	sadd.s32 $0x1B130, s0;
	s11 =	sadd.s32 $0x60, s9  }
0x8ae: {  	[hbm4b:s11+s4] =	stream.linear.scatter [tilespmem:s10], [sflag:$0x8], $0x80, $0x38;
	[tilespmem:$0x1D000] =	vst v63  }
0x8af: {  	s11 =	sadd.s32 $0x70, s9;
	s9 =	sadd.s32 $0x1000, s9;
	s10 =	smov.u32 s14  }
0x8b0: {  	[hbm4b:s11+s4] =	stream.linear.scatter [tilespmem:s12], [sflag:$0x8], $0x80, $0x38;
	[tilespmem:$0x1D000] =	vst v63  }
0x8b1: {  	s0 =	sadd.s32 $0x1AE00, s8  }
0x8b2: {  	[hbm4b:s9+s4] =	stream.linear.scatter [tilespmem:s0], [sflag:$0x8], $0x80, $0x38;
	[tilespmem:$0x1D000] =	vst v63  }
0x8b3: {  	s18 =	sadd.s32 $0x1AE88, s8;
	s10 =	sadd.s32 $0x10, s9  }
0x8b4: {  	[hbm4b:s10+s4] =	stream.linear.scatter [tilespmem:s18], [sflag:$0x8], $0x80, $0x38;
	[tilespmem:$0x1D000] =	vst v63  }
0x8b5: {  	s11 =	sadd.s32 $0x1AF10, s8;
	s12 =	sadd.s32 $0x20, s9  }
0x8b6: {  	[hbm4b:s12+s4] =	stream.linear.scatter [tilespmem:s11], [sflag:$0x8], $0x80, $0x38;
	[tilespmem:$0x1D000] =	vst v63  }
0x8b7: {  	s14 =	sadd.s32 $0x1AF98, s8;
	s18 =	sadd.s32 $0x30, s9  }
0x8b8: {  	[hbm4b:s18+s4] =	stream.linear.scatter [tilespmem:s14], [sflag:$0x8], $0x80, $0x38;
	[tilespmem:$0x1D000] =	vst v63  }
0x8b9: {  	s11 =	sadd.s32 $0x1B020, s8;
	s12 =	sadd.s32 $0x40, s9  }
0x8ba: {  	[hbm4b:s12+s4] =	stream.linear.scatter [tilespmem:s11], [sflag:$0x8], $0x80, $0x38;
	[tilespmem:$0x1D000] =	vst v63  }
0x8bb: {  	s14 =	sadd.s32 $0x1B0A8, s8;
	s18 =	sadd.s32 $0x50, s9  }
0x8bc: {  	[hbm4b:s18+s4] =	stream.linear.scatter [tilespmem:s14], [sflag:$0x8], $0x80, $0x38;
	[tilespmem:$0x1D000] =	vst v63  }
0x8bd: {  	p0 =	seq.s32 s16, $0x31;
	s11 =	sadd.s32 $0x1B130, s8;
	s12 =	sadd.s32 $0x60, s9  }
0x8be: {  	[hbm4b:s12+s4] =	stream.linear.scatter [tilespmem:s11], [sflag:$0x8], $0x80, $0x38;
	[tilespmem:$0x1D000] =	vst v63  }
.Ltmp20:
0x8bf: {  	s14 =	sadd.s32 $0x1B1B8, s8;
	s18 =	sadd.s32 $0x70, s9;
	(pc) =	sbr.rel @p0 .LBB2_39-.Ltmp20, $4  }
0x8c0: {  	[hbm4b:s18+s4] =	stream.linear.scatter [tilespmem:s14], [sflag:$0x8], $0x80, $0x38;
	[tilespmem:$0x1D000] =	vst v63  }
0x8c1: {  	_ =	swait.ge [sflag:s29], $0x2000  }
0x8c2: {  	[sflag:s29] =	ssyncset.done $0x0  }
0x8c3: {  	[sflag:s29] =	ssyncadd.s32 $0xFFFFE000  }
0x8c4: {  	s0 =	sshll.u32 s16, $0x9  }
0x8c5: {  	s0 =	sand.u32 $0x3FFFFE00, s0  }
0x8c6: {  	s9 =	simm.s32 $0xC800;
	s8 =	sadd.s32 $0x6600, s0  }
0x8c7: {  	[tilespmem:s9], [sflag:$0x1] =	stream.indirect.gather [hbm4b:s6+s13], $0x40, s8, s13, $0xb8;
	[tilespmem:$0x1D000] =	vst v63  }
0x8c8: {  	_ =	swait.ge [sflag:s30], $0x2000  }
0x8c9: {  	[sflag:s30] =	ssyncset.done $0x0  }
0x8ca: {  	s14 =	sadd.s32 $0x6680, s0;
	[sflag:s30] =	ssyncadd.s32 $0xFFFFE000  }
0x8cb: {  	[tilespmem:s15], [sflag:$0x2] =	stream.indirect.gather [hbm4b:s6+s13], $0x40, s14, s13, $0xb8;
	[tilespmem:$0x1D000] =	vst v63  }
0x8cc: {  	_ =	swait.ge [sflag:s31], $0x2000  }
0x8cd: {  	[sflag:s31] =	ssyncset.done $0x0  }
0x8ce: {  	s18 =	sadd.s32 $0x6700, s0;
	[sflag:s31] =	ssyncadd.s32 $0xFFFFE000  }
0x8cf: {  	[tilespmem:s17], [sflag:$0x3] =	stream.indirect.gather [hbm4b:s6+s13], $0x40, s18, s13, $0xb8;
	[tilespmem:$0x1D000] =	vst v63  }
.Ltmp21:
0x8d0: {  	_ = 	snop;
	(pc) =	sbr.rel .LBB2_21-.Ltmp21, $4  }
0x8d1: {  	_ =	swait.ge [sflag:s1], $0x2000  }
0x8d2: {  	[sflag:s1] =	ssyncset.done $0x0  }
0x8d3: {  	s16 =	sadd.s32 $0x1, s16;
	s0 =	sadd.s32 $0x6780, s0;
	[sflag:s1] =	ssyncadd.s32 $0xFFFFE000  }
0x8d4: {  	[tilespmem:s19], [sflag:$0x4] =	stream.indirect.gather [hbm4b:s6+s13], $0x40, s0, s13, $0xb8;
	[tilespmem:$0x1D000] =	vst v63  }
.LBB2_40:
0x8d5: {  	_ =	sfence.sel $0x180000  }
0x8d6: {  	[bflag:$0x0] =	sbarrier.arrive $0xFFFF  }
0x8d7: {  	_ =	strace $0x90000047  }
0x8d8: {  	s0 =	stileid.u32;
	[bflag:$0x2] =	sbarrier.arrive $0xFFFF  }
0x8d9: {  	p0 =	sne.s32 s0, $0x0;
	s0 =	rddreg [dreg:$0x3]  }
0x8da: {  	s0 =	sadd.s32 @!p0 $0x100000, s0  }
0x8db: {  	[sflag:s0] =	ssyncadd.tile.s32 @!p0 $0x1;
	_ =	shalt  }
.Lfunc_end2:
_tile_overlayer_lowered:
.L_overlay_start_2:
0x8dc: {  	(tag) =	ssettag $0x2  }
0x8dd: {  	s0 =	rddreg [dreg:$0x0];
	s2 =	stileid.u32  }
0x8de: {  	s1 =	rddreg [dreg:$0x1];
	p0 =	sne.s32 s2, $0x0  }
0x8df: {  	s3 =	rddreg [dreg:$0x2];
	[bflag:$0x3] =	sbarrier.arrive $0xFFFF;
	s2 =	simm.s32 @!p0 $0x1C09  }
0x8e0: {  	[timem:s3], [sflag:s2] =	dma.local @!p0 [hbm:s0], s1  }
0x8e1: {  	s0 =	simm.s32 @!p0 $0x9  }
0x8e2: {  	_ =	swait.ge @!p0 [sflag:s0], s1  }
0x8e3: {  	s1 =	ssub.s32 @!p0 $0x0, s1;
	[sflag:s0] =	ssyncset.done @!p0 $0x0  }
0x8e4: {  	[sflag:s0] =	ssyncadd.s32 @!p0 s1  }
0x8e5: {  	[bflag:$0x3] =	sbarrier.arrive $0xFFFF  }
0x8e6: {  	_ =	shalt  }

</sc_bundles>
